<compile_context>
chip_gen: v7x
topology: tpu7x:2x2x1
jax: 0.10.2.dev20260603
libtpu: 0.0.44.dev20260713+nightly
codegen_flags: <defaults>
</compile_context>

<pallas_src>
import dataclasses
import functools

import jax
import jax.numpy as jnp
from jax import lax
from jax.experimental import pallas as pl
from jax.experimental.pallas import tpu as pltpu
from jax.experimental.pallas import tpu_sc as plsc

N = 10000
E = 320000
D = 128
NP = 10240
WE = 128
EP = 327680
NWIN = EP // WE
NS = 16
WPT = NWIN // NS
RPT = NP // NS

_mesh = plsc.VectorSubcoreMesh(core_axis_name="c", subcore_axis_name="s")

_cp = pltpu.CompilerParams()
if "needs_layout_passes" in pltpu.CompilerParams.__dataclass_fields__:
    _cp = dataclasses.replace(_cp, needs_layout_passes=False)



HR = NP // 128


@functools.partial(
    pl.kernel,
    out_type=jax.ShapeDtypeStruct((2, HR, 128), jnp.float32),
    mesh=_mesh,
    compiler_params=_cp,
    scratch_types=[
        pltpu.VMEM((WPT, WE), jnp.int32),
        pltpu.VMEM((HR, 128), jnp.float32),
        pltpu.VMEM((HR,), jnp.int32),
        pltpu.VMEM_SHARED((HR, 128), jnp.float32),
    ],
)
def _deg_kernel(e_hbm, z_hbm, out_hbm, idx_v, local_v, rid_v, acc_sh):
    c = lax.axis_index("c")
    t = lax.axis_index("s")
    pltpu.sync_copy(z_hbm, local_v)

    @pl.when(t == 0)
    def _zero_shared():
        pltpu.sync_copy(z_hbm, acc_sh)

    pltpu.sync_copy(e_hbm.at[1 - c, pl.ds(t * WPT, WPT)], idx_v)
    iota16 = lax.iota(jnp.int32, 16)
    for k in range(HR // 16):
        rid_v[pl.ds(k * 16, 16)] = iota16 + k * 16
    ones16 = jnp.full((16,), 1.0, jnp.float32)
    plsc.subcore_barrier()

    @pl.loop(0, WPT)
    def _win(i):
        for k in range(WE // 16):
            v = idx_v[i, pl.ds(k * 16, 16)]
            plsc.addupdate_scatter(
                local_v, [lax.shift_right_logical(v, 7), v & 127], ones16)

    pltpu.sync_copy(local_v, acc_sh.at[rid_v], add=True)
    plsc.subcore_barrier()

    @pl.when(t == 0)
    def _out():
        pltpu.sync_copy(acc_sh, out_hbm.at[c])



CW = 16
NCH = WPT // CW


@functools.partial(
    pl.kernel,
    out_type=jax.ShapeDtypeStruct((2, NP, D), jnp.float32),
    mesh=_mesh,
    scratch_types=[
        pltpu.VMEM((CW, WE), jnp.int32),
        pltpu.VMEM((CW, WE), jnp.int32),
        pltpu.VMEM((CW, WE), jnp.int32),
        pltpu.VMEM((CW, WE), jnp.int32),
        pltpu.VMEM((WE // 2, D), jnp.float32),
        pltpu.VMEM((WE // 2, D), jnp.float32),
        pltpu.VMEM((WE // 2, D), jnp.float32),
        pltpu.VMEM((WE // 2, D), jnp.float32),
        pltpu.SemaphoreType.DMA,
        pltpu.SemaphoreType.DMA,
        pltpu.SemaphoreType.DMA,
        pltpu.SemaphoreType.DMA,
        pltpu.SemaphoreType.DMA,
        pltpu.SemaphoreType.DMA,
        pltpu.VMEM_SHARED((NP, D), jnp.float32),
    ],
)
def _agg_kernel(x_hbm, e_hbm, z_hbm, y_hbm,
                sA, sB, dA, dB, r0, r1, r2, r3, m0, m1, m2, m3, iA, iB, acc):
    c = lax.axis_index("c")
    t = lax.axis_index("s")
    base = t * WPT
    off = c * NP

    def add_off(s_ref):
        @pl.loop(0, CW)
        def _r(r):
            for k in range(WE // 16):
                s_ref[r, pl.ds(k * 16, 16)] = s_ref[r, pl.ds(k * 16, 16)] + off

    pltpu.async_copy(e_hbm.at[0, pl.ds(base, CW)], sA, iA)
    pltpu.async_copy(e_hbm.at[1, pl.ds(base, CW)], dA, iA)
    pltpu.sync_copy(z_hbm, acc.at[pl.ds(t * RPT, RPT)])
    pltpu.make_async_copy(e_hbm.at[0, pl.ds(base, CW)], sA, iA).wait()
    pltpu.make_async_copy(e_hbm.at[1, pl.ds(base, CW)], dA, iA).wait()
    add_off(sA)
    plsc.subcore_barrier()

    rows = (r0, r1, r2, r3)
    sems = (m0, m1, m2, m3)
    HW = WE // 2

    def chunk(ch, s_cur, d_cur, s_nxt, d_nxt, i_nxt, prefetch):
        @pl.when(prefetch)
        def _pf():
            pltpu.async_copy(e_hbm.at[0, pl.ds(base + (ch + 1) * CW, CW)],
                             s_nxt, i_nxt)
            pltpu.async_copy(e_hbm.at[1, pl.ds(base + (ch + 1) * CW, CW)],
                             d_nxt, i_nxt)

        def g_start(hw, j):
            i, h = hw // 2, hw % 2
            pltpu.async_copy(x_hbm.at[s_cur.at[i, pl.ds(h * HW, HW)]],
                             rows[j], sems[j])

        def g_wait(j):
            pltpu.make_async_copy(x_hbm.at[s_cur.at[0, pl.ds(0, HW)]],
                                  rows[j], sems[j]).wait()

        def s_start(hw, j):
            i, h = hw // 2, hw % 2
            pltpu.async_copy(rows[j], acc.at[d_cur.at[i, pl.ds(h * HW, HW)]],
                             sems[j], add=True)

        def s_wait(j):
            pltpu.make_async_copy(rows[j], acc.at[d_cur.at[0, pl.ds(0, HW)]],
                                  sems[j]).wait()

        for j in range(4):
            g_start(j, j)
        for hw in range(2 * CW):
            j = hw % 4
            g_wait(j)
            s_start(hw, j)
            s_wait(j)
            if hw + 4 < 2 * CW:
                g_start(hw + 4, j)

        @pl.when(prefetch)
        def _pf_wait():
            pltpu.make_async_copy(e_hbm.at[0, pl.ds(base, CW)], s_nxt,
                                  i_nxt).wait()
            pltpu.make_async_copy(e_hbm.at[1, pl.ds(base, CW)], d_nxt,
                                  i_nxt).wait()
            add_off(s_nxt)

    @pl.loop(0, NCH // 2)
    def _pair(k):
        ch0 = 2 * k
        chunk(ch0, sA, dA, sB, dB, iB, ch0 + 1 < NCH)
        chunk(ch0 + 1, sB, dB, sA, dA, iA, ch0 + 2 < NCH)

    plsc.subcore_barrier()
    pltpu.sync_copy(acc.at[pl.ds(t * RPT, RPT)],
                    y_hbm.at[c, pl.ds(t * RPT, RPT)])



def _scale_body(raw_ref, prev_ref, deg_ref, x_ref):
    deg = deg_ref[...]
    nin = lax.rsqrt(jnp.maximum(deg[0], 1.0))
    nout = lax.rsqrt(jnp.maximum(deg[1], 1.0))
    x_ref[0, :N] = raw_ref[...] * nin
    x_ref[1, :N] = prev_ref[...] * nout
    zpad = jnp.zeros((NP - N, D), jnp.float32)
    x_ref[0, N:] = zpad
    x_ref[1, N:] = zpad


def _scale(raw, prev, degb):
    return pl.pallas_call(
        _scale_body,
        out_shape=jax.ShapeDtypeStruct((2, NP, D), jnp.float32),
    )(raw, prev, degb)



def _final_body(y_ref, din_ref, w_ref, o_ref):
    y = y_ref[...]
    nin = lax.rsqrt(jnp.maximum(din_ref[...], 1.0))
    acc = y[0, :N] + jax.lax.dot(
        y[1, :N], w_ref[...],
        precision=jax.lax.Precision.HIGHEST,
        preferred_element_type=jnp.float32,
    )
    o_ref[...] = jnp.maximum(acc * nin, 0.0)


def _final(y2, din, W):
    return pl.pallas_call(
        _final_body,
        out_shape=jax.ShapeDtypeStruct((N, D), jnp.float32),
    )(y2, din, W)



def kernel(prev, raw, edge_index, W):
    e32 = edge_index.astype(jnp.int32)
    pad = jnp.broadcast_to(N + jnp.arange(EP - E, dtype=jnp.int32) % (NP - N),
                           (2, EP - E))
    e2d = jnp.concatenate([e32, pad], axis=1).reshape(2, NWIN, WE)
    zD = jnp.zeros((RPT, D), jnp.float32)
    z80 = jnp.zeros((NP // 128, 128), jnp.float32)

    deg = _deg_kernel(e2d, z80)
    degb = jnp.broadcast_to(deg.reshape(2, NP, 1)[:, :N], (2, N, D))
    x2 = _scale(raw, prev, degb)
    xflat = x2.reshape(2 * NP, D)

    y2 = _agg_kernel(xflat, e2d, zD)
    return _final(y2, degb[0], W)

# --- scband reference (transcript-rebuilt; emitter-appended) ---
"""Pipeline reference for scband-gres-conv-4011499454859 (READ-ONLY COPY).

The authoritative reference and input builder live on the scoring server;
editing this copy changes nothing except your own understanding.
"""

import jax, jax.numpy as jnp
import numpy as np

N_NODES = 10000
N_EDGES = 320000
D = 128


def setup_inputs(seed: int = 0) -> dict:
    key = jax.random.key(seed)
    k1, k2, k3, k4 = jax.random.split(key, 4)
    prev = jax.random.normal(k1, (N_NODES, D), dtype=jnp.float32)
    raw = jax.random.normal(k2, (N_NODES, D), dtype=jnp.float32)
    edge_index = jax.random.randint(k3, (2, N_EDGES), 0, N_NODES)
    # base_conv = GraphConv(in_dim=128, out_dim=128, norm='both', bias=False)
    W = jax.random.normal(k4, (D, D), dtype=jnp.float32) * (1.0 / np.sqrt(D))
    return {"prev": prev, "raw": raw, "edge_index": edge_index, "W": W}


def reference(prev, raw, edge_index, W):
    n = prev.shape[0]
    src = edge_index[0]
    dst = edge_index[1]
    ones = jnp.ones((src.shape[0],), dtype=jnp.float32)
    in_deg = jnp.zeros((n,), dtype=jnp.float32).at[dst].add(ones)
    out_deg = jnp.zeros((n,), dtype=jnp.float32).at[src].add(ones)
    norm_in = jnp.power(jnp.clip(in_deg, 1.0, None), -0.5)[:, None]
    norm_out = jnp.power(jnp.clip(out_deg, 1.0, None), -0.5)[:, None]

    # residual graph path: raw_res=True, graph_res=True
    # res = D_in^{-1/2} A D_in^{-1/2} raw  (copy_src + sum aggregation)
    res = raw * norm_in
    msg = jnp.take(res, src, axis=0)
    res = jnp.zeros_like(res).at[dst].add(msg)
    res = res * norm_in

    # base conv: DGL GraphConv with norm='both':
    # h = D_out^{-1/2} feat ; agg = A h ; agg = D_in^{-1/2} agg ; out = agg @ W
    h = prev * norm_out
    msg2 = jnp.take(h, src, axis=0)
    agg = jnp.zeros_like(h).at[dst].add(msg2)
    agg = agg * norm_in
    conv_out = agg @ W

    nxt = conv_out + res
    nxt = jax.nn.relu(nxt)
    return nxt

if __name__ == "__main__":
    import jax
    _d = setup_inputs()
    print(jax.jit(kernel)(*tuple(_d.values())))

</pallas_src>

<mosaic_0001>
#map = affine_map<(d0, d1) -> (0, 0, 0)>
#map1 = affine_map<(d0, d1) -> (0, 0)>
module attributes {stable_mosaic.version = 14 : i64} {
  func.func @_deg_kernel(%arg0: i32, %arg1: i32, %arg2: memref<2x2560x128xi32, #tpu.memory_space<hbm>>, %arg3: memref<80x128xf32, #tpu.memory_space<hbm>>, %arg4: memref<2x80x128xf32, #tpu.memory_space<hbm>>, %arg5: memref<160x128xi32, #tpu.memory_space<vmem>>, %arg6: memref<80x128xf32, #tpu.memory_space<vmem>>, %arg7: memref<80xi32, #tpu.memory_space<vmem>>, %arg8: memref<80x128xf32, #tpu.memory_space<vmem_shared>>) attributes {dimension_semantics = [#tpu.dimension_semantics<core_parallel>, #tpu.dimension_semantics<subcore_parallel>], iteration_bounds = array<i64: 2, 16>, scalar_prefetch = 0 : i64, scratch_operands = 4 : i64, tpu.core_type = #tpu.core_type<sc_vector_subcore>, window_params = [{transform_indices = #map}, {transform_indices = #map1}, {transform_indices = #map}]} {
    "tpu.region"() ({
      %run_scoped3A = tpu.sem_alloc : memref<!tpu.dma_semaphore, #tpu.memory_space<semaphore_mem>>
      tpu.enqueue_dma source(%arg3 : memref<80x128xf32, #tpu.memory_space<hbm>>) target(%arg6 : memref<80x128xf32, #tpu.memory_space<vmem>>) target_semaphore(%run_scoped3A : memref<!tpu.dma_semaphore, #tpu.memory_space<semaphore_mem>>)
      tpu.wait_dma2 semaphore(%run_scoped3A : memref<!tpu.dma_semaphore, #tpu.memory_space<semaphore_mem>>) src(%arg3 : memref<80x128xf32, #tpu.memory_space<hbm>>) dst(%arg6 : memref<80x128xf32, #tpu.memory_space<vmem>>)
      tpu.yield
    }) : () -> ()
    %eq3A = arith.constant 0 : i32
    %eq3A_0 = arith.cmpi eq, %arg1, %eq3A : i32
    %convert_element_type3A = arith.extui %eq3A_0 : i1 to i32
    %cond3A = arith.constant 0 : i32
    %cond3A_1 = arith.cmpi ne, %convert_element_type3A, %cond3A : i32
    scf.if %cond3A_1 {
      "tpu.region"() ({
        %run_scoped3A = tpu.sem_alloc : memref<!tpu.dma_semaphore, #tpu.memory_space<semaphore_mem>>
        tpu.enqueue_dma source(%arg3 : memref<80x128xf32, #tpu.memory_space<hbm>>) target(%arg8 : memref<80x128xf32, #tpu.memory_space<vmem_shared>>) target_semaphore(%run_scoped3A : memref<!tpu.dma_semaphore, #tpu.memory_space<semaphore_mem>>)
        tpu.wait_dma2 semaphore(%run_scoped3A : memref<!tpu.dma_semaphore, #tpu.memory_space<semaphore_mem>>) src(%arg3 : memref<80x128xf32, #tpu.memory_space<hbm>>) dst(%arg8 : memref<80x128xf32, #tpu.memory_space<vmem_shared>>)
        tpu.yield
      }) : () -> ()
    } else {
    }
    %sub3A = arith.constant 1 : i32
    %sub3A_2 = arith.subi %sub3A, %arg0 : i32
    %mul3A = arith.constant 160 : i32
    %mul3A_3 = arith.muli %arg1, %mul3A : i32
    "tpu.region"() ({
      %run_scoped3A = tpu.sem_alloc : memref<!tpu.dma_semaphore, #tpu.memory_space<semaphore_mem>>
      %dma_start3A = arith.constant 0 : i32
      %dma_start3A_38 = tpu.memref_slice %arg2[%sub3A_2, %mul3A_3, %dma_start3A] : memref<2x2560x128xi32, #tpu.memory_space<hbm>> -> memref<1x160x128xi32, #tpu.memory_space<hbm>>
      %dma_start3A_39 = tpu.memref_squeeze %dma_start3A_38 : memref<1x160x128xi32, #tpu.memory_space<hbm>> -> memref<160x128xi32, #tpu.memory_space<hbm>>
      %dma_start3A_40 = arith.constant 0 : i32
      %dma_start3A_41 = tpu.memref_slice %arg2[%sub3A_2, %mul3A_3, %dma_start3A_40] : memref<2x2560x128xi32, #tpu.memory_space<hbm>> -> memref<1x160x128xi32, #tpu.memory_space<hbm>>
      %dma_start3A_42 = tpu.memref_squeeze %dma_start3A_41 : memref<1x160x128xi32, #tpu.memory_space<hbm>> -> memref<160x128xi32, #tpu.memory_space<hbm>>
      tpu.enqueue_dma source(%dma_start3A_42 : memref<160x128xi32, #tpu.memory_space<hbm>>) target(%arg5 : memref<160x128xi32, #tpu.memory_space<vmem>>) target_semaphore(%run_scoped3A : memref<!tpu.dma_semaphore, #tpu.memory_space<semaphore_mem>>)
      %dma_wait3A = arith.constant 0 : i32
      %dma_wait3A_43 = tpu.memref_slice %arg2[%sub3A_2, %mul3A_3, %dma_wait3A] : memref<2x2560x128xi32, #tpu.memory_space<hbm>> -> memref<1x160x128xi32, #tpu.memory_space<hbm>>
      %dma_wait3A_44 = tpu.memref_squeeze %dma_wait3A_43 : memref<1x160x128xi32, #tpu.memory_space<hbm>> -> memref<160x128xi32, #tpu.memory_space<hbm>>
      %dma_wait3A_45 = arith.constant 0 : i32
      %dma_wait3A_46 = tpu.memref_slice %arg2[%sub3A_2, %mul3A_3, %dma_wait3A_45] : memref<2x2560x128xi32, #tpu.memory_space<hbm>> -> memref<1x160x128xi32, #tpu.memory_space<hbm>>
      %dma_wait3A_47 = tpu.memref_squeeze %dma_wait3A_46 : memref<1x160x128xi32, #tpu.memory_space<hbm>> -> memref<160x128xi32, #tpu.memory_space<hbm>>
      tpu.wait_dma2 semaphore(%run_scoped3A : memref<!tpu.dma_semaphore, #tpu.memory_space<semaphore_mem>>) src(%dma_wait3A_47 : memref<160x128xi32, #tpu.memory_space<hbm>>) dst(%arg5 : memref<160x128xi32, #tpu.memory_space<vmem>>)
      tpu.yield
    }) : () -> ()
    %iota3A = tpu.iota {dimensions = array<i32: 0>} : vector<16xi32>
    %add3A = arith.constant 0 : i32
    %add3A_4 = vector.broadcast %add3A : i32 to vector<16xi32>
    %add3A_5 = arith.addi %iota3A, %add3A_4 : vector<16xi32>
    %swap3A = arith.constant 0 : index
    %swap3A_6 = tpu.vector_load %arg7[%swap3A] {strides = array<i32>} : memref<80xi32, #tpu.memory_space<vmem>>, vector<16xi32>,
    tpu.vector_store %arg7[%swap3A], %add3A_5 {strides = array<i32>} : memref<80xi32, #tpu.memory_space<vmem>>, vector<16xi32>,
    %add3A_7 = arith.constant 16 : i32
    %add3A_8 = vector.broadcast %add3A_7 : i32 to vector<16xi32>
    %add3A_9 = arith.addi %iota3A, %add3A_8 : vector<16xi32>
    %swap3A_10 = arith.constant 16 : index
    %swap3A_11 = tpu.vector_load %arg7[%swap3A_10] {strides = array<i32>} : memref<80xi32, #tpu.memory_space<vmem>>, vector<16xi32>,
    tpu.vector_store %arg7[%swap3A_10], %add3A_9 {strides = array<i32>} : memref<80xi32, #tpu.memory_space<vmem>>, vector<16xi32>,
    %add3A_12 = arith.constant 32 : i32
    %add3A_13 = vector.broadcast %add3A_12 : i32 to vector<16xi32>
    %add3A_14 = arith.addi %iota3A, %add3A_13 : vector<16xi32>
    %swap3A_15 = arith.constant 32 : index
    %swap3A_16 = tpu.vector_load %arg7[%swap3A_15] {strides = array<i32>} : memref<80xi32, #tpu.memory_space<vmem>>, vector<16xi32>,
    tpu.vector_store %arg7[%swap3A_15], %add3A_14 {strides = array<i32>} : memref<80xi32, #tpu.memory_space<vmem>>, vector<16xi32>,
    %add3A_17 = arith.constant 48 : i32
    %add3A_18 = vector.broadcast %add3A_17 : i32 to vector<16xi32>
    %add3A_19 = arith.addi %iota3A, %add3A_18 : vector<16xi32>
    %swap3A_20 = arith.constant 48 : index
    %swap3A_21 = tpu.vector_load %arg7[%swap3A_20] {strides = array<i32>} : memref<80xi32, #tpu.memory_space<vmem>>, vector<16xi32>,
    tpu.vector_store %arg7[%swap3A_20], %add3A_19 {strides = array<i32>} : memref<80xi32, #tpu.memory_space<vmem>>, vector<16xi32>,
    %add3A_22 = arith.constant 64 : i32
    %add3A_23 = vector.broadcast %add3A_22 : i32 to vector<16xi32>
    %add3A_24 = arith.addi %iota3A, %add3A_23 : vector<16xi32>
    %swap3A_25 = arith.constant 64 : index
    %swap3A_26 = tpu.vector_load %arg7[%swap3A_25] {strides = array<i32>} : memref<80xi32, #tpu.memory_space<vmem>>, vector<16xi32>,
    tpu.vector_store %arg7[%swap3A_25], %add3A_24 {strides = array<i32>} : memref<80xi32, #tpu.memory_space<vmem>>, vector<16xi32>,
    %broadcast_in_dim3A = arith.constant 1.000000e+00 : f32
    %broadcast_in_dim3A_27 = vector.broadcast %broadcast_in_dim3A : f32 to vector<16xf32>
    %barrier3A = arith.constant 0 : index
    tpu.barrier barrier_id(%barrier3A)
    %scan3A = arith.constant 0 : i32
    %scan3A_28 = arith.constant 160 : i32
    %scan3A_29 = arith.addi %scan3A, %scan3A_28 : i32
    %scan3A_30 = arith.constant 1 : i32
    scf.for %scan3A_38 = %scan3A to %scan3A_29 step %scan3A_30  : i32 {
      %mul3A_39 = arith.constant 1 : i32
      %mul3A_40 = arith.muli %scan3A_38, %mul3A_39 : i32
      %add3A_41 = arith.constant 0 : i32
      %add3A_42 = arith.addi %add3A_41, %mul3A_40 : i32
      %get3A = arith.index_cast %add3A_42 : i32 to index
      %get3A_43 = arith.constant 0 : index
      %get3A_44 = tpu.vector_load %arg5[%get3A, %get3A_43] {strides = array<i32>} : memref<160x128xi32, #tpu.memory_space<vmem>>, vector<16xi32>,
      %shift_right_logical3A = arith.constant 7 : i32
      %shift_right_logical3A_45 = vector.broadcast %shift_right_logical3A : i32 to vector<16xi32>
      %shift_right_logical3A_46 = arith.shrui %get3A_44, %shift_right_logical3A_45 : vector<16xi32>
      %and3A = arith.constant 127 : i32
      %and3A_47 = vector.broadcast %and3A : i32 to vector<16xi32>
      %and3A_48 = arith.andi %get3A_44, %and3A_47 : vector<16xi32>
      tpu.vector_store_idx %arg6[%shift_right_logical3A_46, %and3A_48], %broadcast_in_dim3A_27 {add = true} : memref<80x128xf32, #tpu.memory_space<vmem>>[vector<16xi32>, vector<16xi32>], vector<16xf32>,
      %get3A_49 = arith.index_cast %add3A_42 : i32 to index
      %get3A_50 = arith.constant 16 : index
      %get3A_51 = tpu.vector_load %arg5[%get3A_49, %get3A_50] {strides = array<i32>} : memref<160x128xi32, #tpu.memory_space<vmem>>, vector<16xi32>,
      %shift_right_logical3A_52 = arith.constant 7 : i32
      %shift_right_logical3A_53 = vector.broadcast %shift_right_logical3A_52 : i32 to vector<16xi32>
      %shift_right_logical3A_54 = arith.shrui %get3A_51, %shift_right_logical3A_53 : vector<16xi32>
      %and3A_55 = arith.constant 127 : i32
      %and3A_56 = vector.broadcast %and3A_55 : i32 to vector<16xi32>
      %and3A_57 = arith.andi %get3A_51, %and3A_56 : vector<16xi32>
      tpu.vector_store_idx %arg6[%shift_right_logical3A_54, %and3A_57], %broadcast_in_dim3A_27 {add = true} : memref<80x128xf32, #tpu.memory_space<vmem>>[vector<16xi32>, vector<16xi32>], vector<16xf32>,
      %get3A_58 = arith.index_cast %add3A_42 : i32 to index
      %get3A_59 = arith.constant 32 : index
      %get3A_60 = tpu.vector_load %arg5[%get3A_58, %get3A_59] {strides = array<i32>} : memref<160x128xi32, #tpu.memory_space<vmem>>, vector<16xi32>,
      %shift_right_logical3A_61 = arith.constant 7 : i32
      %shift_right_logical3A_62 = vector.broadcast %shift_right_logical3A_61 : i32 to vector<16xi32>
      %shift_right_logical3A_63 = arith.shrui %get3A_60, %shift_right_logical3A_62 : vector<16xi32>
      %and3A_64 = arith.constant 127 : i32
      %and3A_65 = vector.broadcast %and3A_64 : i32 to vector<16xi32>
      %and3A_66 = arith.andi %get3A_60, %and3A_65 : vector<16xi32>
      tpu.vector_store_idx %arg6[%shift_right_logical3A_63, %and3A_66], %broadcast_in_dim3A_27 {add = true} : memref<80x128xf32, #tpu.memory_space<vmem>>[vector<16xi32>, vector<16xi32>], vector<16xf32>,
      %get3A_67 = arith.index_cast %add3A_42 : i32 to index
      %get3A_68 = arith.constant 48 : index
      %get3A_69 = tpu.vector_load %arg5[%get3A_67, %get3A_68] {strides = array<i32>} : memref<160x128xi32, #tpu.memory_space<vmem>>, vector<16xi32>,
      %shift_right_logical3A_70 = arith.constant 7 : i32
      %shift_right_logical3A_71 = vector.broadcast %shift_right_logical3A_70 : i32 to vector<16xi32>
      %shift_right_logical3A_72 = arith.shrui %get3A_69, %shift_right_logical3A_71 : vector<16xi32>
      %and3A_73 = arith.constant 127 : i32
      %and3A_74 = vector.broadcast %and3A_73 : i32 to vector<16xi32>
      %and3A_75 = arith.andi %get3A_69, %and3A_74 : vector<16xi32>
      tpu.vector_store_idx %arg6[%shift_right_logical3A_72, %and3A_75], %broadcast_in_dim3A_27 {add = true} : memref<80x128xf32, #tpu.memory_space<vmem>>[vector<16xi32>, vector<16xi32>], vector<16xf32>,
      %get3A_76 = arith.index_cast %add3A_42 : i32 to index
      %get3A_77 = arith.constant 64 : index
      %get3A_78 = tpu.vector_load %arg5[%get3A_76, %get3A_77] {strides = array<i32>} : memref<160x128xi32, #tpu.memory_space<vmem>>, vector<16xi32>,
      %shift_right_logical3A_79 = arith.constant 7 : i32
      %shift_right_logical3A_80 = vector.broadcast %shift_right_logical3A_79 : i32 to vector<16xi32>
      %shift_right_logical3A_81 = arith.shrui %get3A_78, %shift_right_logical3A_80 : vector<16xi32>
      %and3A_82 = arith.constant 127 : i32
      %and3A_83 = vector.broadcast %and3A_82 : i32 to vector<16xi32>
      %and3A_84 = arith.andi %get3A_78, %and3A_83 : vector<16xi32>
      tpu.vector_store_idx %arg6[%shift_right_logical3A_81, %and3A_84], %broadcast_in_dim3A_27 {add = true} : memref<80x128xf32, #tpu.memory_space<vmem>>[vector<16xi32>, vector<16xi32>], vector<16xf32>,
      %get3A_85 = arith.index_cast %add3A_42 : i32 to index
      %get3A_86 = arith.constant 80 : index
      %get3A_87 = tpu.vector_load %arg5[%get3A_85, %get3A_86] {strides = array<i32>} : memref<160x128xi32, #tpu.memory_space<vmem>>, vector<16xi32>,
      %shift_right_logical3A_88 = arith.constant 7 : i32
      %shift_right_logical3A_89 = vector.broadcast %shift_right_logical3A_88 : i32 to vector<16xi32>
      %shift_right_logical3A_90 = arith.shrui %get3A_87, %shift_right_logical3A_89 : vector<16xi32>
      %and3A_91 = arith.constant 127 : i32
      %and3A_92 = vector.broadcast %and3A_91 : i32 to vector<16xi32>
      %and3A_93 = arith.andi %get3A_87, %and3A_92 : vector<16xi32>
      tpu.vector_store_idx %arg6[%shift_right_logical3A_90, %and3A_93], %broadcast_in_dim3A_27 {add = true} : memref<80x128xf32, #tpu.memory_space<vmem>>[vector<16xi32>, vector<16xi32>], vector<16xf32>,
      %get3A_94 = arith.index_cast %add3A_42 : i32 to index
      %get3A_95 = arith.constant 96 : index
      %get3A_96 = tpu.vector_load %arg5[%get3A_94, %get3A_95] {strides = array<i32>} : memref<160x128xi32, #tpu.memory_space<vmem>>, vector<16xi32>,
      %shift_right_logical3A_97 = arith.constant 7 : i32
      %shift_right_logical3A_98 = vector.broadcast %shift_right_logical3A_97 : i32 to vector<16xi32>
      %shift_right_logical3A_99 = arith.shrui %get3A_96, %shift_right_logical3A_98 : vector<16xi32>
      %and3A_100 = arith.constant 127 : i32
      %and3A_101 = vector.broadcast %and3A_100 : i32 to vector<16xi32>
      %and3A_102 = arith.andi %get3A_96, %and3A_101 : vector<16xi32>
      tpu.vector_store_idx %arg6[%shift_right_logical3A_99, %and3A_102], %broadcast_in_dim3A_27 {add = true} : memref<80x128xf32, #tpu.memory_space<vmem>>[vector<16xi32>, vector<16xi32>], vector<16xf32>,
      %get3A_103 = arith.index_cast %add3A_42 : i32 to index
      %get3A_104 = arith.constant 112 : index
      %get3A_105 = tpu.vector_load %arg5[%get3A_103, %get3A_104] {strides = array<i32>} : memref<160x128xi32, #tpu.memory_space<vmem>>, vector<16xi32>,
      %shift_right_logical3A_106 = arith.constant 7 : i32
      %shift_right_logical3A_107 = vector.broadcast %shift_right_logical3A_106 : i32 to vector<16xi32>
      %shift_right_logical3A_108 = arith.shrui %get3A_105, %shift_right_logical3A_107 : vector<16xi32>
      %and3A_109 = arith.constant 127 : i32
      %and3A_110 = vector.broadcast %and3A_109 : i32 to vector<16xi32>
      %and3A_111 = arith.andi %get3A_105, %and3A_110 : vector<16xi32>
      tpu.vector_store_idx %arg6[%shift_right_logical3A_108, %and3A_111], %broadcast_in_dim3A_27 {add = true} : memref<80x128xf32, #tpu.memory_space<vmem>>[vector<16xi32>, vector<16xi32>], vector<16xf32>,
    }
    %scan3A_31 = arith.constant 160 : i32
    "tpu.region"() ({
      %run_scoped3A = tpu.sem_alloc : memref<!tpu.dma_semaphore, #tpu.memory_space<semaphore_mem>>
      %dma_start3A = arith.constant 0 : i32
      %dma_start3A_38 = arith.constant 0 : i32
      %dma_start3A_39 = tpu.memref_slice %arg8[%dma_start3A, %dma_start3A_38] : memref<80x128xf32, #tpu.memory_space<vmem_shared>> -> memref<80x128xf32, #tpu.memory_space<vmem_shared>>
      tpu.enqueue_indirect_dma source(%arg6 : memref<80x128xf32, #tpu.memory_space<vmem>>) target(%dma_start3A_39 : memref<80x128xf32, #tpu.memory_space<vmem_shared>>) offsets(%arg7 : memref<80xi32, #tpu.memory_space<vmem>>) semaphore(%run_scoped3A : memref<!tpu.dma_semaphore, #tpu.memory_space<semaphore_mem>>) {add = true}
      %dma_wait3A = arith.constant 0 : i32
      %dma_wait3A_40 = arith.constant 0 : i32
      %dma_wait3A_41 = tpu.memref_slice %arg8[%dma_wait3A, %dma_wait3A_40] : memref<80x128xf32, #tpu.memory_space<vmem_shared>> -> memref<80x128xf32, #tpu.memory_space<vmem_shared>>
      tpu.wait_indirect_dma semaphore(%run_scoped3A : memref<!tpu.dma_semaphore, #tpu.memory_space<semaphore_mem>>) src(%arg6 : memref<80x128xf32, #tpu.memory_space<vmem>>) dst(%dma_wait3A_41 : memref<80x128xf32, #tpu.memory_space<vmem_shared>>)
      tpu.yield
    }) : () -> ()
    %barrier3A_32 = arith.constant 0 : index
    tpu.barrier barrier_id(%barrier3A_32)
    %eq3A_33 = arith.constant 0 : i32
    %eq3A_34 = arith.cmpi eq, %arg1, %eq3A_33 : i32
    %convert_element_type3A_35 = arith.extui %eq3A_34 : i1 to i32
    %cond3A_36 = arith.constant 0 : i32
    %cond3A_37 = arith.cmpi ne, %convert_element_type3A_35, %cond3A_36 : i32
    scf.if %cond3A_37 {
      "tpu.region"() ({
        %run_scoped3A = tpu.sem_alloc : memref<!tpu.dma_semaphore, #tpu.memory_space<semaphore_mem>>
        %dma_start3A = arith.constant 0 : i32
        %dma_start3A_38 = arith.constant 0 : i32
        %dma_start3A_39 = tpu.memref_slice %arg4[%arg0, %dma_start3A, %dma_start3A_38] : memref<2x80x128xf32, #tpu.memory_space<hbm>> -> memref<1x80x128xf32, #tpu.memory_space<hbm>>
        %dma_start3A_40 = tpu.memref_squeeze %dma_start3A_39 : memref<1x80x128xf32, #tpu.memory_space<hbm>> -> memref<80x128xf32, #tpu.memory_space<hbm>>
        tpu.enqueue_dma source(%arg8 : memref<80x128xf32, #tpu.memory_space<vmem_shared>>) target(%dma_start3A_40 : memref<80x128xf32, #tpu.memory_space<hbm>>) target_semaphore(%run_scoped3A : memref<!tpu.dma_semaphore, #tpu.memory_space<semaphore_mem>>)
        %dma_wait3A = arith.constant 0 : i32
        %dma_wait3A_41 = arith.constant 0 : i32
        %dma_wait3A_42 = tpu.memref_slice %arg4[%arg0, %dma_wait3A, %dma_wait3A_41] : memref<2x80x128xf32, #tpu.memory_space<hbm>> -> memref<1x80x128xf32, #tpu.memory_space<hbm>>
        %dma_wait3A_43 = tpu.memref_squeeze %dma_wait3A_42 : memref<1x80x128xf32, #tpu.memory_space<hbm>> -> memref<80x128xf32, #tpu.memory_space<hbm>>
        tpu.wait_dma2 semaphore(%run_scoped3A : memref<!tpu.dma_semaphore, #tpu.memory_space<semaphore_mem>>) src(%arg8 : memref<80x128xf32, #tpu.memory_space<vmem_shared>>) dst(%dma_wait3A_43 : memref<80x128xf32, #tpu.memory_space<hbm>>)
        tpu.yield
      }) : () -> ()
    } else {
    }
    return
  }
}

#map = affine_map<(d0, d1) -> (0, 0)>
#map1 = affine_map<(d0, d1) -> (0, 0, 0)>
module attributes {stable_mosaic.version = 14 : i64} {
  func.func @_agg_kernel(%arg0: i32, %arg1: i32, %arg2: memref<20480x128xf32, #tpu.memory_space<hbm>>, %arg3: memref<2x2560x128xi32, #tpu.memory_space<hbm>>, %arg4: memref<640x128xf32, #tpu.memory_space<hbm>>, %arg5: memref<2x10240x128xf32, #tpu.memory_space<hbm>>, %arg6: memref<16x128xi32, #tpu.memory_space<vmem>>, %arg7: memref<16x128xi32, #tpu.memory_space<vmem>>, %arg8: memref<16x128xi32, #tpu.memory_space<vmem>>, %arg9: memref<16x128xi32, #tpu.memory_space<vmem>>, %arg10: memref<64x128xf32, #tpu.memory_space<vmem>>, %arg11: memref<64x128xf32, #tpu.memory_space<vmem>>, %arg12: memref<64x128xf32, #tpu.memory_space<vmem>>, %arg13: memref<64x128xf32, #tpu.memory_space<vmem>>, %arg14: memref<!tpu.dma_semaphore, #tpu.memory_space<semaphore_mem>>, %arg15: memref<!tpu.dma_semaphore, #tpu.memory_space<semaphore_mem>>, %arg16: memref<!tpu.dma_semaphore, #tpu.memory_space<semaphore_mem>>, %arg17: memref<!tpu.dma_semaphore, #tpu.memory_space<semaphore_mem>>, %arg18: memref<!tpu.dma_semaphore, #tpu.memory_space<semaphore_mem>>, %arg19: memref<!tpu.dma_semaphore, #tpu.memory_space<semaphore_mem>>, %arg20: memref<10240x128xf32, #tpu.memory_space<vmem_shared>>) attributes {dimension_semantics = [#tpu.dimension_semantics<core_parallel>, #tpu.dimension_semantics<subcore_parallel>], iteration_bounds = array<i64: 2, 16>, scalar_prefetch = 0 : i64, scratch_operands = 15 : i64, tpu.core_type = #tpu.core_type<sc_vector_subcore>, window_params = [{transform_indices = #map}, {transform_indices = #map1}, {transform_indices = #map}, {transform_indices = #map1}]} {
    %mul3A = arith.constant 160 : i32
    %mul3A_0 = arith.muli %arg1, %mul3A : i32
    %mul3A_1 = arith.constant 10240 : i32
    %mul3A_2 = arith.muli %arg0, %mul3A_1 : i32
    %dma_start3A = arith.constant 0 : i32
    %dma_start3A_3 = arith.constant 0 : i32
    %dma_start3A_4 = tpu.memref_slice %arg3[%dma_start3A, %mul3A_0, %dma_start3A_3] : memref<2x2560x128xi32, #tpu.memory_space<hbm>> -> memref<1x16x128xi32, #tpu.memory_space<hbm>>
    %dma_start3A_5 = tpu.memref_squeeze %dma_start3A_4 : memref<1x16x128xi32, #tpu.memory_space<hbm>> -> memref<16x128xi32, #tpu.memory_space<hbm>>
    %dma_start3A_6 = arith.constant 0 : i32
    %dma_start3A_7 = tpu.memref_slice %arg3[%dma_start3A, %mul3A_0, %dma_start3A_6] : memref<2x2560x128xi32, #tpu.memory_space<hbm>> -> memref<1x16x128xi32, #tpu.memory_space<hbm>>
    %dma_start3A_8 = tpu.memref_squeeze %dma_start3A_7 : memref<1x16x128xi32, #tpu.memory_space<hbm>> -> memref<16x128xi32, #tpu.memory_space<hbm>>
    tpu.enqueue_dma source(%dma_start3A_8 : memref<16x128xi32, #tpu.memory_space<hbm>>) target(%arg6 : memref<16x128xi32, #tpu.memory_space<vmem>>) target_semaphore(%arg18 : memref<!tpu.dma_semaphore, #tpu.memory_space<semaphore_mem>>)
    %dma_start3A_9 = arith.constant 1 : i32
    %dma_start3A_10 = arith.constant 0 : i32
    %dma_start3A_11 = tpu.memref_slice %arg3[%dma_start3A_9, %mul3A_0, %dma_start3A_10] : memref<2x2560x128xi32, #tpu.memory_space<hbm>> -> memref<1x16x128xi32, #tpu.memory_space<hbm>>
    %dma_start3A_12 = tpu.memref_squeeze %dma_start3A_11 : memref<1x16x128xi32, #tpu.memory_space<hbm>> -> memref<16x128xi32, #tpu.memory_space<hbm>>
    %dma_start3A_13 = arith.constant 0 : i32
    %dma_start3A_14 = tpu.memref_slice %arg3[%dma_start3A_9, %mul3A_0, %dma_start3A_13] : memref<2x2560x128xi32, #tpu.memory_space<hbm>> -> memref<1x16x128xi32, #tpu.memory_space<hbm>>
    %dma_start3A_15 = tpu.memref_squeeze %dma_start3A_14 : memref<1x16x128xi32, #tpu.memory_space<hbm>> -> memref<16x128xi32, #tpu.memory_space<hbm>>
    tpu.enqueue_dma source(%dma_start3A_15 : memref<16x128xi32, #tpu.memory_space<hbm>>) target(%arg8 : memref<16x128xi32, #tpu.memory_space<vmem>>) target_semaphore(%arg18 : memref<!tpu.dma_semaphore, #tpu.memory_space<semaphore_mem>>)
    %mul3A_16 = arith.constant 640 : i32
    %mul3A_17 = arith.muli %arg1, %mul3A_16 : i32
    "tpu.region"() ({
      %run_scoped3A = tpu.sem_alloc : memref<!tpu.dma_semaphore, #tpu.memory_space<semaphore_mem>>
      %dma_start3A_45 = arith.constant 0 : i32
      %dma_start3A_46 = tpu.memref_slice %arg20[%mul3A_17, %dma_start3A_45] : memref<10240x128xf32, #tpu.memory_space<vmem_shared>> -> memref<640x128xf32, #tpu.memory_space<vmem_shared>>
      tpu.enqueue_dma source(%arg4 : memref<640x128xf32, #tpu.memory_space<hbm>>) target(%dma_start3A_46 : memref<640x128xf32, #tpu.memory_space<vmem_shared>>) target_semaphore(%run_scoped3A : memref<!tpu.dma_semaphore, #tpu.memory_space<semaphore_mem>>)
      %dma_wait3A_47 = arith.constant 0 : i32
      %dma_wait3A_48 = tpu.memref_slice %arg20[%mul3A_17, %dma_wait3A_47] : memref<10240x128xf32, #tpu.memory_space<vmem_shared>> -> memref<640x128xf32, #tpu.memory_space<vmem_shared>>
      tpu.wait_dma2 semaphore(%run_scoped3A : memref<!tpu.dma_semaphore, #tpu.memory_space<semaphore_mem>>) src(%arg4 : memref<640x128xf32, #tpu.memory_space<hbm>>) dst(%dma_wait3A_48 : memref<640x128xf32, #tpu.memory_space<vmem_shared>>)
      tpu.yield
    }) : () -> ()
    %dma_wait3A = arith.constant 0 : i32
    %dma_wait3A_18 = arith.constant 0 : i32
    %dma_wait3A_19 = tpu.memref_slice %arg3[%dma_wait3A, %mul3A_0, %dma_wait3A_18] : memref<2x2560x128xi32, #tpu.memory_space<hbm>> -> memref<1x16x128xi32, #tpu.memory_space<hbm>>
    %dma_wait3A_20 = tpu.memref_squeeze %dma_wait3A_19 : memref<1x16x128xi32, #tpu.memory_space<hbm>> -> memref<16x128xi32, #tpu.memory_space<hbm>>
    %dma_wait3A_21 = arith.constant 0 : i32
    %dma_wait3A_22 = tpu.memref_slice %arg3[%dma_wait3A, %mul3A_0, %dma_wait3A_21] : memref<2x2560x128xi32, #tpu.memory_space<hbm>> -> memref<1x16x128xi32, #tpu.memory_space<hbm>>
    %dma_wait3A_23 = tpu.memref_squeeze %dma_wait3A_22 : memref<1x16x128xi32, #tpu.memory_space<hbm>> -> memref<16x128xi32, #tpu.memory_space<hbm>>
    tpu.wait_dma2 semaphore(%arg18 : memref<!tpu.dma_semaphore, #tpu.memory_space<semaphore_mem>>) src(%dma_wait3A_23 : memref<16x128xi32, #tpu.memory_space<hbm>>) dst(%arg6 : memref<16x128xi32, #tpu.memory_space<vmem>>)
    %dma_wait3A_24 = arith.constant 1 : i32
    %dma_wait3A_25 = arith.constant 0 : i32
    %dma_wait3A_26 = tpu.memref_slice %arg3[%dma_wait3A_24, %mul3A_0, %dma_wait3A_25] : memref<2x2560x128xi32, #tpu.memory_space<hbm>> -> memref<1x16x128xi32, #tpu.memory_space<hbm>>
    %dma_wait3A_27 = tpu.memref_squeeze %dma_wait3A_26 : memref<1x16x128xi32, #tpu.memory_space<hbm>> -> memref<16x128xi32, #tpu.memory_space<hbm>>
    %dma_wait3A_28 = arith.constant 0 : i32
    %dma_wait3A_29 = tpu.memref_slice %arg3[%dma_wait3A_24, %mul3A_0, %dma_wait3A_28] : memref<2x2560x128xi32, #tpu.memory_space<hbm>> -> memref<1x16x128xi32, #tpu.memory_space<hbm>>
    %dma_wait3A_30 = tpu.memref_squeeze %dma_wait3A_29 : memref<1x16x128xi32, #tpu.memory_space<hbm>> -> memref<16x128xi32, #tpu.memory_space<hbm>>
    tpu.wait_dma2 semaphore(%arg18 : memref<!tpu.dma_semaphore, #tpu.memory_space<semaphore_mem>>) src(%dma_wait3A_30 : memref<16x128xi32, #tpu.memory_space<hbm>>) dst(%arg8 : memref<16x128xi32, #tpu.memory_space<vmem>>)
    %scan3A = arith.constant 0 : i32
    %scan3A_31 = arith.constant 16 : i32
    %scan3A_32 = arith.addi %scan3A, %scan3A_31 : i32
    %scan3A_33 = arith.constant 1 : i32
    scf.for %scan3A_45 = %scan3A to %scan3A_32 step %scan3A_33  : i32 {
      %mul3A_46 = arith.constant 1 : i32
      %mul3A_47 = arith.muli %scan3A_45, %mul3A_46 : i32
      %add3A = arith.constant 0 : i32
      %add3A_48 = arith.addi %add3A, %mul3A_47 : i32
      %get3A = arith.index_cast %add3A_48 : i32 to index
      %get3A_49 = arith.constant 0 : index
      %get3A_50 = tpu.vector_load %arg6[%get3A, %get3A_49] {strides = array<i32>} : memref<16x128xi32, #tpu.memory_space<vmem>>, vector<1x16xi32>,
      %get3A_51 = vector.shape_cast %get3A_50 : vector<1x16xi32> to vector<16xi32>
      %add3A_52 = vector.broadcast %mul3A_2 : i32 to vector<16xi32>
      %add3A_53 = arith.addi %get3A_51, %add3A_52 : vector<16xi32>
      %swap3A = arith.index_cast %add3A_48 : i32 to index
      %swap3A_54 = arith.constant 0 : index
      %swap3A_55 = tpu.vector_load %arg6[%swap3A, %swap3A_54] {strides = array<i32>} : memref<16x128xi32, #tpu.memory_space<vmem>>, vector<1x16xi32>,
      %swap3A_56 = vector.shape_cast %swap3A_55 : vector<1x16xi32> to vector<16xi32>
      %swap3A_57 = vector.shape_cast %add3A_53 : vector<16xi32> to vector<1x16xi32>
      tpu.vector_store %arg6[%swap3A, %swap3A_54], %swap3A_57 {strides = array<i32>} : memref<16x128xi32, #tpu.memory_space<vmem>>, vector<1x16xi32>,
      %get3A_58 = arith.index_cast %add3A_48 : i32 to index
      %get3A_59 = arith.constant 16 : index
      %get3A_60 = tpu.vector_load %arg6[%get3A_58, %get3A_59] {strides = array<i32>} : memref<16x128xi32, #tpu.memory_space<vmem>>, vector<1x16xi32>,
      %get3A_61 = vector.shape_cast %get3A_60 : vector<1x16xi32> to vector<16xi32>
      %add3A_62 = vector.broadcast %mul3A_2 : i32 to vector<16xi32>
      %add3A_63 = arith.addi %get3A_61, %add3A_62 : vector<16xi32>
      %swap3A_64 = arith.index_cast %add3A_48 : i32 to index
      %swap3A_65 = arith.constant 16 : index
      %swap3A_66 = tpu.vector_load %arg6[%swap3A_64, %swap3A_65] {strides = array<i32>} : memref<16x128xi32, #tpu.memory_space<vmem>>, vector<1x16xi32>,
      %swap3A_67 = vector.shape_cast %swap3A_66 : vector<1x16xi32> to vector<16xi32>
      %swap3A_68 = vector.shape_cast %add3A_63 : vector<16xi32> to vector<1x16xi32>
      tpu.vector_store %arg6[%swap3A_64, %swap3A_65], %swap3A_68 {strides = array<i32>} : memref<16x128xi32, #tpu.memory_space<vmem>>, vector<1x16xi32>,
      %get3A_69 = arith.index_cast %add3A_48 : i32 to index
      %get3A_70 = arith.constant 32 : index
      %get3A_71 = tpu.vector_load %arg6[%get3A_69, %get3A_70] {strides = array<i32>} : memref<16x128xi32, #tpu.memory_space<vmem>>, vector<1x16xi32>,
      %get3A_72 = vector.shape_cast %get3A_71 : vector<1x16xi32> to vector<16xi32>
      %add3A_73 = vector.broadcast %mul3A_2 : i32 to vector<16xi32>
      %add3A_74 = arith.addi %get3A_72, %add3A_73 : vector<16xi32>
      %swap3A_75 = arith.index_cast %add3A_48 : i32 to index
      %swap3A_76 = arith.constant 32 : index
      %swap3A_77 = tpu.vector_load %arg6[%swap3A_75, %swap3A_76] {strides = array<i32>} : memref<16x128xi32, #tpu.memory_space<vmem>>, vector<1x16xi32>,
      %swap3A_78 = vector.shape_cast %swap3A_77 : vector<1x16xi32> to vector<16xi32>
      %swap3A_79 = vector.shape_cast %add3A_74 : vector<16xi32> to vector<1x16xi32>
      tpu.vector_store %arg6[%swap3A_75, %swap3A_76], %swap3A_79 {strides = array<i32>} : memref<16x128xi32, #tpu.memory_space<vmem>>, vector<1x16xi32>,
      %get3A_80 = arith.index_cast %add3A_48 : i32 to index
      %get3A_81 = arith.constant 48 : index
      %get3A_82 = tpu.vector_load %arg6[%get3A_80, %get3A_81] {strides = array<i32>} : memref<16x128xi32, #tpu.memory_space<vmem>>, vector<1x16xi32>,
      %get3A_83 = vector.shape_cast %get3A_82 : vector<1x16xi32> to vector<16xi32>
      %add3A_84 = vector.broadcast %mul3A_2 : i32 to vector<16xi32>
      %add3A_85 = arith.addi %get3A_83, %add3A_84 : vector<16xi32>
      %swap3A_86 = arith.index_cast %add3A_48 : i32 to index
      %swap3A_87 = arith.constant 48 : index
      %swap3A_88 = tpu.vector_load %arg6[%swap3A_86, %swap3A_87] {strides = array<i32>} : memref<16x128xi32, #tpu.memory_space<vmem>>, vector<1x16xi32>,
      %swap3A_89 = vector.shape_cast %swap3A_88 : vector<1x16xi32> to vector<16xi32>
      %swap3A_90 = vector.shape_cast %add3A_85 : vector<16xi32> to vector<1x16xi32>
      tpu.vector_store %arg6[%swap3A_86, %swap3A_87], %swap3A_90 {strides = array<i32>} : memref<16x128xi32, #tpu.memory_space<vmem>>, vector<1x16xi32>,
      %get3A_91 = arith.index_cast %add3A_48 : i32 to index
      %get3A_92 = arith.constant 64 : index
      %get3A_93 = tpu.vector_load %arg6[%get3A_91, %get3A_92] {strides = array<i32>} : memref<16x128xi32, #tpu.memory_space<vmem>>, vector<1x16xi32>,
      %get3A_94 = vector.shape_cast %get3A_93 : vector<1x16xi32> to vector<16xi32>
      %add3A_95 = vector.broadcast %mul3A_2 : i32 to vector<16xi32>
      %add3A_96 = arith.addi %get3A_94, %add3A_95 : vector<16xi32>
      %swap3A_97 = arith.index_cast %add3A_48 : i32 to index
      %swap3A_98 = arith.constant 64 : index
      %swap3A_99 = tpu.vector_load %arg6[%swap3A_97, %swap3A_98] {strides = array<i32>} : memref<16x128xi32, #tpu.memory_space<vmem>>, vector<1x16xi32>,
      %swap3A_100 = vector.shape_cast %swap3A_99 : vector<1x16xi32> to vector<16xi32>
      %swap3A_101 = vector.shape_cast %add3A_96 : vector<16xi32> to vector<1x16xi32>
      tpu.vector_store %arg6[%swap3A_97, %swap3A_98], %swap3A_101 {strides = array<i32>} : memref<16x128xi32, #tpu.memory_space<vmem>>, vector<1x16xi32>,
      %get3A_102 = arith.index_cast %add3A_48 : i32 to index
      %get3A_103 = arith.constant 80 : index
      %get3A_104 = tpu.vector_load %arg6[%get3A_102, %get3A_103] {strides = array<i32>} : memref<16x128xi32, #tpu.memory_space<vmem>>, vector<1x16xi32>,
      %get3A_105 = vector.shape_cast %get3A_104 : vector<1x16xi32> to vector<16xi32>
      %add3A_106 = vector.broadcast %mul3A_2 : i32 to vector<16xi32>
      %add3A_107 = arith.addi %get3A_105, %add3A_106 : vector<16xi32>
      %swap3A_108 = arith.index_cast %add3A_48 : i32 to index
      %swap3A_109 = arith.constant 80 : index
      %swap3A_110 = tpu.vector_load %arg6[%swap3A_108, %swap3A_109] {strides = array<i32>} : memref<16x128xi32, #tpu.memory_space<vmem>>, vector<1x16xi32>,
      %swap3A_111 = vector.shape_cast %swap3A_110 : vector<1x16xi32> to vector<16xi32>
      %swap3A_112 = vector.shape_cast %add3A_107 : vector<16xi32> to vector<1x16xi32>
      tpu.vector_store %arg6[%swap3A_108, %swap3A_109], %swap3A_112 {strides = array<i32>} : memref<16x128xi32, #tpu.memory_space<vmem>>, vector<1x16xi32>,
      %get3A_113 = arith.index_cast %add3A_48 : i32 to index
      %get3A_114 = arith.constant 96 : index
      %get3A_115 = tpu.vector_load %arg6[%get3A_113, %get3A_114] {strides = array<i32>} : memref<16x128xi32, #tpu.memory_space<vmem>>, vector<1x16xi32>,
      %get3A_116 = vector.shape_cast %get3A_115 : vector<1x16xi32> to vector<16xi32>
      %add3A_117 = vector.broadcast %mul3A_2 : i32 to vector<16xi32>
      %add3A_118 = arith.addi %get3A_116, %add3A_117 : vector<16xi32>
      %swap3A_119 = arith.index_cast %add3A_48 : i32 to index
      %swap3A_120 = arith.constant 96 : index
      %swap3A_121 = tpu.vector_load %arg6[%swap3A_119, %swap3A_120] {strides = array<i32>} : memref<16x128xi32, #tpu.memory_space<vmem>>, vector<1x16xi32>,
      %swap3A_122 = vector.shape_cast %swap3A_121 : vector<1x16xi32> to vector<16xi32>
      %swap3A_123 = vector.shape_cast %add3A_118 : vector<16xi32> to vector<1x16xi32>
      tpu.vector_store %arg6[%swap3A_119, %swap3A_120], %swap3A_123 {strides = array<i32>} : memref<16x128xi32, #tpu.memory_space<vmem>>, vector<1x16xi32>,
      %get3A_124 = arith.index_cast %add3A_48 : i32 to index
      %get3A_125 = arith.constant 112 : index
      %get3A_126 = tpu.vector_load %arg6[%get3A_124, %get3A_125] {strides = array<i32>} : memref<16x128xi32, #tpu.memory_space<vmem>>, vector<1x16xi32>,
      %get3A_127 = vector.shape_cast %get3A_126 : vector<1x16xi32> to vector<16xi32>
      %add3A_128 = vector.broadcast %mul3A_2 : i32 to vector<16xi32>
      %add3A_129 = arith.addi %get3A_127, %add3A_128 : vector<16xi32>
      %swap3A_130 = arith.index_cast %add3A_48 : i32 to index
      %swap3A_131 = arith.constant 112 : index
      %swap3A_132 = tpu.vector_load %arg6[%swap3A_130, %swap3A_131] {strides = array<i32>} : memref<16x128xi32, #tpu.memory_space<vmem>>, vector<1x16xi32>,
      %swap3A_133 = vector.shape_cast %swap3A_132 : vector<1x16xi32> to vector<16xi32>
      %swap3A_134 = vector.shape_cast %add3A_129 : vector<16xi32> to vector<1x16xi32>
      tpu.vector_store %arg6[%swap3A_130, %swap3A_131], %swap3A_134 {strides = array<i32>} : memref<16x128xi32, #tpu.memory_space<vmem>>, vector<1x16xi32>,
    }
    %scan3A_34 = arith.constant 16 : i32
    %barrier3A = arith.constant 0 : index
    tpu.barrier barrier_id(%barrier3A)
    %scan3A_35 = arith.constant 0 : i32
    %scan3A_36 = arith.constant 5 : i32
    %scan3A_37 = arith.addi %scan3A_35, %scan3A_36 : i32
    %scan3A_38 = arith.constant 1 : i32
    scf.for %scan3A_45 = %scan3A_35 to %scan3A_37 step %scan3A_38  : i32 {
      %mul3A_46 = arith.constant 1 : i32
      %mul3A_47 = arith.muli %scan3A_45, %mul3A_46 : i32
      %add3A = arith.constant 0 : i32
      %add3A_48 = arith.addi %add3A, %mul3A_47 : i32
      %mul3A_49 = arith.constant 2 : i32
      %mul3A_50 = arith.muli %mul3A_49, %add3A_48 : i32
      %add3A_51 = arith.constant 1 : i32
      %add3A_52 = arith.addi %mul3A_50, %add3A_51 : i32
      %lt3A = arith.constant 10 : i32
      %lt3A_53 = arith.cmpi slt, %add3A_52, %lt3A : i32
      %convert_element_type3A = arith.extui %lt3A_53 : i1 to i32
      %cond3A = arith.constant 0 : i32
      %cond3A_54 = arith.cmpi ne, %convert_element_type3A, %cond3A : i32
      scf.if %cond3A_54 {
        %add3A_1862 = arith.constant 1 : i32
        %add3A_1863 = arith.addi %mul3A_50, %add3A_1862 : i32
        %mul3A_1864 = arith.constant 16 : i32
        %mul3A_1865 = arith.muli %add3A_1863, %mul3A_1864 : i32
        %add3A_1866 = arith.addi %mul3A_0, %mul3A_1865 : i32
        %dma_start3A_1867 = arith.constant 0 : i32
        %dma_start3A_1868 = arith.constant 0 : i32
        %dma_start3A_1869 = tpu.memref_slice %arg3[%dma_start3A_1867, %add3A_1866, %dma_start3A_1868] : memref<2x2560x128xi32, #tpu.memory_space<hbm>> -> memref<1x16x128xi32, #tpu.memory_space<hbm>>
        %dma_start3A_1870 = tpu.memref_squeeze %dma_start3A_1869 : memref<1x16x128xi32, #tpu.memory_space<hbm>> -> memref<16x128xi32, #tpu.memory_space<hbm>>
        %dma_start3A_1871 = arith.constant 0 : i32
        %dma_start3A_1872 = tpu.memref_slice %arg3[%dma_start3A_1867, %add3A_1866, %dma_start3A_1871] : memref<2x2560x128xi32, #tpu.memory_space<hbm>> -> memref<1x16x128xi32, #tpu.memory_space<hbm>>
        %dma_start3A_1873 = tpu.memref_squeeze %dma_start3A_1872 : memref<1x16x128xi32, #tpu.memory_space<hbm>> -> memref<16x128xi32, #tpu.memory_space<hbm>>
        tpu.enqueue_dma source(%dma_start3A_1873 : memref<16x128xi32, #tpu.memory_space<hbm>>) target(%arg7 : memref<16x128xi32, #tpu.memory_space<vmem>>) target_semaphore(%arg19 : memref<!tpu.dma_semaphore, #tpu.memory_space<semaphore_mem>>)
        %add3A_1874 = arith.constant 1 : i32
        %add3A_1875 = arith.addi %mul3A_50, %add3A_1874 : i32
        %mul3A_1876 = arith.constant 16 : i32
        %mul3A_1877 = arith.muli %add3A_1875, %mul3A_1876 : i32
        %add3A_1878 = arith.addi %mul3A_0, %mul3A_1877 : i32
        %dma_start3A_1879 = arith.constant 1 : i32
        %dma_start3A_1880 = arith.constant 0 : i32
        %dma_start3A_1881 = tpu.memref_slice %arg3[%dma_start3A_1879, %add3A_1878, %dma_start3A_1880] : memref<2x2560x128xi32, #tpu.memory_space<hbm>> -> memref<1x16x128xi32, #tpu.memory_space<hbm>>
        %dma_start3A_1882 = tpu.memref_squeeze %dma_start3A_1881 : memref<1x16x128xi32, #tpu.memory_space<hbm>> -> memref<16x128xi32, #tpu.memory_space<hbm>>
        %dma_start3A_1883 = arith.constant 0 : i32
        %dma_start3A_1884 = tpu.memref_slice %arg3[%dma_start3A_1879, %add3A_1878, %dma_start3A_1883] : memref<2x2560x128xi32, #tpu.memory_space<hbm>> -> memref<1x16x128xi32, #tpu.memory_space<hbm>>
        %dma_start3A_1885 = tpu.memref_squeeze %dma_start3A_1884 : memref<1x16x128xi32, #tpu.memory_space<hbm>> -> memref<16x128xi32, #tpu.memory_space<hbm>>
        tpu.enqueue_dma source(%dma_start3A_1885 : memref<16x128xi32, #tpu.memory_space<hbm>>) target(%arg9 : memref<16x128xi32, #tpu.memory_space<vmem>>) target_semaphore(%arg19 : memref<!tpu.dma_semaphore, #tpu.memory_space<semaphore_mem>>)
      } else {
      }
      %dma_start3A_55 = arith.constant 0 : i32
      %dma_start3A_56 = arith.constant 0 : i32
      %dma_start3A_57 = tpu.memref_slice %arg6[%dma_start3A_55, %dma_start3A_56] : memref<16x128xi32, #tpu.memory_space<vmem>> -> memref<1x64xi32, #tpu.memory_space<vmem>>
      %dma_start3A_58 = tpu.memref_squeeze %dma_start3A_57 : memref<1x64xi32, #tpu.memory_space<vmem>> -> memref<64xi32, #tpu.memory_space<vmem>>
      %dma_start3A_59 = arith.constant 0 : i32
      %dma_start3A_60 = arith.constant 0 : i32
      %dma_start3A_61 = tpu.memref_slice %arg2[%dma_start3A_59, %dma_start3A_60] : memref<20480x128xf32, #tpu.memory_space<hbm>> -> memref<20480x128xf32, #tpu.memory_space<hbm>>
      tpu.enqueue_indirect_dma source(%dma_start3A_61 : memref<20480x128xf32, #tpu.memory_space<hbm>>) target(%arg10 : memref<64x128xf32, #tpu.memory_space<vmem>>) offsets(%dma_start3A_58 : memref<64xi32, #tpu.memory_space<vmem>>) semaphore(%arg14 : memref<!tpu.dma_semaphore, #tpu.memory_space<semaphore_mem>>)
      %dma_start3A_62 = arith.constant 0 : i32
      %dma_start3A_63 = arith.constant 64 : i32
      %dma_start3A_64 = tpu.memref_slice %arg6[%dma_start3A_62, %dma_start3A_63] : memref<16x128xi32, #tpu.memory_space<vmem>> -> memref<1x64xi32, #tpu.memory_space<vmem>>
      %dma_start3A_65 = tpu.memref_squeeze %dma_start3A_64 : memref<1x64xi32, #tpu.memory_space<vmem>> -> memref<64xi32, #tpu.memory_space<vmem>>
      %dma_start3A_66 = arith.constant 0 : i32
      %dma_start3A_67 = arith.constant 0 : i32
      %dma_start3A_68 = tpu.memref_slice %arg2[%dma_start3A_66, %dma_start3A_67] : memref<20480x128xf32, #tpu.memory_space<hbm>> -> memref<20480x128xf32, #tpu.memory_space<hbm>>
      tpu.enqueue_indirect_dma source(%dma_start3A_68 : memref<20480x128xf32, #tpu.memory_space<hbm>>) target(%arg11 : memref<64x128xf32, #tpu.memory_space<vmem>>) offsets(%dma_start3A_65 : memref<64xi32, #tpu.memory_space<vmem>>) semaphore(%arg15 : memref<!tpu.dma_semaphore, #tpu.memory_space<semaphore_mem>>)
      %dma_start3A_69 = arith.constant 1 : i32
      %dma_start3A_70 = arith.constant 0 : i32
      %dma_start3A_71 = tpu.memref_slice %arg6[%dma_start3A_69, %dma_start3A_70] : memref<16x128xi32, #tpu.memory_space<vmem>> -> memref<1x64xi32, #tpu.memory_space<vmem>>
      %dma_start3A_72 = tpu.memref_squeeze %dma_start3A_71 : memref<1x64xi32, #tpu.memory_space<vmem>> -> memref<64xi32, #tpu.memory_space<vmem>>
      %dma_start3A_73 = arith.constant 0 : i32
      %dma_start3A_74 = arith.constant 0 : i32
      %dma_start3A_75 = tpu.memref_slice %arg2[%dma_start3A_73, %dma_start3A_74] : memref<20480x128xf32, #tpu.memory_space<hbm>> -> memref<20480x128xf32, #tpu.memory_space<hbm>>
      tpu.enqueue_indirect_dma source(%dma_start3A_75 : memref<20480x128xf32, #tpu.memory_space<hbm>>) target(%arg12 : memref<64x128xf32, #tpu.memory_space<vmem>>) offsets(%dma_start3A_72 : memref<64xi32, #tpu.memory_space<vmem>>) semaphore(%arg16 : memref<!tpu.dma_semaphore, #tpu.memory_space<semaphore_mem>>)
      %dma_start3A_76 = arith.constant 1 : i32
      %dma_start3A_77 = arith.constant 64 : i32
      %dma_start3A_78 = tpu.memref_slice %arg6[%dma_start3A_76, %dma_start3A_77] : memref<16x128xi32, #tpu.memory_space<vmem>> -> memref<1x64xi32, #tpu.memory_space<vmem>>
      %dma_start3A_79 = tpu.memref_squeeze %dma_start3A_78 : memref<1x64xi32, #tpu.memory_space<vmem>> -> memref<64xi32, #tpu.memory_space<vmem>>
      %dma_start3A_80 = arith.constant 0 : i32
      %dma_start3A_81 = arith.constant 0 : i32
      %dma_start3A_82 = tpu.memref_slice %arg2[%dma_start3A_80, %dma_start3A_81] : memref<20480x128xf32, #tpu.memory_space<hbm>> -> memref<20480x128xf32, #tpu.memory_space<hbm>>
      tpu.enqueue_indirect_dma source(%dma_start3A_82 : memref<20480x128xf32, #tpu.memory_space<hbm>>) target(%arg13 : memref<64x128xf32, #tpu.memory_space<vmem>>) offsets(%dma_start3A_79 : memref<64xi32, #tpu.memory_space<vmem>>) semaphore(%arg17 : memref<!tpu.dma_semaphore, #tpu.memory_space<semaphore_mem>>)
      %dma_wait3A_83 = arith.constant 0 : i32
      %dma_wait3A_84 = arith.constant 0 : i32
      %dma_wait3A_85 = tpu.memref_slice %arg6[%dma_wait3A_83, %dma_wait3A_84] : memref<16x128xi32, #tpu.memory_space<vmem>> -> memref<1x64xi32, #tpu.memory_space<vmem>>
      %dma_wait3A_86 = tpu.memref_squeeze %dma_wait3A_85 : memref<1x64xi32, #tpu.memory_space<vmem>> -> memref<64xi32, #tpu.memory_space<vmem>>
      %dma_wait3A_87 = arith.constant 0 : i32
      %dma_wait3A_88 = arith.constant 0 : i32
      %dma_wait3A_89 = tpu.memref_slice %arg2[%dma_wait3A_87, %dma_wait3A_88] : memref<20480x128xf32, #tpu.memory_space<hbm>> -> memref<20480x128xf32, #tpu.memory_space<hbm>>
      tpu.wait_indirect_dma semaphore(%arg14 : memref<!tpu.dma_semaphore, #tpu.memory_space<semaphore_mem>>) src(%dma_wait3A_89 : memref<20480x128xf32, #tpu.memory_space<hbm>>) dst(%arg10 : memref<64x128xf32, #tpu.memory_space<vmem>>)
      %dma_start3A_90 = arith.constant 0 : i32
      %dma_start3A_91 = arith.constant 0 : i32
      %dma_start3A_92 = tpu.memref_slice %arg8[%dma_start3A_90, %dma_start3A_91] : memref<16x128xi32, #tpu.memory_space<vmem>> -> memref<1x64xi32, #tpu.memory_space<vmem>>
      %dma_start3A_93 = tpu.memref_squeeze %dma_start3A_92 : memref<1x64xi32, #tpu.memory_space<vmem>> -> memref<64xi32, #tpu.memory_space<vmem>>
      %dma_start3A_94 = arith.constant 0 : i32
      %dma_start3A_95 = arith.constant 0 : i32
      %dma_start3A_96 = tpu.memref_slice %arg20[%dma_start3A_94, %dma_start3A_95] : memref<10240x128xf32, #tpu.memory_space<vmem_shared>> -> memref<10240x128xf32, #tpu.memory_space<vmem_shared>>
      tpu.enqueue_indirect_dma source(%arg10 : memref<64x128xf32, #tpu.memory_space<vmem>>) target(%dma_start3A_96 : memref<10240x128xf32, #tpu.memory_space<vmem_shared>>) offsets(%dma_start3A_93 : memref<64xi32, #tpu.memory_space<vmem>>) semaphore(%arg14 : memref<!tpu.dma_semaphore, #tpu.memory_space<semaphore_mem>>) {add = true}
      %dma_wait3A_97 = arith.constant 0 : i32
      %dma_wait3A_98 = arith.constant 0 : i32
      %dma_wait3A_99 = tpu.memref_slice %arg8[%dma_wait3A_97, %dma_wait3A_98] : memref<16x128xi32, #tpu.memory_space<vmem>> -> memref<1x64xi32, #tpu.memory_space<vmem>>
      %dma_wait3A_100 = tpu.memref_squeeze %dma_wait3A_99 : memref<1x64xi32, #tpu.memory_space<vmem>> -> memref<64xi32, #tpu.memory_space<vmem>>
      %dma_wait3A_101 = arith.constant 0 : i32
      %dma_wait3A_102 = arith.constant 0 : i32
      %dma_wait3A_103 = tpu.memref_slice %arg20[%dma_wait3A_101, %dma_wait3A_102] : memref<10240x128xf32, #tpu.memory_space<vmem_shared>> -> memref<10240x128xf32, #tpu.memory_space<vmem_shared>>
      tpu.wait_indirect_dma semaphore(%arg14 : memref<!tpu.dma_semaphore, #tpu.memory_space<semaphore_mem>>) src(%arg10 : memref<64x128xf32, #tpu.memory_space<vmem>>) dst(%dma_wait3A_103 : memref<10240x128xf32, #tpu.memory_space<vmem_shared>>)
      %dma_start3A_104 = arith.constant 2 : i32
      %dma_start3A_105 = arith.constant 0 : i32
      %dma_start3A_106 = tpu.memref_slice %arg6[%dma_start3A_104, %dma_start3A_105] : memref<16x128xi32, #tpu.memory_space<vmem>> -> memref<1x64xi32, #tpu.memory_space<vmem>>
      %dma_start3A_107 = tpu.memref_squeeze %dma_start3A_106 : memref<1x64xi32, #tpu.memory_space<vmem>> -> memref<64xi32, #tpu.memory_space<vmem>>
      %dma_start3A_108 = arith.constant 0 : i32
      %dma_start3A_109 = arith.constant 0 : i32
      %dma_start3A_110 = tpu.memref_slice %arg2[%dma_start3A_108, %dma_start3A_109] : memref<20480x128xf32, #tpu.memory_space<hbm>> -> memref<20480x128xf32, #tpu.memory_space<hbm>>
      tpu.enqueue_indirect_dma source(%dma_start3A_110 : memref<20480x128xf32, #tpu.memory_space<hbm>>) target(%arg10 : memref<64x128xf32, #tpu.memory_space<vmem>>) offsets(%dma_start3A_107 : memref<64xi32, #tpu.memory_space<vmem>>) semaphore(%arg14 : memref<!tpu.dma_semaphore, #tpu.memory_space<semaphore_mem>>)
      %dma_wait3A_111 = arith.constant 0 : i32
      %dma_wait3A_112 = arith.constant 0 : i32
      %dma_wait3A_113 = tpu.memref_slice %arg6[%dma_wait3A_111, %dma_wait3A_112] : memref<16x128xi32, #tpu.memory_space<vmem>> -> memref<1x64xi32, #tpu.memory_space<vmem>>
      %dma_wait3A_114 = tpu.memref_squeeze %dma_wait3A_113 : memref<1x64xi32, #tpu.memory_space<vmem>> -> memref<64xi32, #tpu.memory_space<vmem>>
      %dma_wait3A_115 = arith.constant 0 : i32
      %dma_wait3A_116 = arith.constant 0 : i32
      %dma_wait3A_117 = tpu.memref_slice %arg2[%dma_wait3A_115, %dma_wait3A_116] : memref<20480x128xf32, #tpu.memory_space<hbm>> -> memref<20480x128xf32, #tpu.memory_space<hbm>>
      tpu.wait_indirect_dma semaphore(%arg15 : memref<!tpu.dma_semaphore, #tpu.memory_space<semaphore_mem>>) src(%dma_wait3A_117 : memref<20480x128xf32, #tpu.memory_space<hbm>>) dst(%arg11 : memref<64x128xf32, #tpu.memory_space<vmem>>)
      %dma_start3A_118 = arith.constant 0 : i32
      %dma_start3A_119 = arith.constant 64 : i32
      %dma_start3A_120 = tpu.memref_slice %arg8[%dma_start3A_118, %dma_start3A_119] : memref<16x128xi32, #tpu.memory_space<vmem>> -> memref<1x64xi32, #tpu.memory_space<vmem>>
      %dma_start3A_121 = tpu.memref_squeeze %dma_start3A_120 : memref<1x64xi32, #tpu.memory_space<vmem>> -> memref<64xi32, #tpu.memory_space<vmem>>
      %dma_start3A_122 = arith.constant 0 : i32
      %dma_start3A_123 = arith.constant 0 : i32
      %dma_start3A_124 = tpu.memref_slice %arg20[%dma_start3A_122, %dma_start3A_123] : memref<10240x128xf32, #tpu.memory_space<vmem_shared>> -> memref<10240x128xf32, #tpu.memory_space<vmem_shared>>
      tpu.enqueue_indirect_dma source(%arg11 : memref<64x128xf32, #tpu.memory_space<vmem>>) target(%dma_start3A_124 : memref<10240x128xf32, #tpu.memory_space<vmem_shared>>) offsets(%dma_start3A_121 : memref<64xi32, #tpu.memory_space<vmem>>) semaphore(%arg15 : memref<!tpu.dma_semaphore, #tpu.memory_space<semaphore_mem>>) {add = true}
      %dma_wait3A_125 = arith.constant 0 : i32
      %dma_wait3A_126 = arith.constant 0 : i32
      %dma_wait3A_127 = tpu.memref_slice %arg8[%dma_wait3A_125, %dma_wait3A_126] : memref<16x128xi32, #tpu.memory_space<vmem>> -> memref<1x64xi32, #tpu.memory_space<vmem>>
      %dma_wait3A_128 = tpu.memref_squeeze %dma_wait3A_127 : memref<1x64xi32, #tpu.memory_space<vmem>> -> memref<64xi32, #tpu.memory_space<vmem>>
      %dma_wait3A_129 = arith.constant 0 : i32
      %dma_wait3A_130 = arith.constant 0 : i32
      %dma_wait3A_131 = tpu.memref_slice %arg20[%dma_wait3A_129, %dma_wait3A_130] : memref<10240x128xf32, #tpu.memory_space<vmem_shared>> -> memref<10240x128xf32, #tpu.memory_space<vmem_shared>>
      tpu.wait_indirect_dma semaphore(%arg15 : memref<!tpu.dma_semaphore, #tpu.memory_space<semaphore_mem>>) src(%arg11 : memref<64x128xf32, #tpu.memory_space<vmem>>) dst(%dma_wait3A_131 : memref<10240x128xf32, #tpu.memory_space<vmem_shared>>)
      %dma_start3A_132 = arith.constant 2 : i32
      %dma_start3A_133 = arith.constant 64 : i32
      %dma_start3A_134 = tpu.memref_slice %arg6[%dma_start3A_132, %dma_start3A_133] : memref<16x128xi32, #tpu.memory_space<vmem>> -> memref<1x64xi32, #tpu.memory_space<vmem>>
      %dma_start3A_135 = tpu.memref_squeeze %dma_start3A_134 : memref<1x64xi32, #tpu.memory_space<vmem>> -> memref<64xi32, #tpu.memory_space<vmem>>
      %dma_start3A_136 = arith.constant 0 : i32
      %dma_start3A_137 = arith.constant 0 : i32
      %dma_start3A_138 = tpu.memref_slice %arg2[%dma_start3A_136, %dma_start3A_137] : memref<20480x128xf32, #tpu.memory_space<hbm>> -> memref<20480x128xf32, #tpu.memory_space<hbm>>
      tpu.enqueue_indirect_dma source(%dma_start3A_138 : memref<20480x128xf32, #tpu.memory_space<hbm>>) target(%arg11 : memref<64x128xf32, #tpu.memory_space<vmem>>) offsets(%dma_start3A_135 : memref<64xi32, #tpu.memory_space<vmem>>) semaphore(%arg15 : memref<!tpu.dma_semaphore, #tpu.memory_space<semaphore_mem>>)
      %dma_wait3A_139 = arith.constant 0 : i32
      %dma_wait3A_140 = arith.constant 0 : i32
      %dma_wait3A_141 = tpu.memref_slice %arg6[%dma_wait3A_139, %dma_wait3A_140] : memref<16x128xi32, #tpu.memory_space<vmem>> -> memref<1x64xi32, #tpu.memory_space<vmem>>
      %dma_wait3A_142 = tpu.memref_squeeze %dma_wait3A_141 : memref<1x64xi32, #tpu.memory_space<vmem>> -> memref<64xi32, #tpu.memory_space<vmem>>
      %dma_wait3A_143 = arith.constant 0 : i32
      %dma_wait3A_144 = arith.constant 0 : i32
      %dma_wait3A_145 = tpu.memref_slice %arg2[%dma_wait3A_143, %dma_wait3A_144] : memref<20480x128xf32, #tpu.memory_space<hbm>> -> memref<20480x128xf32, #tpu.memory_space<hbm>>
      tpu.wait_indirect_dma semaphore(%arg16 : memref<!tpu.dma_semaphore, #tpu.memory_space<semaphore_mem>>) src(%dma_wait3A_145 : memref<20480x128xf32, #tpu.memory_space<hbm>>) dst(%arg12 : memref<64x128xf32, #tpu.memory_space<vmem>>)
      %dma_start3A_146 = arith.constant 1 : i32
      %dma_start3A_147 = arith.constant 0 : i32
      %dma_start3A_148 = tpu.memref_slice %arg8[%dma_start3A_146, %dma_start3A_147] : memref<16x128xi32, #tpu.memory_space<vmem>> -> memref<1x64xi32, #tpu.memory_space<vmem>>
      %dma_start3A_149 = tpu.memref_squeeze %dma_start3A_148 : memref<1x64xi32, #tpu.memory_space<vmem>> -> memref<64xi32, #tpu.memory_space<vmem>>
      %dma_start3A_150 = arith.constant 0 : i32
      %dma_start3A_151 = arith.constant 0 : i32
      %dma_start3A_152 = tpu.memref_slice %arg20[%dma_start3A_150, %dma_start3A_151] : memref<10240x128xf32, #tpu.memory_space<vmem_shared>> -> memref<10240x128xf32, #tpu.memory_space<vmem_shared>>
      tpu.enqueue_indirect_dma source(%arg12 : memref<64x128xf32, #tpu.memory_space<vmem>>) target(%dma_start3A_152 : memref<10240x128xf32, #tpu.memory_space<vmem_shared>>) offsets(%dma_start3A_149 : memref<64xi32, #tpu.memory_space<vmem>>) semaphore(%arg16 : memref<!tpu.dma_semaphore, #tpu.memory_space<semaphore_mem>>) {add = true}
      %dma_wait3A_153 = arith.constant 0 : i32
      %dma_wait3A_154 = arith.constant 0 : i32
      %dma_wait3A_155 = tpu.memref_slice %arg8[%dma_wait3A_153, %dma_wait3A_154] : memref<16x128xi32, #tpu.memory_space<vmem>> -> memref<1x64xi32, #tpu.memory_space<vmem>>
      %dma_wait3A_156 = tpu.memref_squeeze %dma_wait3A_155 : memref<1x64xi32, #tpu.memory_space<vmem>> -> memref<64xi32, #tpu.memory_space<vmem>>
      %dma_wait3A_157 = arith.constant 0 : i32
      %dma_wait3A_158 = arith.constant 0 : i32
      %dma_wait3A_159 = tpu.memref_slice %arg20[%dma_wait3A_157, %dma_wait3A_158] : memref<10240x128xf32, #tpu.memory_space<vmem_shared>> -> memref<10240x128xf32, #tpu.memory_space<vmem_shared>>
      tpu.wait_indirect_dma semaphore(%arg16 : memref<!tpu.dma_semaphore, #tpu.memory_space<semaphore_mem>>) src(%arg12 : memref<64x128xf32, #tpu.memory_space<vmem>>) dst(%dma_wait3A_159 : memref<10240x128xf32, #tpu.memory_space<vmem_shared>>)
      %dma_start3A_160 = arith.constant 3 : i32
      %dma_start3A_161 = arith.constant 0 : i32
      %dma_start3A_162 = tpu.memref_slice %arg6[%dma_start3A_160, %dma_start3A_161] : memref<16x128xi32, #tpu.memory_space<vmem>> -> memref<1x64xi32, #tpu.memory_space<vmem>>
      %dma_start3A_163 = tpu.memref_squeeze %dma_start3A_162 : memref<1x64xi32, #tpu.memory_space<vmem>> -> memref<64xi32, #tpu.memory_space<vmem>>
      %dma_start3A_164 = arith.constant 0 : i32
      %dma_start3A_165 = arith.constant 0 : i32
      %dma_start3A_166 = tpu.memref_slice %arg2[%dma_start3A_164, %dma_start3A_165] : memref<20480x128xf32, #tpu.memory_space<hbm>> -> memref<20480x128xf32, #tpu.memory_space<hbm>>
      tpu.enqueue_indirect_dma source(%dma_start3A_166 : memref<20480x128xf32, #tpu.memory_space<hbm>>) target(%arg12 : memref<64x128xf32, #tpu.memory_space<vmem>>) offsets(%dma_start3A_163 : memref<64xi32, #tpu.memory_space<vmem>>) semaphore(%arg16 : memref<!tpu.dma_semaphore, #tpu.memory_space<semaphore_mem>>)
      %dma_wait3A_167 = arith.constant 0 : i32
      %dma_wait3A_168 = arith.constant 0 : i32
      %dma_wait3A_169 = tpu.memref_slice %arg6[%dma_wait3A_167, %dma_wait3A_168] : memref<16x128xi32, #tpu.memory_space<vmem>> -> memref<1x64xi32, #tpu.memory_space<vmem>>
      %dma_wait3A_170 = tpu.memref_squeeze %dma_wait3A_169 : memref<1x64xi32, #tpu.memory_space<vmem>> -> memref<64xi32, #tpu.memory_space<vmem>>
      %dma_wait3A_171 = arith.constant 0 : i32
      %dma_wait3A_172 = arith.constant 0 : i32
      %dma_wait3A_173 = tpu.memref_slice %arg2[%dma_wait3A_171, %dma_wait3A_172] : memref<20480x128xf32, #tpu.memory_space<hbm>> -> memref<20480x128xf32, #tpu.memory_space<hbm>>
      tpu.wait_indirect_dma semaphore(%arg17 : memref<!tpu.dma_semaphore, #tpu.memory_space<semaphore_mem>>) src(%dma_wait3A_173 : memref<20480x128xf32, #tpu.memory_space<hbm>>) dst(%arg13 : memref<64x128xf32, #tpu.memory_space<vmem>>)
      %dma_start3A_174 = arith.constant 1 : i32
      %dma_start3A_175 = arith.constant 64 : i32
      %dma_start3A_176 = tpu.memref_slice %arg8[%dma_start3A_174, %dma_start3A_175] : memref<16x128xi32, #tpu.memory_space<vmem>> -> memref<1x64xi32, #tpu.memory_space<vmem>>
      %dma_start3A_177 = tpu.memref_squeeze %dma_start3A_176 : memref<1x64xi32, #tpu.memory_space<vmem>> -> memref<64xi32, #tpu.memory_space<vmem>>
      %dma_start3A_178 = arith.constant 0 : i32
      %dma_start3A_179 = arith.constant 0 : i32
      %dma_start3A_180 = tpu.memref_slice %arg20[%dma_start3A_178, %dma_start3A_179] : memref<10240x128xf32, #tpu.memory_space<vmem_shared>> -> memref<10240x128xf32, #tpu.memory_space<vmem_shared>>
      tpu.enqueue_indirect_dma source(%arg13 : memref<64x128xf32, #tpu.memory_space<vmem>>) target(%dma_start3A_180 : memref<10240x128xf32, #tpu.memory_space<vmem_shared>>) offsets(%dma_start3A_177 : memref<64xi32, #tpu.memory_space<vmem>>) semaphore(%arg17 : memref<!tpu.dma_semaphore, #tpu.memory_space<semaphore_mem>>) {add = true}
      %dma_wait3A_181 = arith.constant 0 : i32
      %dma_wait3A_182 = arith.constant 0 : i32
      %dma_wait3A_183 = tpu.memref_slice %arg8[%dma_wait3A_181, %dma_wait3A_182] : memref<16x128xi32, #tpu.memory_space<vmem>> -> memref<1x64xi32, #tpu.memory_space<vmem>>
      %dma_wait3A_184 = tpu.memref_squeeze %dma_wait3A_183 : memref<1x64xi32, #tpu.memory_space<vmem>> -> memref<64xi32, #tpu.memory_space<vmem>>
      %dma_wait3A_185 = arith.constant 0 : i32
      %dma_wait3A_186 = arith.constant 0 : i32
      %dma_wait3A_187 = tpu.memref_slice %arg20[%dma_wait3A_185, %dma_wait3A_186] : memref<10240x128xf32, #tpu.memory_space<vmem_shared>> -> memref<10240x128xf32, #tpu.memory_space<vmem_shared>>
      tpu.wait_indirect_dma semaphore(%arg17 : memref<!tpu.dma_semaphore, #tpu.memory_space<semaphore_mem>>) src(%arg13 : memref<64x128xf32, #tpu.memory_space<vmem>>) dst(%dma_wait3A_187 : memref<10240x128xf32, #tpu.memory_space<vmem_shared>>)
      %dma_start3A_188 = arith.constant 3 : i32
      %dma_start3A_189 = arith.constant 64 : i32
      %dma_start3A_190 = tpu.memref_slice %arg6[%dma_start3A_188, %dma_start3A_189] : memref<16x128xi32, #tpu.memory_space<vmem>> -> memref<1x64xi32, #tpu.memory_space<vmem>>
      %dma_start3A_191 = tpu.memref_squeeze %dma_start3A_190 : memref<1x64xi32, #tpu.memory_space<vmem>> -> memref<64xi32, #tpu.memory_space<vmem>>
      %dma_start3A_192 = arith.constant 0 : i32
      %dma_start3A_193 = arith.constant 0 : i32
      %dma_start3A_194 = tpu.memref_slice %arg2[%dma_start3A_192, %dma_start3A_193] : memref<20480x128xf32, #tpu.memory_space<hbm>> -> memref<20480x128xf32, #tpu.memory_space<hbm>>
      tpu.enqueue_indirect_dma source(%dma_start3A_194 : memref<20480x128xf32, #tpu.memory_space<hbm>>) target(%arg13 : memref<64x128xf32, #tpu.memory_space<vmem>>) offsets(%dma_start3A_191 : memref<64xi32, #tpu.memory_space<vmem>>) semaphore(%arg17 : memref<!tpu.dma_semaphore, #tpu.memory_space<semaphore_mem>>)
      %dma_wait3A_195 = arith.constant 0 : i32
      %dma_wait3A_196 = arith.constant 0 : i32
      %dma_wait3A_197 = tpu.memref_slice %arg6[%dma_wait3A_195, %dma_wait3A_196] : memref<16x128xi32, #tpu.memory_space<vmem>> -> memref<1x64xi32, #tpu.memory_space<vmem>>
      %dma_wait3A_198 = tpu.memref_squeeze %dma_wait3A_197 : memref<1x64xi32, #tpu.memory_space<vmem>> -> memref<64xi32, #tpu.memory_space<vmem>>
      %dma_wait3A_199 = arith.constant 0 : i32
      %dma_wait3A_200 = arith.constant 0 : i32
      %dma_wait3A_201 = tpu.memref_slice %arg2[%dma_wait3A_199, %dma_wait3A_200] : memref<20480x128xf32, #tpu.memory_space<hbm>> -> memref<20480x128xf32, #tpu.memory_space<hbm>>
      tpu.wait_indirect_dma semaphore(%arg14 : memref<!tpu.dma_semaphore, #tpu.memory_space<semaphore_mem>>) src(%dma_wait3A_201 : memref<20480x128xf32, #tpu.memory_space<hbm>>) dst(%arg10 : memref<64x128xf32, #tpu.memory_space<vmem>>)
      %dma_start3A_202 = arith.constant 2 : i32
      %dma_start3A_203 = arith.constant 0 : i32
      %dma_start3A_204 = tpu.memref_slice %arg8[%dma_start3A_202, %dma_start3A_203] : memref<16x128xi32, #tpu.memory_space<vmem>> -> memref<1x64xi32, #tpu.memory_space<vmem>>
      %dma_start3A_205 = tpu.memref_squeeze %dma_start3A_204 : memref<1x64xi32, #tpu.memory_space<vmem>> -> memref<64xi32, #tpu.memory_space<vmem>>
      %dma_start3A_206 = arith.constant 0 : i32
      %dma_start3A_207 = arith.constant 0 : i32
      %dma_start3A_208 = tpu.memref_slice %arg20[%dma_start3A_206, %dma_start3A_207] : memref<10240x128xf32, #tpu.memory_space<vmem_shared>> -> memref<10240x128xf32, #tpu.memory_space<vmem_shared>>
      tpu.enqueue_indirect_dma source(%arg10 : memref<64x128xf32, #tpu.memory_space<vmem>>) target(%dma_start3A_208 : memref<10240x128xf32, #tpu.memory_space<vmem_shared>>) offsets(%dma_start3A_205 : memref<64xi32, #tpu.memory_space<vmem>>) semaphore(%arg14 : memref<!tpu.dma_semaphore, #tpu.memory_space<semaphore_mem>>) {add = true}
      %dma_wait3A_209 = arith.constant 0 : i32
      %dma_wait3A_210 = arith.constant 0 : i32
      %dma_wait3A_211 = tpu.memref_slice %arg8[%dma_wait3A_209, %dma_wait3A_210] : memref<16x128xi32, #tpu.memory_space<vmem>> -> memref<1x64xi32, #tpu.memory_space<vmem>>
      %dma_wait3A_212 = tpu.memref_squeeze %dma_wait3A_211 : memref<1x64xi32, #tpu.memory_space<vmem>> -> memref<64xi32, #tpu.memory_space<vmem>>
      %dma_wait3A_213 = arith.constant 0 : i32
      %dma_wait3A_214 = arith.constant 0 : i32
      %dma_wait3A_215 = tpu.memref_slice %arg20[%dma_wait3A_213, %dma_wait3A_214] : memref<10240x128xf32, #tpu.memory_space<vmem_shared>> -> memref<10240x128xf32, #tpu.memory_space<vmem_shared>>
      tpu.wait_indirect_dma semaphore(%arg14 : memref<!tpu.dma_semaphore, #tpu.memory_space<semaphore_mem>>) src(%arg10 : memref<64x128xf32, #tpu.memory_space<vmem>>) dst(%dma_wait3A_215 : memref<10240x128xf32, #tpu.memory_space<vmem_shared>>)
      %dma_start3A_216 = arith.constant 4 : i32
      %dma_start3A_217 = arith.constant 0 : i32
      %dma_start3A_218 = tpu.memref_slice %arg6[%dma_start3A_216, %dma_start3A_217] : memref<16x128xi32, #tpu.memory_space<vmem>> -> memref<1x64xi32, #tpu.memory_space<vmem>>
      %dma_start3A_219 = tpu.memref_squeeze %dma_start3A_218 : memref<1x64xi32, #tpu.memory_space<vmem>> -> memref<64xi32, #tpu.memory_space<vmem>>
      %dma_start3A_220 = arith.constant 0 : i32
      %dma_start3A_221 = arith.constant 0 : i32
      %dma_start3A_222 = tpu.memref_slice %arg2[%dma_start3A_220, %dma_start3A_221] : memref<20480x128xf32, #tpu.memory_space<hbm>> -> memref<20480x128xf32, #tpu.memory_space<hbm>>
      tpu.enqueue_indirect_dma source(%dma_start3A_222 : memref<20480x128xf32, #tpu.memory_space<hbm>>) target(%arg10 : memref<64x128xf32, #tpu.memory_space<vmem>>) offsets(%dma_start3A_219 : memref<64xi32, #tpu.memory_space<vmem>>) semaphore(%arg14 : memref<!tpu.dma_semaphore, #tpu.memory_space<semaphore_mem>>)
      %dma_wait3A_223 = arith.constant 0 : i32
      %dma_wait3A_224 = arith.constant 0 : i32
      %dma_wait3A_225 = tpu.memref_slice %arg6[%dma_wait3A_223, %dma_wait3A_224] : memref<16x128xi32, #tpu.memory_space<vmem>> -> memref<1x64xi32, #tpu.memory_space<vmem>>
      %dma_wait3A_226 = tpu.memref_squeeze %dma_wait3A_225 : memref<1x64xi32, #tpu.memory_space<vmem>> -> memref<64xi32, #tpu.memory_space<vmem>>
      %dma_wait3A_227 = arith.constant 0 : i32
      %dma_wait3A_228 = arith.constant 0 : i32
      %dma_wait3A_229 = tpu.memref_slice %arg2[%dma_wait3A_227, %dma_wait3A_228] : memref<20480x128xf32, #tpu.memory_space<hbm>> -> memref<20480x128xf32, #tpu.memory_space<hbm>>
      tpu.wait_indirect_dma semaphore(%arg15 : memref<!tpu.dma_semaphore, #tpu.memory_space<semaphore_mem>>) src(%dma_wait3A_229 : memref<20480x128xf32, #tpu.memory_space<hbm>>) dst(%arg11 : memref<64x128xf32, #tpu.memory_space<vmem>>)
      %dma_start3A_230 = arith.constant 2 : i32
      %dma_start3A_231 = arith.constant 64 : i32
      %dma_start3A_232 = tpu.memref_slice %arg8[%dma_start3A_230, %dma_start3A_231] : memref<16x128xi32, #tpu.memory_space<vmem>> -> memref<1x64xi32, #tpu.memory_space<vmem>>
      %dma_start3A_233 = tpu.memref_squeeze %dma_start3A_232 : memref<1x64xi32, #tpu.memory_space<vmem>> -> memref<64xi32, #tpu.memory_space<vmem>>
      %dma_start3A_234 = arith.constant 0 : i32
      %dma_start3A_235 = arith.constant 0 : i32
      %dma_start3A_236 = tpu.memref_slice %arg20[%dma_start3A_234, %dma_start3A_235] : memref<10240x128xf32, #tpu.memory_space<vmem_shared>> -> memref<10240x128xf32, #tpu.memory_space<vmem_shared>>
      tpu.enqueue_indirect_dma source(%arg11 : memref<64x128xf32, #tpu.memory_space<vmem>>) target(%dma_start3A_236 : memref<10240x128xf32, #tpu.memory_space<vmem_shared>>) offsets(%dma_start3A_233 : memref<64xi32, #tpu.memory_space<vmem>>) semaphore(%arg15 : memref<!tpu.dma_semaphore, #tpu.memory_space<semaphore_mem>>) {add = true}
      %dma_wait3A_237 = arith.constant 0 : i32
      %dma_wait3A_238 = arith.constant 0 : i32
      %dma_wait3A_239 = tpu.memref_slice %arg8[%dma_wait3A_237, %dma_wait3A_238] : memref<16x128xi32, #tpu.memory_space<vmem>> -> memref<1x64xi32, #tpu.memory_space<vmem>>
      %dma_wait3A_240 = tpu.memref_squeeze %dma_wait3A_239 : memref<1x64xi32, #tpu.memory_space<vmem>> -> memref<64xi32, #tpu.memory_space<vmem>>
      %dma_wait3A_241 = arith.constant 0 : i32
      %dma_wait3A_242 = arith.constant 0 : i32
      %dma_wait3A_243 = tpu.memref_slice %arg20[%dma_wait3A_241, %dma_wait3A_242] : memref<10240x128xf32, #tpu.memory_space<vmem_shared>> -> memref<10240x128xf32, #tpu.memory_space<vmem_shared>>
      tpu.wait_indirect_dma semaphore(%arg15 : memref<!tpu.dma_semaphore, #tpu.memory_space<semaphore_mem>>) src(%arg11 : memref<64x128xf32, #tpu.memory_space<vmem>>) dst(%dma_wait3A_243 : memref<10240x128xf32, #tpu.memory_space<vmem_shared>>)
      %dma_start3A_244 = arith.constant 4 : i32
      %dma_start3A_245 = arith.constant 64 : i32
      %dma_start3A_246 = tpu.memref_slice %arg6[%dma_start3A_244, %dma_start3A_245] : memref<16x128xi32, #tpu.memory_space<vmem>> -> memref<1x64xi32, #tpu.memory_space<vmem>>
      %dma_start3A_247 = tpu.memref_squeeze %dma_start3A_246 : memref<1x64xi32, #tpu.memory_space<vmem>> -> memref<64xi32, #tpu.memory_space<vmem>>
      %dma_start3A_248 = arith.constant 0 : i32
      %dma_start3A_249 = arith.constant 0 : i32
      %dma_start3A_250 = tpu.memref_slice %arg2[%dma_start3A_248, %dma_start3A_249] : memref<20480x128xf32, #tpu.memory_space<hbm>> -> memref<20480x128xf32, #tpu.memory_space<hbm>>
      tpu.enqueue_indirect_dma source(%dma_start3A_250 : memref<20480x128xf32, #tpu.memory_space<hbm>>) target(%arg11 : memref<64x128xf32, #tpu.memory_space<vmem>>) offsets(%dma_start3A_247 : memref<64xi32, #tpu.memory_space<vmem>>) semaphore(%arg15 : memref<!tpu.dma_semaphore, #tpu.memory_space<semaphore_mem>>)
      %dma_wait3A_251 = arith.constant 0 : i32
      %dma_wait3A_252 = arith.constant 0 : i32
      %dma_wait3A_253 = tpu.memref_slice %arg6[%dma_wait3A_251, %dma_wait3A_252] : memref<16x128xi32, #tpu.memory_space<vmem>> -> memref<1x64xi32, #tpu.memory_space<vmem>>
      %dma_wait3A_254 = tpu.memref_squeeze %dma_wait3A_253 : memref<1x64xi32, #tpu.memory_space<vmem>> -> memref<64xi32, #tpu.memory_space<vmem>>
      %dma_wait3A_255 = arith.constant 0 : i32
      %dma_wait3A_256 = arith.constant 0 : i32
      %dma_wait3A_257 = tpu.memref_slice %arg2[%dma_wait3A_255, %dma_wait3A_256] : memref<20480x128xf32, #tpu.memory_space<hbm>> -> memref<20480x128xf32, #tpu.memory_space<hbm>>
      tpu.wait_indirect_dma semaphore(%arg16 : memref<!tpu.dma_semaphore, #tpu.memory_space<semaphore_mem>>) src(%dma_wait3A_257 : memref<20480x128xf32, #tpu.memory_space<hbm>>) dst(%arg12 : memref<64x128xf32, #tpu.memory_space<vmem>>)
      %dma_start3A_258 = arith.constant 3 : i32
      %dma_start3A_259 = arith.constant 0 : i32
      %dma_start3A_260 = tpu.memref_slice %arg8[%dma_start3A_258, %dma_start3A_259] : memref<16x128xi32, #tpu.memory_space<vmem>> -> memref<1x64xi32, #tpu.memory_space<vmem>>
      %dma_start3A_261 = tpu.memref_squeeze %dma_start3A_260 : memref<1x64xi32, #tpu.memory_space<vmem>> -> memref<64xi32, #tpu.memory_space<vmem>>
      %dma_start3A_262 = arith.constant 0 : i32
      %dma_start3A_263 = arith.constant 0 : i32
      %dma_start3A_264 = tpu.memref_slice %arg20[%dma_start3A_262, %dma_start3A_263] : memref<10240x128xf32, #tpu.memory_space<vmem_shared>> -> memref<10240x128xf32, #tpu.memory_space<vmem_shared>>
      tpu.enqueue_indirect_dma source(%arg12 : memref<64x128xf32, #tpu.memory_space<vmem>>) target(%dma_start3A_264 : memref<10240x128xf32, #tpu.memory_space<vmem_shared>>) offsets(%dma_start3A_261 : memref<64xi32, #tpu.memory_space<vmem>>) semaphore(%arg16 : memref<!tpu.dma_semaphore, #tpu.memory_space<semaphore_mem>>) {add = true}
      %dma_wait3A_265 = arith.constant 0 : i32
      %dma_wait3A_266 = arith.constant 0 : i32
      %dma_wait3A_267 = tpu.memref_slice %arg8[%dma_wait3A_265, %dma_wait3A_266] : memref<16x128xi32, #tpu.memory_space<vmem>> -> memref<1x64xi32, #tpu.memory_space<vmem>>
      %dma_wait3A_268 = tpu.memref_squeeze %dma_wait3A_267 : memref<1x64xi32, #tpu.memory_space<vmem>> -> memref<64xi32, #tpu.memory_space<vmem>>
      %dma_wait3A_269 = arith.constant 0 : i32
      %dma_wait3A_270 = arith.constant 0 : i32
      %dma_wait3A_271 = tpu.memref_slice %arg20[%dma_wait3A_269, %dma_wait3A_270] : memref<10240x128xf32, #tpu.memory_space<vmem_shared>> -> memref<10240x128xf32, #tpu.memory_space<vmem_shared>>
      tpu.wait_indirect_dma semaphore(%arg16 : memref<!tpu.dma_semaphore, #tpu.memory_space<semaphore_mem>>) src(%arg12 : memref<64x128xf32, #tpu.memory_space<vmem>>) dst(%dma_wait3A_271 : memref<10240x128xf32, #tpu.memory_space<vmem_shared>>)
      %dma_start3A_272 = arith.constant 5 : i32
      %dma_start3A_273 = arith.constant 0 : i32
      %dma_start3A_274 = tpu.memref_slice %arg6[%dma_start3A_272, %dma_start3A_273] : memref<16x128xi32, #tpu.memory_space<vmem>> -> memref<1x64xi32, #tpu.memory_space<vmem>>
      %dma_start3A_275 = tpu.memref_squeeze %dma_start3A_274 : memref<1x64xi32, #tpu.memory_space<vmem>> -> memref<64xi32, #tpu.memory_space<vmem>>
      %dma_start3A_276 = arith.constant 0 : i32
      %dma_start3A_277 = arith.constant 0 : i32
      %dma_start3A_278 = tpu.memref_slice %arg2[%dma_start3A_276, %dma_start3A_277] : memref<20480x128xf32, #tpu.memory_space<hbm>> -> memref<20480x128xf32, #tpu.memory_space<hbm>>
      tpu.enqueue_indirect_dma source(%dma_start3A_278 : memref<20480x128xf32, #tpu.memory_space<hbm>>) target(%arg12 : memref<64x128xf32, #tpu.memory_space<vmem>>) offsets(%dma_start3A_275 : memref<64xi32, #tpu.memory_space<vmem>>) semaphore(%arg16 : memref<!tpu.dma_semaphore, #tpu.memory_space<semaphore_mem>>)
      %dma_wait3A_279 = arith.constant 0 : i32
      %dma_wait3A_280 = arith.constant 0 : i32
      %dma_wait3A_281 = tpu.memref_slice %arg6[%dma_wait3A_279, %dma_wait3A_280] : memref<16x128xi32, #tpu.memory_space<vmem>> -> memref<1x64xi32, #tpu.memory_space<vmem>>
      %dma_wait3A_282 = tpu.memref_squeeze %dma_wait3A_281 : memref<1x64xi32, #tpu.memory_space<vmem>> -> memref<64xi32, #tpu.memory_space<vmem>>
      %dma_wait3A_283 = arith.constant 0 : i32
      %dma_wait3A_284 = arith.constant 0 : i32
      %dma_wait3A_285 = tpu.memref_slice %arg2[%dma_wait3A_283, %dma_wait3A_284] : memref<20480x128xf32, #tpu.memory_space<hbm>> -> memref<20480x128xf32, #tpu.memory_space<hbm>>
      tpu.wait_indirect_dma semaphore(%arg17 : memref<!tpu.dma_semaphore, #tpu.memory_space<semaphore_mem>>) src(%dma_wait3A_285 : memref<20480x128xf32, #tpu.memory_space<hbm>>) dst(%arg13 : memref<64x128xf32, #tpu.memory_space<vmem>>)
      %dma_start3A_286 = arith.constant 3 : i32
      %dma_start3A_287 = arith.constant 64 : i32
      %dma_start3A_288 = tpu.memref_slice %arg8[%dma_start3A_286, %dma_start3A_287] : memref<16x128xi32, #tpu.memory_space<vmem>> -> memref<1x64xi32, #tpu.memory_space<vmem>>
      %dma_start3A_289 = tpu.memref_squeeze %dma_start3A_288 : memref<1x64xi32, #tpu.memory_space<vmem>> -> memref<64xi32, #tpu.memory_space<vmem>>
      %dma_start3A_290 = arith.constant 0 : i32
      %dma_start3A_291 = arith.constant 0 : i32
      %dma_start3A_292 = tpu.memref_slice %arg20[%dma_start3A_290, %dma_start3A_291] : memref<10240x128xf32, #tpu.memory_space<vmem_shared>> -> memref<10240x128xf32, #tpu.memory_space<vmem_shared>>
      tpu.enqueue_indirect_dma source(%arg13 : memref<64x128xf32, #tpu.memory_space<vmem>>) target(%dma_start3A_292 : memref<10240x128xf32, #tpu.memory_space<vmem_shared>>) offsets(%dma_start3A_289 : memref<64xi32, #tpu.memory_space<vmem>>) semaphore(%arg17 : memref<!tpu.dma_semaphore, #tpu.memory_space<semaphore_mem>>) {add = true}
      %dma_wait3A_293 = arith.constant 0 : i32
      %dma_wait3A_294 = arith.constant 0 : i32
      %dma_wait3A_295 = tpu.memref_slice %arg8[%dma_wait3A_293, %dma_wait3A_294] : memref<16x128xi32, #tpu.memory_space<vmem>> -> memref<1x64xi32, #tpu.memory_space<vmem>>
      %dma_wait3A_296 = tpu.memref_squeeze %dma_wait3A_295 : memref<1x64xi32, #tpu.memory_space<vmem>> -> memref<64xi32, #tpu.memory_space<vmem>>
      %dma_wait3A_297 = arith.constant 0 : i32
      %dma_wait3A_298 = arith.constant 0 : i32
      %dma_wait3A_299 = tpu.memref_slice %arg20[%dma_wait3A_297, %dma_wait3A_298] : memref<10240x128xf32, #tpu.memory_space<vmem_shared>> -> memref<10240x128xf32, #tpu.memory_space<vmem_shared>>
      tpu.wait_indirect_dma semaphore(%arg17 : memref<!tpu.dma_semaphore, #tpu.memory_space<semaphore_mem>>) src(%arg13 : memref<64x128xf32, #tpu.memory_space<vmem>>) dst(%dma_wait3A_299 : memref<10240x128xf32, #tpu.memory_space<vmem_shared>>)
      %dma_start3A_300 = arith.constant 5 : i32
      %dma_start3A_301 = arith.constant 64 : i32
      %dma_start3A_302 = tpu.memref_slice %arg6[%dma_start3A_300, %dma_start3A_301] : memref<16x128xi32, #tpu.memory_space<vmem>> -> memref<1x64xi32, #tpu.memory_space<vmem>>
      %dma_start3A_303 = tpu.memref_squeeze %dma_start3A_302 : memref<1x64xi32, #tpu.memory_space<vmem>> -> memref<64xi32, #tpu.memory_space<vmem>>
      %dma_start3A_304 = arith.constant 0 : i32
      %dma_start3A_305 = arith.constant 0 : i32
      %dma_start3A_306 = tpu.memref_slice %arg2[%dma_start3A_304, %dma_start3A_305] : memref<20480x128xf32, #tpu.memory_space<hbm>> -> memref<20480x128xf32, #tpu.memory_space<hbm>>
      tpu.enqueue_indirect_dma source(%dma_start3A_306 : memref<20480x128xf32, #tpu.memory_space<hbm>>) target(%arg13 : memref<64x128xf32, #tpu.memory_space<vmem>>) offsets(%dma_start3A_303 : memref<64xi32, #tpu.memory_space<vmem>>) semaphore(%arg17 : memref<!tpu.dma_semaphore, #tpu.memory_space<semaphore_mem>>)
      %dma_wait3A_307 = arith.constant 0 : i32
      %dma_wait3A_308 = arith.constant 0 : i32
      %dma_wait3A_309 = tpu.memref_slice %arg6[%dma_wait3A_307, %dma_wait3A_308] : memref<16x128xi32, #tpu.memory_space<vmem>> -> memref<1x64xi32, #tpu.memory_space<vmem>>
      %dma_wait3A_310 = tpu.memref_squeeze %dma_wait3A_309 : memref<1x64xi32, #tpu.memory_space<vmem>> -> memref<64xi32, #tpu.memory_space<vmem>>
      %dma_wait3A_311 = arith.constant 0 : i32
      %dma_wait3A_312 = arith.constant 0 : i32
      %dma_wait3A_313 = tpu.memref_slice %arg2[%dma_wait3A_311, %dma_wait3A_312] : memref<20480x128xf32, #tpu.memory_space<hbm>> -> memref<20480x128xf32, #tpu.memory_space<hbm>>
      tpu.wait_indirect_dma semaphore(%arg14 : memref<!tpu.dma_semaphore, #tpu.memory_space<semaphore_mem>>) src(%dma_wait3A_313 : memref<20480x128xf32, #tpu.memory_space<hbm>>) dst(%arg10 : memref<64x128xf32, #tpu.memory_space<vmem>>)
      %dma_start3A_314 = arith.constant 4 : i32
      %dma_start3A_315 = arith.constant 0 : i32
      %dma_start3A_316 = tpu.memref_slice %arg8[%dma_start3A_314, %dma_start3A_315] : memref<16x128xi32, #tpu.memory_space<vmem>> -> memref<1x64xi32, #tpu.memory_space<vmem>>
      %dma_start3A_317 = tpu.memref_squeeze %dma_start3A_316 : memref<1x64xi32, #tpu.memory_space<vmem>> -> memref<64xi32, #tpu.memory_space<vmem>>
      %dma_start3A_318 = arith.constant 0 : i32
      %dma_start3A_319 = arith.constant 0 : i32
      %dma_start3A_320 = tpu.memref_slice %arg20[%dma_start3A_318, %dma_start3A_319] : memref<10240x128xf32, #tpu.memory_space<vmem_shared>> -> memref<10240x128xf32, #tpu.memory_space<vmem_shared>>
      tpu.enqueue_indirect_dma source(%arg10 : memref<64x128xf32, #tpu.memory_space<vmem>>) target(%dma_start3A_320 : memref<10240x128xf32, #tpu.memory_space<vmem_shared>>) offsets(%dma_start3A_317 : memref<64xi32, #tpu.memory_space<vmem>>) semaphore(%arg14 : memref<!tpu.dma_semaphore, #tpu.memory_space<semaphore_mem>>) {add = true}
      %dma_wait3A_321 = arith.constant 0 : i32
      %dma_wait3A_322 = arith.constant 0 : i32
      %dma_wait3A_323 = tpu.memref_slice %arg8[%dma_wait3A_321, %dma_wait3A_322] : memref<16x128xi32, #tpu.memory_space<vmem>> -> memref<1x64xi32, #tpu.memory_space<vmem>>
      %dma_wait3A_324 = tpu.memref_squeeze %dma_wait3A_323 : memref<1x64xi32, #tpu.memory_space<vmem>> -> memref<64xi32, #tpu.memory_space<vmem>>
      %dma_wait3A_325 = arith.constant 0 : i32
      %dma_wait3A_326 = arith.constant 0 : i32
      %dma_wait3A_327 = tpu.memref_slice %arg20[%dma_wait3A_325, %dma_wait3A_326] : memref<10240x128xf32, #tpu.memory_space<vmem_shared>> -> memref<10240x128xf32, #tpu.memory_space<vmem_shared>>
      tpu.wait_indirect_dma semaphore(%arg14 : memref<!tpu.dma_semaphore, #tpu.memory_space<semaphore_mem>>) src(%arg10 : memref<64x128xf32, #tpu.memory_space<vmem>>) dst(%dma_wait3A_327 : memref<10240x128xf32, #tpu.memory_space<vmem_shared>>)
      %dma_start3A_328 = arith.constant 6 : i32
      %dma_start3A_329 = arith.constant 0 : i32
      %dma_start3A_330 = tpu.memref_slice %arg6[%dma_start3A_328, %dma_start3A_329] : memref<16x128xi32, #tpu.memory_space<vmem>> -> memref<1x64xi32, #tpu.memory_space<vmem>>
      %dma_start3A_331 = tpu.memref_squeeze %dma_start3A_330 : memref<1x64xi32, #tpu.memory_space<vmem>> -> memref<64xi32, #tpu.memory_space<vmem>>
      %dma_start3A_332 = arith.constant 0 : i32
      %dma_start3A_333 = arith.constant 0 : i32
      %dma_start3A_334 = tpu.memref_slice %arg2[%dma_start3A_332, %dma_start3A_333] : memref<20480x128xf32, #tpu.memory_space<hbm>> -> memref<20480x128xf32, #tpu.memory_space<hbm>>
      tpu.enqueue_indirect_dma source(%dma_start3A_334 : memref<20480x128xf32, #tpu.memory_space<hbm>>) target(%arg10 : memref<64x128xf32, #tpu.memory_space<vmem>>) offsets(%dma_start3A_331 : memref<64xi32, #tpu.memory_space<vmem>>) semaphore(%arg14 : memref<!tpu.dma_semaphore, #tpu.memory_space<semaphore_mem>>)
      %dma_wait3A_335 = arith.constant 0 : i32
      %dma_wait3A_336 = arith.constant 0 : i32
      %dma_wait3A_337 = tpu.memref_slice %arg6[%dma_wait3A_335, %dma_wait3A_336] : memref<16x128xi32, #tpu.memory_space<vmem>> -> memref<1x64xi32, #tpu.memory_space<vmem>>
      %dma_wait3A_338 = tpu.memref_squeeze %dma_wait3A_337 : memref<1x64xi32, #tpu.memory_space<vmem>> -> memref<64xi32, #tpu.memory_space<vmem>>
      %dma_wait3A_339 = arith.constant 0 : i32
      %dma_wait3A_340 = arith.constant 0 : i32
      %dma_wait3A_341 = tpu.memref_slice %arg2[%dma_wait3A_339, %dma_wait3A_340] : memref<20480x128xf32, #tpu.memory_space<hbm>> -> memref<20480x128xf32, #tpu.memory_space<hbm>>
      tpu.wait_indirect_dma semaphore(%arg15 : memref<!tpu.dma_semaphore, #tpu.memory_space<semaphore_mem>>) src(%dma_wait3A_341 : memref<20480x128xf32, #tpu.memory_space<hbm>>) dst(%arg11 : memref<64x128xf32, #tpu.memory_space<vmem>>)
      %dma_start3A_342 = arith.constant 4 : i32
      %dma_start3A_343 = arith.constant 64 : i32
      %dma_start3A_344 = tpu.memref_slice %arg8[%dma_start3A_342, %dma_start3A_343] : memref<16x128xi32, #tpu.memory_space<vmem>> -> memref<1x64xi32, #tpu.memory_space<vmem>>
      %dma_start3A_345 = tpu.memref_squeeze %dma_start3A_344 : memref<1x64xi32, #tpu.memory_space<vmem>> -> memref<64xi32, #tpu.memory_space<vmem>>
      %dma_start3A_346 = arith.constant 0 : i32
      %dma_start3A_347 = arith.constant 0 : i32
      %dma_start3A_348 = tpu.memref_slice %arg20[%dma_start3A_346, %dma_start3A_347] : memref<10240x128xf32, #tpu.memory_space<vmem_shared>> -> memref<10240x128xf32, #tpu.memory_space<vmem_shared>>
      tpu.enqueue_indirect_dma source(%arg11 : memref<64x128xf32, #tpu.memory_space<vmem>>) target(%dma_start3A_348 : memref<10240x128xf32, #tpu.memory_space<vmem_shared>>) offsets(%dma_start3A_345 : memref<64xi32, #tpu.memory_space<vmem>>) semaphore(%arg15 : memref<!tpu.dma_semaphore, #tpu.memory_space<semaphore_mem>>) {add = true}
      %dma_wait3A_349 = arith.constant 0 : i32
      %dma_wait3A_350 = arith.constant 0 : i32
      %dma_wait3A_351 = tpu.memref_slice %arg8[%dma_wait3A_349, %dma_wait3A_350] : memref<16x128xi32, #tpu.memory_space<vmem>> -> memref<1x64xi32, #tpu.memory_space<vmem>>
      %dma_wait3A_352 = tpu.memref_squeeze %dma_wait3A_351 : memref<1x64xi32, #tpu.memory_space<vmem>> -> memref<64xi32, #tpu.memory_space<vmem>>
      %dma_wait3A_353 = arith.constant 0 : i32
      %dma_wait3A_354 = arith.constant 0 : i32
      %dma_wait3A_355 = tpu.memref_slice %arg20[%dma_wait3A_353, %dma_wait3A_354] : memref<10240x128xf32, #tpu.memory_space<vmem_shared>> -> memref<10240x128xf32, #tpu.memory_space<vmem_shared>>
      tpu.wait_indirect_dma semaphore(%arg15 : memref<!tpu.dma_semaphore, #tpu.memory_space<semaphore_mem>>) src(%arg11 : memref<64x128xf32, #tpu.memory_space<vmem>>) dst(%dma_wait3A_355 : memref<10240x128xf32, #tpu.memory_space<vmem_shared>>)
      %dma_start3A_356 = arith.constant 6 : i32
      %dma_start3A_357 = arith.constant 64 : i32
      %dma_start3A_358 = tpu.memref_slice %arg6[%dma_start3A_356, %dma_start3A_357] : memref<16x128xi32, #tpu.memory_space<vmem>> -> memref<1x64xi32, #tpu.memory_space<vmem>>
      %dma_start3A_359 = tpu.memref_squeeze %dma_start3A_358 : memref<1x64xi32, #tpu.memory_space<vmem>> -> memref<64xi32, #tpu.memory_space<vmem>>
      %dma_start3A_360 = arith.constant 0 : i32
      %dma_start3A_361 = arith.constant 0 : i32
      %dma_start3A_362 = tpu.memref_slice %arg2[%dma_start3A_360, %dma_start3A_361] : memref<20480x128xf32, #tpu.memory_space<hbm>> -> memref<20480x128xf32, #tpu.memory_space<hbm>>
      tpu.enqueue_indirect_dma source(%dma_start3A_362 : memref<20480x128xf32, #tpu.memory_space<hbm>>) target(%arg11 : memref<64x128xf32, #tpu.memory_space<vmem>>) offsets(%dma_start3A_359 : memref<64xi32, #tpu.memory_space<vmem>>) semaphore(%arg15 : memref<!tpu.dma_semaphore, #tpu.memory_space<semaphore_mem>>)
      %dma_wait3A_363 = arith.constant 0 : i32
      %dma_wait3A_364 = arith.constant 0 : i32
      %dma_wait3A_365 = tpu.memref_slice %arg6[%dma_wait3A_363, %dma_wait3A_364] : memref<16x128xi32, #tpu.memory_space<vmem>> -> memref<1x64xi32, #tpu.memory_space<vmem>>
      %dma_wait3A_366 = tpu.memref_squeeze %dma_wait3A_365 : memref<1x64xi32, #tpu.memory_space<vmem>> -> memref<64xi32, #tpu.memory_space<vmem>>
      %dma_wait3A_367 = arith.constant 0 : i32
      %dma_wait3A_368 = arith.constant 0 : i32
      %dma_wait3A_369 = tpu.memref_slice %arg2[%dma_wait3A_367, %dma_wait3A_368] : memref<20480x128xf32, #tpu.memory_space<hbm>> -> memref<20480x128xf32, #tpu.memory_space<hbm>>
      tpu.wait_indirect_dma semaphore(%arg16 : memref<!tpu.dma_semaphore, #tpu.memory_space<semaphore_mem>>) src(%dma_wait3A_369 : memref<20480x128xf32, #tpu.memory_space<hbm>>) dst(%arg12 : memref<64x128xf32, #tpu.memory_space<vmem>>)
      %dma_start3A_370 = arith.constant 5 : i32
      %dma_start3A_371 = arith.constant 0 : i32
      %dma_start3A_372 = tpu.memref_slice %arg8[%dma_start3A_370, %dma_start3A_371] : memref<16x128xi32, #tpu.memory_space<vmem>> -> memref<1x64xi32, #tpu.memory_space<vmem>>
      %dma_start3A_373 = tpu.memref_squeeze %dma_start3A_372 : memref<1x64xi32, #tpu.memory_space<vmem>> -> memref<64xi32, #tpu.memory_space<vmem>>
      %dma_start3A_374 = arith.constant 0 : i32
      %dma_start3A_375 = arith.constant 0 : i32
      %dma_start3A_376 = tpu.memref_slice %arg20[%dma_start3A_374, %dma_start3A_375] : memref<10240x128xf32, #tpu.memory_space<vmem_shared>> -> memref<10240x128xf32, #tpu.memory_space<vmem_shared>>
      tpu.enqueue_indirect_dma source(%arg12 : memref<64x128xf32, #tpu.memory_space<vmem>>) target(%dma_start3A_376 : memref<10240x128xf32, #tpu.memory_space<vmem_shared>>) offsets(%dma_start3A_373 : memref<64xi32, #tpu.memory_space<vmem>>) semaphore(%arg16 : memref<!tpu.dma_semaphore, #tpu.memory_space<semaphore_mem>>) {add = true}
      %dma_wait3A_377 = arith.constant 0 : i32
      %dma_wait3A_378 = arith.constant 0 : i32
      %dma_wait3A_379 = tpu.memref_slice %arg8[%dma_wait3A_377, %dma_wait3A_378] : memref<16x128xi32, #tpu.memory_space<vmem>> -> memref<1x64xi32, #tpu.memory_space<vmem>>
      %dma_wait3A_380 = tpu.memref_squeeze %dma_wait3A_379 : memref<1x64xi32, #tpu.memory_space<vmem>> -> memref<64xi32, #tpu.memory_space<vmem>>
      %dma_wait3A_381 = arith.constant 0 : i32
      %dma_wait3A_382 = arith.constant 0 : i32
      %dma_wait3A_383 = tpu.memref_slice %arg20[%dma_wait3A_381, %dma_wait3A_382] : memref<10240x128xf32, #tpu.memory_space<vmem_shared>> -> memref<10240x128xf32, #tpu.memory_space<vmem_shared>>
      tpu.wait_indirect_dma semaphore(%arg16 : memref<!tpu.dma_semaphore, #tpu.memory_space<semaphore_mem>>) src(%arg12 : memref<64x128xf32, #tpu.memory_space<vmem>>) dst(%dma_wait3A_383 : memref<10240x128xf32, #tpu.memory_space<vmem_shared>>)
      %dma_start3A_384 = arith.constant 7 : i32
      %dma_start3A_385 = arith.constant 0 : i32
      %dma_start3A_386 = tpu.memref_slice %arg6[%dma_start3A_384, %dma_start3A_385] : memref<16x128xi32, #tpu.memory_space<vmem>> -> memref<1x64xi32, #tpu.memory_space<vmem>>
      %dma_start3A_387 = tpu.memref_squeeze %dma_start3A_386 : memref<1x64xi32, #tpu.memory_space<vmem>> -> memref<64xi32, #tpu.memory_space<vmem>>
      %dma_start3A_388 = arith.constant 0 : i32
      %dma_start3A_389 = arith.constant 0 : i32
      %dma_start3A_390 = tpu.memref_slice %arg2[%dma_start3A_388, %dma_start3A_389] : memref<20480x128xf32, #tpu.memory_space<hbm>> -> memref<20480x128xf32, #tpu.memory_space<hbm>>
      tpu.enqueue_indirect_dma source(%dma_start3A_390 : memref<20480x128xf32, #tpu.memory_space<hbm>>) target(%arg12 : memref<64x128xf32, #tpu.memory_space<vmem>>) offsets(%dma_start3A_387 : memref<64xi32, #tpu.memory_space<vmem>>) semaphore(%arg16 : memref<!tpu.dma_semaphore, #tpu.memory_space<semaphore_mem>>)
      %dma_wait3A_391 = arith.constant 0 : i32
      %dma_wait3A_392 = arith.constant 0 : i32
      %dma_wait3A_393 = tpu.memref_slice %arg6[%dma_wait3A_391, %dma_wait3A_392] : memref<16x128xi32, #tpu.memory_space<vmem>> -> memref<1x64xi32, #tpu.memory_space<vmem>>
      %dma_wait3A_394 = tpu.memref_squeeze %dma_wait3A_393 : memref<1x64xi32, #tpu.memory_space<vmem>> -> memref<64xi32, #tpu.memory_space<vmem>>
      %dma_wait3A_395 = arith.constant 0 : i32
      %dma_wait3A_396 = arith.constant 0 : i32
      %dma_wait3A_397 = tpu.memref_slice %arg2[%dma_wait3A_395, %dma_wait3A_396] : memref<20480x128xf32, #tpu.memory_space<hbm>> -> memref<20480x128xf32, #tpu.memory_space<hbm>>
      tpu.wait_indirect_dma semaphore(%arg17 : memref<!tpu.dma_semaphore, #tpu.memory_space<semaphore_mem>>) src(%dma_wait3A_397 : memref<20480x128xf32, #tpu.memory_space<hbm>>) dst(%arg13 : memref<64x128xf32, #tpu.memory_space<vmem>>)
      %dma_start3A_398 = arith.constant 5 : i32
      %dma_start3A_399 = arith.constant 64 : i32
      %dma_start3A_400 = tpu.memref_slice %arg8[%dma_start3A_398, %dma_start3A_399] : memref<16x128xi32, #tpu.memory_space<vmem>> -> memref<1x64xi32, #tpu.memory_space<vmem>>
      %dma_start3A_401 = tpu.memref_squeeze %dma_start3A_400 : memref<1x64xi32, #tpu.memory_space<vmem>> -> memref<64xi32, #tpu.memory_space<vmem>>
      %dma_start3A_402 = arith.constant 0 : i32
      %dma_start3A_403 = arith.constant 0 : i32
      %dma_start3A_404 = tpu.memref_slice %arg20[%dma_start3A_402, %dma_start3A_403] : memref<10240x128xf32, #tpu.memory_space<vmem_shared>> -> memref<10240x128xf32, #tpu.memory_space<vmem_shared>>
      tpu.enqueue_indirect_dma source(%arg13 : memref<64x128xf32, #tpu.memory_space<vmem>>) target(%dma_start3A_404 : memref<10240x128xf32, #tpu.memory_space<vmem_shared>>) offsets(%dma_start3A_401 : memref<64xi32, #tpu.memory_space<vmem>>) semaphore(%arg17 : memref<!tpu.dma_semaphore, #tpu.memory_space<semaphore_mem>>) {add = true}
      %dma_wait3A_405 = arith.constant 0 : i32
      %dma_wait3A_406 = arith.constant 0 : i32
      %dma_wait3A_407 = tpu.memref_slice %arg8[%dma_wait3A_405, %dma_wait3A_406] : memref<16x128xi32, #tpu.memory_space<vmem>> -> memref<1x64xi32, #tpu.memory_space<vmem>>
      %dma_wait3A_408 = tpu.memref_squeeze %dma_wait3A_407 : memref<1x64xi32, #tpu.memory_space<vmem>> -> memref<64xi32, #tpu.memory_space<vmem>>
      %dma_wait3A_409 = arith.constant 0 : i32
      %dma_wait3A_410 = arith.constant 0 : i32
      %dma_wait3A_411 = tpu.memref_slice %arg20[%dma_wait3A_409, %dma_wait3A_410] : memref<10240x128xf32, #tpu.memory_space<vmem_shared>> -> memref<10240x128xf32, #tpu.memory_space<vmem_shared>>
      tpu.wait_indirect_dma semaphore(%arg17 : memref<!tpu.dma_semaphore, #tpu.memory_space<semaphore_mem>>) src(%arg13 : memref<64x128xf32, #tpu.memory_space<vmem>>) dst(%dma_wait3A_411 : memref<10240x128xf32, #tpu.memory_space<vmem_shared>>)
      %dma_start3A_412 = arith.constant 7 : i32
      %dma_start3A_413 = arith.constant 64 : i32
      %dma_start3A_414 = tpu.memref_slice %arg6[%dma_start3A_412, %dma_start3A_413] : memref<16x128xi32, #tpu.memory_space<vmem>> -> memref<1x64xi32, #tpu.memory_space<vmem>>
      %dma_start3A_415 = tpu.memref_squeeze %dma_start3A_414 : memref<1x64xi32, #tpu.memory_space<vmem>> -> memref<64xi32, #tpu.memory_space<vmem>>
      %dma_start3A_416 = arith.constant 0 : i32
      %dma_start3A_417 = arith.constant 0 : i32
      %dma_start3A_418 = tpu.memref_slice %arg2[%dma_start3A_416, %dma_start3A_417] : memref<20480x128xf32, #tpu.memory_space<hbm>> -> memref<20480x128xf32, #tpu.memory_space<hbm>>
      tpu.enqueue_indirect_dma source(%dma_start3A_418 : memref<20480x128xf32, #tpu.memory_space<hbm>>) target(%arg13 : memref<64x128xf32, #tpu.memory_space<vmem>>) offsets(%dma_start3A_415 : memref<64xi32, #tpu.memory_space<vmem>>) semaphore(%arg17 : memref<!tpu.dma_semaphore, #tpu.memory_space<semaphore_mem>>)
      %dma_wait3A_419 = arith.constant 0 : i32
      %dma_wait3A_420 = arith.constant 0 : i32
      %dma_wait3A_421 = tpu.memref_slice %arg6[%dma_wait3A_419, %dma_wait3A_420] : memref<16x128xi32, #tpu.memory_space<vmem>> -> memref<1x64xi32, #tpu.memory_space<vmem>>
      %dma_wait3A_422 = tpu.memref_squeeze %dma_wait3A_421 : memref<1x64xi32, #tpu.memory_space<vmem>> -> memref<64xi32, #tpu.memory_space<vmem>>
      %dma_wait3A_423 = arith.constant 0 : i32
      %dma_wait3A_424 = arith.constant 0 : i32
      %dma_wait3A_425 = tpu.memref_slice %arg2[%dma_wait3A_423, %dma_wait3A_424] : memref<20480x128xf32, #tpu.memory_space<hbm>> -> memref<20480x128xf32, #tpu.memory_space<hbm>>
      tpu.wait_indirect_dma semaphore(%arg14 : memref<!tpu.dma_semaphore, #tpu.memory_space<semaphore_mem>>) src(%dma_wait3A_425 : memref<20480x128xf32, #tpu.memory_space<hbm>>) dst(%arg10 : memref<64x128xf32, #tpu.memory_space<vmem>>)
      %dma_start3A_426 = arith.constant 6 : i32
      %dma_start3A_427 = arith.constant 0 : i32
      %dma_start3A_428 = tpu.memref_slice %arg8[%dma_start3A_426, %dma_start3A_427] : memref<16x128xi32, #tpu.memory_space<vmem>> -> memref<1x64xi32, #tpu.memory_space<vmem>>
      %dma_start3A_429 = tpu.memref_squeeze %dma_start3A_428 : memref<1x64xi32, #tpu.memory_space<vmem>> -> memref<64xi32, #tpu.memory_space<vmem>>
      %dma_start3A_430 = arith.constant 0 : i32
      %dma_start3A_431 = arith.constant 0 : i32
      %dma_start3A_432 = tpu.memref_slice %arg20[%dma_start3A_430, %dma_start3A_431] : memref<10240x128xf32, #tpu.memory_space<vmem_shared>> -> memref<10240x128xf32, #tpu.memory_space<vmem_shared>>
      tpu.enqueue_indirect_dma source(%arg10 : memref<64x128xf32, #tpu.memory_space<vmem>>) target(%dma_start3A_432 : memref<10240x128xf32, #tpu.memory_space<vmem_shared>>) offsets(%dma_start3A_429 : memref<64xi32, #tpu.memory_space<vmem>>) semaphore(%arg14 : memref<!tpu.dma_semaphore, #tpu.memory_space<semaphore_mem>>) {add = true}
      %dma_wait3A_433 = arith.constant 0 : i32
      %dma_wait3A_434 = arith.constant 0 : i32
      %dma_wait3A_435 = tpu.memref_slice %arg8[%dma_wait3A_433, %dma_wait3A_434] : memref<16x128xi32, #tpu.memory_space<vmem>> -> memref<1x64xi32, #tpu.memory_space<vmem>>
      %dma_wait3A_436 = tpu.memref_squeeze %dma_wait3A_435 : memref<1x64xi32, #tpu.memory_space<vmem>> -> memref<64xi32, #tpu.memory_space<vmem>>
      %dma_wait3A_437 = arith.constant 0 : i32
      %dma_wait3A_438 = arith.constant 0 : i32
      %dma_wait3A_439 = tpu.memref_slice %arg20[%dma_wait3A_437, %dma_wait3A_438] : memref<10240x128xf32, #tpu.memory_space<vmem_shared>> -> memref<10240x128xf32, #tpu.memory_space<vmem_shared>>
      tpu.wait_indirect_dma semaphore(%arg14 : memref<!tpu.dma_semaphore, #tpu.memory_space<semaphore_mem>>) src(%arg10 : memref<64x128xf32, #tpu.memory_space<vmem>>) dst(%dma_wait3A_439 : memref<10240x128xf32, #tpu.memory_space<vmem_shared>>)
      %dma_start3A_440 = arith.constant 8 : i32
      %dma_start3A_441 = arith.constant 0 : i32
      %dma_start3A_442 = tpu.memref_slice %arg6[%dma_start3A_440, %dma_start3A_441] : memref<16x128xi32, #tpu.memory_space<vmem>> -> memref<1x64xi32, #tpu.memory_space<vmem>>
      %dma_start3A_443 = tpu.memref_squeeze %dma_start3A_442 : memref<1x64xi32, #tpu.memory_space<vmem>> -> memref<64xi32, #tpu.memory_space<vmem>>
      %dma_start3A_444 = arith.constant 0 : i32
      %dma_start3A_445 = arith.constant 0 : i32
      %dma_start3A_446 = tpu.memref_slice %arg2[%dma_start3A_444, %dma_start3A_445] : memref<20480x128xf32, #tpu.memory_space<hbm>> -> memref<20480x128xf32, #tpu.memory_space<hbm>>
      tpu.enqueue_indirect_dma source(%dma_start3A_446 : memref<20480x128xf32, #tpu.memory_space<hbm>>) target(%arg10 : memref<64x128xf32, #tpu.memory_space<vmem>>) offsets(%dma_start3A_443 : memref<64xi32, #tpu.memory_space<vmem>>) semaphore(%arg14 : memref<!tpu.dma_semaphore, #tpu.memory_space<semaphore_mem>>)
      %dma_wait3A_447 = arith.constant 0 : i32
      %dma_wait3A_448 = arith.constant 0 : i32
      %dma_wait3A_449 = tpu.memref_slice %arg6[%dma_wait3A_447, %dma_wait3A_448] : memref<16x128xi32, #tpu.memory_space<vmem>> -> memref<1x64xi32, #tpu.memory_space<vmem>>
      %dma_wait3A_450 = tpu.memref_squeeze %dma_wait3A_449 : memref<1x64xi32, #tpu.memory_space<vmem>> -> memref<64xi32, #tpu.memory_space<vmem>>
      %dma_wait3A_451 = arith.constant 0 : i32
      %dma_wait3A_452 = arith.constant 0 : i32
      %dma_wait3A_453 = tpu.memref_slice %arg2[%dma_wait3A_451, %dma_wait3A_452] : memref<20480x128xf32, #tpu.memory_space<hbm>> -> memref<20480x128xf32, #tpu.memory_space<hbm>>
      tpu.wait_indirect_dma semaphore(%arg15 : memref<!tpu.dma_semaphore, #tpu.memory_space<semaphore_mem>>) src(%dma_wait3A_453 : memref<20480x128xf32, #tpu.memory_space<hbm>>) dst(%arg11 : memref<64x128xf32, #tpu.memory_space<vmem>>)
      %dma_start3A_454 = arith.constant 6 : i32
      %dma_start3A_455 = arith.constant 64 : i32
      %dma_start3A_456 = tpu.memref_slice %arg8[%dma_start3A_454, %dma_start3A_455] : memref<16x128xi32, #tpu.memory_space<vmem>> -> memref<1x64xi32, #tpu.memory_space<vmem>>
      %dma_start3A_457 = tpu.memref_squeeze %dma_start3A_456 : memref<1x64xi32, #tpu.memory_space<vmem>> -> memref<64xi32, #tpu.memory_space<vmem>>
      %dma_start3A_458 = arith.constant 0 : i32
      %dma_start3A_459 = arith.constant 0 : i32
      %dma_start3A_460 = tpu.memref_slice %arg20[%dma_start3A_458, %dma_start3A_459] : memref<10240x128xf32, #tpu.memory_space<vmem_shared>> -> memref<10240x128xf32, #tpu.memory_space<vmem_shared>>
      tpu.enqueue_indirect_dma source(%arg11 : memref<64x128xf32, #tpu.memory_space<vmem>>) target(%dma_start3A_460 : memref<10240x128xf32, #tpu.memory_space<vmem_shared>>) offsets(%dma_start3A_457 : memref<64xi32, #tpu.memory_space<vmem>>) semaphore(%arg15 : memref<!tpu.dma_semaphore, #tpu.memory_space<semaphore_mem>>) {add = true}
      %dma_wait3A_461 = arith.constant 0 : i32
      %dma_wait3A_462 = arith.constant 0 : i32
      %dma_wait3A_463 = tpu.memref_slice %arg8[%dma_wait3A_461, %dma_wait3A_462] : memref<16x128xi32, #tpu.memory_space<vmem>> -> memref<1x64xi32, #tpu.memory_space<vmem>>
      %dma_wait3A_464 = tpu.memref_squeeze %dma_wait3A_463 : memref<1x64xi32, #tpu.memory_space<vmem>> -> memref<64xi32, #tpu.memory_space<vmem>>
      %dma_wait3A_465 = arith.constant 0 : i32
      %dma_wait3A_466 = arith.constant 0 : i32
      %dma_wait3A_467 = tpu.memref_slice %arg20[%dma_wait3A_465, %dma_wait3A_466] : memref<10240x128xf32, #tpu.memory_space<vmem_shared>> -> memref<10240x128xf32, #tpu.memory_space<vmem_shared>>
      tpu.wait_indirect_dma semaphore(%arg15 : memref<!tpu.dma_semaphore, #tpu.memory_space<semaphore_mem>>) src(%arg11 : memref<64x128xf32, #tpu.memory_space<vmem>>) dst(%dma_wait3A_467 : memref<10240x128xf32, #tpu.memory_space<vmem_shared>>)
      %dma_start3A_468 = arith.constant 8 : i32
      %dma_start3A_469 = arith.constant 64 : i32
      %dma_start3A_470 = tpu.memref_slice %arg6[%dma_start3A_468, %dma_start3A_469] : memref<16x128xi32, #tpu.memory_space<vmem>> -> memref<1x64xi32, #tpu.memory_space<vmem>>
      %dma_start3A_471 = tpu.memref_squeeze %dma_start3A_470 : memref<1x64xi32, #tpu.memory_space<vmem>> -> memref<64xi32, #tpu.memory_space<vmem>>
      %dma_start3A_472 = arith.constant 0 : i32
      %dma_start3A_473 = arith.constant 0 : i32
      %dma_start3A_474 = tpu.memref_slice %arg2[%dma_start3A_472, %dma_start3A_473] : memref<20480x128xf32, #tpu.memory_space<hbm>> -> memref<20480x128xf32, #tpu.memory_space<hbm>>
      tpu.enqueue_indirect_dma source(%dma_start3A_474 : memref<20480x128xf32, #tpu.memory_space<hbm>>) target(%arg11 : memref<64x128xf32, #tpu.memory_space<vmem>>) offsets(%dma_start3A_471 : memref<64xi32, #tpu.memory_space<vmem>>) semaphore(%arg15 : memref<!tpu.dma_semaphore, #tpu.memory_space<semaphore_mem>>)
      %dma_wait3A_475 = arith.constant 0 : i32
      %dma_wait3A_476 = arith.constant 0 : i32
      %dma_wait3A_477 = tpu.memref_slice %arg6[%dma_wait3A_475, %dma_wait3A_476] : memref<16x128xi32, #tpu.memory_space<vmem>> -> memref<1x64xi32, #tpu.memory_space<vmem>>
      %dma_wait3A_478 = tpu.memref_squeeze %dma_wait3A_477 : memref<1x64xi32, #tpu.memory_space<vmem>> -> memref<64xi32, #tpu.memory_space<vmem>>
      %dma_wait3A_479 = arith.constant 0 : i32
      %dma_wait3A_480 = arith.constant 0 : i32
      %dma_wait3A_481 = tpu.memref_slice %arg2[%dma_wait3A_479, %dma_wait3A_480] : memref<20480x128xf32, #tpu.memory_space<hbm>> -> memref<20480x128xf32, #tpu.memory_space<hbm>>
      tpu.wait_indirect_dma semaphore(%arg16 : memref<!tpu.dma_semaphore, #tpu.memory_space<semaphore_mem>>) src(%dma_wait3A_481 : memref<20480x128xf32, #tpu.memory_space<hbm>>) dst(%arg12 : memref<64x128xf32, #tpu.memory_space<vmem>>)
      %dma_start3A_482 = arith.constant 7 : i32
      %dma_start3A_483 = arith.constant 0 : i32
      %dma_start3A_484 = tpu.memref_slice %arg8[%dma_start3A_482, %dma_start3A_483] : memref<16x128xi32, #tpu.memory_space<vmem>> -> memref<1x64xi32, #tpu.memory_space<vmem>>
      %dma_start3A_485 = tpu.memref_squeeze %dma_start3A_484 : memref<1x64xi32, #tpu.memory_space<vmem>> -> memref<64xi32, #tpu.memory_space<vmem>>
      %dma_start3A_486 = arith.constant 0 : i32
      %dma_start3A_487 = arith.constant 0 : i32
      %dma_start3A_488 = tpu.memref_slice %arg20[%dma_start3A_486, %dma_start3A_487] : memref<10240x128xf32, #tpu.memory_space<vmem_shared>> -> memref<10240x128xf32, #tpu.memory_space<vmem_shared>>
      tpu.enqueue_indirect_dma source(%arg12 : memref<64x128xf32, #tpu.memory_space<vmem>>) target(%dma_start3A_488 : memref<10240x128xf32, #tpu.memory_space<vmem_shared>>) offsets(%dma_start3A_485 : memref<64xi32, #tpu.memory_space<vmem>>) semaphore(%arg16 : memref<!tpu.dma_semaphore, #tpu.memory_space<semaphore_mem>>) {add = true}
      %dma_wait3A_489 = arith.constant 0 : i32
      %dma_wait3A_490 = arith.constant 0 : i32
      %dma_wait3A_491 = tpu.memref_slice %arg8[%dma_wait3A_489, %dma_wait3A_490] : memref<16x128xi32, #tpu.memory_space<vmem>> -> memref<1x64xi32, #tpu.memory_space<vmem>>
      %dma_wait3A_492 = tpu.memref_squeeze %dma_wait3A_491 : memref<1x64xi32, #tpu.memory_space<vmem>> -> memref<64xi32, #tpu.memory_space<vmem>>
      %dma_wait3A_493 = arith.constant 0 : i32
      %dma_wait3A_494 = arith.constant 0 : i32
      %dma_wait3A_495 = tpu.memref_slice %arg20[%dma_wait3A_493, %dma_wait3A_494] : memref<10240x128xf32, #tpu.memory_space<vmem_shared>> -> memref<10240x128xf32, #tpu.memory_space<vmem_shared>>
      tpu.wait_indirect_dma semaphore(%arg16 : memref<!tpu.dma_semaphore, #tpu.memory_space<semaphore_mem>>) src(%arg12 : memref<64x128xf32, #tpu.memory_space<vmem>>) dst(%dma_wait3A_495 : memref<10240x128xf32, #tpu.memory_space<vmem_shared>>)
      %dma_start3A_496 = arith.constant 9 : i32
      %dma_start3A_497 = arith.constant 0 : i32
      %dma_start3A_498 = tpu.memref_slice %arg6[%dma_start3A_496, %dma_start3A_497] : memref<16x128xi32, #tpu.memory_space<vmem>> -> memref<1x64xi32, #tpu.memory_space<vmem>>
      %dma_start3A_499 = tpu.memref_squeeze %dma_start3A_498 : memref<1x64xi32, #tpu.memory_space<vmem>> -> memref<64xi32, #tpu.memory_space<vmem>>
      %dma_start3A_500 = arith.constant 0 : i32
      %dma_start3A_501 = arith.constant 0 : i32
      %dma_start3A_502 = tpu.memref_slice %arg2[%dma_start3A_500, %dma_start3A_501] : memref<20480x128xf32, #tpu.memory_space<hbm>> -> memref<20480x128xf32, #tpu.memory_space<hbm>>
      tpu.enqueue_indirect_dma source(%dma_start3A_502 : memref<20480x128xf32, #tpu.memory_space<hbm>>) target(%arg12 : memref<64x128xf32, #tpu.memory_space<vmem>>) offsets(%dma_start3A_499 : memref<64xi32, #tpu.memory_space<vmem>>) semaphore(%arg16 : memref<!tpu.dma_semaphore, #tpu.memory_space<semaphore_mem>>)
      %dma_wait3A_503 = arith.constant 0 : i32
      %dma_wait3A_504 = arith.constant 0 : i32
      %dma_wait3A_505 = tpu.memref_slice %arg6[%dma_wait3A_503, %dma_wait3A_504] : memref<16x128xi32, #tpu.memory_space<vmem>> -> memref<1x64xi32, #tpu.memory_space<vmem>>
      %dma_wait3A_506 = tpu.memref_squeeze %dma_wait3A_505 : memref<1x64xi32, #tpu.memory_space<vmem>> -> memref<64xi32, #tpu.memory_space<vmem>>
      %dma_wait3A_507 = arith.constant 0 : i32
      %dma_wait3A_508 = arith.constant 0 : i32
      %dma_wait3A_509 = tpu.memref_slice %arg2[%dma_wait3A_507, %dma_wait3A_508] : memref<20480x128xf32, #tpu.memory_space<hbm>> -> memref<20480x128xf32, #tpu.memory_space<hbm>>
      tpu.wait_indirect_dma semaphore(%arg17 : memref<!tpu.dma_semaphore, #tpu.memory_space<semaphore_mem>>) src(%dma_wait3A_509 : memref<20480x128xf32, #tpu.memory_space<hbm>>) dst(%arg13 : memref<64x128xf32, #tpu.memory_space<vmem>>)
      %dma_start3A_510 = arith.constant 7 : i32
      %dma_start3A_511 = arith.constant 64 : i32
      %dma_start3A_512 = tpu.memref_slice %arg8[%dma_start3A_510, %dma_start3A_511] : memref<16x128xi32, #tpu.memory_space<vmem>> -> memref<1x64xi32, #tpu.memory_space<vmem>>
      %dma_start3A_513 = tpu.memref_squeeze %dma_start3A_512 : memref<1x64xi32, #tpu.memory_space<vmem>> -> memref<64xi32, #tpu.memory_space<vmem>>
      %dma_start3A_514 = arith.constant 0 : i32
      %dma_start3A_515 = arith.constant 0 : i32
      %dma_start3A_516 = tpu.memref_slice %arg20[%dma_start3A_514, %dma_start3A_515] : memref<10240x128xf32, #tpu.memory_space<vmem_shared>> -> memref<10240x128xf32, #tpu.memory_space<vmem_shared>>
      tpu.enqueue_indirect_dma source(%arg13 : memref<64x128xf32, #tpu.memory_space<vmem>>) target(%dma_start3A_516 : memref<10240x128xf32, #tpu.memory_space<vmem_shared>>) offsets(%dma_start3A_513 : memref<64xi32, #tpu.memory_space<vmem>>) semaphore(%arg17 : memref<!tpu.dma_semaphore, #tpu.memory_space<semaphore_mem>>) {add = true}
      %dma_wait3A_517 = arith.constant 0 : i32
      %dma_wait3A_518 = arith.constant 0 : i32
      %dma_wait3A_519 = tpu.memref_slice %arg8[%dma_wait3A_517, %dma_wait3A_518] : memref<16x128xi32, #tpu.memory_space<vmem>> -> memref<1x64xi32, #tpu.memory_space<vmem>>
      %dma_wait3A_520 = tpu.memref_squeeze %dma_wait3A_519 : memref<1x64xi32, #tpu.memory_space<vmem>> -> memref<64xi32, #tpu.memory_space<vmem>>
      %dma_wait3A_521 = arith.constant 0 : i32
      %dma_wait3A_522 = arith.constant 0 : i32
      %dma_wait3A_523 = tpu.memref_slice %arg20[%dma_wait3A_521, %dma_wait3A_522] : memref<10240x128xf32, #tpu.memory_space<vmem_shared>> -> memref<10240x128xf32, #tpu.memory_space<vmem_shared>>
      tpu.wait_indirect_dma semaphore(%arg17 : memref<!tpu.dma_semaphore, #tpu.memory_space<semaphore_mem>>) src(%arg13 : memref<64x128xf32, #tpu.memory_space<vmem>>) dst(%dma_wait3A_523 : memref<10240x128xf32, #tpu.memory_space<vmem_shared>>)
      %dma_start3A_524 = arith.constant 9 : i32
      %dma_start3A_525 = arith.constant 64 : i32
      %dma_start3A_526 = tpu.memref_slice %arg6[%dma_start3A_524, %dma_start3A_525] : memref<16x128xi32, #tpu.memory_space<vmem>> -> memref<1x64xi32, #tpu.memory_space<vmem>>
      %dma_start3A_527 = tpu.memref_squeeze %dma_start3A_526 : memref<1x64xi32, #tpu.memory_space<vmem>> -> memref<64xi32, #tpu.memory_space<vmem>>
      %dma_start3A_528 = arith.constant 0 : i32
      %dma_start3A_529 = arith.constant 0 : i32
      %dma_start3A_530 = tpu.memref_slice %arg2[%dma_start3A_528, %dma_start3A_529] : memref<20480x128xf32, #tpu.memory_space<hbm>> -> memref<20480x128xf32, #tpu.memory_space<hbm>>
      tpu.enqueue_indirect_dma source(%dma_start3A_530 : memref<20480x128xf32, #tpu.memory_space<hbm>>) target(%arg13 : memref<64x128xf32, #tpu.memory_space<vmem>>) offsets(%dma_start3A_527 : memref<64xi32, #tpu.memory_space<vmem>>) semaphore(%arg17 : memref<!tpu.dma_semaphore, #tpu.memory_space<semaphore_mem>>)
      %dma_wait3A_531 = arith.constant 0 : i32
      %dma_wait3A_532 = arith.constant 0 : i32
      %dma_wait3A_533 = tpu.memref_slice %arg6[%dma_wait3A_531, %dma_wait3A_532] : memref<16x128xi32, #tpu.memory_space<vmem>> -> memref<1x64xi32, #tpu.memory_space<vmem>>
      %dma_wait3A_534 = tpu.memref_squeeze %dma_wait3A_533 : memref<1x64xi32, #tpu.memory_space<vmem>> -> memref<64xi32, #tpu.memory_space<vmem>>
      %dma_wait3A_535 = arith.constant 0 : i32
      %dma_wait3A_536 = arith.constant 0 : i32
      %dma_wait3A_537 = tpu.memref_slice %arg2[%dma_wait3A_535, %dma_wait3A_536] : memref<20480x128xf32, #tpu.memory_space<hbm>> -> memref<20480x128xf32, #tpu.memory_space<hbm>>
      tpu.wait_indirect_dma semaphore(%arg14 : memref<!tpu.dma_semaphore, #tpu.memory_space<semaphore_mem>>) src(%dma_wait3A_537 : memref<20480x128xf32, #tpu.memory_space<hbm>>) dst(%arg10 : memref<64x128xf32, #tpu.memory_space<vmem>>)
      %dma_start3A_538 = arith.constant 8 : i32
      %dma_start3A_539 = arith.constant 0 : i32
      %dma_start3A_540 = tpu.memref_slice %arg8[%dma_start3A_538, %dma_start3A_539] : memref<16x128xi32, #tpu.memory_space<vmem>> -> memref<1x64xi32, #tpu.memory_space<vmem>>
      %dma_start3A_541 = tpu.memref_squeeze %dma_start3A_540 : memref<1x64xi32, #tpu.memory_space<vmem>> -> memref<64xi32, #tpu.memory_space<vmem>>
      %dma_start3A_542 = arith.constant 0 : i32
      %dma_start3A_543 = arith.constant 0 : i32
      %dma_start3A_544 = tpu.memref_slice %arg20[%dma_start3A_542, %dma_start3A_543] : memref<10240x128xf32, #tpu.memory_space<vmem_shared>> -> memref<10240x128xf32, #tpu.memory_space<vmem_shared>>
      tpu.enqueue_indirect_dma source(%arg10 : memref<64x128xf32, #tpu.memory_space<vmem>>) target(%dma_start3A_544 : memref<10240x128xf32, #tpu.memory_space<vmem_shared>>) offsets(%dma_start3A_541 : memref<64xi32, #tpu.memory_space<vmem>>) semaphore(%arg14 : memref<!tpu.dma_semaphore, #tpu.memory_space<semaphore_mem>>) {add = true}
      %dma_wait3A_545 = arith.constant 0 : i32
      %dma_wait3A_546 = arith.constant 0 : i32
      %dma_wait3A_547 = tpu.memref_slice %arg8[%dma_wait3A_545, %dma_wait3A_546] : memref<16x128xi32, #tpu.memory_space<vmem>> -> memref<1x64xi32, #tpu.memory_space<vmem>>
      %dma_wait3A_548 = tpu.memref_squeeze %dma_wait3A_547 : memref<1x64xi32, #tpu.memory_space<vmem>> -> memref<64xi32, #tpu.memory_space<vmem>>
      %dma_wait3A_549 = arith.constant 0 : i32
      %dma_wait3A_550 = arith.constant 0 : i32
      %dma_wait3A_551 = tpu.memref_slice %arg20[%dma_wait3A_549, %dma_wait3A_550] : memref<10240x128xf32, #tpu.memory_space<vmem_shared>> -> memref<10240x128xf32, #tpu.memory_space<vmem_shared>>
      tpu.wait_indirect_dma semaphore(%arg14 : memref<!tpu.dma_semaphore, #tpu.memory_space<semaphore_mem>>) src(%arg10 : memref<64x128xf32, #tpu.memory_space<vmem>>) dst(%dma_wait3A_551 : memref<10240x128xf32, #tpu.memory_space<vmem_shared>>)
      %dma_start3A_552 = arith.constant 10 : i32
      %dma_start3A_553 = arith.constant 0 : i32
      %dma_start3A_554 = tpu.memref_slice %arg6[%dma_start3A_552, %dma_start3A_553] : memref<16x128xi32, #tpu.memory_space<vmem>> -> memref<1x64xi32, #tpu.memory_space<vmem>>
      %dma_start3A_555 = tpu.memref_squeeze %dma_start3A_554 : memref<1x64xi32, #tpu.memory_space<vmem>> -> memref<64xi32, #tpu.memory_space<vmem>>
      %dma_start3A_556 = arith.constant 0 : i32
      %dma_start3A_557 = arith.constant 0 : i32
      %dma_start3A_558 = tpu.memref_slice %arg2[%dma_start3A_556, %dma_start3A_557] : memref<20480x128xf32, #tpu.memory_space<hbm>> -> memref<20480x128xf32, #tpu.memory_space<hbm>>
      tpu.enqueue_indirect_dma source(%dma_start3A_558 : memref<20480x128xf32, #tpu.memory_space<hbm>>) target(%arg10 : memref<64x128xf32, #tpu.memory_space<vmem>>) offsets(%dma_start3A_555 : memref<64xi32, #tpu.memory_space<vmem>>) semaphore(%arg14 : memref<!tpu.dma_semaphore, #tpu.memory_space<semaphore_mem>>)
      %dma_wait3A_559 = arith.constant 0 : i32
      %dma_wait3A_560 = arith.constant 0 : i32
      %dma_wait3A_561 = tpu.memref_slice %arg6[%dma_wait3A_559, %dma_wait3A_560] : memref<16x128xi32, #tpu.memory_space<vmem>> -> memref<1x64xi32, #tpu.memory_space<vmem>>
      %dma_wait3A_562 = tpu.memref_squeeze %dma_wait3A_561 : memref<1x64xi32, #tpu.memory_space<vmem>> -> memref<64xi32, #tpu.memory_space<vmem>>
      %dma_wait3A_563 = arith.constant 0 : i32
      %dma_wait3A_564 = arith.constant 0 : i32
      %dma_wait3A_565 = tpu.memref_slice %arg2[%dma_wait3A_563, %dma_wait3A_564] : memref<20480x128xf32, #tpu.memory_space<hbm>> -> memref<20480x128xf32, #tpu.memory_space<hbm>>
      tpu.wait_indirect_dma semaphore(%arg15 : memref<!tpu.dma_semaphore, #tpu.memory_space<semaphore_mem>>) src(%dma_wait3A_565 : memref<20480x128xf32, #tpu.memory_space<hbm>>) dst(%arg11 : memref<64x128xf32, #tpu.memory_space<vmem>>)
      %dma_start3A_566 = arith.constant 8 : i32
      %dma_start3A_567 = arith.constant 64 : i32
      %dma_start3A_568 = tpu.memref_slice %arg8[%dma_start3A_566, %dma_start3A_567] : memref<16x128xi32, #tpu.memory_space<vmem>> -> memref<1x64xi32, #tpu.memory_space<vmem>>
      %dma_start3A_569 = tpu.memref_squeeze %dma_start3A_568 : memref<1x64xi32, #tpu.memory_space<vmem>> -> memref<64xi32, #tpu.memory_space<vmem>>
      %dma_start3A_570 = arith.constant 0 : i32
      %dma_start3A_571 = arith.constant 0 : i32
      %dma_start3A_572 = tpu.memref_slice %arg20[%dma_start3A_570, %dma_start3A_571] : memref<10240x128xf32, #tpu.memory_space<vmem_shared>> -> memref<10240x128xf32, #tpu.memory_space<vmem_shared>>
      tpu.enqueue_indirect_dma source(%arg11 : memref<64x128xf32, #tpu.memory_space<vmem>>) target(%dma_start3A_572 : memref<10240x128xf32, #tpu.memory_space<vmem_shared>>) offsets(%dma_start3A_569 : memref<64xi32, #tpu.memory_space<vmem>>) semaphore(%arg15 : memref<!tpu.dma_semaphore, #tpu.memory_space<semaphore_mem>>) {add = true}
      %dma_wait3A_573 = arith.constant 0 : i32
      %dma_wait3A_574 = arith.constant 0 : i32
      %dma_wait3A_575 = tpu.memref_slice %arg8[%dma_wait3A_573, %dma_wait3A_574] : memref<16x128xi32, #tpu.memory_space<vmem>> -> memref<1x64xi32, #tpu.memory_space<vmem>>
      %dma_wait3A_576 = tpu.memref_squeeze %dma_wait3A_575 : memref<1x64xi32, #tpu.memory_space<vmem>> -> memref<64xi32, #tpu.memory_space<vmem>>
      %dma_wait3A_577 = arith.constant 0 : i32
      %dma_wait3A_578 = arith.constant 0 : i32
      %dma_wait3A_579 = tpu.memref_slice %arg20[%dma_wait3A_577, %dma_wait3A_578] : memref<10240x128xf32, #tpu.memory_space<vmem_shared>> -> memref<10240x128xf32, #tpu.memory_space<vmem_shared>>
      tpu.wait_indirect_dma semaphore(%arg15 : memref<!tpu.dma_semaphore, #tpu.memory_space<semaphore_mem>>) src(%arg11 : memref<64x128xf32, #tpu.memory_space<vmem>>) dst(%dma_wait3A_579 : memref<10240x128xf32, #tpu.memory_space<vmem_shared>>)
      %dma_start3A_580 = arith.constant 10 : i32
      %dma_start3A_581 = arith.constant 64 : i32
      %dma_start3A_582 = tpu.memref_slice %arg6[%dma_start3A_580, %dma_start3A_581] : memref<16x128xi32, #tpu.memory_space<vmem>> -> memref<1x64xi32, #tpu.memory_space<vmem>>
      %dma_start3A_583 = tpu.memref_squeeze %dma_start3A_582 : memref<1x64xi32, #tpu.memory_space<vmem>> -> memref<64xi32, #tpu.memory_space<vmem>>
      %dma_start3A_584 = arith.constant 0 : i32
      %dma_start3A_585 = arith.constant 0 : i32
      %dma_start3A_586 = tpu.memref_slice %arg2[%dma_start3A_584, %dma_start3A_585] : memref<20480x128xf32, #tpu.memory_space<hbm>> -> memref<20480x128xf32, #tpu.memory_space<hbm>>
      tpu.enqueue_indirect_dma source(%dma_start3A_586 : memref<20480x128xf32, #tpu.memory_space<hbm>>) target(%arg11 : memref<64x128xf32, #tpu.memory_space<vmem>>) offsets(%dma_start3A_583 : memref<64xi32, #tpu.memory_space<vmem>>) semaphore(%arg15 : memref<!tpu.dma_semaphore, #tpu.memory_space<semaphore_mem>>)
      %dma_wait3A_587 = arith.constant 0 : i32
      %dma_wait3A_588 = arith.constant 0 : i32
      %dma_wait3A_589 = tpu.memref_slice %arg6[%dma_wait3A_587, %dma_wait3A_588] : memref<16x128xi32, #tpu.memory_space<vmem>> -> memref<1x64xi32, #tpu.memory_space<vmem>>
      %dma_wait3A_590 = tpu.memref_squeeze %dma_wait3A_589 : memref<1x64xi32, #tpu.memory_space<vmem>> -> memref<64xi32, #tpu.memory_space<vmem>>
      %dma_wait3A_591 = arith.constant 0 : i32
      %dma_wait3A_592 = arith.constant 0 : i32
      %dma_wait3A_593 = tpu.memref_slice %arg2[%dma_wait3A_591, %dma_wait3A_592] : memref<20480x128xf32, #tpu.memory_space<hbm>> -> memref<20480x128xf32, #tpu.memory_space<hbm>>
      tpu.wait_indirect_dma semaphore(%arg16 : memref<!tpu.dma_semaphore, #tpu.memory_space<semaphore_mem>>) src(%dma_wait3A_593 : memref<20480x128xf32, #tpu.memory_space<hbm>>) dst(%arg12 : memref<64x128xf32, #tpu.memory_space<vmem>>)
      %dma_start3A_594 = arith.constant 9 : i32
      %dma_start3A_595 = arith.constant 0 : i32
      %dma_start3A_596 = tpu.memref_slice %arg8[%dma_start3A_594, %dma_start3A_595] : memref<16x128xi32, #tpu.memory_space<vmem>> -> memref<1x64xi32, #tpu.memory_space<vmem>>
      %dma_start3A_597 = tpu.memref_squeeze %dma_start3A_596 : memref<1x64xi32, #tpu.memory_space<vmem>> -> memref<64xi32, #tpu.memory_space<vmem>>
      %dma_start3A_598 = arith.constant 0 : i32
      %dma_start3A_599 = arith.constant 0 : i32
      %dma_start3A_600 = tpu.memref_slice %arg20[%dma_start3A_598, %dma_start3A_599] : memref<10240x128xf32, #tpu.memory_space<vmem_shared>> -> memref<10240x128xf32, #tpu.memory_space<vmem_shared>>
      tpu.enqueue_indirect_dma source(%arg12 : memref<64x128xf32, #tpu.memory_space<vmem>>) target(%dma_start3A_600 : memref<10240x128xf32, #tpu.memory_space<vmem_shared>>) offsets(%dma_start3A_597 : memref<64xi32, #tpu.memory_space<vmem>>) semaphore(%arg16 : memref<!tpu.dma_semaphore, #tpu.memory_space<semaphore_mem>>) {add = true}
      %dma_wait3A_601 = arith.constant 0 : i32
      %dma_wait3A_602 = arith.constant 0 : i32
      %dma_wait3A_603 = tpu.memref_slice %arg8[%dma_wait3A_601, %dma_wait3A_602] : memref<16x128xi32, #tpu.memory_space<vmem>> -> memref<1x64xi32, #tpu.memory_space<vmem>>
      %dma_wait3A_604 = tpu.memref_squeeze %dma_wait3A_603 : memref<1x64xi32, #tpu.memory_space<vmem>> -> memref<64xi32, #tpu.memory_space<vmem>>
      %dma_wait3A_605 = arith.constant 0 : i32
      %dma_wait3A_606 = arith.constant 0 : i32
      %dma_wait3A_607 = tpu.memref_slice %arg20[%dma_wait3A_605, %dma_wait3A_606] : memref<10240x128xf32, #tpu.memory_space<vmem_shared>> -> memref<10240x128xf32, #tpu.memory_space<vmem_shared>>
      tpu.wait_indirect_dma semaphore(%arg16 : memref<!tpu.dma_semaphore, #tpu.memory_space<semaphore_mem>>) src(%arg12 : memref<64x128xf32, #tpu.memory_space<vmem>>) dst(%dma_wait3A_607 : memref<10240x128xf32, #tpu.memory_space<vmem_shared>>)
      %dma_start3A_608 = arith.constant 11 : i32
      %dma_start3A_609 = arith.constant 0 : i32
      %dma_start3A_610 = tpu.memref_slice %arg6[%dma_start3A_608, %dma_start3A_609] : memref<16x128xi32, #tpu.memory_space<vmem>> -> memref<1x64xi32, #tpu.memory_space<vmem>>
      %dma_start3A_611 = tpu.memref_squeeze %dma_start3A_610 : memref<1x64xi32, #tpu.memory_space<vmem>> -> memref<64xi32, #tpu.memory_space<vmem>>
      %dma_start3A_612 = arith.constant 0 : i32
      %dma_start3A_613 = arith.constant 0 : i32
      %dma_start3A_614 = tpu.memref_slice %arg2[%dma_start3A_612, %dma_start3A_613] : memref<20480x128xf32, #tpu.memory_space<hbm>> -> memref<20480x128xf32, #tpu.memory_space<hbm>>
      tpu.enqueue_indirect_dma source(%dma_start3A_614 : memref<20480x128xf32, #tpu.memory_space<hbm>>) target(%arg12 : memref<64x128xf32, #tpu.memory_space<vmem>>) offsets(%dma_start3A_611 : memref<64xi32, #tpu.memory_space<vmem>>) semaphore(%arg16 : memref<!tpu.dma_semaphore, #tpu.memory_space<semaphore_mem>>)
      %dma_wait3A_615 = arith.constant 0 : i32
      %dma_wait3A_616 = arith.constant 0 : i32
      %dma_wait3A_617 = tpu.memref_slice %arg6[%dma_wait3A_615, %dma_wait3A_616] : memref<16x128xi32, #tpu.memory_space<vmem>> -> memref<1x64xi32, #tpu.memory_space<vmem>>
      %dma_wait3A_618 = tpu.memref_squeeze %dma_wait3A_617 : memref<1x64xi32, #tpu.memory_space<vmem>> -> memref<64xi32, #tpu.memory_space<vmem>>
      %dma_wait3A_619 = arith.constant 0 : i32
      %dma_wait3A_620 = arith.constant 0 : i32
      %dma_wait3A_621 = tpu.memref_slice %arg2[%dma_wait3A_619, %dma_wait3A_620] : memref<20480x128xf32, #tpu.memory_space<hbm>> -> memref<20480x128xf32, #tpu.memory_space<hbm>>
      tpu.wait_indirect_dma semaphore(%arg17 : memref<!tpu.dma_semaphore, #tpu.memory_space<semaphore_mem>>) src(%dma_wait3A_621 : memref<20480x128xf32, #tpu.memory_space<hbm>>) dst(%arg13 : memref<64x128xf32, #tpu.memory_space<vmem>>)
      %dma_start3A_622 = arith.constant 9 : i32
      %dma_start3A_623 = arith.constant 64 : i32
      %dma_start3A_624 = tpu.memref_slice %arg8[%dma_start3A_622, %dma_start3A_623] : memref<16x128xi32, #tpu.memory_space<vmem>> -> memref<1x64xi32, #tpu.memory_space<vmem>>
      %dma_start3A_625 = tpu.memref_squeeze %dma_start3A_624 : memref<1x64xi32, #tpu.memory_space<vmem>> -> memref<64xi32, #tpu.memory_space<vmem>>
      %dma_start3A_626 = arith.constant 0 : i32
      %dma_start3A_627 = arith.constant 0 : i32
      %dma_start3A_628 = tpu.memref_slice %arg20[%dma_start3A_626, %dma_start3A_627] : memref<10240x128xf32, #tpu.memory_space<vmem_shared>> -> memref<10240x128xf32, #tpu.memory_space<vmem_shared>>
      tpu.enqueue_indirect_dma source(%arg13 : memref<64x128xf32, #tpu.memory_space<vmem>>) target(%dma_start3A_628 : memref<10240x128xf32, #tpu.memory_space<vmem_shared>>) offsets(%dma_start3A_625 : memref<64xi32, #tpu.memory_space<vmem>>) semaphore(%arg17 : memref<!tpu.dma_semaphore, #tpu.memory_space<semaphore_mem>>) {add = true}
      %dma_wait3A_629 = arith.constant 0 : i32
      %dma_wait3A_630 = arith.constant 0 : i32
      %dma_wait3A_631 = tpu.memref_slice %arg8[%dma_wait3A_629, %dma_wait3A_630] : memref<16x128xi32, #tpu.memory_space<vmem>> -> memref<1x64xi32, #tpu.memory_space<vmem>>
      %dma_wait3A_632 = tpu.memref_squeeze %dma_wait3A_631 : memref<1x64xi32, #tpu.memory_space<vmem>> -> memref<64xi32, #tpu.memory_space<vmem>>
      %dma_wait3A_633 = arith.constant 0 : i32
      %dma_wait3A_634 = arith.constant 0 : i32
      %dma_wait3A_635 = tpu.memref_slice %arg20[%dma_wait3A_633, %dma_wait3A_634] : memref<10240x128xf32, #tpu.memory_space<vmem_shared>> -> memref<10240x128xf32, #tpu.memory_space<vmem_shared>>
      tpu.wait_indirect_dma semaphore(%arg17 : memref<!tpu.dma_semaphore, #tpu.memory_space<semaphore_mem>>) src(%arg13 : memref<64x128xf32, #tpu.memory_space<vmem>>) dst(%dma_wait3A_635 : memref<10240x128xf32, #tpu.memory_space<vmem_shared>>)
      %dma_start3A_636 = arith.constant 11 : i32
      %dma_start3A_637 = arith.constant 64 : i32
      %dma_start3A_638 = tpu.memref_slice %arg6[%dma_start3A_636, %dma_start3A_637] : memref<16x128xi32, #tpu.memory_space<vmem>> -> memref<1x64xi32, #tpu.memory_space<vmem>>
      %dma_start3A_639 = tpu.memref_squeeze %dma_start3A_638 : memref<1x64xi32, #tpu.memory_space<vmem>> -> memref<64xi32, #tpu.memory_space<vmem>>
      %dma_start3A_640 = arith.constant 0 : i32
      %dma_start3A_641 = arith.constant 0 : i32
      %dma_start3A_642 = tpu.memref_slice %arg2[%dma_start3A_640, %dma_start3A_641] : memref<20480x128xf32, #tpu.memory_space<hbm>> -> memref<20480x128xf32, #tpu.memory_space<hbm>>
      tpu.enqueue_indirect_dma source(%dma_start3A_642 : memref<20480x128xf32, #tpu.memory_space<hbm>>) target(%arg13 : memref<64x128xf32, #tpu.memory_space<vmem>>) offsets(%dma_start3A_639 : memref<64xi32, #tpu.memory_space<vmem>>) semaphore(%arg17 : memref<!tpu.dma_semaphore, #tpu.memory_space<semaphore_mem>>)
      %dma_wait3A_643 = arith.constant 0 : i32
      %dma_wait3A_644 = arith.constant 0 : i32
      %dma_wait3A_645 = tpu.memref_slice %arg6[%dma_wait3A_643, %dma_wait3A_644] : memref<16x128xi32, #tpu.memory_space<vmem>> -> memref<1x64xi32, #tpu.memory_space<vmem>>
      %dma_wait3A_646 = tpu.memref_squeeze %dma_wait3A_645 : memref<1x64xi32, #tpu.memory_space<vmem>> -> memref<64xi32, #tpu.memory_space<vmem>>
      %dma_wait3A_647 = arith.constant 0 : i32
      %dma_wait3A_648 = arith.constant 0 : i32
      %dma_wait3A_649 = tpu.memref_slice %arg2[%dma_wait3A_647, %dma_wait3A_648] : memref<20480x128xf32, #tpu.memory_space<hbm>> -> memref<20480x128xf32, #tpu.memory_space<hbm>>
      tpu.wait_indirect_dma semaphore(%arg14 : memref<!tpu.dma_semaphore, #tpu.memory_space<semaphore_mem>>) src(%dma_wait3A_649 : memref<20480x128xf32, #tpu.memory_space<hbm>>) dst(%arg10 : memref<64x128xf32, #tpu.memory_space<vmem>>)
      %dma_start3A_650 = arith.constant 10 : i32
      %dma_start3A_651 = arith.constant 0 : i32
      %dma_start3A_652 = tpu.memref_slice %arg8[%dma_start3A_650, %dma_start3A_651] : memref<16x128xi32, #tpu.memory_space<vmem>> -> memref<1x64xi32, #tpu.memory_space<vmem>>
      %dma_start3A_653 = tpu.memref_squeeze %dma_start3A_652 : memref<1x64xi32, #tpu.memory_space<vmem>> -> memref<64xi32, #tpu.memory_space<vmem>>
      %dma_start3A_654 = arith.constant 0 : i32
      %dma_start3A_655 = arith.constant 0 : i32
      %dma_start3A_656 = tpu.memref_slice %arg20[%dma_start3A_654, %dma_start3A_655] : memref<10240x128xf32, #tpu.memory_space<vmem_shared>> -> memref<10240x128xf32, #tpu.memory_space<vmem_shared>>
      tpu.enqueue_indirect_dma source(%arg10 : memref<64x128xf32, #tpu.memory_space<vmem>>) target(%dma_start3A_656 : memref<10240x128xf32, #tpu.memory_space<vmem_shared>>) offsets(%dma_start3A_653 : memref<64xi32, #tpu.memory_space<vmem>>) semaphore(%arg14 : memref<!tpu.dma_semaphore, #tpu.memory_space<semaphore_mem>>) {add = true}
      %dma_wait3A_657 = arith.constant 0 : i32
      %dma_wait3A_658 = arith.constant 0 : i32
      %dma_wait3A_659 = tpu.memref_slice %arg8[%dma_wait3A_657, %dma_wait3A_658] : memref<16x128xi32, #tpu.memory_space<vmem>> -> memref<1x64xi32, #tpu.memory_space<vmem>>
      %dma_wait3A_660 = tpu.memref_squeeze %dma_wait3A_659 : memref<1x64xi32, #tpu.memory_space<vmem>> -> memref<64xi32, #tpu.memory_space<vmem>>
      %dma_wait3A_661 = arith.constant 0 : i32
      %dma_wait3A_662 = arith.constant 0 : i32
      %dma_wait3A_663 = tpu.memref_slice %arg20[%dma_wait3A_661, %dma_wait3A_662] : memref<10240x128xf32, #tpu.memory_space<vmem_shared>> -> memref<10240x128xf32, #tpu.memory_space<vmem_shared>>
      tpu.wait_indirect_dma semaphore(%arg14 : memref<!tpu.dma_semaphore, #tpu.memory_space<semaphore_mem>>) src(%arg10 : memref<64x128xf32, #tpu.memory_space<vmem>>) dst(%dma_wait3A_663 : memref<10240x128xf32, #tpu.memory_space<vmem_shared>>)
      %dma_start3A_664 = arith.constant 12 : i32
      %dma_start3A_665 = arith.constant 0 : i32
      %dma_start3A_666 = tpu.memref_slice %arg6[%dma_start3A_664, %dma_start3A_665] : memref<16x128xi32, #tpu.memory_space<vmem>> -> memref<1x64xi32, #tpu.memory_space<vmem>>
      %dma_start3A_667 = tpu.memref_squeeze %dma_start3A_666 : memref<1x64xi32, #tpu.memory_space<vmem>> -> memref<64xi32, #tpu.memory_space<vmem>>
      %dma_start3A_668 = arith.constant 0 : i32
      %dma_start3A_669 = arith.constant 0 : i32
      %dma_start3A_670 = tpu.memref_slice %arg2[%dma_start3A_668, %dma_start3A_669] : memref<20480x128xf32, #tpu.memory_space<hbm>> -> memref<20480x128xf32, #tpu.memory_space<hbm>>
      tpu.enqueue_indirect_dma source(%dma_start3A_670 : memref<20480x128xf32, #tpu.memory_space<hbm>>) target(%arg10 : memref<64x128xf32, #tpu.memory_space<vmem>>) offsets(%dma_start3A_667 : memref<64xi32, #tpu.memory_space<vmem>>) semaphore(%arg14 : memref<!tpu.dma_semaphore, #tpu.memory_space<semaphore_mem>>)
      %dma_wait3A_671 = arith.constant 0 : i32
      %dma_wait3A_672 = arith.constant 0 : i32
      %dma_wait3A_673 = tpu.memref_slice %arg6[%dma_wait3A_671, %dma_wait3A_672] : memref<16x128xi32, #tpu.memory_space<vmem>> -> memref<1x64xi32, #tpu.memory_space<vmem>>
      %dma_wait3A_674 = tpu.memref_squeeze %dma_wait3A_673 : memref<1x64xi32, #tpu.memory_space<vmem>> -> memref<64xi32, #tpu.memory_space<vmem>>
      %dma_wait3A_675 = arith.constant 0 : i32
      %dma_wait3A_676 = arith.constant 0 : i32
      %dma_wait3A_677 = tpu.memref_slice %arg2[%dma_wait3A_675, %dma_wait3A_676] : memref<20480x128xf32, #tpu.memory_space<hbm>> -> memref<20480x128xf32, #tpu.memory_space<hbm>>
      tpu.wait_indirect_dma semaphore(%arg15 : memref<!tpu.dma_semaphore, #tpu.memory_space<semaphore_mem>>) src(%dma_wait3A_677 : memref<20480x128xf32, #tpu.memory_space<hbm>>) dst(%arg11 : memref<64x128xf32, #tpu.memory_space<vmem>>)
      %dma_start3A_678 = arith.constant 10 : i32
      %dma_start3A_679 = arith.constant 64 : i32
      %dma_start3A_680 = tpu.memref_slice %arg8[%dma_start3A_678, %dma_start3A_679] : memref<16x128xi32, #tpu.memory_space<vmem>> -> memref<1x64xi32, #tpu.memory_space<vmem>>
      %dma_start3A_681 = tpu.memref_squeeze %dma_start3A_680 : memref<1x64xi32, #tpu.memory_space<vmem>> -> memref<64xi32, #tpu.memory_space<vmem>>
      %dma_start3A_682 = arith.constant 0 : i32
      %dma_start3A_683 = arith.constant 0 : i32
      %dma_start3A_684 = tpu.memref_slice %arg20[%dma_start3A_682, %dma_start3A_683] : memref<10240x128xf32, #tpu.memory_space<vmem_shared>> -> memref<10240x128xf32, #tpu.memory_space<vmem_shared>>
      tpu.enqueue_indirect_dma source(%arg11 : memref<64x128xf32, #tpu.memory_space<vmem>>) target(%dma_start3A_684 : memref<10240x128xf32, #tpu.memory_space<vmem_shared>>) offsets(%dma_start3A_681 : memref<64xi32, #tpu.memory_space<vmem>>) semaphore(%arg15 : memref<!tpu.dma_semaphore, #tpu.memory_space<semaphore_mem>>) {add = true}
      %dma_wait3A_685 = arith.constant 0 : i32
      %dma_wait3A_686 = arith.constant 0 : i32
      %dma_wait3A_687 = tpu.memref_slice %arg8[%dma_wait3A_685, %dma_wait3A_686] : memref<16x128xi32, #tpu.memory_space<vmem>> -> memref<1x64xi32, #tpu.memory_space<vmem>>
      %dma_wait3A_688 = tpu.memref_squeeze %dma_wait3A_687 : memref<1x64xi32, #tpu.memory_space<vmem>> -> memref<64xi32, #tpu.memory_space<vmem>>
      %dma_wait3A_689 = arith.constant 0 : i32
      %dma_wait3A_690 = arith.constant 0 : i32
      %dma_wait3A_691 = tpu.memref_slice %arg20[%dma_wait3A_689, %dma_wait3A_690] : memref<10240x128xf32, #tpu.memory_space<vmem_shared>> -> memref<10240x128xf32, #tpu.memory_space<vmem_shared>>
      tpu.wait_indirect_dma semaphore(%arg15 : memref<!tpu.dma_semaphore, #tpu.memory_space<semaphore_mem>>) src(%arg11 : memref<64x128xf32, #tpu.memory_space<vmem>>) dst(%dma_wait3A_691 : memref<10240x128xf32, #tpu.memory_space<vmem_shared>>)
      %dma_start3A_692 = arith.constant 12 : i32
      %dma_start3A_693 = arith.constant 64 : i32
      %dma_start3A_694 = tpu.memref_slice %arg6[%dma_start3A_692, %dma_start3A_693] : memref<16x128xi32, #tpu.memory_space<vmem>> -> memref<1x64xi32, #tpu.memory_space<vmem>>
      %dma_start3A_695 = tpu.memref_squeeze %dma_start3A_694 : memref<1x64xi32, #tpu.memory_space<vmem>> -> memref<64xi32, #tpu.memory_space<vmem>>
      %dma_start3A_696 = arith.constant 0 : i32
      %dma_start3A_697 = arith.constant 0 : i32
      %dma_start3A_698 = tpu.memref_slice %arg2[%dma_start3A_696, %dma_start3A_697] : memref<20480x128xf32, #tpu.memory_space<hbm>> -> memref<20480x128xf32, #tpu.memory_space<hbm>>
      tpu.enqueue_indirect_dma source(%dma_start3A_698 : memref<20480x128xf32, #tpu.memory_space<hbm>>) target(%arg11 : memref<64x128xf32, #tpu.memory_space<vmem>>) offsets(%dma_start3A_695 : memref<64xi32, #tpu.memory_space<vmem>>) semaphore(%arg15 : memref<!tpu.dma_semaphore, #tpu.memory_space<semaphore_mem>>)
      %dma_wait3A_699 = arith.constant 0 : i32
      %dma_wait3A_700 = arith.constant 0 : i32
      %dma_wait3A_701 = tpu.memref_slice %arg6[%dma_wait3A_699, %dma_wait3A_700] : memref<16x128xi32, #tpu.memory_space<vmem>> -> memref<1x64xi32, #tpu.memory_space<vmem>>
      %dma_wait3A_702 = tpu.memref_squeeze %dma_wait3A_701 : memref<1x64xi32, #tpu.memory_space<vmem>> -> memref<64xi32, #tpu.memory_space<vmem>>
      %dma_wait3A_703 = arith.constant 0 : i32
      %dma_wait3A_704 = arith.constant 0 : i32
      %dma_wait3A_705 = tpu.memref_slice %arg2[%dma_wait3A_703, %dma_wait3A_704] : memref<20480x128xf32, #tpu.memory_space<hbm>> -> memref<20480x128xf32, #tpu.memory_space<hbm>>
      tpu.wait_indirect_dma semaphore(%arg16 : memref<!tpu.dma_semaphore, #tpu.memory_space<semaphore_mem>>) src(%dma_wait3A_705 : memref<20480x128xf32, #tpu.memory_space<hbm>>) dst(%arg12 : memref<64x128xf32, #tpu.memory_space<vmem>>)
      %dma_start3A_706 = arith.constant 11 : i32
      %dma_start3A_707 = arith.constant 0 : i32
      %dma_start3A_708 = tpu.memref_slice %arg8[%dma_start3A_706, %dma_start3A_707] : memref<16x128xi32, #tpu.memory_space<vmem>> -> memref<1x64xi32, #tpu.memory_space<vmem>>
      %dma_start3A_709 = tpu.memref_squeeze %dma_start3A_708 : memref<1x64xi32, #tpu.memory_space<vmem>> -> memref<64xi32, #tpu.memory_space<vmem>>
      %dma_start3A_710 = arith.constant 0 : i32
      %dma_start3A_711 = arith.constant 0 : i32
      %dma_start3A_712 = tpu.memref_slice %arg20[%dma_start3A_710, %dma_start3A_711] : memref<10240x128xf32, #tpu.memory_space<vmem_shared>> -> memref<10240x128xf32, #tpu.memory_space<vmem_shared>>
      tpu.enqueue_indirect_dma source(%arg12 : memref<64x128xf32, #tpu.memory_space<vmem>>) target(%dma_start3A_712 : memref<10240x128xf32, #tpu.memory_space<vmem_shared>>) offsets(%dma_start3A_709 : memref<64xi32, #tpu.memory_space<vmem>>) semaphore(%arg16 : memref<!tpu.dma_semaphore, #tpu.memory_space<semaphore_mem>>) {add = true}
      %dma_wait3A_713 = arith.constant 0 : i32
      %dma_wait3A_714 = arith.constant 0 : i32
      %dma_wait3A_715 = tpu.memref_slice %arg8[%dma_wait3A_713, %dma_wait3A_714] : memref<16x128xi32, #tpu.memory_space<vmem>> -> memref<1x64xi32, #tpu.memory_space<vmem>>
      %dma_wait3A_716 = tpu.memref_squeeze %dma_wait3A_715 : memref<1x64xi32, #tpu.memory_space<vmem>> -> memref<64xi32, #tpu.memory_space<vmem>>
      %dma_wait3A_717 = arith.constant 0 : i32
      %dma_wait3A_718 = arith.constant 0 : i32
      %dma_wait3A_719 = tpu.memref_slice %arg20[%dma_wait3A_717, %dma_wait3A_718] : memref<10240x128xf32, #tpu.memory_space<vmem_shared>> -> memref<10240x128xf32, #tpu.memory_space<vmem_shared>>
      tpu.wait_indirect_dma semaphore(%arg16 : memref<!tpu.dma_semaphore, #tpu.memory_space<semaphore_mem>>) src(%arg12 : memref<64x128xf32, #tpu.memory_space<vmem>>) dst(%dma_wait3A_719 : memref<10240x128xf32, #tpu.memory_space<vmem_shared>>)
      %dma_start3A_720 = arith.constant 13 : i32
      %dma_start3A_721 = arith.constant 0 : i32
      %dma_start3A_722 = tpu.memref_slice %arg6[%dma_start3A_720, %dma_start3A_721] : memref<16x128xi32, #tpu.memory_space<vmem>> -> memref<1x64xi32, #tpu.memory_space<vmem>>
      %dma_start3A_723 = tpu.memref_squeeze %dma_start3A_722 : memref<1x64xi32, #tpu.memory_space<vmem>> -> memref<64xi32, #tpu.memory_space<vmem>>
      %dma_start3A_724 = arith.constant 0 : i32
      %dma_start3A_725 = arith.constant 0 : i32
      %dma_start3A_726 = tpu.memref_slice %arg2[%dma_start3A_724, %dma_start3A_725] : memref<20480x128xf32, #tpu.memory_space<hbm>> -> memref<20480x128xf32, #tpu.memory_space<hbm>>
      tpu.enqueue_indirect_dma source(%dma_start3A_726 : memref<20480x128xf32, #tpu.memory_space<hbm>>) target(%arg12 : memref<64x128xf32, #tpu.memory_space<vmem>>) offsets(%dma_start3A_723 : memref<64xi32, #tpu.memory_space<vmem>>) semaphore(%arg16 : memref<!tpu.dma_semaphore, #tpu.memory_space<semaphore_mem>>)
      %dma_wait3A_727 = arith.constant 0 : i32
      %dma_wait3A_728 = arith.constant 0 : i32
      %dma_wait3A_729 = tpu.memref_slice %arg6[%dma_wait3A_727, %dma_wait3A_728] : memref<16x128xi32, #tpu.memory_space<vmem>> -> memref<1x64xi32, #tpu.memory_space<vmem>>
      %dma_wait3A_730 = tpu.memref_squeeze %dma_wait3A_729 : memref<1x64xi32, #tpu.memory_space<vmem>> -> memref<64xi32, #tpu.memory_space<vmem>>
      %dma_wait3A_731 = arith.constant 0 : i32
      %dma_wait3A_732 = arith.constant 0 : i32
      %dma_wait3A_733 = tpu.memref_slice %arg2[%dma_wait3A_731, %dma_wait3A_732] : memref<20480x128xf32, #tpu.memory_space<hbm>> -> memref<20480x128xf32, #tpu.memory_space<hbm>>
      tpu.wait_indirect_dma semaphore(%arg17 : memref<!tpu.dma_semaphore, #tpu.memory_space<semaphore_mem>>) src(%dma_wait3A_733 : memref<20480x128xf32, #tpu.memory_space<hbm>>) dst(%arg13 : memref<64x128xf32, #tpu.memory_space<vmem>>)
      %dma_start3A_734 = arith.constant 11 : i32
      %dma_start3A_735 = arith.constant 64 : i32
      %dma_start3A_736 = tpu.memref_slice %arg8[%dma_start3A_734, %dma_start3A_735] : memref<16x128xi32, #tpu.memory_space<vmem>> -> memref<1x64xi32, #tpu.memory_space<vmem>>
      %dma_start3A_737 = tpu.memref_squeeze %dma_start3A_736 : memref<1x64xi32, #tpu.memory_space<vmem>> -> memref<64xi32, #tpu.memory_space<vmem>>
      %dma_start3A_738 = arith.constant 0 : i32
      %dma_start3A_739 = arith.constant 0 : i32
      %dma_start3A_740 = tpu.memref_slice %arg20[%dma_start3A_738, %dma_start3A_739] : memref<10240x128xf32, #tpu.memory_space<vmem_shared>> -> memref<10240x128xf32, #tpu.memory_space<vmem_shared>>
      tpu.enqueue_indirect_dma source(%arg13 : memref<64x128xf32, #tpu.memory_space<vmem>>) target(%dma_start3A_740 : memref<10240x128xf32, #tpu.memory_space<vmem_shared>>) offsets(%dma_start3A_737 : memref<64xi32, #tpu.memory_space<vmem>>) semaphore(%arg17 : memref<!tpu.dma_semaphore, #tpu.memory_space<semaphore_mem>>) {add = true}
      %dma_wait3A_741 = arith.constant 0 : i32
      %dma_wait3A_742 = arith.constant 0 : i32
      %dma_wait3A_743 = tpu.memref_slice %arg8[%dma_wait3A_741, %dma_wait3A_742] : memref<16x128xi32, #tpu.memory_space<vmem>> -> memref<1x64xi32, #tpu.memory_space<vmem>>
      %dma_wait3A_744 = tpu.memref_squeeze %dma_wait3A_743 : memref<1x64xi32, #tpu.memory_space<vmem>> -> memref<64xi32, #tpu.memory_space<vmem>>
      %dma_wait3A_745 = arith.constant 0 : i32
      %dma_wait3A_746 = arith.constant 0 : i32
      %dma_wait3A_747 = tpu.memref_slice %arg20[%dma_wait3A_745, %dma_wait3A_746] : memref<10240x128xf32, #tpu.memory_space<vmem_shared>> -> memref<10240x128xf32, #tpu.memory_space<vmem_shared>>
      tpu.wait_indirect_dma semaphore(%arg17 : memref<!tpu.dma_semaphore, #tpu.memory_space<semaphore_mem>>) src(%arg13 : memref<64x128xf32, #tpu.memory_space<vmem>>) dst(%dma_wait3A_747 : memref<10240x128xf32, #tpu.memory_space<vmem_shared>>)
      %dma_start3A_748 = arith.constant 13 : i32
      %dma_start3A_749 = arith.constant 64 : i32
      %dma_start3A_750 = tpu.memref_slice %arg6[%dma_start3A_748, %dma_start3A_749] : memref<16x128xi32, #tpu.memory_space<vmem>> -> memref<1x64xi32, #tpu.memory_space<vmem>>
      %dma_start3A_751 = tpu.memref_squeeze %dma_start3A_750 : memref<1x64xi32, #tpu.memory_space<vmem>> -> memref<64xi32, #tpu.memory_space<vmem>>
      %dma_start3A_752 = arith.constant 0 : i32
      %dma_start3A_753 = arith.constant 0 : i32
      %dma_start3A_754 = tpu.memref_slice %arg2[%dma_start3A_752, %dma_start3A_753] : memref<20480x128xf32, #tpu.memory_space<hbm>> -> memref<20480x128xf32, #tpu.memory_space<hbm>>
      tpu.enqueue_indirect_dma source(%dma_start3A_754 : memref<20480x128xf32, #tpu.memory_space<hbm>>) target(%arg13 : memref<64x128xf32, #tpu.memory_space<vmem>>) offsets(%dma_start3A_751 : memref<64xi32, #tpu.memory_space<vmem>>) semaphore(%arg17 : memref<!tpu.dma_semaphore, #tpu.memory_space<semaphore_mem>>)
      %dma_wait3A_755 = arith.constant 0 : i32
      %dma_wait3A_756 = arith.constant 0 : i32
      %dma_wait3A_757 = tpu.memref_slice %arg6[%dma_wait3A_755, %dma_wait3A_756] : memref<16x128xi32, #tpu.memory_space<vmem>> -> memref<1x64xi32, #tpu.memory_space<vmem>>
      %dma_wait3A_758 = tpu.memref_squeeze %dma_wait3A_757 : memref<1x64xi32, #tpu.memory_space<vmem>> -> memref<64xi32, #tpu.memory_space<vmem>>
      %dma_wait3A_759 = arith.constant 0 : i32
      %dma_wait3A_760 = arith.constant 0 : i32
      %dma_wait3A_761 = tpu.memref_slice %arg2[%dma_wait3A_759, %dma_wait3A_760] : memref<20480x128xf32, #tpu.memory_space<hbm>> -> memref<20480x128xf32, #tpu.memory_space<hbm>>
      tpu.wait_indirect_dma semaphore(%arg14 : memref<!tpu.dma_semaphore, #tpu.memory_space<semaphore_mem>>) src(%dma_wait3A_761 : memref<20480x128xf32, #tpu.memory_space<hbm>>) dst(%arg10 : memref<64x128xf32, #tpu.memory_space<vmem>>)
      %dma_start3A_762 = arith.constant 12 : i32
      %dma_start3A_763 = arith.constant 0 : i32
      %dma_start3A_764 = tpu.memref_slice %arg8[%dma_start3A_762, %dma_start3A_763] : memref<16x128xi32, #tpu.memory_space<vmem>> -> memref<1x64xi32, #tpu.memory_space<vmem>>
      %dma_start3A_765 = tpu.memref_squeeze %dma_start3A_764 : memref<1x64xi32, #tpu.memory_space<vmem>> -> memref<64xi32, #tpu.memory_space<vmem>>
      %dma_start3A_766 = arith.constant 0 : i32
      %dma_start3A_767 = arith.constant 0 : i32
      %dma_start3A_768 = tpu.memref_slice %arg20[%dma_start3A_766, %dma_start3A_767] : memref<10240x128xf32, #tpu.memory_space<vmem_shared>> -> memref<10240x128xf32, #tpu.memory_space<vmem_shared>>
      tpu.enqueue_indirect_dma source(%arg10 : memref<64x128xf32, #tpu.memory_space<vmem>>) target(%dma_start3A_768 : memref<10240x128xf32, #tpu.memory_space<vmem_shared>>) offsets(%dma_start3A_765 : memref<64xi32, #tpu.memory_space<vmem>>) semaphore(%arg14 : memref<!tpu.dma_semaphore, #tpu.memory_space<semaphore_mem>>) {add = true}
      %dma_wait3A_769 = arith.constant 0 : i32
      %dma_wait3A_770 = arith.constant 0 : i32
      %dma_wait3A_771 = tpu.memref_slice %arg8[%dma_wait3A_769, %dma_wait3A_770] : memref<16x128xi32, #tpu.memory_space<vmem>> -> memref<1x64xi32, #tpu.memory_space<vmem>>
      %dma_wait3A_772 = tpu.memref_squeeze %dma_wait3A_771 : memref<1x64xi32, #tpu.memory_space<vmem>> -> memref<64xi32, #tpu.memory_space<vmem>>
      %dma_wait3A_773 = arith.constant 0 : i32
      %dma_wait3A_774 = arith.constant 0 : i32
      %dma_wait3A_775 = tpu.memref_slice %arg20[%dma_wait3A_773, %dma_wait3A_774] : memref<10240x128xf32, #tpu.memory_space<vmem_shared>> -> memref<10240x128xf32, #tpu.memory_space<vmem_shared>>
      tpu.wait_indirect_dma semaphore(%arg14 : memref<!tpu.dma_semaphore, #tpu.memory_space<semaphore_mem>>) src(%arg10 : memref<64x128xf32, #tpu.memory_space<vmem>>) dst(%dma_wait3A_775 : memref<10240x128xf32, #tpu.memory_space<vmem_shared>>)
      %dma_start3A_776 = arith.constant 14 : i32
      %dma_start3A_777 = arith.constant 0 : i32
      %dma_start3A_778 = tpu.memref_slice %arg6[%dma_start3A_776, %dma_start3A_777] : memref<16x128xi32, #tpu.memory_space<vmem>> -> memref<1x64xi32, #tpu.memory_space<vmem>>
      %dma_start3A_779 = tpu.memref_squeeze %dma_start3A_778 : memref<1x64xi32, #tpu.memory_space<vmem>> -> memref<64xi32, #tpu.memory_space<vmem>>
      %dma_start3A_780 = arith.constant 0 : i32
      %dma_start3A_781 = arith.constant 0 : i32
      %dma_start3A_782 = tpu.memref_slice %arg2[%dma_start3A_780, %dma_start3A_781] : memref<20480x128xf32, #tpu.memory_space<hbm>> -> memref<20480x128xf32, #tpu.memory_space<hbm>>
      tpu.enqueue_indirect_dma source(%dma_start3A_782 : memref<20480x128xf32, #tpu.memory_space<hbm>>) target(%arg10 : memref<64x128xf32, #tpu.memory_space<vmem>>) offsets(%dma_start3A_779 : memref<64xi32, #tpu.memory_space<vmem>>) semaphore(%arg14 : memref<!tpu.dma_semaphore, #tpu.memory_space<semaphore_mem>>)
      %dma_wait3A_783 = arith.constant 0 : i32
      %dma_wait3A_784 = arith.constant 0 : i32
      %dma_wait3A_785 = tpu.memref_slice %arg6[%dma_wait3A_783, %dma_wait3A_784] : memref<16x128xi32, #tpu.memory_space<vmem>> -> memref<1x64xi32, #tpu.memory_space<vmem>>
      %dma_wait3A_786 = tpu.memref_squeeze %dma_wait3A_785 : memref<1x64xi32, #tpu.memory_space<vmem>> -> memref<64xi32, #tpu.memory_space<vmem>>
      %dma_wait3A_787 = arith.constant 0 : i32
      %dma_wait3A_788 = arith.constant 0 : i32
      %dma_wait3A_789 = tpu.memref_slice %arg2[%dma_wait3A_787, %dma_wait3A_788] : memref<20480x128xf32, #tpu.memory_space<hbm>> -> memref<20480x128xf32, #tpu.memory_space<hbm>>
      tpu.wait_indirect_dma semaphore(%arg15 : memref<!tpu.dma_semaphore, #tpu.memory_space<semaphore_mem>>) src(%dma_wait3A_789 : memref<20480x128xf32, #tpu.memory_space<hbm>>) dst(%arg11 : memref<64x128xf32, #tpu.memory_space<vmem>>)
      %dma_start3A_790 = arith.constant 12 : i32
      %dma_start3A_791 = arith.constant 64 : i32
      %dma_start3A_792 = tpu.memref_slice %arg8[%dma_start3A_790, %dma_start3A_791] : memref<16x128xi32, #tpu.memory_space<vmem>> -> memref<1x64xi32, #tpu.memory_space<vmem>>
      %dma_start3A_793 = tpu.memref_squeeze %dma_start3A_792 : memref<1x64xi32, #tpu.memory_space<vmem>> -> memref<64xi32, #tpu.memory_space<vmem>>
      %dma_start3A_794 = arith.constant 0 : i32
      %dma_start3A_795 = arith.constant 0 : i32
      %dma_start3A_796 = tpu.memref_slice %arg20[%dma_start3A_794, %dma_start3A_795] : memref<10240x128xf32, #tpu.memory_space<vmem_shared>> -> memref<10240x128xf32, #tpu.memory_space<vmem_shared>>
      tpu.enqueue_indirect_dma source(%arg11 : memref<64x128xf32, #tpu.memory_space<vmem>>) target(%dma_start3A_796 : memref<10240x128xf32, #tpu.memory_space<vmem_shared>>) offsets(%dma_start3A_793 : memref<64xi32, #tpu.memory_space<vmem>>) semaphore(%arg15 : memref<!tpu.dma_semaphore, #tpu.memory_space<semaphore_mem>>) {add = true}
      %dma_wait3A_797 = arith.constant 0 : i32
      %dma_wait3A_798 = arith.constant 0 : i32
      %dma_wait3A_799 = tpu.memref_slice %arg8[%dma_wait3A_797, %dma_wait3A_798] : memref<16x128xi32, #tpu.memory_space<vmem>> -> memref<1x64xi32, #tpu.memory_space<vmem>>
      %dma_wait3A_800 = tpu.memref_squeeze %dma_wait3A_799 : memref<1x64xi32, #tpu.memory_space<vmem>> -> memref<64xi32, #tpu.memory_space<vmem>>
      %dma_wait3A_801 = arith.constant 0 : i32
      %dma_wait3A_802 = arith.constant 0 : i32
      %dma_wait3A_803 = tpu.memref_slice %arg20[%dma_wait3A_801, %dma_wait3A_802] : memref<10240x128xf32, #tpu.memory_space<vmem_shared>> -> memref<10240x128xf32, #tpu.memory_space<vmem_shared>>
      tpu.wait_indirect_dma semaphore(%arg15 : memref<!tpu.dma_semaphore, #tpu.memory_space<semaphore_mem>>) src(%arg11 : memref<64x128xf32, #tpu.memory_space<vmem>>) dst(%dma_wait3A_803 : memref<10240x128xf32, #tpu.memory_space<vmem_shared>>)
      %dma_start3A_804 = arith.constant 14 : i32
      %dma_start3A_805 = arith.constant 64 : i32
      %dma_start3A_806 = tpu.memref_slice %arg6[%dma_start3A_804, %dma_start3A_805] : memref<16x128xi32, #tpu.memory_space<vmem>> -> memref<1x64xi32, #tpu.memory_space<vmem>>
      %dma_start3A_807 = tpu.memref_squeeze %dma_start3A_806 : memref<1x64xi32, #tpu.memory_space<vmem>> -> memref<64xi32, #tpu.memory_space<vmem>>
      %dma_start3A_808 = arith.constant 0 : i32
      %dma_start3A_809 = arith.constant 0 : i32
      %dma_start3A_810 = tpu.memref_slice %arg2[%dma_start3A_808, %dma_start3A_809] : memref<20480x128xf32, #tpu.memory_space<hbm>> -> memref<20480x128xf32, #tpu.memory_space<hbm>>
      tpu.enqueue_indirect_dma source(%dma_start3A_810 : memref<20480x128xf32, #tpu.memory_space<hbm>>) target(%arg11 : memref<64x128xf32, #tpu.memory_space<vmem>>) offsets(%dma_start3A_807 : memref<64xi32, #tpu.memory_space<vmem>>) semaphore(%arg15 : memref<!tpu.dma_semaphore, #tpu.memory_space<semaphore_mem>>)
      %dma_wait3A_811 = arith.constant 0 : i32
      %dma_wait3A_812 = arith.constant 0 : i32
      %dma_wait3A_813 = tpu.memref_slice %arg6[%dma_wait3A_811, %dma_wait3A_812] : memref<16x128xi32, #tpu.memory_space<vmem>> -> memref<1x64xi32, #tpu.memory_space<vmem>>
      %dma_wait3A_814 = tpu.memref_squeeze %dma_wait3A_813 : memref<1x64xi32, #tpu.memory_space<vmem>> -> memref<64xi32, #tpu.memory_space<vmem>>
      %dma_wait3A_815 = arith.constant 0 : i32
      %dma_wait3A_816 = arith.constant 0 : i32
      %dma_wait3A_817 = tpu.memref_slice %arg2[%dma_wait3A_815, %dma_wait3A_816] : memref<20480x128xf32, #tpu.memory_space<hbm>> -> memref<20480x128xf32, #tpu.memory_space<hbm>>
      tpu.wait_indirect_dma semaphore(%arg16 : memref<!tpu.dma_semaphore, #tpu.memory_space<semaphore_mem>>) src(%dma_wait3A_817 : memref<20480x128xf32, #tpu.memory_space<hbm>>) dst(%arg12 : memref<64x128xf32, #tpu.memory_space<vmem>>)
      %dma_start3A_818 = arith.constant 13 : i32
      %dma_start3A_819 = arith.constant 0 : i32
      %dma_start3A_820 = tpu.memref_slice %arg8[%dma_start3A_818, %dma_start3A_819] : memref<16x128xi32, #tpu.memory_space<vmem>> -> memref<1x64xi32, #tpu.memory_space<vmem>>
      %dma_start3A_821 = tpu.memref_squeeze %dma_start3A_820 : memref<1x64xi32, #tpu.memory_space<vmem>> -> memref<64xi32, #tpu.memory_space<vmem>>
      %dma_start3A_822 = arith.constant 0 : i32
      %dma_start3A_823 = arith.constant 0 : i32
      %dma_start3A_824 = tpu.memref_slice %arg20[%dma_start3A_822, %dma_start3A_823] : memref<10240x128xf32, #tpu.memory_space<vmem_shared>> -> memref<10240x128xf32, #tpu.memory_space<vmem_shared>>
      tpu.enqueue_indirect_dma source(%arg12 : memref<64x128xf32, #tpu.memory_space<vmem>>) target(%dma_start3A_824 : memref<10240x128xf32, #tpu.memory_space<vmem_shared>>) offsets(%dma_start3A_821 : memref<64xi32, #tpu.memory_space<vmem>>) semaphore(%arg16 : memref<!tpu.dma_semaphore, #tpu.memory_space<semaphore_mem>>) {add = true}
      %dma_wait3A_825 = arith.constant 0 : i32
      %dma_wait3A_826 = arith.constant 0 : i32
      %dma_wait3A_827 = tpu.memref_slice %arg8[%dma_wait3A_825, %dma_wait3A_826] : memref<16x128xi32, #tpu.memory_space<vmem>> -> memref<1x64xi32, #tpu.memory_space<vmem>>
      %dma_wait3A_828 = tpu.memref_squeeze %dma_wait3A_827 : memref<1x64xi32, #tpu.memory_space<vmem>> -> memref<64xi32, #tpu.memory_space<vmem>>
      %dma_wait3A_829 = arith.constant 0 : i32
      %dma_wait3A_830 = arith.constant 0 : i32
      %dma_wait3A_831 = tpu.memref_slice %arg20[%dma_wait3A_829, %dma_wait3A_830] : memref<10240x128xf32, #tpu.memory_space<vmem_shared>> -> memref<10240x128xf32, #tpu.memory_space<vmem_shared>>
      tpu.wait_indirect_dma semaphore(%arg16 : memref<!tpu.dma_semaphore, #tpu.memory_space<semaphore_mem>>) src(%arg12 : memref<64x128xf32, #tpu.memory_space<vmem>>) dst(%dma_wait3A_831 : memref<10240x128xf32, #tpu.memory_space<vmem_shared>>)
      %dma_start3A_832 = arith.constant 15 : i32
      %dma_start3A_833 = arith.constant 0 : i32
      %dma_start3A_834 = tpu.memref_slice %arg6[%dma_start3A_832, %dma_start3A_833] : memref<16x128xi32, #tpu.memory_space<vmem>> -> memref<1x64xi32, #tpu.memory_space<vmem>>
      %dma_start3A_835 = tpu.memref_squeeze %dma_start3A_834 : memref<1x64xi32, #tpu.memory_space<vmem>> -> memref<64xi32, #tpu.memory_space<vmem>>
      %dma_start3A_836 = arith.constant 0 : i32
      %dma_start3A_837 = arith.constant 0 : i32
      %dma_start3A_838 = tpu.memref_slice %arg2[%dma_start3A_836, %dma_start3A_837] : memref<20480x128xf32, #tpu.memory_space<hbm>> -> memref<20480x128xf32, #tpu.memory_space<hbm>>
      tpu.enqueue_indirect_dma source(%dma_start3A_838 : memref<20480x128xf32, #tpu.memory_space<hbm>>) target(%arg12 : memref<64x128xf32, #tpu.memory_space<vmem>>) offsets(%dma_start3A_835 : memref<64xi32, #tpu.memory_space<vmem>>) semaphore(%arg16 : memref<!tpu.dma_semaphore, #tpu.memory_space<semaphore_mem>>)
      %dma_wait3A_839 = arith.constant 0 : i32
      %dma_wait3A_840 = arith.constant 0 : i32
      %dma_wait3A_841 = tpu.memref_slice %arg6[%dma_wait3A_839, %dma_wait3A_840] : memref<16x128xi32, #tpu.memory_space<vmem>> -> memref<1x64xi32, #tpu.memory_space<vmem>>
      %dma_wait3A_842 = tpu.memref_squeeze %dma_wait3A_841 : memref<1x64xi32, #tpu.memory_space<vmem>> -> memref<64xi32, #tpu.memory_space<vmem>>
      %dma_wait3A_843 = arith.constant 0 : i32
      %dma_wait3A_844 = arith.constant 0 : i32
      %dma_wait3A_845 = tpu.memref_slice %arg2[%dma_wait3A_843, %dma_wait3A_844] : memref<20480x128xf32, #tpu.memory_space<hbm>> -> memref<20480x128xf32, #tpu.memory_space<hbm>>
      tpu.wait_indirect_dma semaphore(%arg17 : memref<!tpu.dma_semaphore, #tpu.memory_space<semaphore_mem>>) src(%dma_wait3A_845 : memref<20480x128xf32, #tpu.memory_space<hbm>>) dst(%arg13 : memref<64x128xf32, #tpu.memory_space<vmem>>)
      %dma_start3A_846 = arith.constant 13 : i32
      %dma_start3A_847 = arith.constant 64 : i32
      %dma_start3A_848 = tpu.memref_slice %arg8[%dma_start3A_846, %dma_start3A_847] : memref<16x128xi32, #tpu.memory_space<vmem>> -> memref<1x64xi32, #tpu.memory_space<vmem>>
      %dma_start3A_849 = tpu.memref_squeeze %dma_start3A_848 : memref<1x64xi32, #tpu.memory_space<vmem>> -> memref<64xi32, #tpu.memory_space<vmem>>
      %dma_start3A_850 = arith.constant 0 : i32
      %dma_start3A_851 = arith.constant 0 : i32
      %dma_start3A_852 = tpu.memref_slice %arg20[%dma_start3A_850, %dma_start3A_851] : memref<10240x128xf32, #tpu.memory_space<vmem_shared>> -> memref<10240x128xf32, #tpu.memory_space<vmem_shared>>
      tpu.enqueue_indirect_dma source(%arg13 : memref<64x128xf32, #tpu.memory_space<vmem>>) target(%dma_start3A_852 : memref<10240x128xf32, #tpu.memory_space<vmem_shared>>) offsets(%dma_start3A_849 : memref<64xi32, #tpu.memory_space<vmem>>) semaphore(%arg17 : memref<!tpu.dma_semaphore, #tpu.memory_space<semaphore_mem>>) {add = true}
      %dma_wait3A_853 = arith.constant 0 : i32
      %dma_wait3A_854 = arith.constant 0 : i32
      %dma_wait3A_855 = tpu.memref_slice %arg8[%dma_wait3A_853, %dma_wait3A_854] : memref<16x128xi32, #tpu.memory_space<vmem>> -> memref<1x64xi32, #tpu.memory_space<vmem>>
      %dma_wait3A_856 = tpu.memref_squeeze %dma_wait3A_855 : memref<1x64xi32, #tpu.memory_space<vmem>> -> memref<64xi32, #tpu.memory_space<vmem>>
      %dma_wait3A_857 = arith.constant 0 : i32
      %dma_wait3A_858 = arith.constant 0 : i32
      %dma_wait3A_859 = tpu.memref_slice %arg20[%dma_wait3A_857, %dma_wait3A_858] : memref<10240x128xf32, #tpu.memory_space<vmem_shared>> -> memref<10240x128xf32, #tpu.memory_space<vmem_shared>>
      tpu.wait_indirect_dma semaphore(%arg17 : memref<!tpu.dma_semaphore, #tpu.memory_space<semaphore_mem>>) src(%arg13 : memref<64x128xf32, #tpu.memory_space<vmem>>) dst(%dma_wait3A_859 : memref<10240x128xf32, #tpu.memory_space<vmem_shared>>)
      %dma_start3A_860 = arith.constant 15 : i32
      %dma_start3A_861 = arith.constant 64 : i32
      %dma_start3A_862 = tpu.memref_slice %arg6[%dma_start3A_860, %dma_start3A_861] : memref<16x128xi32, #tpu.memory_space<vmem>> -> memref<1x64xi32, #tpu.memory_space<vmem>>
      %dma_start3A_863 = tpu.memref_squeeze %dma_start3A_862 : memref<1x64xi32, #tpu.memory_space<vmem>> -> memref<64xi32, #tpu.memory_space<vmem>>
      %dma_start3A_864 = arith.constant 0 : i32
      %dma_start3A_865 = arith.constant 0 : i32
      %dma_start3A_866 = tpu.memref_slice %arg2[%dma_start3A_864, %dma_start3A_865] : memref<20480x128xf32, #tpu.memory_space<hbm>> -> memref<20480x128xf32, #tpu.memory_space<hbm>>
      tpu.enqueue_indirect_dma source(%dma_start3A_866 : memref<20480x128xf32, #tpu.memory_space<hbm>>) target(%arg13 : memref<64x128xf32, #tpu.memory_space<vmem>>) offsets(%dma_start3A_863 : memref<64xi32, #tpu.memory_space<vmem>>) semaphore(%arg17 : memref<!tpu.dma_semaphore, #tpu.memory_space<semaphore_mem>>)
      %dma_wait3A_867 = arith.constant 0 : i32
      %dma_wait3A_868 = arith.constant 0 : i32
      %dma_wait3A_869 = tpu.memref_slice %arg6[%dma_wait3A_867, %dma_wait3A_868] : memref<16x128xi32, #tpu.memory_space<vmem>> -> memref<1x64xi32, #tpu.memory_space<vmem>>
      %dma_wait3A_870 = tpu.memref_squeeze %dma_wait3A_869 : memref<1x64xi32, #tpu.memory_space<vmem>> -> memref<64xi32, #tpu.memory_space<vmem>>
      %dma_wait3A_871 = arith.constant 0 : i32
      %dma_wait3A_872 = arith.constant 0 : i32
      %dma_wait3A_873 = tpu.memref_slice %arg2[%dma_wait3A_871, %dma_wait3A_872] : memref<20480x128xf32, #tpu.memory_space<hbm>> -> memref<20480x128xf32, #tpu.memory_space<hbm>>
      tpu.wait_indirect_dma semaphore(%arg14 : memref<!tpu.dma_semaphore, #tpu.memory_space<semaphore_mem>>) src(%dma_wait3A_873 : memref<20480x128xf32, #tpu.memory_space<hbm>>) dst(%arg10 : memref<64x128xf32, #tpu.memory_space<vmem>>)
      %dma_start3A_874 = arith.constant 14 : i32
      %dma_start3A_875 = arith.constant 0 : i32
      %dma_start3A_876 = tpu.memref_slice %arg8[%dma_start3A_874, %dma_start3A_875] : memref<16x128xi32, #tpu.memory_space<vmem>> -> memref<1x64xi32, #tpu.memory_space<vmem>>
      %dma_start3A_877 = tpu.memref_squeeze %dma_start3A_876 : memref<1x64xi32, #tpu.memory_space<vmem>> -> memref<64xi32, #tpu.memory_space<vmem>>
      %dma_start3A_878 = arith.constant 0 : i32
      %dma_start3A_879 = arith.constant 0 : i32
      %dma_start3A_880 = tpu.memref_slice %arg20[%dma_start3A_878, %dma_start3A_879] : memref<10240x128xf32, #tpu.memory_space<vmem_shared>> -> memref<10240x128xf32, #tpu.memory_space<vmem_shared>>
      tpu.enqueue_indirect_dma source(%arg10 : memref<64x128xf32, #tpu.memory_space<vmem>>) target(%dma_start3A_880 : memref<10240x128xf32, #tpu.memory_space<vmem_shared>>) offsets(%dma_start3A_877 : memref<64xi32, #tpu.memory_space<vmem>>) semaphore(%arg14 : memref<!tpu.dma_semaphore, #tpu.memory_space<semaphore_mem>>) {add = true}
      %dma_wait3A_881 = arith.constant 0 : i32
      %dma_wait3A_882 = arith.constant 0 : i32
      %dma_wait3A_883 = tpu.memref_slice %arg8[%dma_wait3A_881, %dma_wait3A_882] : memref<16x128xi32, #tpu.memory_space<vmem>> -> memref<1x64xi32, #tpu.memory_space<vmem>>
      %dma_wait3A_884 = tpu.memref_squeeze %dma_wait3A_883 : memref<1x64xi32, #tpu.memory_space<vmem>> -> memref<64xi32, #tpu.memory_space<vmem>>
      %dma_wait3A_885 = arith.constant 0 : i32
      %dma_wait3A_886 = arith.constant 0 : i32
      %dma_wait3A_887 = tpu.memref_slice %arg20[%dma_wait3A_885, %dma_wait3A_886] : memref<10240x128xf32, #tpu.memory_space<vmem_shared>> -> memref<10240x128xf32, #tpu.memory_space<vmem_shared>>
      tpu.wait_indirect_dma semaphore(%arg14 : memref<!tpu.dma_semaphore, #tpu.memory_space<semaphore_mem>>) src(%arg10 : memref<64x128xf32, #tpu.memory_space<vmem>>) dst(%dma_wait3A_887 : memref<10240x128xf32, #tpu.memory_space<vmem_shared>>)
      %dma_wait3A_888 = arith.constant 0 : i32
      %dma_wait3A_889 = arith.constant 0 : i32
      %dma_wait3A_890 = tpu.memref_slice %arg6[%dma_wait3A_888, %dma_wait3A_889] : memref<16x128xi32, #tpu.memory_space<vmem>> -> memref<1x64xi32, #tpu.memory_space<vmem>>
      %dma_wait3A_891 = tpu.memref_squeeze %dma_wait3A_890 : memref<1x64xi32, #tpu.memory_space<vmem>> -> memref<64xi32, #tpu.memory_space<vmem>>
      %dma_wait3A_892 = arith.constant 0 : i32
      %dma_wait3A_893 = arith.constant 0 : i32
      %dma_wait3A_894 = tpu.memref_slice %arg2[%dma_wait3A_892, %dma_wait3A_893] : memref<20480x128xf32, #tpu.memory_space<hbm>> -> memref<20480x128xf32, #tpu.memory_space<hbm>>
      tpu.wait_indirect_dma semaphore(%arg15 : memref<!tpu.dma_semaphore, #tpu.memory_space<semaphore_mem>>) src(%dma_wait3A_894 : memref<20480x128xf32, #tpu.memory_space<hbm>>) dst(%arg11 : memref<64x128xf32, #tpu.memory_space<vmem>>)
      %dma_start3A_895 = arith.constant 14 : i32
      %dma_start3A_896 = arith.constant 64 : i32
      %dma_start3A_897 = tpu.memref_slice %arg8[%dma_start3A_895, %dma_start3A_896] : memref<16x128xi32, #tpu.memory_space<vmem>> -> memref<1x64xi32, #tpu.memory_space<vmem>>
      %dma_start3A_898 = tpu.memref_squeeze %dma_start3A_897 : memref<1x64xi32, #tpu.memory_space<vmem>> -> memref<64xi32, #tpu.memory_space<vmem>>
      %dma_start3A_899 = arith.constant 0 : i32
      %dma_start3A_900 = arith.constant 0 : i32
      %dma_start3A_901 = tpu.memref_slice %arg20[%dma_start3A_899, %dma_start3A_900] : memref<10240x128xf32, #tpu.memory_space<vmem_shared>> -> memref<10240x128xf32, #tpu.memory_space<vmem_shared>>
      tpu.enqueue_indirect_dma source(%arg11 : memref<64x128xf32, #tpu.memory_space<vmem>>) target(%dma_start3A_901 : memref<10240x128xf32, #tpu.memory_space<vmem_shared>>) offsets(%dma_start3A_898 : memref<64xi32, #tpu.memory_space<vmem>>) semaphore(%arg15 : memref<!tpu.dma_semaphore, #tpu.memory_space<semaphore_mem>>) {add = true}
      %dma_wait3A_902 = arith.constant 0 : i32
      %dma_wait3A_903 = arith.constant 0 : i32
      %dma_wait3A_904 = tpu.memref_slice %arg8[%dma_wait3A_902, %dma_wait3A_903] : memref<16x128xi32, #tpu.memory_space<vmem>> -> memref<1x64xi32, #tpu.memory_space<vmem>>
      %dma_wait3A_905 = tpu.memref_squeeze %dma_wait3A_904 : memref<1x64xi32, #tpu.memory_space<vmem>> -> memref<64xi32, #tpu.memory_space<vmem>>
      %dma_wait3A_906 = arith.constant 0 : i32
      %dma_wait3A_907 = arith.constant 0 : i32
      %dma_wait3A_908 = tpu.memref_slice %arg20[%dma_wait3A_906, %dma_wait3A_907] : memref<10240x128xf32, #tpu.memory_space<vmem_shared>> -> memref<10240x128xf32, #tpu.memory_space<vmem_shared>>
      tpu.wait_indirect_dma semaphore(%arg15 : memref<!tpu.dma_semaphore, #tpu.memory_space<semaphore_mem>>) src(%arg11 : memref<64x128xf32, #tpu.memory_space<vmem>>) dst(%dma_wait3A_908 : memref<10240x128xf32, #tpu.memory_space<vmem_shared>>)
      %dma_wait3A_909 = arith.constant 0 : i32
      %dma_wait3A_910 = arith.constant 0 : i32
      %dma_wait3A_911 = tpu.memref_slice %arg6[%dma_wait3A_909, %dma_wait3A_910] : memref<16x128xi32, #tpu.memory_space<vmem>> -> memref<1x64xi32, #tpu.memory_space<vmem>>
      %dma_wait3A_912 = tpu.memref_squeeze %dma_wait3A_911 : memref<1x64xi32, #tpu.memory_space<vmem>> -> memref<64xi32, #tpu.memory_space<vmem>>
      %dma_wait3A_913 = arith.constant 0 : i32
      %dma_wait3A_914 = arith.constant 0 : i32
      %dma_wait3A_915 = tpu.memref_slice %arg2[%dma_wait3A_913, %dma_wait3A_914] : memref<20480x128xf32, #tpu.memory_space<hbm>> -> memref<20480x128xf32, #tpu.memory_space<hbm>>
      tpu.wait_indirect_dma semaphore(%arg16 : memref<!tpu.dma_semaphore, #tpu.memory_space<semaphore_mem>>) src(%dma_wait3A_915 : memref<20480x128xf32, #tpu.memory_space<hbm>>) dst(%arg12 : memref<64x128xf32, #tpu.memory_space<vmem>>)
      %dma_start3A_916 = arith.constant 15 : i32
      %dma_start3A_917 = arith.constant 0 : i32
      %dma_start3A_918 = tpu.memref_slice %arg8[%dma_start3A_916, %dma_start3A_917] : memref<16x128xi32, #tpu.memory_space<vmem>> -> memref<1x64xi32, #tpu.memory_space<vmem>>
      %dma_start3A_919 = tpu.memref_squeeze %dma_start3A_918 : memref<1x64xi32, #tpu.memory_space<vmem>> -> memref<64xi32, #tpu.memory_space<vmem>>
      %dma_start3A_920 = arith.constant 0 : i32
      %dma_start3A_921 = arith.constant 0 : i32
      %dma_start3A_922 = tpu.memref_slice %arg20[%dma_start3A_920, %dma_start3A_921] : memref<10240x128xf32, #tpu.memory_space<vmem_shared>> -> memref<10240x128xf32, #tpu.memory_space<vmem_shared>>
      tpu.enqueue_indirect_dma source(%arg12 : memref<64x128xf32, #tpu.memory_space<vmem>>) target(%dma_start3A_922 : memref<10240x128xf32, #tpu.memory_space<vmem_shared>>) offsets(%dma_start3A_919 : memref<64xi32, #tpu.memory_space<vmem>>) semaphore(%arg16 : memref<!tpu.dma_semaphore, #tpu.memory_space<semaphore_mem>>) {add = true}
      %dma_wait3A_923 = arith.constant 0 : i32
      %dma_wait3A_924 = arith.constant 0 : i32
      %dma_wait3A_925 = tpu.memref_slice %arg8[%dma_wait3A_923, %dma_wait3A_924] : memref<16x128xi32, #tpu.memory_space<vmem>> -> memref<1x64xi32, #tpu.memory_space<vmem>>
      %dma_wait3A_926 = tpu.memref_squeeze %dma_wait3A_925 : memref<1x64xi32, #tpu.memory_space<vmem>> -> memref<64xi32, #tpu.memory_space<vmem>>
      %dma_wait3A_927 = arith.constant 0 : i32
      %dma_wait3A_928 = arith.constant 0 : i32
      %dma_wait3A_929 = tpu.memref_slice %arg20[%dma_wait3A_927, %dma_wait3A_928] : memref<10240x128xf32, #tpu.memory_space<vmem_shared>> -> memref<10240x128xf32, #tpu.memory_space<vmem_shared>>
      tpu.wait_indirect_dma semaphore(%arg16 : memref<!tpu.dma_semaphore, #tpu.memory_space<semaphore_mem>>) src(%arg12 : memref<64x128xf32, #tpu.memory_space<vmem>>) dst(%dma_wait3A_929 : memref<10240x128xf32, #tpu.memory_space<vmem_shared>>)
      %dma_wait3A_930 = arith.constant 0 : i32
      %dma_wait3A_931 = arith.constant 0 : i32
      %dma_wait3A_932 = tpu.memref_slice %arg6[%dma_wait3A_930, %dma_wait3A_931] : memref<16x128xi32, #tpu.memory_space<vmem>> -> memref<1x64xi32, #tpu.memory_space<vmem>>
      %dma_wait3A_933 = tpu.memref_squeeze %dma_wait3A_932 : memref<1x64xi32, #tpu.memory_space<vmem>> -> memref<64xi32, #tpu.memory_space<vmem>>
      %dma_wait3A_934 = arith.constant 0 : i32
      %dma_wait3A_935 = arith.constant 0 : i32
      %dma_wait3A_936 = tpu.memref_slice %arg2[%dma_wait3A_934, %dma_wait3A_935] : memref<20480x128xf32, #tpu.memory_space<hbm>> -> memref<20480x128xf32, #tpu.memory_space<hbm>>
      tpu.wait_indirect_dma semaphore(%arg17 : memref<!tpu.dma_semaphore, #tpu.memory_space<semaphore_mem>>) src(%dma_wait3A_936 : memref<20480x128xf32, #tpu.memory_space<hbm>>) dst(%arg13 : memref<64x128xf32, #tpu.memory_space<vmem>>)
      %dma_start3A_937 = arith.constant 15 : i32
      %dma_start3A_938 = arith.constant 64 : i32
      %dma_start3A_939 = tpu.memref_slice %arg8[%dma_start3A_937, %dma_start3A_938] : memref<16x128xi32, #tpu.memory_space<vmem>> -> memref<1x64xi32, #tpu.memory_space<vmem>>
      %dma_start3A_940 = tpu.memref_squeeze %dma_start3A_939 : memref<1x64xi32, #tpu.memory_space<vmem>> -> memref<64xi32, #tpu.memory_space<vmem>>
      %dma_start3A_941 = arith.constant 0 : i32
      %dma_start3A_942 = arith.constant 0 : i32
      %dma_start3A_943 = tpu.memref_slice %arg20[%dma_start3A_941, %dma_start3A_942] : memref<10240x128xf32, #tpu.memory_space<vmem_shared>> -> memref<10240x128xf32, #tpu.memory_space<vmem_shared>>
      tpu.enqueue_indirect_dma source(%arg13 : memref<64x128xf32, #tpu.memory_space<vmem>>) target(%dma_start3A_943 : memref<10240x128xf32, #tpu.memory_space<vmem_shared>>) offsets(%dma_start3A_940 : memref<64xi32, #tpu.memory_space<vmem>>) semaphore(%arg17 : memref<!tpu.dma_semaphore, #tpu.memory_space<semaphore_mem>>) {add = true}
      %dma_wait3A_944 = arith.constant 0 : i32
      %dma_wait3A_945 = arith.constant 0 : i32
      %dma_wait3A_946 = tpu.memref_slice %arg8[%dma_wait3A_944, %dma_wait3A_945] : memref<16x128xi32, #tpu.memory_space<vmem>> -> memref<1x64xi32, #tpu.memory_space<vmem>>
      %dma_wait3A_947 = tpu.memref_squeeze %dma_wait3A_946 : memref<1x64xi32, #tpu.memory_space<vmem>> -> memref<64xi32, #tpu.memory_space<vmem>>
      %dma_wait3A_948 = arith.constant 0 : i32
      %dma_wait3A_949 = arith.constant 0 : i32
      %dma_wait3A_950 = tpu.memref_slice %arg20[%dma_wait3A_948, %dma_wait3A_949] : memref<10240x128xf32, #tpu.memory_space<vmem_shared>> -> memref<10240x128xf32, #tpu.memory_space<vmem_shared>>
      tpu.wait_indirect_dma semaphore(%arg17 : memref<!tpu.dma_semaphore, #tpu.memory_space<semaphore_mem>>) src(%arg13 : memref<64x128xf32, #tpu.memory_space<vmem>>) dst(%dma_wait3A_950 : memref<10240x128xf32, #tpu.memory_space<vmem_shared>>)
      %convert_element_type3A_951 = arith.extui %lt3A_53 : i1 to i32
      %cond3A_952 = arith.constant 0 : i32
      %cond3A_953 = arith.cmpi ne, %convert_element_type3A_951, %cond3A_952 : i32
      scf.if %cond3A_953 {
        %dma_wait3A_1862 = arith.constant 0 : i32
        %dma_wait3A_1863 = arith.constant 0 : i32
        %dma_wait3A_1864 = tpu.memref_slice %arg3[%dma_wait3A_1862, %mul3A_0, %dma_wait3A_1863] : memref<2x2560x128xi32, #tpu.memory_space<hbm>> -> memref<1x16x128xi32, #tpu.memory_space<hbm>>
        %dma_wait3A_1865 = tpu.memref_squeeze %dma_wait3A_1864 : memref<1x16x128xi32, #tpu.memory_space<hbm>> -> memref<16x128xi32, #tpu.memory_space<hbm>>
        %dma_wait3A_1866 = arith.constant 0 : i32
        %dma_wait3A_1867 = tpu.memref_slice %arg3[%dma_wait3A_1862, %mul3A_0, %dma_wait3A_1866] : memref<2x2560x128xi32, #tpu.memory_space<hbm>> -> memref<1x16x128xi32, #tpu.memory_space<hbm>>
        %dma_wait3A_1868 = tpu.memref_squeeze %dma_wait3A_1867 : memref<1x16x128xi32, #tpu.memory_space<hbm>> -> memref<16x128xi32, #tpu.memory_space<hbm>>
        tpu.wait_dma2 semaphore(%arg19 : memref<!tpu.dma_semaphore, #tpu.memory_space<semaphore_mem>>) src(%dma_wait3A_1868 : memref<16x128xi32, #tpu.memory_space<hbm>>) dst(%arg7 : memref<16x128xi32, #tpu.memory_space<vmem>>)
        %dma_wait3A_1869 = arith.constant 1 : i32
        %dma_wait3A_1870 = arith.constant 0 : i32
        %dma_wait3A_1871 = tpu.memref_slice %arg3[%dma_wait3A_1869, %mul3A_0, %dma_wait3A_1870] : memref<2x2560x128xi32, #tpu.memory_space<hbm>> -> memref<1x16x128xi32, #tpu.memory_space<hbm>>
        %dma_wait3A_1872 = tpu.memref_squeeze %dma_wait3A_1871 : memref<1x16x128xi32, #tpu.memory_space<hbm>> -> memref<16x128xi32, #tpu.memory_space<hbm>>
        %dma_wait3A_1873 = arith.constant 0 : i32
        %dma_wait3A_1874 = tpu.memref_slice %arg3[%dma_wait3A_1869, %mul3A_0, %dma_wait3A_1873] : memref<2x2560x128xi32, #tpu.memory_space<hbm>> -> memref<1x16x128xi32, #tpu.memory_space<hbm>>
        %dma_wait3A_1875 = tpu.memref_squeeze %dma_wait3A_1874 : memref<1x16x128xi32, #tpu.memory_space<hbm>> -> memref<16x128xi32, #tpu.memory_space<hbm>>
        tpu.wait_dma2 semaphore(%arg19 : memref<!tpu.dma_semaphore, #tpu.memory_space<semaphore_mem>>) src(%dma_wait3A_1875 : memref<16x128xi32, #tpu.memory_space<hbm>>) dst(%arg9 : memref<16x128xi32, #tpu.memory_space<vmem>>)
        %scan3A_1876 = arith.constant 0 : i32
        %scan3A_1877 = arith.constant 16 : i32
        %scan3A_1878 = arith.addi %scan3A_1876, %scan3A_1877 : i32
        %scan3A_1879 = arith.constant 1 : i32
        scf.for %scan3A_1881 = %scan3A_1876 to %scan3A_1878 step %scan3A_1879  : i32 {
          %mul3A_1882 = arith.constant 1 : i32
          %mul3A_1883 = arith.muli %scan3A_1881, %mul3A_1882 : i32
          %add3A_1884 = arith.constant 0 : i32
          %add3A_1885 = arith.addi %add3A_1884, %mul3A_1883 : i32
          %get3A = arith.index_cast %add3A_1885 : i32 to index
          %get3A_1886 = arith.constant 0 : index
          %get3A_1887 = tpu.vector_load %arg7[%get3A, %get3A_1886] {strides = array<i32>} : memref<16x128xi32, #tpu.memory_space<vmem>>, vector<1x16xi32>,
          %get3A_1888 = vector.shape_cast %get3A_1887 : vector<1x16xi32> to vector<16xi32>
          %add3A_1889 = vector.broadcast %mul3A_2 : i32 to vector<16xi32>
          %add3A_1890 = arith.addi %get3A_1888, %add3A_1889 : vector<16xi32>
          %swap3A = arith.index_cast %add3A_1885 : i32 to index
          %swap3A_1891 = arith.constant 0 : index
          %swap3A_1892 = tpu.vector_load %arg7[%swap3A, %swap3A_1891] {strides = array<i32>} : memref<16x128xi32, #tpu.memory_space<vmem>>, vector<1x16xi32>,
          %swap3A_1893 = vector.shape_cast %swap3A_1892 : vector<1x16xi32> to vector<16xi32>
          %swap3A_1894 = vector.shape_cast %add3A_1890 : vector<16xi32> to vector<1x16xi32>
          tpu.vector_store %arg7[%swap3A, %swap3A_1891], %swap3A_1894 {strides = array<i32>} : memref<16x128xi32, #tpu.memory_space<vmem>>, vector<1x16xi32>,
          %get3A_1895 = arith.index_cast %add3A_1885 : i32 to index
          %get3A_1896 = arith.constant 16 : index
          %get3A_1897 = tpu.vector_load %arg7[%get3A_1895, %get3A_1896] {strides = array<i32>} : memref<16x128xi32, #tpu.memory_space<vmem>>, vector<1x16xi32>,
          %get3A_1898 = vector.shape_cast %get3A_1897 : vector<1x16xi32> to vector<16xi32>
          %add3A_1899 = vector.broadcast %mul3A_2 : i32 to vector<16xi32>
          %add3A_1900 = arith.addi %get3A_1898, %add3A_1899 : vector<16xi32>
          %swap3A_1901 = arith.index_cast %add3A_1885 : i32 to index
          %swap3A_1902 = arith.constant 16 : index
          %swap3A_1903 = tpu.vector_load %arg7[%swap3A_1901, %swap3A_1902] {strides = array<i32>} : memref<16x128xi32, #tpu.memory_space<vmem>>, vector<1x16xi32>,
          %swap3A_1904 = vector.shape_cast %swap3A_1903 : vector<1x16xi32> to vector<16xi32>
          %swap3A_1905 = vector.shape_cast %add3A_1900 : vector<16xi32> to vector<1x16xi32>
          tpu.vector_store %arg7[%swap3A_1901, %swap3A_1902], %swap3A_1905 {strides = array<i32>} : memref<16x128xi32, #tpu.memory_space<vmem>>, vector<1x16xi32>,
          %get3A_1906 = arith.index_cast %add3A_1885 : i32 to index
          %get3A_1907 = arith.constant 32 : index
          %get3A_1908 = tpu.vector_load %arg7[%get3A_1906, %get3A_1907] {strides = array<i32>} : memref<16x128xi32, #tpu.memory_space<vmem>>, vector<1x16xi32>,
          %get3A_1909 = vector.shape_cast %get3A_1908 : vector<1x16xi32> to vector<16xi32>
          %add3A_1910 = vector.broadcast %mul3A_2 : i32 to vector<16xi32>
          %add3A_1911 = arith.addi %get3A_1909, %add3A_1910 : vector<16xi32>
          %swap3A_1912 = arith.index_cast %add3A_1885 : i32 to index
          %swap3A_1913 = arith.constant 32 : index
          %swap3A_1914 = tpu.vector_load %arg7[%swap3A_1912, %swap3A_1913] {strides = array<i32>} : memref<16x128xi32, #tpu.memory_space<vmem>>, vector<1x16xi32>,
          %swap3A_1915 = vector.shape_cast %swap3A_1914 : vector<1x16xi32> to vector<16xi32>
          %swap3A_1916 = vector.shape_cast %add3A_1911 : vector<16xi32> to vector<1x16xi32>
          tpu.vector_store %arg7[%swap3A_1912, %swap3A_1913], %swap3A_1916 {strides = array<i32>} : memref<16x128xi32, #tpu.memory_space<vmem>>, vector<1x16xi32>,
          %get3A_1917 = arith.index_cast %add3A_1885 : i32 to index
          %get3A_1918 = arith.constant 48 : index
          %get3A_1919 = tpu.vector_load %arg7[%get3A_1917, %get3A_1918] {strides = array<i32>} : memref<16x128xi32, #tpu.memory_space<vmem>>, vector<1x16xi32>,
          %get3A_1920 = vector.shape_cast %get3A_1919 : vector<1x16xi32> to vector<16xi32>
          %add3A_1921 = vector.broadcast %mul3A_2 : i32 to vector<16xi32>
          %add3A_1922 = arith.addi %get3A_1920, %add3A_1921 : vector<16xi32>
          %swap3A_1923 = arith.index_cast %add3A_1885 : i32 to index
          %swap3A_1924 = arith.constant 48 : index
          %swap3A_1925 = tpu.vector_load %arg7[%swap3A_1923, %swap3A_1924] {strides = array<i32>} : memref<16x128xi32, #tpu.memory_space<vmem>>, vector<1x16xi32>,
          %swap3A_1926 = vector.shape_cast %swap3A_1925 : vector<1x16xi32> to vector<16xi32>
          %swap3A_1927 = vector.shape_cast %add3A_1922 : vector<16xi32> to vector<1x16xi32>
          tpu.vector_store %arg7[%swap3A_1923, %swap3A_1924], %swap3A_1927 {strides = array<i32>} : memref<16x128xi32, #tpu.memory_space<vmem>>, vector<1x16xi32>,
          %get3A_1928 = arith.index_cast %add3A_1885 : i32 to index
          %get3A_1929 = arith.constant 64 : index
          %get3A_1930 = tpu.vector_load %arg7[%get3A_1928, %get3A_1929] {strides = array<i32>} : memref<16x128xi32, #tpu.memory_space<vmem>>, vector<1x16xi32>,
          %get3A_1931 = vector.shape_cast %get3A_1930 : vector<1x16xi32> to vector<16xi32>
          %add3A_1932 = vector.broadcast %mul3A_2 : i32 to vector<16xi32>
          %add3A_1933 = arith.addi %get3A_1931, %add3A_1932 : vector<16xi32>
          %swap3A_1934 = arith.index_cast %add3A_1885 : i32 to index
          %swap3A_1935 = arith.constant 64 : index
          %swap3A_1936 = tpu.vector_load %arg7[%swap3A_1934, %swap3A_1935] {strides = array<i32>} : memref<16x128xi32, #tpu.memory_space<vmem>>, vector<1x16xi32>,
          %swap3A_1937 = vector.shape_cast %swap3A_1936 : vector<1x16xi32> to vector<16xi32>
          %swap3A_1938 = vector.shape_cast %add3A_1933 : vector<16xi32> to vector<1x16xi32>
          tpu.vector_store %arg7[%swap3A_1934, %swap3A_1935], %swap3A_1938 {strides = array<i32>} : memref<16x128xi32, #tpu.memory_space<vmem>>, vector<1x16xi32>,
          %get3A_1939 = arith.index_cast %add3A_1885 : i32 to index
          %get3A_1940 = arith.constant 80 : index
          %get3A_1941 = tpu.vector_load %arg7[%get3A_1939, %get3A_1940] {strides = array<i32>} : memref<16x128xi32, #tpu.memory_space<vmem>>, vector<1x16xi32>,
          %get3A_1942 = vector.shape_cast %get3A_1941 : vector<1x16xi32> to vector<16xi32>
          %add3A_1943 = vector.broadcast %mul3A_2 : i32 to vector<16xi32>
          %add3A_1944 = arith.addi %get3A_1942, %add3A_1943 : vector<16xi32>
          %swap3A_1945 = arith.index_cast %add3A_1885 : i32 to index
          %swap3A_1946 = arith.constant 80 : index
          %swap3A_1947 = tpu.vector_load %arg7[%swap3A_1945, %swap3A_1946] {strides = array<i32>} : memref<16x128xi32, #tpu.memory_space<vmem>>, vector<1x16xi32>,
          %swap3A_1948 = vector.shape_cast %swap3A_1947 : vector<1x16xi32> to vector<16xi32>
          %swap3A_1949 = vector.shape_cast %add3A_1944 : vector<16xi32> to vector<1x16xi32>
          tpu.vector_store %arg7[%swap3A_1945, %swap3A_1946], %swap3A_1949 {strides = array<i32>} : memref<16x128xi32, #tpu.memory_space<vmem>>, vector<1x16xi32>,
          %get3A_1950 = arith.index_cast %add3A_1885 : i32 to index
          %get3A_1951 = arith.constant 96 : index
          %get3A_1952 = tpu.vector_load %arg7[%get3A_1950, %get3A_1951] {strides = array<i32>} : memref<16x128xi32, #tpu.memory_space<vmem>>, vector<1x16xi32>,
          %get3A_1953 = vector.shape_cast %get3A_1952 : vector<1x16xi32> to vector<16xi32>
          %add3A_1954 = vector.broadcast %mul3A_2 : i32 to vector<16xi32>
          %add3A_1955 = arith.addi %get3A_1953, %add3A_1954 : vector<16xi32>
          %swap3A_1956 = arith.index_cast %add3A_1885 : i32 to index
          %swap3A_1957 = arith.constant 96 : index
          %swap3A_1958 = tpu.vector_load %arg7[%swap3A_1956, %swap3A_1957] {strides = array<i32>} : memref<16x128xi32, #tpu.memory_space<vmem>>, vector<1x16xi32>,
          %swap3A_1959 = vector.shape_cast %swap3A_1958 : vector<1x16xi32> to vector<16xi32>
          %swap3A_1960 = vector.shape_cast %add3A_1955 : vector<16xi32> to vector<1x16xi32>
          tpu.vector_store %arg7[%swap3A_1956, %swap3A_1957], %swap3A_1960 {strides = array<i32>} : memref<16x128xi32, #tpu.memory_space<vmem>>, vector<1x16xi32>,
          %get3A_1961 = arith.index_cast %add3A_1885 : i32 to index
          %get3A_1962 = arith.constant 112 : index
          %get3A_1963 = tpu.vector_load %arg7[%get3A_1961, %get3A_1962] {strides = array<i32>} : memref<16x128xi32, #tpu.memory_space<vmem>>, vector<1x16xi32>,
          %get3A_1964 = vector.shape_cast %get3A_1963 : vector<1x16xi32> to vector<16xi32>
          %add3A_1965 = vector.broadcast %mul3A_2 : i32 to vector<16xi32>
          %add3A_1966 = arith.addi %get3A_1964, %add3A_1965 : vector<16xi32>
          %swap3A_1967 = arith.index_cast %add3A_1885 : i32 to index
          %swap3A_1968 = arith.constant 112 : index
          %swap3A_1969 = tpu.vector_load %arg7[%swap3A_1967, %swap3A_1968] {strides = array<i32>} : memref<16x128xi32, #tpu.memory_space<vmem>>, vector<1x16xi32>,
          %swap3A_1970 = vector.shape_cast %swap3A_1969 : vector<1x16xi32> to vector<16xi32>
          %swap3A_1971 = vector.shape_cast %add3A_1966 : vector<16xi32> to vector<1x16xi32>
          tpu.vector_store %arg7[%swap3A_1967, %swap3A_1968], %swap3A_1971 {strides = array<i32>} : memref<16x128xi32, #tpu.memory_space<vmem>>, vector<1x16xi32>,
        }
        %scan3A_1880 = arith.constant 16 : i32
      } else {
      }
      %add3A_954 = arith.constant 1 : i32
      %add3A_955 = arith.addi %mul3A_50, %add3A_954 : i32
      %add3A_956 = arith.constant 2 : i32
      %add3A_957 = arith.addi %mul3A_50, %add3A_956 : i32
      %lt3A_958 = arith.constant 10 : i32
      %lt3A_959 = arith.cmpi slt, %add3A_957, %lt3A_958 : i32
      %convert_element_type3A_960 = arith.extui %lt3A_959 : i1 to i32
      %cond3A_961 = arith.constant 0 : i32
      %cond3A_962 = arith.cmpi ne, %convert_element_type3A_960, %cond3A_961 : i32
      scf.if %cond3A_962 {
        %add3A_1862 = arith.constant 1 : i32
        %add3A_1863 = arith.addi %add3A_955, %add3A_1862 : i32
        %mul3A_1864 = arith.constant 16 : i32
        %mul3A_1865 = arith.muli %add3A_1863, %mul3A_1864 : i32
        %add3A_1866 = arith.addi %mul3A_0, %mul3A_1865 : i32
        %dma_start3A_1867 = arith.constant 0 : i32
        %dma_start3A_1868 = arith.constant 0 : i32
        %dma_start3A_1869 = tpu.memref_slice %arg3[%dma_start3A_1867, %add3A_1866, %dma_start3A_1868] : memref<2x2560x128xi32, #tpu.memory_space<hbm>> -> memref<1x16x128xi32, #tpu.memory_space<hbm>>
        %dma_start3A_1870 = tpu.memref_squeeze %dma_start3A_1869 : memref<1x16x128xi32, #tpu.memory_space<hbm>> -> memref<16x128xi32, #tpu.memory_space<hbm>>
        %dma_start3A_1871 = arith.constant 0 : i32
        %dma_start3A_1872 = tpu.memref_slice %arg3[%dma_start3A_1867, %add3A_1866, %dma_start3A_1871] : memref<2x2560x128xi32, #tpu.memory_space<hbm>> -> memref<1x16x128xi32, #tpu.memory_space<hbm>>
        %dma_start3A_1873 = tpu.memref_squeeze %dma_start3A_1872 : memref<1x16x128xi32, #tpu.memory_space<hbm>> -> memref<16x128xi32, #tpu.memory_space<hbm>>
        tpu.enqueue_dma source(%dma_start3A_1873 : memref<16x128xi32, #tpu.memory_space<hbm>>) target(%arg6 : memref<16x128xi32, #tpu.memory_space<vmem>>) target_semaphore(%arg18 : memref<!tpu.dma_semaphore, #tpu.memory_space<semaphore_mem>>)
        %add3A_1874 = arith.constant 1 : i32
        %add3A_1875 = arith.addi %add3A_955, %add3A_1874 : i32
        %mul3A_1876 = arith.constant 16 : i32
        %mul3A_1877 = arith.muli %add3A_1875, %mul3A_1876 : i32
        %add3A_1878 = arith.addi %mul3A_0, %mul3A_1877 : i32
        %dma_start3A_1879 = arith.constant 1 : i32
        %dma_start3A_1880 = arith.constant 0 : i32
        %dma_start3A_1881 = tpu.memref_slice %arg3[%dma_start3A_1879, %add3A_1878, %dma_start3A_1880] : memref<2x2560x128xi32, #tpu.memory_space<hbm>> -> memref<1x16x128xi32, #tpu.memory_space<hbm>>
        %dma_start3A_1882 = tpu.memref_squeeze %dma_start3A_1881 : memref<1x16x128xi32, #tpu.memory_space<hbm>> -> memref<16x128xi32, #tpu.memory_space<hbm>>
        %dma_start3A_1883 = arith.constant 0 : i32
        %dma_start3A_1884 = tpu.memref_slice %arg3[%dma_start3A_1879, %add3A_1878, %dma_start3A_1883] : memref<2x2560x128xi32, #tpu.memory_space<hbm>> -> memref<1x16x128xi32, #tpu.memory_space<hbm>>
        %dma_start3A_1885 = tpu.memref_squeeze %dma_start3A_1884 : memref<1x16x128xi32, #tpu.memory_space<hbm>> -> memref<16x128xi32, #tpu.memory_space<hbm>>
        tpu.enqueue_dma source(%dma_start3A_1885 : memref<16x128xi32, #tpu.memory_space<hbm>>) target(%arg8 : memref<16x128xi32, #tpu.memory_space<vmem>>) target_semaphore(%arg18 : memref<!tpu.dma_semaphore, #tpu.memory_space<semaphore_mem>>)
      } else {
      }
      %dma_start3A_963 = arith.constant 0 : i32
      %dma_start3A_964 = arith.constant 0 : i32
      %dma_start3A_965 = tpu.memref_slice %arg7[%dma_start3A_963, %dma_start3A_964] : memref<16x128xi32, #tpu.memory_space<vmem>> -> memref<1x64xi32, #tpu.memory_space<vmem>>
      %dma_start3A_966 = tpu.memref_squeeze %dma_start3A_965 : memref<1x64xi32, #tpu.memory_space<vmem>> -> memref<64xi32, #tpu.memory_space<vmem>>
      %dma_start3A_967 = arith.constant 0 : i32
      %dma_start3A_968 = arith.constant 0 : i32
      %dma_start3A_969 = tpu.memref_slice %arg2[%dma_start3A_967, %dma_start3A_968] : memref<20480x128xf32, #tpu.memory_space<hbm>> -> memref<20480x128xf32, #tpu.memory_space<hbm>>
      tpu.enqueue_indirect_dma source(%dma_start3A_969 : memref<20480x128xf32, #tpu.memory_space<hbm>>) target(%arg10 : memref<64x128xf32, #tpu.memory_space<vmem>>) offsets(%dma_start3A_966 : memref<64xi32, #tpu.memory_space<vmem>>) semaphore(%arg14 : memref<!tpu.dma_semaphore, #tpu.memory_space<semaphore_mem>>)
      %dma_start3A_970 = arith.constant 0 : i32
      %dma_start3A_971 = arith.constant 64 : i32
      %dma_start3A_972 = tpu.memref_slice %arg7[%dma_start3A_970, %dma_start3A_971] : memref<16x128xi32, #tpu.memory_space<vmem>> -> memref<1x64xi32, #tpu.memory_space<vmem>>
      %dma_start3A_973 = tpu.memref_squeeze %dma_start3A_972 : memref<1x64xi32, #tpu.memory_space<vmem>> -> memref<64xi32, #tpu.memory_space<vmem>>
      %dma_start3A_974 = arith.constant 0 : i32
      %dma_start3A_975 = arith.constant 0 : i32
      %dma_start3A_976 = tpu.memref_slice %arg2[%dma_start3A_974, %dma_start3A_975] : memref<20480x128xf32, #tpu.memory_space<hbm>> -> memref<20480x128xf32, #tpu.memory_space<hbm>>
      tpu.enqueue_indirect_dma source(%dma_start3A_976 : memref<20480x128xf32, #tpu.memory_space<hbm>>) target(%arg11 : memref<64x128xf32, #tpu.memory_space<vmem>>) offsets(%dma_start3A_973 : memref<64xi32, #tpu.memory_space<vmem>>) semaphore(%arg15 : memref<!tpu.dma_semaphore, #tpu.memory_space<semaphore_mem>>)
      %dma_start3A_977 = arith.constant 1 : i32
      %dma_start3A_978 = arith.constant 0 : i32
      %dma_start3A_979 = tpu.memref_slice %arg7[%dma_start3A_977, %dma_start3A_978] : memref<16x128xi32, #tpu.memory_space<vmem>> -> memref<1x64xi32, #tpu.memory_space<vmem>>
      %dma_start3A_980 = tpu.memref_squeeze %dma_start3A_979 : memref<1x64xi32, #tpu.memory_space<vmem>> -> memref<64xi32, #tpu.memory_space<vmem>>
      %dma_start3A_981 = arith.constant 0 : i32
      %dma_start3A_982 = arith.constant 0 : i32
      %dma_start3A_983 = tpu.memref_slice %arg2[%dma_start3A_981, %dma_start3A_982] : memref<20480x128xf32, #tpu.memory_space<hbm>> -> memref<20480x128xf32, #tpu.memory_space<hbm>>
      tpu.enqueue_indirect_dma source(%dma_start3A_983 : memref<20480x128xf32, #tpu.memory_space<hbm>>) target(%arg12 : memref<64x128xf32, #tpu.memory_space<vmem>>) offsets(%dma_start3A_980 : memref<64xi32, #tpu.memory_space<vmem>>) semaphore(%arg16 : memref<!tpu.dma_semaphore, #tpu.memory_space<semaphore_mem>>)
      %dma_start3A_984 = arith.constant 1 : i32
      %dma_start3A_985 = arith.constant 64 : i32
      %dma_start3A_986 = tpu.memref_slice %arg7[%dma_start3A_984, %dma_start3A_985] : memref<16x128xi32, #tpu.memory_space<vmem>> -> memref<1x64xi32, #tpu.memory_space<vmem>>
      %dma_start3A_987 = tpu.memref_squeeze %dma_start3A_986 : memref<1x64xi32, #tpu.memory_space<vmem>> -> memref<64xi32, #tpu.memory_space<vmem>>
      %dma_start3A_988 = arith.constant 0 : i32
      %dma_start3A_989 = arith.constant 0 : i32
      %dma_start3A_990 = tpu.memref_slice %arg2[%dma_start3A_988, %dma_start3A_989] : memref<20480x128xf32, #tpu.memory_space<hbm>> -> memref<20480x128xf32, #tpu.memory_space<hbm>>
      tpu.enqueue_indirect_dma source(%dma_start3A_990 : memref<20480x128xf32, #tpu.memory_space<hbm>>) target(%arg13 : memref<64x128xf32, #tpu.memory_space<vmem>>) offsets(%dma_start3A_987 : memref<64xi32, #tpu.memory_space<vmem>>) semaphore(%arg17 : memref<!tpu.dma_semaphore, #tpu.memory_space<semaphore_mem>>)
      %dma_wait3A_991 = arith.constant 0 : i32
      %dma_wait3A_992 = arith.constant 0 : i32
      %dma_wait3A_993 = tpu.memref_slice %arg7[%dma_wait3A_991, %dma_wait3A_992] : memref<16x128xi32, #tpu.memory_space<vmem>> -> memref<1x64xi32, #tpu.memory_space<vmem>>
      %dma_wait3A_994 = tpu.memref_squeeze %dma_wait3A_993 : memref<1x64xi32, #tpu.memory_space<vmem>> -> memref<64xi32, #tpu.memory_space<vmem>>
      %dma_wait3A_995 = arith.constant 0 : i32
      %dma_wait3A_996 = arith.constant 0 : i32
      %dma_wait3A_997 = tpu.memref_slice %arg2[%dma_wait3A_995, %dma_wait3A_996] : memref<20480x128xf32, #tpu.memory_space<hbm>> -> memref<20480x128xf32, #tpu.memory_space<hbm>>
      tpu.wait_indirect_dma semaphore(%arg14 : memref<!tpu.dma_semaphore, #tpu.memory_space<semaphore_mem>>) src(%dma_wait3A_997 : memref<20480x128xf32, #tpu.memory_space<hbm>>) dst(%arg10 : memref<64x128xf32, #tpu.memory_space<vmem>>)
      %dma_start3A_998 = arith.constant 0 : i32
      %dma_start3A_999 = arith.constant 0 : i32
      %dma_start3A_1000 = tpu.memref_slice %arg9[%dma_start3A_998, %dma_start3A_999] : memref<16x128xi32, #tpu.memory_space<vmem>> -> memref<1x64xi32, #tpu.memory_space<vmem>>
      %dma_start3A_1001 = tpu.memref_squeeze %dma_start3A_1000 : memref<1x64xi32, #tpu.memory_space<vmem>> -> memref<64xi32, #tpu.memory_space<vmem>>
      %dma_start3A_1002 = arith.constant 0 : i32
      %dma_start3A_1003 = arith.constant 0 : i32
      %dma_start3A_1004 = tpu.memref_slice %arg20[%dma_start3A_1002, %dma_start3A_1003] : memref<10240x128xf32, #tpu.memory_space<vmem_shared>> -> memref<10240x128xf32, #tpu.memory_space<vmem_shared>>
      tpu.enqueue_indirect_dma source(%arg10 : memref<64x128xf32, #tpu.memory_space<vmem>>) target(%dma_start3A_1004 : memref<10240x128xf32, #tpu.memory_space<vmem_shared>>) offsets(%dma_start3A_1001 : memref<64xi32, #tpu.memory_space<vmem>>) semaphore(%arg14 : memref<!tpu.dma_semaphore, #tpu.memory_space<semaphore_mem>>) {add = true}
      %dma_wait3A_1005 = arith.constant 0 : i32
      %dma_wait3A_1006 = arith.constant 0 : i32
      %dma_wait3A_1007 = tpu.memref_slice %arg9[%dma_wait3A_1005, %dma_wait3A_1006] : memref<16x128xi32, #tpu.memory_space<vmem>> -> memref<1x64xi32, #tpu.memory_space<vmem>>
      %dma_wait3A_1008 = tpu.memref_squeeze %dma_wait3A_1007 : memref<1x64xi32, #tpu.memory_space<vmem>> -> memref<64xi32, #tpu.memory_space<vmem>>
      %dma_wait3A_1009 = arith.constant 0 : i32
      %dma_wait3A_1010 = arith.constant 0 : i32
      %dma_wait3A_1011 = tpu.memref_slice %arg20[%dma_wait3A_1009, %dma_wait3A_1010] : memref<10240x128xf32, #tpu.memory_space<vmem_shared>> -> memref<10240x128xf32, #tpu.memory_space<vmem_shared>>
      tpu.wait_indirect_dma semaphore(%arg14 : memref<!tpu.dma_semaphore, #tpu.memory_space<semaphore_mem>>) src(%arg10 : memref<64x128xf32, #tpu.memory_space<vmem>>) dst(%dma_wait3A_1011 : memref<10240x128xf32, #tpu.memory_space<vmem_shared>>)
      %dma_start3A_1012 = arith.constant 2 : i32
      %dma_start3A_1013 = arith.constant 0 : i32
      %dma_start3A_1014 = tpu.memref_slice %arg7[%dma_start3A_1012, %dma_start3A_1013] : memref<16x128xi32, #tpu.memory_space<vmem>> -> memref<1x64xi32, #tpu.memory_space<vmem>>
      %dma_start3A_1015 = tpu.memref_squeeze %dma_start3A_1014 : memref<1x64xi32, #tpu.memory_space<vmem>> -> memref<64xi32, #tpu.memory_space<vmem>>
      %dma_start3A_1016 = arith.constant 0 : i32
      %dma_start3A_1017 = arith.constant 0 : i32
      %dma_start3A_1018 = tpu.memref_slice %arg2[%dma_start3A_1016, %dma_start3A_1017] : memref<20480x128xf32, #tpu.memory_space<hbm>> -> memref<20480x128xf32, #tpu.memory_space<hbm>>
      tpu.enqueue_indirect_dma source(%dma_start3A_1018 : memref<20480x128xf32, #tpu.memory_space<hbm>>) target(%arg10 : memref<64x128xf32, #tpu.memory_space<vmem>>) offsets(%dma_start3A_1015 : memref<64xi32, #tpu.memory_space<vmem>>) semaphore(%arg14 : memref<!tpu.dma_semaphore, #tpu.memory_space<semaphore_mem>>)
      %dma_wait3A_1019 = arith.constant 0 : i32
      %dma_wait3A_1020 = arith.constant 0 : i32
      %dma_wait3A_1021 = tpu.memref_slice %arg7[%dma_wait3A_1019, %dma_wait3A_1020] : memref<16x128xi32, #tpu.memory_space<vmem>> -> memref<1x64xi32, #tpu.memory_space<vmem>>
      %dma_wait3A_1022 = tpu.memref_squeeze %dma_wait3A_1021 : memref<1x64xi32, #tpu.memory_space<vmem>> -> memref<64xi32, #tpu.memory_space<vmem>>
      %dma_wait3A_1023 = arith.constant 0 : i32
      %dma_wait3A_1024 = arith.constant 0 : i32
      %dma_wait3A_1025 = tpu.memref_slice %arg2[%dma_wait3A_1023, %dma_wait3A_1024] : memref<20480x128xf32, #tpu.memory_space<hbm>> -> memref<20480x128xf32, #tpu.memory_space<hbm>>
      tpu.wait_indirect_dma semaphore(%arg15 : memref<!tpu.dma_semaphore, #tpu.memory_space<semaphore_mem>>) src(%dma_wait3A_1025 : memref<20480x128xf32, #tpu.memory_space<hbm>>) dst(%arg11 : memref<64x128xf32, #tpu.memory_space<vmem>>)
      %dma_start3A_1026 = arith.constant 0 : i32
      %dma_start3A_1027 = arith.constant 64 : i32
      %dma_start3A_1028 = tpu.memref_slice %arg9[%dma_start3A_1026, %dma_start3A_1027] : memref<16x128xi32, #tpu.memory_space<vmem>> -> memref<1x64xi32, #tpu.memory_space<vmem>>
      %dma_start3A_1029 = tpu.memref_squeeze %dma_start3A_1028 : memref<1x64xi32, #tpu.memory_space<vmem>> -> memref<64xi32, #tpu.memory_space<vmem>>
      %dma_start3A_1030 = arith.constant 0 : i32
      %dma_start3A_1031 = arith.constant 0 : i32
      %dma_start3A_1032 = tpu.memref_slice %arg20[%dma_start3A_1030, %dma_start3A_1031] : memref<10240x128xf32, #tpu.memory_space<vmem_shared>> -> memref<10240x128xf32, #tpu.memory_space<vmem_shared>>
      tpu.enqueue_indirect_dma source(%arg11 : memref<64x128xf32, #tpu.memory_space<vmem>>) target(%dma_start3A_1032 : memref<10240x128xf32, #tpu.memory_space<vmem_shared>>) offsets(%dma_start3A_1029 : memref<64xi32, #tpu.memory_space<vmem>>) semaphore(%arg15 : memref<!tpu.dma_semaphore, #tpu.memory_space<semaphore_mem>>) {add = true}
      %dma_wait3A_1033 = arith.constant 0 : i32
      %dma_wait3A_1034 = arith.constant 0 : i32
      %dma_wait3A_1035 = tpu.memref_slice %arg9[%dma_wait3A_1033, %dma_wait3A_1034] : memref<16x128xi32, #tpu.memory_space<vmem>> -> memref<1x64xi32, #tpu.memory_space<vmem>>
      %dma_wait3A_1036 = tpu.memref_squeeze %dma_wait3A_1035 : memref<1x64xi32, #tpu.memory_space<vmem>> -> memref<64xi32, #tpu.memory_space<vmem>>
      %dma_wait3A_1037 = arith.constant 0 : i32
      %dma_wait3A_1038 = arith.constant 0 : i32
      %dma_wait3A_1039 = tpu.memref_slice %arg20[%dma_wait3A_1037, %dma_wait3A_1038] : memref<10240x128xf32, #tpu.memory_space<vmem_shared>> -> memref<10240x128xf32, #tpu.memory_space<vmem_shared>>
      tpu.wait_indirect_dma semaphore(%arg15 : memref<!tpu.dma_semaphore, #tpu.memory_space<semaphore_mem>>) src(%arg11 : memref<64x128xf32, #tpu.memory_space<vmem>>) dst(%dma_wait3A_1039 : memref<10240x128xf32, #tpu.memory_space<vmem_shared>>)
      %dma_start3A_1040 = arith.constant 2 : i32
      %dma_start3A_1041 = arith.constant 64 : i32
      %dma_start3A_1042 = tpu.memref_slice %arg7[%dma_start3A_1040, %dma_start3A_1041] : memref<16x128xi32, #tpu.memory_space<vmem>> -> memref<1x64xi32, #tpu.memory_space<vmem>>
      %dma_start3A_1043 = tpu.memref_squeeze %dma_start3A_1042 : memref<1x64xi32, #tpu.memory_space<vmem>> -> memref<64xi32, #tpu.memory_space<vmem>>
      %dma_start3A_1044 = arith.constant 0 : i32
      %dma_start3A_1045 = arith.constant 0 : i32
      %dma_start3A_1046 = tpu.memref_slice %arg2[%dma_start3A_1044, %dma_start3A_1045] : memref<20480x128xf32, #tpu.memory_space<hbm>> -> memref<20480x128xf32, #tpu.memory_space<hbm>>
      tpu.enqueue_indirect_dma source(%dma_start3A_1046 : memref<20480x128xf32, #tpu.memory_space<hbm>>) target(%arg11 : memref<64x128xf32, #tpu.memory_space<vmem>>) offsets(%dma_start3A_1043 : memref<64xi32, #tpu.memory_space<vmem>>) semaphore(%arg15 : memref<!tpu.dma_semaphore, #tpu.memory_space<semaphore_mem>>)
      %dma_wait3A_1047 = arith.constant 0 : i32
      %dma_wait3A_1048 = arith.constant 0 : i32
      %dma_wait3A_1049 = tpu.memref_slice %arg7[%dma_wait3A_1047, %dma_wait3A_1048] : memref<16x128xi32, #tpu.memory_space<vmem>> -> memref<1x64xi32, #tpu.memory_space<vmem>>
      %dma_wait3A_1050 = tpu.memref_squeeze %dma_wait3A_1049 : memref<1x64xi32, #tpu.memory_space<vmem>> -> memref<64xi32, #tpu.memory_space<vmem>>
      %dma_wait3A_1051 = arith.constant 0 : i32
      %dma_wait3A_1052 = arith.constant 0 : i32
      %dma_wait3A_1053 = tpu.memref_slice %arg2[%dma_wait3A_1051, %dma_wait3A_1052] : memref<20480x128xf32, #tpu.memory_space<hbm>> -> memref<20480x128xf32, #tpu.memory_space<hbm>>
      tpu.wait_indirect_dma semaphore(%arg16 : memref<!tpu.dma_semaphore, #tpu.memory_space<semaphore_mem>>) src(%dma_wait3A_1053 : memref<20480x128xf32, #tpu.memory_space<hbm>>) dst(%arg12 : memref<64x128xf32, #tpu.memory_space<vmem>>)
      %dma_start3A_1054 = arith.constant 1 : i32
      %dma_start3A_1055 = arith.constant 0 : i32
      %dma_start3A_1056 = tpu.memref_slice %arg9[%dma_start3A_1054, %dma_start3A_1055] : memref<16x128xi32, #tpu.memory_space<vmem>> -> memref<1x64xi32, #tpu.memory_space<vmem>>
      %dma_start3A_1057 = tpu.memref_squeeze %dma_start3A_1056 : memref<1x64xi32, #tpu.memory_space<vmem>> -> memref<64xi32, #tpu.memory_space<vmem>>
      %dma_start3A_1058 = arith.constant 0 : i32
      %dma_start3A_1059 = arith.constant 0 : i32
      %dma_start3A_1060 = tpu.memref_slice %arg20[%dma_start3A_1058, %dma_start3A_1059] : memref<10240x128xf32, #tpu.memory_space<vmem_shared>> -> memref<10240x128xf32, #tpu.memory_space<vmem_shared>>
      tpu.enqueue_indirect_dma source(%arg12 : memref<64x128xf32, #tpu.memory_space<vmem>>) target(%dma_start3A_1060 : memref<10240x128xf32, #tpu.memory_space<vmem_shared>>) offsets(%dma_start3A_1057 : memref<64xi32, #tpu.memory_space<vmem>>) semaphore(%arg16 : memref<!tpu.dma_semaphore, #tpu.memory_space<semaphore_mem>>) {add = true}
      %dma_wait3A_1061 = arith.constant 0 : i32
      %dma_wait3A_1062 = arith.constant 0 : i32
      %dma_wait3A_1063 = tpu.memref_slice %arg9[%dma_wait3A_1061, %dma_wait3A_1062] : memref<16x128xi32, #tpu.memory_space<vmem>> -> memref<1x64xi32, #tpu.memory_space<vmem>>
      %dma_wait3A_1064 = tpu.memref_squeeze %dma_wait3A_1063 : memref<1x64xi32, #tpu.memory_space<vmem>> -> memref<64xi32, #tpu.memory_space<vmem>>
      %dma_wait3A_1065 = arith.constant 0 : i32
      %dma_wait3A_1066 = arith.constant 0 : i32
      %dma_wait3A_1067 = tpu.memref_slice %arg20[%dma_wait3A_1065, %dma_wait3A_1066] : memref<10240x128xf32, #tpu.memory_space<vmem_shared>> -> memref<10240x128xf32, #tpu.memory_space<vmem_shared>>
      tpu.wait_indirect_dma semaphore(%arg16 : memref<!tpu.dma_semaphore, #tpu.memory_space<semaphore_mem>>) src(%arg12 : memref<64x128xf32, #tpu.memory_space<vmem>>) dst(%dma_wait3A_1067 : memref<10240x128xf32, #tpu.memory_space<vmem_shared>>)
      %dma_start3A_1068 = arith.constant 3 : i32
      %dma_start3A_1069 = arith.constant 0 : i32
      %dma_start3A_1070 = tpu.memref_slice %arg7[%dma_start3A_1068, %dma_start3A_1069] : memref<16x128xi32, #tpu.memory_space<vmem>> -> memref<1x64xi32, #tpu.memory_space<vmem>>
      %dma_start3A_1071 = tpu.memref_squeeze %dma_start3A_1070 : memref<1x64xi32, #tpu.memory_space<vmem>> -> memref<64xi32, #tpu.memory_space<vmem>>
      %dma_start3A_1072 = arith.constant 0 : i32
      %dma_start3A_1073 = arith.constant 0 : i32
      %dma_start3A_1074 = tpu.memref_slice %arg2[%dma_start3A_1072, %dma_start3A_1073] : memref<20480x128xf32, #tpu.memory_space<hbm>> -> memref<20480x128xf32, #tpu.memory_space<hbm>>
      tpu.enqueue_indirect_dma source(%dma_start3A_1074 : memref<20480x128xf32, #tpu.memory_space<hbm>>) target(%arg12 : memref<64x128xf32, #tpu.memory_space<vmem>>) offsets(%dma_start3A_1071 : memref<64xi32, #tpu.memory_space<vmem>>) semaphore(%arg16 : memref<!tpu.dma_semaphore, #tpu.memory_space<semaphore_mem>>)
      %dma_wait3A_1075 = arith.constant 0 : i32
      %dma_wait3A_1076 = arith.constant 0 : i32
      %dma_wait3A_1077 = tpu.memref_slice %arg7[%dma_wait3A_1075, %dma_wait3A_1076] : memref<16x128xi32, #tpu.memory_space<vmem>> -> memref<1x64xi32, #tpu.memory_space<vmem>>
      %dma_wait3A_1078 = tpu.memref_squeeze %dma_wait3A_1077 : memref<1x64xi32, #tpu.memory_space<vmem>> -> memref<64xi32, #tpu.memory_space<vmem>>
      %dma_wait3A_1079 = arith.constant 0 : i32
      %dma_wait3A_1080 = arith.constant 0 : i32
      %dma_wait3A_1081 = tpu.memref_slice %arg2[%dma_wait3A_1079, %dma_wait3A_1080] : memref<20480x128xf32, #tpu.memory_space<hbm>> -> memref<20480x128xf32, #tpu.memory_space<hbm>>
      tpu.wait_indirect_dma semaphore(%arg17 : memref<!tpu.dma_semaphore, #tpu.memory_space<semaphore_mem>>) src(%dma_wait3A_1081 : memref<20480x128xf32, #tpu.memory_space<hbm>>) dst(%arg13 : memref<64x128xf32, #tpu.memory_space<vmem>>)
      %dma_start3A_1082 = arith.constant 1 : i32
      %dma_start3A_1083 = arith.constant 64 : i32
      %dma_start3A_1084 = tpu.memref_slice %arg9[%dma_start3A_1082, %dma_start3A_1083] : memref<16x128xi32, #tpu.memory_space<vmem>> -> memref<1x64xi32, #tpu.memory_space<vmem>>
      %dma_start3A_1085 = tpu.memref_squeeze %dma_start3A_1084 : memref<1x64xi32, #tpu.memory_space<vmem>> -> memref<64xi32, #tpu.memory_space<vmem>>
      %dma_start3A_1086 = arith.constant 0 : i32
      %dma_start3A_1087 = arith.constant 0 : i32
      %dma_start3A_1088 = tpu.memref_slice %arg20[%dma_start3A_1086, %dma_start3A_1087] : memref<10240x128xf32, #tpu.memory_space<vmem_shared>> -> memref<10240x128xf32, #tpu.memory_space<vmem_shared>>
      tpu.enqueue_indirect_dma source(%arg13 : memref<64x128xf32, #tpu.memory_space<vmem>>) target(%dma_start3A_1088 : memref<10240x128xf32, #tpu.memory_space<vmem_shared>>) offsets(%dma_start3A_1085 : memref<64xi32, #tpu.memory_space<vmem>>) semaphore(%arg17 : memref<!tpu.dma_semaphore, #tpu.memory_space<semaphore_mem>>) {add = true}
      %dma_wait3A_1089 = arith.constant 0 : i32
      %dma_wait3A_1090 = arith.constant 0 : i32
      %dma_wait3A_1091 = tpu.memref_slice %arg9[%dma_wait3A_1089, %dma_wait3A_1090] : memref<16x128xi32, #tpu.memory_space<vmem>> -> memref<1x64xi32, #tpu.memory_space<vmem>>
      %dma_wait3A_1092 = tpu.memref_squeeze %dma_wait3A_1091 : memref<1x64xi32, #tpu.memory_space<vmem>> -> memref<64xi32, #tpu.memory_space<vmem>>
      %dma_wait3A_1093 = arith.constant 0 : i32
      %dma_wait3A_1094 = arith.constant 0 : i32
      %dma_wait3A_1095 = tpu.memref_slice %arg20[%dma_wait3A_1093, %dma_wait3A_1094] : memref<10240x128xf32, #tpu.memory_space<vmem_shared>> -> memref<10240x128xf32, #tpu.memory_space<vmem_shared>>
      tpu.wait_indirect_dma semaphore(%arg17 : memref<!tpu.dma_semaphore, #tpu.memory_space<semaphore_mem>>) src(%arg13 : memref<64x128xf32, #tpu.memory_space<vmem>>) dst(%dma_wait3A_1095 : memref<10240x128xf32, #tpu.memory_space<vmem_shared>>)
      %dma_start3A_1096 = arith.constant 3 : i32
      %dma_start3A_1097 = arith.constant 64 : i32
      %dma_start3A_1098 = tpu.memref_slice %arg7[%dma_start3A_1096, %dma_start3A_1097] : memref<16x128xi32, #tpu.memory_space<vmem>> -> memref<1x64xi32, #tpu.memory_space<vmem>>
      %dma_start3A_1099 = tpu.memref_squeeze %dma_start3A_1098 : memref<1x64xi32, #tpu.memory_space<vmem>> -> memref<64xi32, #tpu.memory_space<vmem>>
      %dma_start3A_1100 = arith.constant 0 : i32
      %dma_start3A_1101 = arith.constant 0 : i32
      %dma_start3A_1102 = tpu.memref_slice %arg2[%dma_start3A_1100, %dma_start3A_1101] : memref<20480x128xf32, #tpu.memory_space<hbm>> -> memref<20480x128xf32, #tpu.memory_space<hbm>>
      tpu.enqueue_indirect_dma source(%dma_start3A_1102 : memref<20480x128xf32, #tpu.memory_space<hbm>>) target(%arg13 : memref<64x128xf32, #tpu.memory_space<vmem>>) offsets(%dma_start3A_1099 : memref<64xi32, #tpu.memory_space<vmem>>) semaphore(%arg17 : memref<!tpu.dma_semaphore, #tpu.memory_space<semaphore_mem>>)
      %dma_wait3A_1103 = arith.constant 0 : i32
      %dma_wait3A_1104 = arith.constant 0 : i32
      %dma_wait3A_1105 = tpu.memref_slice %arg7[%dma_wait3A_1103, %dma_wait3A_1104] : memref<16x128xi32, #tpu.memory_space<vmem>> -> memref<1x64xi32, #tpu.memory_space<vmem>>
      %dma_wait3A_1106 = tpu.memref_squeeze %dma_wait3A_1105 : memref<1x64xi32, #tpu.memory_space<vmem>> -> memref<64xi32, #tpu.memory_space<vmem>>
      %dma_wait3A_1107 = arith.constant 0 : i32
      %dma_wait3A_1108 = arith.constant 0 : i32
      %dma_wait3A_1109 = tpu.memref_slice %arg2[%dma_wait3A_1107, %dma_wait3A_1108] : memref<20480x128xf32, #tpu.memory_space<hbm>> -> memref<20480x128xf32, #tpu.memory_space<hbm>>
      tpu.wait_indirect_dma semaphore(%arg14 : memref<!tpu.dma_semaphore, #tpu.memory_space<semaphore_mem>>) src(%dma_wait3A_1109 : memref<20480x128xf32, #tpu.memory_space<hbm>>) dst(%arg10 : memref<64x128xf32, #tpu.memory_space<vmem>>)
      %dma_start3A_1110 = arith.constant 2 : i32
      %dma_start3A_1111 = arith.constant 0 : i32
      %dma_start3A_1112 = tpu.memref_slice %arg9[%dma_start3A_1110, %dma_start3A_1111] : memref<16x128xi32, #tpu.memory_space<vmem>> -> memref<1x64xi32, #tpu.memory_space<vmem>>
      %dma_start3A_1113 = tpu.memref_squeeze %dma_start3A_1112 : memref<1x64xi32, #tpu.memory_space<vmem>> -> memref<64xi32, #tpu.memory_space<vmem>>
      %dma_start3A_1114 = arith.constant 0 : i32
      %dma_start3A_1115 = arith.constant 0 : i32
      %dma_start3A_1116 = tpu.memref_slice %arg20[%dma_start3A_1114, %dma_start3A_1115] : memref<10240x128xf32, #tpu.memory_space<vmem_shared>> -> memref<10240x128xf32, #tpu.memory_space<vmem_shared>>
      tpu.enqueue_indirect_dma source(%arg10 : memref<64x128xf32, #tpu.memory_space<vmem>>) target(%dma_start3A_1116 : memref<10240x128xf32, #tpu.memory_space<vmem_shared>>) offsets(%dma_start3A_1113 : memref<64xi32, #tpu.memory_space<vmem>>) semaphore(%arg14 : memref<!tpu.dma_semaphore, #tpu.memory_space<semaphore_mem>>) {add = true}
      %dma_wait3A_1117 = arith.constant 0 : i32
      %dma_wait3A_1118 = arith.constant 0 : i32
      %dma_wait3A_1119 = tpu.memref_slice %arg9[%dma_wait3A_1117, %dma_wait3A_1118] : memref<16x128xi32, #tpu.memory_space<vmem>> -> memref<1x64xi32, #tpu.memory_space<vmem>>
      %dma_wait3A_1120 = tpu.memref_squeeze %dma_wait3A_1119 : memref<1x64xi32, #tpu.memory_space<vmem>> -> memref<64xi32, #tpu.memory_space<vmem>>
      %dma_wait3A_1121 = arith.constant 0 : i32
      %dma_wait3A_1122 = arith.constant 0 : i32
      %dma_wait3A_1123 = tpu.memref_slice %arg20[%dma_wait3A_1121, %dma_wait3A_1122] : memref<10240x128xf32, #tpu.memory_space<vmem_shared>> -> memref<10240x128xf32, #tpu.memory_space<vmem_shared>>
      tpu.wait_indirect_dma semaphore(%arg14 : memref<!tpu.dma_semaphore, #tpu.memory_space<semaphore_mem>>) src(%arg10 : memref<64x128xf32, #tpu.memory_space<vmem>>) dst(%dma_wait3A_1123 : memref<10240x128xf32, #tpu.memory_space<vmem_shared>>)
      %dma_start3A_1124 = arith.constant 4 : i32
      %dma_start3A_1125 = arith.constant 0 : i32
      %dma_start3A_1126 = tpu.memref_slice %arg7[%dma_start3A_1124, %dma_start3A_1125] : memref<16x128xi32, #tpu.memory_space<vmem>> -> memref<1x64xi32, #tpu.memory_space<vmem>>
      %dma_start3A_1127 = tpu.memref_squeeze %dma_start3A_1126 : memref<1x64xi32, #tpu.memory_space<vmem>> -> memref<64xi32, #tpu.memory_space<vmem>>
      %dma_start3A_1128 = arith.constant 0 : i32
      %dma_start3A_1129 = arith.constant 0 : i32
      %dma_start3A_1130 = tpu.memref_slice %arg2[%dma_start3A_1128, %dma_start3A_1129] : memref<20480x128xf32, #tpu.memory_space<hbm>> -> memref<20480x128xf32, #tpu.memory_space<hbm>>
      tpu.enqueue_indirect_dma source(%dma_start3A_1130 : memref<20480x128xf32, #tpu.memory_space<hbm>>) target(%arg10 : memref<64x128xf32, #tpu.memory_space<vmem>>) offsets(%dma_start3A_1127 : memref<64xi32, #tpu.memory_space<vmem>>) semaphore(%arg14 : memref<!tpu.dma_semaphore, #tpu.memory_space<semaphore_mem>>)
      %dma_wait3A_1131 = arith.constant 0 : i32
      %dma_wait3A_1132 = arith.constant 0 : i32
      %dma_wait3A_1133 = tpu.memref_slice %arg7[%dma_wait3A_1131, %dma_wait3A_1132] : memref<16x128xi32, #tpu.memory_space<vmem>> -> memref<1x64xi32, #tpu.memory_space<vmem>>
      %dma_wait3A_1134 = tpu.memref_squeeze %dma_wait3A_1133 : memref<1x64xi32, #tpu.memory_space<vmem>> -> memref<64xi32, #tpu.memory_space<vmem>>
      %dma_wait3A_1135 = arith.constant 0 : i32
      %dma_wait3A_1136 = arith.constant 0 : i32
      %dma_wait3A_1137 = tpu.memref_slice %arg2[%dma_wait3A_1135, %dma_wait3A_1136] : memref<20480x128xf32, #tpu.memory_space<hbm>> -> memref<20480x128xf32, #tpu.memory_space<hbm>>
      tpu.wait_indirect_dma semaphore(%arg15 : memref<!tpu.dma_semaphore, #tpu.memory_space<semaphore_mem>>) src(%dma_wait3A_1137 : memref<20480x128xf32, #tpu.memory_space<hbm>>) dst(%arg11 : memref<64x128xf32, #tpu.memory_space<vmem>>)
      %dma_start3A_1138 = arith.constant 2 : i32
      %dma_start3A_1139 = arith.constant 64 : i32
      %dma_start3A_1140 = tpu.memref_slice %arg9[%dma_start3A_1138, %dma_start3A_1139] : memref<16x128xi32, #tpu.memory_space<vmem>> -> memref<1x64xi32, #tpu.memory_space<vmem>>
      %dma_start3A_1141 = tpu.memref_squeeze %dma_start3A_1140 : memref<1x64xi32, #tpu.memory_space<vmem>> -> memref<64xi32, #tpu.memory_space<vmem>>
      %dma_start3A_1142 = arith.constant 0 : i32
      %dma_start3A_1143 = arith.constant 0 : i32
      %dma_start3A_1144 = tpu.memref_slice %arg20[%dma_start3A_1142, %dma_start3A_1143] : memref<10240x128xf32, #tpu.memory_space<vmem_shared>> -> memref<10240x128xf32, #tpu.memory_space<vmem_shared>>
      tpu.enqueue_indirect_dma source(%arg11 : memref<64x128xf32, #tpu.memory_space<vmem>>) target(%dma_start3A_1144 : memref<10240x128xf32, #tpu.memory_space<vmem_shared>>) offsets(%dma_start3A_1141 : memref<64xi32, #tpu.memory_space<vmem>>) semaphore(%arg15 : memref<!tpu.dma_semaphore, #tpu.memory_space<semaphore_mem>>) {add = true}
      %dma_wait3A_1145 = arith.constant 0 : i32
      %dma_wait3A_1146 = arith.constant 0 : i32
      %dma_wait3A_1147 = tpu.memref_slice %arg9[%dma_wait3A_1145, %dma_wait3A_1146] : memref<16x128xi32, #tpu.memory_space<vmem>> -> memref<1x64xi32, #tpu.memory_space<vmem>>
      %dma_wait3A_1148 = tpu.memref_squeeze %dma_wait3A_1147 : memref<1x64xi32, #tpu.memory_space<vmem>> -> memref<64xi32, #tpu.memory_space<vmem>>
      %dma_wait3A_1149 = arith.constant 0 : i32
      %dma_wait3A_1150 = arith.constant 0 : i32
      %dma_wait3A_1151 = tpu.memref_slice %arg20[%dma_wait3A_1149, %dma_wait3A_1150] : memref<10240x128xf32, #tpu.memory_space<vmem_shared>> -> memref<10240x128xf32, #tpu.memory_space<vmem_shared>>
      tpu.wait_indirect_dma semaphore(%arg15 : memref<!tpu.dma_semaphore, #tpu.memory_space<semaphore_mem>>) src(%arg11 : memref<64x128xf32, #tpu.memory_space<vmem>>) dst(%dma_wait3A_1151 : memref<10240x128xf32, #tpu.memory_space<vmem_shared>>)
      %dma_start3A_1152 = arith.constant 4 : i32
      %dma_start3A_1153 = arith.constant 64 : i32
      %dma_start3A_1154 = tpu.memref_slice %arg7[%dma_start3A_1152, %dma_start3A_1153] : memref<16x128xi32, #tpu.memory_space<vmem>> -> memref<1x64xi32, #tpu.memory_space<vmem>>
      %dma_start3A_1155 = tpu.memref_squeeze %dma_start3A_1154 : memref<1x64xi32, #tpu.memory_space<vmem>> -> memref<64xi32, #tpu.memory_space<vmem>>
      %dma_start3A_1156 = arith.constant 0 : i32
      %dma_start3A_1157 = arith.constant 0 : i32
      %dma_start3A_1158 = tpu.memref_slice %arg2[%dma_start3A_1156, %dma_start3A_1157] : memref<20480x128xf32, #tpu.memory_space<hbm>> -> memref<20480x128xf32, #tpu.memory_space<hbm>>
      tpu.enqueue_indirect_dma source(%dma_start3A_1158 : memref<20480x128xf32, #tpu.memory_space<hbm>>) target(%arg11 : memref<64x128xf32, #tpu.memory_space<vmem>>) offsets(%dma_start3A_1155 : memref<64xi32, #tpu.memory_space<vmem>>) semaphore(%arg15 : memref<!tpu.dma_semaphore, #tpu.memory_space<semaphore_mem>>)
      %dma_wait3A_1159 = arith.constant 0 : i32
      %dma_wait3A_1160 = arith.constant 0 : i32
      %dma_wait3A_1161 = tpu.memref_slice %arg7[%dma_wait3A_1159, %dma_wait3A_1160] : memref<16x128xi32, #tpu.memory_space<vmem>> -> memref<1x64xi32, #tpu.memory_space<vmem>>
      %dma_wait3A_1162 = tpu.memref_squeeze %dma_wait3A_1161 : memref<1x64xi32, #tpu.memory_space<vmem>> -> memref<64xi32, #tpu.memory_space<vmem>>
      %dma_wait3A_1163 = arith.constant 0 : i32
      %dma_wait3A_1164 = arith.constant 0 : i32
      %dma_wait3A_1165 = tpu.memref_slice %arg2[%dma_wait3A_1163, %dma_wait3A_1164] : memref<20480x128xf32, #tpu.memory_space<hbm>> -> memref<20480x128xf32, #tpu.memory_space<hbm>>
      tpu.wait_indirect_dma semaphore(%arg16 : memref<!tpu.dma_semaphore, #tpu.memory_space<semaphore_mem>>) src(%dma_wait3A_1165 : memref<20480x128xf32, #tpu.memory_space<hbm>>) dst(%arg12 : memref<64x128xf32, #tpu.memory_space<vmem>>)
      %dma_start3A_1166 = arith.constant 3 : i32
      %dma_start3A_1167 = arith.constant 0 : i32
      %dma_start3A_1168 = tpu.memref_slice %arg9[%dma_start3A_1166, %dma_start3A_1167] : memref<16x128xi32, #tpu.memory_space<vmem>> -> memref<1x64xi32, #tpu.memory_space<vmem>>
      %dma_start3A_1169 = tpu.memref_squeeze %dma_start3A_1168 : memref<1x64xi32, #tpu.memory_space<vmem>> -> memref<64xi32, #tpu.memory_space<vmem>>
      %dma_start3A_1170 = arith.constant 0 : i32
      %dma_start3A_1171 = arith.constant 0 : i32
      %dma_start3A_1172 = tpu.memref_slice %arg20[%dma_start3A_1170, %dma_start3A_1171] : memref<10240x128xf32, #tpu.memory_space<vmem_shared>> -> memref<10240x128xf32, #tpu.memory_space<vmem_shared>>
      tpu.enqueue_indirect_dma source(%arg12 : memref<64x128xf32, #tpu.memory_space<vmem>>) target(%dma_start3A_1172 : memref<10240x128xf32, #tpu.memory_space<vmem_shared>>) offsets(%dma_start3A_1169 : memref<64xi32, #tpu.memory_space<vmem>>) semaphore(%arg16 : memref<!tpu.dma_semaphore, #tpu.memory_space<semaphore_mem>>) {add = true}
      %dma_wait3A_1173 = arith.constant 0 : i32
      %dma_wait3A_1174 = arith.constant 0 : i32
      %dma_wait3A_1175 = tpu.memref_slice %arg9[%dma_wait3A_1173, %dma_wait3A_1174] : memref<16x128xi32, #tpu.memory_space<vmem>> -> memref<1x64xi32, #tpu.memory_space<vmem>>
      %dma_wait3A_1176 = tpu.memref_squeeze %dma_wait3A_1175 : memref<1x64xi32, #tpu.memory_space<vmem>> -> memref<64xi32, #tpu.memory_space<vmem>>
      %dma_wait3A_1177 = arith.constant 0 : i32
      %dma_wait3A_1178 = arith.constant 0 : i32
      %dma_wait3A_1179 = tpu.memref_slice %arg20[%dma_wait3A_1177, %dma_wait3A_1178] : memref<10240x128xf32, #tpu.memory_space<vmem_shared>> -> memref<10240x128xf32, #tpu.memory_space<vmem_shared>>
      tpu.wait_indirect_dma semaphore(%arg16 : memref<!tpu.dma_semaphore, #tpu.memory_space<semaphore_mem>>) src(%arg12 : memref<64x128xf32, #tpu.memory_space<vmem>>) dst(%dma_wait3A_1179 : memref<10240x128xf32, #tpu.memory_space<vmem_shared>>)
      %dma_start3A_1180 = arith.constant 5 : i32
      %dma_start3A_1181 = arith.constant 0 : i32
      %dma_start3A_1182 = tpu.memref_slice %arg7[%dma_start3A_1180, %dma_start3A_1181] : memref<16x128xi32, #tpu.memory_space<vmem>> -> memref<1x64xi32, #tpu.memory_space<vmem>>
      %dma_start3A_1183 = tpu.memref_squeeze %dma_start3A_1182 : memref<1x64xi32, #tpu.memory_space<vmem>> -> memref<64xi32, #tpu.memory_space<vmem>>
      %dma_start3A_1184 = arith.constant 0 : i32
      %dma_start3A_1185 = arith.constant 0 : i32
      %dma_start3A_1186 = tpu.memref_slice %arg2[%dma_start3A_1184, %dma_start3A_1185] : memref<20480x128xf32, #tpu.memory_space<hbm>> -> memref<20480x128xf32, #tpu.memory_space<hbm>>
      tpu.enqueue_indirect_dma source(%dma_start3A_1186 : memref<20480x128xf32, #tpu.memory_space<hbm>>) target(%arg12 : memref<64x128xf32, #tpu.memory_space<vmem>>) offsets(%dma_start3A_1183 : memref<64xi32, #tpu.memory_space<vmem>>) semaphore(%arg16 : memref<!tpu.dma_semaphore, #tpu.memory_space<semaphore_mem>>)
      %dma_wait3A_1187 = arith.constant 0 : i32
      %dma_wait3A_1188 = arith.constant 0 : i32
      %dma_wait3A_1189 = tpu.memref_slice %arg7[%dma_wait3A_1187, %dma_wait3A_1188] : memref<16x128xi32, #tpu.memory_space<vmem>> -> memref<1x64xi32, #tpu.memory_space<vmem>>
      %dma_wait3A_1190 = tpu.memref_squeeze %dma_wait3A_1189 : memref<1x64xi32, #tpu.memory_space<vmem>> -> memref<64xi32, #tpu.memory_space<vmem>>
      %dma_wait3A_1191 = arith.constant 0 : i32
      %dma_wait3A_1192 = arith.constant 0 : i32
      %dma_wait3A_1193 = tpu.memref_slice %arg2[%dma_wait3A_1191, %dma_wait3A_1192] : memref<20480x128xf32, #tpu.memory_space<hbm>> -> memref<20480x128xf32, #tpu.memory_space<hbm>>
      tpu.wait_indirect_dma semaphore(%arg17 : memref<!tpu.dma_semaphore, #tpu.memory_space<semaphore_mem>>) src(%dma_wait3A_1193 : memref<20480x128xf32, #tpu.memory_space<hbm>>) dst(%arg13 : memref<64x128xf32, #tpu.memory_space<vmem>>)
      %dma_start3A_1194 = arith.constant 3 : i32
      %dma_start3A_1195 = arith.constant 64 : i32
      %dma_start3A_1196 = tpu.memref_slice %arg9[%dma_start3A_1194, %dma_start3A_1195] : memref<16x128xi32, #tpu.memory_space<vmem>> -> memref<1x64xi32, #tpu.memory_space<vmem>>
      %dma_start3A_1197 = tpu.memref_squeeze %dma_start3A_1196 : memref<1x64xi32, #tpu.memory_space<vmem>> -> memref<64xi32, #tpu.memory_space<vmem>>
      %dma_start3A_1198 = arith.constant 0 : i32
      %dma_start3A_1199 = arith.constant 0 : i32
      %dma_start3A_1200 = tpu.memref_slice %arg20[%dma_start3A_1198, %dma_start3A_1199] : memref<10240x128xf32, #tpu.memory_space<vmem_shared>> -> memref<10240x128xf32, #tpu.memory_space<vmem_shared>>
      tpu.enqueue_indirect_dma source(%arg13 : memref<64x128xf32, #tpu.memory_space<vmem>>) target(%dma_start3A_1200 : memref<10240x128xf32, #tpu.memory_space<vmem_shared>>) offsets(%dma_start3A_1197 : memref<64xi32, #tpu.memory_space<vmem>>) semaphore(%arg17 : memref<!tpu.dma_semaphore, #tpu.memory_space<semaphore_mem>>) {add = true}
      %dma_wait3A_1201 = arith.constant 0 : i32
      %dma_wait3A_1202 = arith.constant 0 : i32
      %dma_wait3A_1203 = tpu.memref_slice %arg9[%dma_wait3A_1201, %dma_wait3A_1202] : memref<16x128xi32, #tpu.memory_space<vmem>> -> memref<1x64xi32, #tpu.memory_space<vmem>>
      %dma_wait3A_1204 = tpu.memref_squeeze %dma_wait3A_1203 : memref<1x64xi32, #tpu.memory_space<vmem>> -> memref<64xi32, #tpu.memory_space<vmem>>
      %dma_wait3A_1205 = arith.constant 0 : i32
      %dma_wait3A_1206 = arith.constant 0 : i32
      %dma_wait3A_1207 = tpu.memref_slice %arg20[%dma_wait3A_1205, %dma_wait3A_1206] : memref<10240x128xf32, #tpu.memory_space<vmem_shared>> -> memref<10240x128xf32, #tpu.memory_space<vmem_shared>>
      tpu.wait_indirect_dma semaphore(%arg17 : memref<!tpu.dma_semaphore, #tpu.memory_space<semaphore_mem>>) src(%arg13 : memref<64x128xf32, #tpu.memory_space<vmem>>) dst(%dma_wait3A_1207 : memref<10240x128xf32, #tpu.memory_space<vmem_shared>>)
      %dma_start3A_1208 = arith.constant 5 : i32
      %dma_start3A_1209 = arith.constant 64 : i32
      %dma_start3A_1210 = tpu.memref_slice %arg7[%dma_start3A_1208, %dma_start3A_1209] : memref<16x128xi32, #tpu.memory_space<vmem>> -> memref<1x64xi32, #tpu.memory_space<vmem>>
      %dma_start3A_1211 = tpu.memref_squeeze %dma_start3A_1210 : memref<1x64xi32, #tpu.memory_space<vmem>> -> memref<64xi32, #tpu.memory_space<vmem>>
      %dma_start3A_1212 = arith.constant 0 : i32
      %dma_start3A_1213 = arith.constant 0 : i32
      %dma_start3A_1214 = tpu.memref_slice %arg2[%dma_start3A_1212, %dma_start3A_1213] : memref<20480x128xf32, #tpu.memory_space<hbm>> -> memref<20480x128xf32, #tpu.memory_space<hbm>>
      tpu.enqueue_indirect_dma source(%dma_start3A_1214 : memref<20480x128xf32, #tpu.memory_space<hbm>>) target(%arg13 : memref<64x128xf32, #tpu.memory_space<vmem>>) offsets(%dma_start3A_1211 : memref<64xi32, #tpu.memory_space<vmem>>) semaphore(%arg17 : memref<!tpu.dma_semaphore, #tpu.memory_space<semaphore_mem>>)
      %dma_wait3A_1215 = arith.constant 0 : i32
      %dma_wait3A_1216 = arith.constant 0 : i32
      %dma_wait3A_1217 = tpu.memref_slice %arg7[%dma_wait3A_1215, %dma_wait3A_1216] : memref<16x128xi32, #tpu.memory_space<vmem>> -> memref<1x64xi32, #tpu.memory_space<vmem>>
      %dma_wait3A_1218 = tpu.memref_squeeze %dma_wait3A_1217 : memref<1x64xi32, #tpu.memory_space<vmem>> -> memref<64xi32, #tpu.memory_space<vmem>>
      %dma_wait3A_1219 = arith.constant 0 : i32
      %dma_wait3A_1220 = arith.constant 0 : i32
      %dma_wait3A_1221 = tpu.memref_slice %arg2[%dma_wait3A_1219, %dma_wait3A_1220] : memref<20480x128xf32, #tpu.memory_space<hbm>> -> memref<20480x128xf32, #tpu.memory_space<hbm>>
      tpu.wait_indirect_dma semaphore(%arg14 : memref<!tpu.dma_semaphore, #tpu.memory_space<semaphore_mem>>) src(%dma_wait3A_1221 : memref<20480x128xf32, #tpu.memory_space<hbm>>) dst(%arg10 : memref<64x128xf32, #tpu.memory_space<vmem>>)
      %dma_start3A_1222 = arith.constant 4 : i32
      %dma_start3A_1223 = arith.constant 0 : i32
      %dma_start3A_1224 = tpu.memref_slice %arg9[%dma_start3A_1222, %dma_start3A_1223] : memref<16x128xi32, #tpu.memory_space<vmem>> -> memref<1x64xi32, #tpu.memory_space<vmem>>
      %dma_start3A_1225 = tpu.memref_squeeze %dma_start3A_1224 : memref<1x64xi32, #tpu.memory_space<vmem>> -> memref<64xi32, #tpu.memory_space<vmem>>
      %dma_start3A_1226 = arith.constant 0 : i32
      %dma_start3A_1227 = arith.constant 0 : i32
      %dma_start3A_1228 = tpu.memref_slice %arg20[%dma_start3A_1226, %dma_start3A_1227] : memref<10240x128xf32, #tpu.memory_space<vmem_shared>> -> memref<10240x128xf32, #tpu.memory_space<vmem_shared>>
      tpu.enqueue_indirect_dma source(%arg10 : memref<64x128xf32, #tpu.memory_space<vmem>>) target(%dma_start3A_1228 : memref<10240x128xf32, #tpu.memory_space<vmem_shared>>) offsets(%dma_start3A_1225 : memref<64xi32, #tpu.memory_space<vmem>>) semaphore(%arg14 : memref<!tpu.dma_semaphore, #tpu.memory_space<semaphore_mem>>) {add = true}
      %dma_wait3A_1229 = arith.constant 0 : i32
      %dma_wait3A_1230 = arith.constant 0 : i32
      %dma_wait3A_1231 = tpu.memref_slice %arg9[%dma_wait3A_1229, %dma_wait3A_1230] : memref<16x128xi32, #tpu.memory_space<vmem>> -> memref<1x64xi32, #tpu.memory_space<vmem>>
      %dma_wait3A_1232 = tpu.memref_squeeze %dma_wait3A_1231 : memref<1x64xi32, #tpu.memory_space<vmem>> -> memref<64xi32, #tpu.memory_space<vmem>>
      %dma_wait3A_1233 = arith.constant 0 : i32
      %dma_wait3A_1234 = arith.constant 0 : i32
      %dma_wait3A_1235 = tpu.memref_slice %arg20[%dma_wait3A_1233, %dma_wait3A_1234] : memref<10240x128xf32, #tpu.memory_space<vmem_shared>> -> memref<10240x128xf32, #tpu.memory_space<vmem_shared>>
      tpu.wait_indirect_dma semaphore(%arg14 : memref<!tpu.dma_semaphore, #tpu.memory_space<semaphore_mem>>) src(%arg10 : memref<64x128xf32, #tpu.memory_space<vmem>>) dst(%dma_wait3A_1235 : memref<10240x128xf32, #tpu.memory_space<vmem_shared>>)
      %dma_start3A_1236 = arith.constant 6 : i32
      %dma_start3A_1237 = arith.constant 0 : i32
      %dma_start3A_1238 = tpu.memref_slice %arg7[%dma_start3A_1236, %dma_start3A_1237] : memref<16x128xi32, #tpu.memory_space<vmem>> -> memref<1x64xi32, #tpu.memory_space<vmem>>
      %dma_start3A_1239 = tpu.memref_squeeze %dma_start3A_1238 : memref<1x64xi32, #tpu.memory_space<vmem>> -> memref<64xi32, #tpu.memory_space<vmem>>
      %dma_start3A_1240 = arith.constant 0 : i32
      %dma_start3A_1241 = arith.constant 0 : i32
      %dma_start3A_1242 = tpu.memref_slice %arg2[%dma_start3A_1240, %dma_start3A_1241] : memref<20480x128xf32, #tpu.memory_space<hbm>> -> memref<20480x128xf32, #tpu.memory_space<hbm>>
      tpu.enqueue_indirect_dma source(%dma_start3A_1242 : memref<20480x128xf32, #tpu.memory_space<hbm>>) target(%arg10 : memref<64x128xf32, #tpu.memory_space<vmem>>) offsets(%dma_start3A_1239 : memref<64xi32, #tpu.memory_space<vmem>>) semaphore(%arg14 : memref<!tpu.dma_semaphore, #tpu.memory_space<semaphore_mem>>)
      %dma_wait3A_1243 = arith.constant 0 : i32
      %dma_wait3A_1244 = arith.constant 0 : i32
      %dma_wait3A_1245 = tpu.memref_slice %arg7[%dma_wait3A_1243, %dma_wait3A_1244] : memref<16x128xi32, #tpu.memory_space<vmem>> -> memref<1x64xi32, #tpu.memory_space<vmem>>
      %dma_wait3A_1246 = tpu.memref_squeeze %dma_wait3A_1245 : memref<1x64xi32, #tpu.memory_space<vmem>> -> memref<64xi32, #tpu.memory_space<vmem>>
      %dma_wait3A_1247 = arith.constant 0 : i32
      %dma_wait3A_1248 = arith.constant 0 : i32
      %dma_wait3A_1249 = tpu.memref_slice %arg2[%dma_wait3A_1247, %dma_wait3A_1248] : memref<20480x128xf32, #tpu.memory_space<hbm>> -> memref<20480x128xf32, #tpu.memory_space<hbm>>
      tpu.wait_indirect_dma semaphore(%arg15 : memref<!tpu.dma_semaphore, #tpu.memory_space<semaphore_mem>>) src(%dma_wait3A_1249 : memref<20480x128xf32, #tpu.memory_space<hbm>>) dst(%arg11 : memref<64x128xf32, #tpu.memory_space<vmem>>)
      %dma_start3A_1250 = arith.constant 4 : i32
      %dma_start3A_1251 = arith.constant 64 : i32
      %dma_start3A_1252 = tpu.memref_slice %arg9[%dma_start3A_1250, %dma_start3A_1251] : memref<16x128xi32, #tpu.memory_space<vmem>> -> memref<1x64xi32, #tpu.memory_space<vmem>>
      %dma_start3A_1253 = tpu.memref_squeeze %dma_start3A_1252 : memref<1x64xi32, #tpu.memory_space<vmem>> -> memref<64xi32, #tpu.memory_space<vmem>>
      %dma_start3A_1254 = arith.constant 0 : i32
      %dma_start3A_1255 = arith.constant 0 : i32
      %dma_start3A_1256 = tpu.memref_slice %arg20[%dma_start3A_1254, %dma_start3A_1255] : memref<10240x128xf32, #tpu.memory_space<vmem_shared>> -> memref<10240x128xf32, #tpu.memory_space<vmem_shared>>
      tpu.enqueue_indirect_dma source(%arg11 : memref<64x128xf32, #tpu.memory_space<vmem>>) target(%dma_start3A_1256 : memref<10240x128xf32, #tpu.memory_space<vmem_shared>>) offsets(%dma_start3A_1253 : memref<64xi32, #tpu.memory_space<vmem>>) semaphore(%arg15 : memref<!tpu.dma_semaphore, #tpu.memory_space<semaphore_mem>>) {add = true}
      %dma_wait3A_1257 = arith.constant 0 : i32
      %dma_wait3A_1258 = arith.constant 0 : i32
      %dma_wait3A_1259 = tpu.memref_slice %arg9[%dma_wait3A_1257, %dma_wait3A_1258] : memref<16x128xi32, #tpu.memory_space<vmem>> -> memref<1x64xi32, #tpu.memory_space<vmem>>
      %dma_wait3A_1260 = tpu.memref_squeeze %dma_wait3A_1259 : memref<1x64xi32, #tpu.memory_space<vmem>> -> memref<64xi32, #tpu.memory_space<vmem>>
      %dma_wait3A_1261 = arith.constant 0 : i32
      %dma_wait3A_1262 = arith.constant 0 : i32
      %dma_wait3A_1263 = tpu.memref_slice %arg20[%dma_wait3A_1261, %dma_wait3A_1262] : memref<10240x128xf32, #tpu.memory_space<vmem_shared>> -> memref<10240x128xf32, #tpu.memory_space<vmem_shared>>
      tpu.wait_indirect_dma semaphore(%arg15 : memref<!tpu.dma_semaphore, #tpu.memory_space<semaphore_mem>>) src(%arg11 : memref<64x128xf32, #tpu.memory_space<vmem>>) dst(%dma_wait3A_1263 : memref<10240x128xf32, #tpu.memory_space<vmem_shared>>)
      %dma_start3A_1264 = arith.constant 6 : i32
      %dma_start3A_1265 = arith.constant 64 : i32
      %dma_start3A_1266 = tpu.memref_slice %arg7[%dma_start3A_1264, %dma_start3A_1265] : memref<16x128xi32, #tpu.memory_space<vmem>> -> memref<1x64xi32, #tpu.memory_space<vmem>>
      %dma_start3A_1267 = tpu.memref_squeeze %dma_start3A_1266 : memref<1x64xi32, #tpu.memory_space<vmem>> -> memref<64xi32, #tpu.memory_space<vmem>>
      %dma_start3A_1268 = arith.constant 0 : i32
      %dma_start3A_1269 = arith.constant 0 : i32
      %dma_start3A_1270 = tpu.memref_slice %arg2[%dma_start3A_1268, %dma_start3A_1269] : memref<20480x128xf32, #tpu.memory_space<hbm>> -> memref<20480x128xf32, #tpu.memory_space<hbm>>
      tpu.enqueue_indirect_dma source(%dma_start3A_1270 : memref<20480x128xf32, #tpu.memory_space<hbm>>) target(%arg11 : memref<64x128xf32, #tpu.memory_space<vmem>>) offsets(%dma_start3A_1267 : memref<64xi32, #tpu.memory_space<vmem>>) semaphore(%arg15 : memref<!tpu.dma_semaphore, #tpu.memory_space<semaphore_mem>>)
      %dma_wait3A_1271 = arith.constant 0 : i32
      %dma_wait3A_1272 = arith.constant 0 : i32
      %dma_wait3A_1273 = tpu.memref_slice %arg7[%dma_wait3A_1271, %dma_wait3A_1272] : memref<16x128xi32, #tpu.memory_space<vmem>> -> memref<1x64xi32, #tpu.memory_space<vmem>>
      %dma_wait3A_1274 = tpu.memref_squeeze %dma_wait3A_1273 : memref<1x64xi32, #tpu.memory_space<vmem>> -> memref<64xi32, #tpu.memory_space<vmem>>
      %dma_wait3A_1275 = arith.constant 0 : i32
      %dma_wait3A_1276 = arith.constant 0 : i32
      %dma_wait3A_1277 = tpu.memref_slice %arg2[%dma_wait3A_1275, %dma_wait3A_1276] : memref<20480x128xf32, #tpu.memory_space<hbm>> -> memref<20480x128xf32, #tpu.memory_space<hbm>>
      tpu.wait_indirect_dma semaphore(%arg16 : memref<!tpu.dma_semaphore, #tpu.memory_space<semaphore_mem>>) src(%dma_wait3A_1277 : memref<20480x128xf32, #tpu.memory_space<hbm>>) dst(%arg12 : memref<64x128xf32, #tpu.memory_space<vmem>>)
      %dma_start3A_1278 = arith.constant 5 : i32
      %dma_start3A_1279 = arith.constant 0 : i32
      %dma_start3A_1280 = tpu.memref_slice %arg9[%dma_start3A_1278, %dma_start3A_1279] : memref<16x128xi32, #tpu.memory_space<vmem>> -> memref<1x64xi32, #tpu.memory_space<vmem>>
      %dma_start3A_1281 = tpu.memref_squeeze %dma_start3A_1280 : memref<1x64xi32, #tpu.memory_space<vmem>> -> memref<64xi32, #tpu.memory_space<vmem>>
      %dma_start3A_1282 = arith.constant 0 : i32
      %dma_start3A_1283 = arith.constant 0 : i32
      %dma_start3A_1284 = tpu.memref_slice %arg20[%dma_start3A_1282, %dma_start3A_1283] : memref<10240x128xf32, #tpu.memory_space<vmem_shared>> -> memref<10240x128xf32, #tpu.memory_space<vmem_shared>>
      tpu.enqueue_indirect_dma source(%arg12 : memref<64x128xf32, #tpu.memory_space<vmem>>) target(%dma_start3A_1284 : memref<10240x128xf32, #tpu.memory_space<vmem_shared>>) offsets(%dma_start3A_1281 : memref<64xi32, #tpu.memory_space<vmem>>) semaphore(%arg16 : memref<!tpu.dma_semaphore, #tpu.memory_space<semaphore_mem>>) {add = true}
      %dma_wait3A_1285 = arith.constant 0 : i32
      %dma_wait3A_1286 = arith.constant 0 : i32
      %dma_wait3A_1287 = tpu.memref_slice %arg9[%dma_wait3A_1285, %dma_wait3A_1286] : memref<16x128xi32, #tpu.memory_space<vmem>> -> memref<1x64xi32, #tpu.memory_space<vmem>>
      %dma_wait3A_1288 = tpu.memref_squeeze %dma_wait3A_1287 : memref<1x64xi32, #tpu.memory_space<vmem>> -> memref<64xi32, #tpu.memory_space<vmem>>
      %dma_wait3A_1289 = arith.constant 0 : i32
      %dma_wait3A_1290 = arith.constant 0 : i32
      %dma_wait3A_1291 = tpu.memref_slice %arg20[%dma_wait3A_1289, %dma_wait3A_1290] : memref<10240x128xf32, #tpu.memory_space<vmem_shared>> -> memref<10240x128xf32, #tpu.memory_space<vmem_shared>>
      tpu.wait_indirect_dma semaphore(%arg16 : memref<!tpu.dma_semaphore, #tpu.memory_space<semaphore_mem>>) src(%arg12 : memref<64x128xf32, #tpu.memory_space<vmem>>) dst(%dma_wait3A_1291 : memref<10240x128xf32, #tpu.memory_space<vmem_shared>>)
      %dma_start3A_1292 = arith.constant 7 : i32
      %dma_start3A_1293 = arith.constant 0 : i32
      %dma_start3A_1294 = tpu.memref_slice %arg7[%dma_start3A_1292, %dma_start3A_1293] : memref<16x128xi32, #tpu.memory_space<vmem>> -> memref<1x64xi32, #tpu.memory_space<vmem>>
      %dma_start3A_1295 = tpu.memref_squeeze %dma_start3A_1294 : memref<1x64xi32, #tpu.memory_space<vmem>> -> memref<64xi32, #tpu.memory_space<vmem>>
      %dma_start3A_1296 = arith.constant 0 : i32
      %dma_start3A_1297 = arith.constant 0 : i32
      %dma_start3A_1298 = tpu.memref_slice %arg2[%dma_start3A_1296, %dma_start3A_1297] : memref<20480x128xf32, #tpu.memory_space<hbm>> -> memref<20480x128xf32, #tpu.memory_space<hbm>>
      tpu.enqueue_indirect_dma source(%dma_start3A_1298 : memref<20480x128xf32, #tpu.memory_space<hbm>>) target(%arg12 : memref<64x128xf32, #tpu.memory_space<vmem>>) offsets(%dma_start3A_1295 : memref<64xi32, #tpu.memory_space<vmem>>) semaphore(%arg16 : memref<!tpu.dma_semaphore, #tpu.memory_space<semaphore_mem>>)
      %dma_wait3A_1299 = arith.constant 0 : i32
      %dma_wait3A_1300 = arith.constant 0 : i32
      %dma_wait3A_1301 = tpu.memref_slice %arg7[%dma_wait3A_1299, %dma_wait3A_1300] : memref<16x128xi32, #tpu.memory_space<vmem>> -> memref<1x64xi32, #tpu.memory_space<vmem>>
      %dma_wait3A_1302 = tpu.memref_squeeze %dma_wait3A_1301 : memref<1x64xi32, #tpu.memory_space<vmem>> -> memref<64xi32, #tpu.memory_space<vmem>>
      %dma_wait3A_1303 = arith.constant 0 : i32
      %dma_wait3A_1304 = arith.constant 0 : i32
      %dma_wait3A_1305 = tpu.memref_slice %arg2[%dma_wait3A_1303, %dma_wait3A_1304] : memref<20480x128xf32, #tpu.memory_space<hbm>> -> memref<20480x128xf32, #tpu.memory_space<hbm>>
      tpu.wait_indirect_dma semaphore(%arg17 : memref<!tpu.dma_semaphore, #tpu.memory_space<semaphore_mem>>) src(%dma_wait3A_1305 : memref<20480x128xf32, #tpu.memory_space<hbm>>) dst(%arg13 : memref<64x128xf32, #tpu.memory_space<vmem>>)
      %dma_start3A_1306 = arith.constant 5 : i32
      %dma_start3A_1307 = arith.constant 64 : i32
      %dma_start3A_1308 = tpu.memref_slice %arg9[%dma_start3A_1306, %dma_start3A_1307] : memref<16x128xi32, #tpu.memory_space<vmem>> -> memref<1x64xi32, #tpu.memory_space<vmem>>
      %dma_start3A_1309 = tpu.memref_squeeze %dma_start3A_1308 : memref<1x64xi32, #tpu.memory_space<vmem>> -> memref<64xi32, #tpu.memory_space<vmem>>
      %dma_start3A_1310 = arith.constant 0 : i32
      %dma_start3A_1311 = arith.constant 0 : i32
      %dma_start3A_1312 = tpu.memref_slice %arg20[%dma_start3A_1310, %dma_start3A_1311] : memref<10240x128xf32, #tpu.memory_space<vmem_shared>> -> memref<10240x128xf32, #tpu.memory_space<vmem_shared>>
      tpu.enqueue_indirect_dma source(%arg13 : memref<64x128xf32, #tpu.memory_space<vmem>>) target(%dma_start3A_1312 : memref<10240x128xf32, #tpu.memory_space<vmem_shared>>) offsets(%dma_start3A_1309 : memref<64xi32, #tpu.memory_space<vmem>>) semaphore(%arg17 : memref<!tpu.dma_semaphore, #tpu.memory_space<semaphore_mem>>) {add = true}
      %dma_wait3A_1313 = arith.constant 0 : i32
      %dma_wait3A_1314 = arith.constant 0 : i32
      %dma_wait3A_1315 = tpu.memref_slice %arg9[%dma_wait3A_1313, %dma_wait3A_1314] : memref<16x128xi32, #tpu.memory_space<vmem>> -> memref<1x64xi32, #tpu.memory_space<vmem>>
      %dma_wait3A_1316 = tpu.memref_squeeze %dma_wait3A_1315 : memref<1x64xi32, #tpu.memory_space<vmem>> -> memref<64xi32, #tpu.memory_space<vmem>>
      %dma_wait3A_1317 = arith.constant 0 : i32
      %dma_wait3A_1318 = arith.constant 0 : i32
      %dma_wait3A_1319 = tpu.memref_slice %arg20[%dma_wait3A_1317, %dma_wait3A_1318] : memref<10240x128xf32, #tpu.memory_space<vmem_shared>> -> memref<10240x128xf32, #tpu.memory_space<vmem_shared>>
      tpu.wait_indirect_dma semaphore(%arg17 : memref<!tpu.dma_semaphore, #tpu.memory_space<semaphore_mem>>) src(%arg13 : memref<64x128xf32, #tpu.memory_space<vmem>>) dst(%dma_wait3A_1319 : memref<10240x128xf32, #tpu.memory_space<vmem_shared>>)
      %dma_start3A_1320 = arith.constant 7 : i32
      %dma_start3A_1321 = arith.constant 64 : i32
      %dma_start3A_1322 = tpu.memref_slice %arg7[%dma_start3A_1320, %dma_start3A_1321] : memref<16x128xi32, #tpu.memory_space<vmem>> -> memref<1x64xi32, #tpu.memory_space<vmem>>
      %dma_start3A_1323 = tpu.memref_squeeze %dma_start3A_1322 : memref<1x64xi32, #tpu.memory_space<vmem>> -> memref<64xi32, #tpu.memory_space<vmem>>
      %dma_start3A_1324 = arith.constant 0 : i32
      %dma_start3A_1325 = arith.constant 0 : i32
      %dma_start3A_1326 = tpu.memref_slice %arg2[%dma_start3A_1324, %dma_start3A_1325] : memref<20480x128xf32, #tpu.memory_space<hbm>> -> memref<20480x128xf32, #tpu.memory_space<hbm>>
      tpu.enqueue_indirect_dma source(%dma_start3A_1326 : memref<20480x128xf32, #tpu.memory_space<hbm>>) target(%arg13 : memref<64x128xf32, #tpu.memory_space<vmem>>) offsets(%dma_start3A_1323 : memref<64xi32, #tpu.memory_space<vmem>>) semaphore(%arg17 : memref<!tpu.dma_semaphore, #tpu.memory_space<semaphore_mem>>)
      %dma_wait3A_1327 = arith.constant 0 : i32
      %dma_wait3A_1328 = arith.constant 0 : i32
      %dma_wait3A_1329 = tpu.memref_slice %arg7[%dma_wait3A_1327, %dma_wait3A_1328] : memref<16x128xi32, #tpu.memory_space<vmem>> -> memref<1x64xi32, #tpu.memory_space<vmem>>
      %dma_wait3A_1330 = tpu.memref_squeeze %dma_wait3A_1329 : memref<1x64xi32, #tpu.memory_space<vmem>> -> memref<64xi32, #tpu.memory_space<vmem>>
      %dma_wait3A_1331 = arith.constant 0 : i32
      %dma_wait3A_1332 = arith.constant 0 : i32
      %dma_wait3A_1333 = tpu.memref_slice %arg2[%dma_wait3A_1331, %dma_wait3A_1332] : memref<20480x128xf32, #tpu.memory_space<hbm>> -> memref<20480x128xf32, #tpu.memory_space<hbm>>
      tpu.wait_indirect_dma semaphore(%arg14 : memref<!tpu.dma_semaphore, #tpu.memory_space<semaphore_mem>>) src(%dma_wait3A_1333 : memref<20480x128xf32, #tpu.memory_space<hbm>>) dst(%arg10 : memref<64x128xf32, #tpu.memory_space<vmem>>)
      %dma_start3A_1334 = arith.constant 6 : i32
      %dma_start3A_1335 = arith.constant 0 : i32
      %dma_start3A_1336 = tpu.memref_slice %arg9[%dma_start3A_1334, %dma_start3A_1335] : memref<16x128xi32, #tpu.memory_space<vmem>> -> memref<1x64xi32, #tpu.memory_space<vmem>>
      %dma_start3A_1337 = tpu.memref_squeeze %dma_start3A_1336 : memref<1x64xi32, #tpu.memory_space<vmem>> -> memref<64xi32, #tpu.memory_space<vmem>>
      %dma_start3A_1338 = arith.constant 0 : i32
      %dma_start3A_1339 = arith.constant 0 : i32
      %dma_start3A_1340 = tpu.memref_slice %arg20[%dma_start3A_1338, %dma_start3A_1339] : memref<10240x128xf32, #tpu.memory_space<vmem_shared>> -> memref<10240x128xf32, #tpu.memory_space<vmem_shared>>
      tpu.enqueue_indirect_dma source(%arg10 : memref<64x128xf32, #tpu.memory_space<vmem>>) target(%dma_start3A_1340 : memref<10240x128xf32, #tpu.memory_space<vmem_shared>>) offsets(%dma_start3A_1337 : memref<64xi32, #tpu.memory_space<vmem>>) semaphore(%arg14 : memref<!tpu.dma_semaphore, #tpu.memory_space<semaphore_mem>>) {add = true}
      %dma_wait3A_1341 = arith.constant 0 : i32
      %dma_wait3A_1342 = arith.constant 0 : i32
      %dma_wait3A_1343 = tpu.memref_slice %arg9[%dma_wait3A_1341, %dma_wait3A_1342] : memref<16x128xi32, #tpu.memory_space<vmem>> -> memref<1x64xi32, #tpu.memory_space<vmem>>
      %dma_wait3A_1344 = tpu.memref_squeeze %dma_wait3A_1343 : memref<1x64xi32, #tpu.memory_space<vmem>> -> memref<64xi32, #tpu.memory_space<vmem>>
      %dma_wait3A_1345 = arith.constant 0 : i32
      %dma_wait3A_1346 = arith.constant 0 : i32
      %dma_wait3A_1347 = tpu.memref_slice %arg20[%dma_wait3A_1345, %dma_wait3A_1346] : memref<10240x128xf32, #tpu.memory_space<vmem_shared>> -> memref<10240x128xf32, #tpu.memory_space<vmem_shared>>
      tpu.wait_indirect_dma semaphore(%arg14 : memref<!tpu.dma_semaphore, #tpu.memory_space<semaphore_mem>>) src(%arg10 : memref<64x128xf32, #tpu.memory_space<vmem>>) dst(%dma_wait3A_1347 : memref<10240x128xf32, #tpu.memory_space<vmem_shared>>)
      %dma_start3A_1348 = arith.constant 8 : i32
      %dma_start3A_1349 = arith.constant 0 : i32
      %dma_start3A_1350 = tpu.memref_slice %arg7[%dma_start3A_1348, %dma_start3A_1349] : memref<16x128xi32, #tpu.memory_space<vmem>> -> memref<1x64xi32, #tpu.memory_space<vmem>>
      %dma_start3A_1351 = tpu.memref_squeeze %dma_start3A_1350 : memref<1x64xi32, #tpu.memory_space<vmem>> -> memref<64xi32, #tpu.memory_space<vmem>>
      %dma_start3A_1352 = arith.constant 0 : i32
      %dma_start3A_1353 = arith.constant 0 : i32
      %dma_start3A_1354 = tpu.memref_slice %arg2[%dma_start3A_1352, %dma_start3A_1353] : memref<20480x128xf32, #tpu.memory_space<hbm>> -> memref<20480x128xf32, #tpu.memory_space<hbm>>
      tpu.enqueue_indirect_dma source(%dma_start3A_1354 : memref<20480x128xf32, #tpu.memory_space<hbm>>) target(%arg10 : memref<64x128xf32, #tpu.memory_space<vmem>>) offsets(%dma_start3A_1351 : memref<64xi32, #tpu.memory_space<vmem>>) semaphore(%arg14 : memref<!tpu.dma_semaphore, #tpu.memory_space<semaphore_mem>>)
      %dma_wait3A_1355 = arith.constant 0 : i32
      %dma_wait3A_1356 = arith.constant 0 : i32
      %dma_wait3A_1357 = tpu.memref_slice %arg7[%dma_wait3A_1355, %dma_wait3A_1356] : memref<16x128xi32, #tpu.memory_space<vmem>> -> memref<1x64xi32, #tpu.memory_space<vmem>>
      %dma_wait3A_1358 = tpu.memref_squeeze %dma_wait3A_1357 : memref<1x64xi32, #tpu.memory_space<vmem>> -> memref<64xi32, #tpu.memory_space<vmem>>
      %dma_wait3A_1359 = arith.constant 0 : i32
      %dma_wait3A_1360 = arith.constant 0 : i32
      %dma_wait3A_1361 = tpu.memref_slice %arg2[%dma_wait3A_1359, %dma_wait3A_1360] : memref<20480x128xf32, #tpu.memory_space<hbm>> -> memref<20480x128xf32, #tpu.memory_space<hbm>>
      tpu.wait_indirect_dma semaphore(%arg15 : memref<!tpu.dma_semaphore, #tpu.memory_space<semaphore_mem>>) src(%dma_wait3A_1361 : memref<20480x128xf32, #tpu.memory_space<hbm>>) dst(%arg11 : memref<64x128xf32, #tpu.memory_space<vmem>>)
      %dma_start3A_1362 = arith.constant 6 : i32
      %dma_start3A_1363 = arith.constant 64 : i32
      %dma_start3A_1364 = tpu.memref_slice %arg9[%dma_start3A_1362, %dma_start3A_1363] : memref<16x128xi32, #tpu.memory_space<vmem>> -> memref<1x64xi32, #tpu.memory_space<vmem>>
      %dma_start3A_1365 = tpu.memref_squeeze %dma_start3A_1364 : memref<1x64xi32, #tpu.memory_space<vmem>> -> memref<64xi32, #tpu.memory_space<vmem>>
      %dma_start3A_1366 = arith.constant 0 : i32
      %dma_start3A_1367 = arith.constant 0 : i32
      %dma_start3A_1368 = tpu.memref_slice %arg20[%dma_start3A_1366, %dma_start3A_1367] : memref<10240x128xf32, #tpu.memory_space<vmem_shared>> -> memref<10240x128xf32, #tpu.memory_space<vmem_shared>>
      tpu.enqueue_indirect_dma source(%arg11 : memref<64x128xf32, #tpu.memory_space<vmem>>) target(%dma_start3A_1368 : memref<10240x128xf32, #tpu.memory_space<vmem_shared>>) offsets(%dma_start3A_1365 : memref<64xi32, #tpu.memory_space<vmem>>) semaphore(%arg15 : memref<!tpu.dma_semaphore, #tpu.memory_space<semaphore_mem>>) {add = true}
      %dma_wait3A_1369 = arith.constant 0 : i32
      %dma_wait3A_1370 = arith.constant 0 : i32
      %dma_wait3A_1371 = tpu.memref_slice %arg9[%dma_wait3A_1369, %dma_wait3A_1370] : memref<16x128xi32, #tpu.memory_space<vmem>> -> memref<1x64xi32, #tpu.memory_space<vmem>>
      %dma_wait3A_1372 = tpu.memref_squeeze %dma_wait3A_1371 : memref<1x64xi32, #tpu.memory_space<vmem>> -> memref<64xi32, #tpu.memory_space<vmem>>
      %dma_wait3A_1373 = arith.constant 0 : i32
      %dma_wait3A_1374 = arith.constant 0 : i32
      %dma_wait3A_1375 = tpu.memref_slice %arg20[%dma_wait3A_1373, %dma_wait3A_1374] : memref<10240x128xf32, #tpu.memory_space<vmem_shared>> -> memref<10240x128xf32, #tpu.memory_space<vmem_shared>>
      tpu.wait_indirect_dma semaphore(%arg15 : memref<!tpu.dma_semaphore, #tpu.memory_space<semaphore_mem>>) src(%arg11 : memref<64x128xf32, #tpu.memory_space<vmem>>) dst(%dma_wait3A_1375 : memref<10240x128xf32, #tpu.memory_space<vmem_shared>>)
      %dma_start3A_1376 = arith.constant 8 : i32
      %dma_start3A_1377 = arith.constant 64 : i32
      %dma_start3A_1378 = tpu.memref_slice %arg7[%dma_start3A_1376, %dma_start3A_1377] : memref<16x128xi32, #tpu.memory_space<vmem>> -> memref<1x64xi32, #tpu.memory_space<vmem>>
      %dma_start3A_1379 = tpu.memref_squeeze %dma_start3A_1378 : memref<1x64xi32, #tpu.memory_space<vmem>> -> memref<64xi32, #tpu.memory_space<vmem>>
      %dma_start3A_1380 = arith.constant 0 : i32
      %dma_start3A_1381 = arith.constant 0 : i32
      %dma_start3A_1382 = tpu.memref_slice %arg2[%dma_start3A_1380, %dma_start3A_1381] : memref<20480x128xf32, #tpu.memory_space<hbm>> -> memref<20480x128xf32, #tpu.memory_space<hbm>>
      tpu.enqueue_indirect_dma source(%dma_start3A_1382 : memref<20480x128xf32, #tpu.memory_space<hbm>>) target(%arg11 : memref<64x128xf32, #tpu.memory_space<vmem>>) offsets(%dma_start3A_1379 : memref<64xi32, #tpu.memory_space<vmem>>) semaphore(%arg15 : memref<!tpu.dma_semaphore, #tpu.memory_space<semaphore_mem>>)
      %dma_wait3A_1383 = arith.constant 0 : i32
      %dma_wait3A_1384 = arith.constant 0 : i32
      %dma_wait3A_1385 = tpu.memref_slice %arg7[%dma_wait3A_1383, %dma_wait3A_1384] : memref<16x128xi32, #tpu.memory_space<vmem>> -> memref<1x64xi32, #tpu.memory_space<vmem>>
      %dma_wait3A_1386 = tpu.memref_squeeze %dma_wait3A_1385 : memref<1x64xi32, #tpu.memory_space<vmem>> -> memref<64xi32, #tpu.memory_space<vmem>>
      %dma_wait3A_1387 = arith.constant 0 : i32
      %dma_wait3A_1388 = arith.constant 0 : i32
      %dma_wait3A_1389 = tpu.memref_slice %arg2[%dma_wait3A_1387, %dma_wait3A_1388] : memref<20480x128xf32, #tpu.memory_space<hbm>> -> memref<20480x128xf32, #tpu.memory_space<hbm>>
      tpu.wait_indirect_dma semaphore(%arg16 : memref<!tpu.dma_semaphore, #tpu.memory_space<semaphore_mem>>) src(%dma_wait3A_1389 : memref<20480x128xf32, #tpu.memory_space<hbm>>) dst(%arg12 : memref<64x128xf32, #tpu.memory_space<vmem>>)
      %dma_start3A_1390 = arith.constant 7 : i32
      %dma_start3A_1391 = arith.constant 0 : i32
      %dma_start3A_1392 = tpu.memref_slice %arg9[%dma_start3A_1390, %dma_start3A_1391] : memref<16x128xi32, #tpu.memory_space<vmem>> -> memref<1x64xi32, #tpu.memory_space<vmem>>
      %dma_start3A_1393 = tpu.memref_squeeze %dma_start3A_1392 : memref<1x64xi32, #tpu.memory_space<vmem>> -> memref<64xi32, #tpu.memory_space<vmem>>
      %dma_start3A_1394 = arith.constant 0 : i32
      %dma_start3A_1395 = arith.constant 0 : i32
      %dma_start3A_1396 = tpu.memref_slice %arg20[%dma_start3A_1394, %dma_start3A_1395] : memref<10240x128xf32, #tpu.memory_space<vmem_shared>> -> memref<10240x128xf32, #tpu.memory_space<vmem_shared>>
      tpu.enqueue_indirect_dma source(%arg12 : memref<64x128xf32, #tpu.memory_space<vmem>>) target(%dma_start3A_1396 : memref<10240x128xf32, #tpu.memory_space<vmem_shared>>) offsets(%dma_start3A_1393 : memref<64xi32, #tpu.memory_space<vmem>>) semaphore(%arg16 : memref<!tpu.dma_semaphore, #tpu.memory_space<semaphore_mem>>) {add = true}
      %dma_wait3A_1397 = arith.constant 0 : i32
      %dma_wait3A_1398 = arith.constant 0 : i32
      %dma_wait3A_1399 = tpu.memref_slice %arg9[%dma_wait3A_1397, %dma_wait3A_1398] : memref<16x128xi32, #tpu.memory_space<vmem>> -> memref<1x64xi32, #tpu.memory_space<vmem>>
      %dma_wait3A_1400 = tpu.memref_squeeze %dma_wait3A_1399 : memref<1x64xi32, #tpu.memory_space<vmem>> -> memref<64xi32, #tpu.memory_space<vmem>>
      %dma_wait3A_1401 = arith.constant 0 : i32
      %dma_wait3A_1402 = arith.constant 0 : i32
      %dma_wait3A_1403 = tpu.memref_slice %arg20[%dma_wait3A_1401, %dma_wait3A_1402] : memref<10240x128xf32, #tpu.memory_space<vmem_shared>> -> memref<10240x128xf32, #tpu.memory_space<vmem_shared>>
      tpu.wait_indirect_dma semaphore(%arg16 : memref<!tpu.dma_semaphore, #tpu.memory_space<semaphore_mem>>) src(%arg12 : memref<64x128xf32, #tpu.memory_space<vmem>>) dst(%dma_wait3A_1403 : memref<10240x128xf32, #tpu.memory_space<vmem_shared>>)
      %dma_start3A_1404 = arith.constant 9 : i32
      %dma_start3A_1405 = arith.constant 0 : i32
      %dma_start3A_1406 = tpu.memref_slice %arg7[%dma_start3A_1404, %dma_start3A_1405] : memref<16x128xi32, #tpu.memory_space<vmem>> -> memref<1x64xi32, #tpu.memory_space<vmem>>
      %dma_start3A_1407 = tpu.memref_squeeze %dma_start3A_1406 : memref<1x64xi32, #tpu.memory_space<vmem>> -> memref<64xi32, #tpu.memory_space<vmem>>
      %dma_start3A_1408 = arith.constant 0 : i32
      %dma_start3A_1409 = arith.constant 0 : i32
      %dma_start3A_1410 = tpu.memref_slice %arg2[%dma_start3A_1408, %dma_start3A_1409] : memref<20480x128xf32, #tpu.memory_space<hbm>> -> memref<20480x128xf32, #tpu.memory_space<hbm>>
      tpu.enqueue_indirect_dma source(%dma_start3A_1410 : memref<20480x128xf32, #tpu.memory_space<hbm>>) target(%arg12 : memref<64x128xf32, #tpu.memory_space<vmem>>) offsets(%dma_start3A_1407 : memref<64xi32, #tpu.memory_space<vmem>>) semaphore(%arg16 : memref<!tpu.dma_semaphore, #tpu.memory_space<semaphore_mem>>)
      %dma_wait3A_1411 = arith.constant 0 : i32
      %dma_wait3A_1412 = arith.constant 0 : i32
      %dma_wait3A_1413 = tpu.memref_slice %arg7[%dma_wait3A_1411, %dma_wait3A_1412] : memref<16x128xi32, #tpu.memory_space<vmem>> -> memref<1x64xi32, #tpu.memory_space<vmem>>
      %dma_wait3A_1414 = tpu.memref_squeeze %dma_wait3A_1413 : memref<1x64xi32, #tpu.memory_space<vmem>> -> memref<64xi32, #tpu.memory_space<vmem>>
      %dma_wait3A_1415 = arith.constant 0 : i32
      %dma_wait3A_1416 = arith.constant 0 : i32
      %dma_wait3A_1417 = tpu.memref_slice %arg2[%dma_wait3A_1415, %dma_wait3A_1416] : memref<20480x128xf32, #tpu.memory_space<hbm>> -> memref<20480x128xf32, #tpu.memory_space<hbm>>
      tpu.wait_indirect_dma semaphore(%arg17 : memref<!tpu.dma_semaphore, #tpu.memory_space<semaphore_mem>>) src(%dma_wait3A_1417 : memref<20480x128xf32, #tpu.memory_space<hbm>>) dst(%arg13 : memref<64x128xf32, #tpu.memory_space<vmem>>)
      %dma_start3A_1418 = arith.constant 7 : i32
      %dma_start3A_1419 = arith.constant 64 : i32
      %dma_start3A_1420 = tpu.memref_slice %arg9[%dma_start3A_1418, %dma_start3A_1419] : memref<16x128xi32, #tpu.memory_space<vmem>> -> memref<1x64xi32, #tpu.memory_space<vmem>>
      %dma_start3A_1421 = tpu.memref_squeeze %dma_start3A_1420 : memref<1x64xi32, #tpu.memory_space<vmem>> -> memref<64xi32, #tpu.memory_space<vmem>>
      %dma_start3A_1422 = arith.constant 0 : i32
      %dma_start3A_1423 = arith.constant 0 : i32
      %dma_start3A_1424 = tpu.memref_slice %arg20[%dma_start3A_1422, %dma_start3A_1423] : memref<10240x128xf32, #tpu.memory_space<vmem_shared>> -> memref<10240x128xf32, #tpu.memory_space<vmem_shared>>
      tpu.enqueue_indirect_dma source(%arg13 : memref<64x128xf32, #tpu.memory_space<vmem>>) target(%dma_start3A_1424 : memref<10240x128xf32, #tpu.memory_space<vmem_shared>>) offsets(%dma_start3A_1421 : memref<64xi32, #tpu.memory_space<vmem>>) semaphore(%arg17 : memref<!tpu.dma_semaphore, #tpu.memory_space<semaphore_mem>>) {add = true}
      %dma_wait3A_1425 = arith.constant 0 : i32
      %dma_wait3A_1426 = arith.constant 0 : i32
      %dma_wait3A_1427 = tpu.memref_slice %arg9[%dma_wait3A_1425, %dma_wait3A_1426] : memref<16x128xi32, #tpu.memory_space<vmem>> -> memref<1x64xi32, #tpu.memory_space<vmem>>
      %dma_wait3A_1428 = tpu.memref_squeeze %dma_wait3A_1427 : memref<1x64xi32, #tpu.memory_space<vmem>> -> memref<64xi32, #tpu.memory_space<vmem>>
      %dma_wait3A_1429 = arith.constant 0 : i32
      %dma_wait3A_1430 = arith.constant 0 : i32
      %dma_wait3A_1431 = tpu.memref_slice %arg20[%dma_wait3A_1429, %dma_wait3A_1430] : memref<10240x128xf32, #tpu.memory_space<vmem_shared>> -> memref<10240x128xf32, #tpu.memory_space<vmem_shared>>
      tpu.wait_indirect_dma semaphore(%arg17 : memref<!tpu.dma_semaphore, #tpu.memory_space<semaphore_mem>>) src(%arg13 : memref<64x128xf32, #tpu.memory_space<vmem>>) dst(%dma_wait3A_1431 : memref<10240x128xf32, #tpu.memory_space<vmem_shared>>)
      %dma_start3A_1432 = arith.constant 9 : i32
      %dma_start3A_1433 = arith.constant 64 : i32
      %dma_start3A_1434 = tpu.memref_slice %arg7[%dma_start3A_1432, %dma_start3A_1433] : memref<16x128xi32, #tpu.memory_space<vmem>> -> memref<1x64xi32, #tpu.memory_space<vmem>>
      %dma_start3A_1435 = tpu.memref_squeeze %dma_start3A_1434 : memref<1x64xi32, #tpu.memory_space<vmem>> -> memref<64xi32, #tpu.memory_space<vmem>>
      %dma_start3A_1436 = arith.constant 0 : i32
      %dma_start3A_1437 = arith.constant 0 : i32
      %dma_start3A_1438 = tpu.memref_slice %arg2[%dma_start3A_1436, %dma_start3A_1437] : memref<20480x128xf32, #tpu.memory_space<hbm>> -> memref<20480x128xf32, #tpu.memory_space<hbm>>
      tpu.enqueue_indirect_dma source(%dma_start3A_1438 : memref<20480x128xf32, #tpu.memory_space<hbm>>) target(%arg13 : memref<64x128xf32, #tpu.memory_space<vmem>>) offsets(%dma_start3A_1435 : memref<64xi32, #tpu.memory_space<vmem>>) semaphore(%arg17 : memref<!tpu.dma_semaphore, #tpu.memory_space<semaphore_mem>>)
      %dma_wait3A_1439 = arith.constant 0 : i32
      %dma_wait3A_1440 = arith.constant 0 : i32
      %dma_wait3A_1441 = tpu.memref_slice %arg7[%dma_wait3A_1439, %dma_wait3A_1440] : memref<16x128xi32, #tpu.memory_space<vmem>> -> memref<1x64xi32, #tpu.memory_space<vmem>>
      %dma_wait3A_1442 = tpu.memref_squeeze %dma_wait3A_1441 : memref<1x64xi32, #tpu.memory_space<vmem>> -> memref<64xi32, #tpu.memory_space<vmem>>
      %dma_wait3A_1443 = arith.constant 0 : i32
      %dma_wait3A_1444 = arith.constant 0 : i32
      %dma_wait3A_1445 = tpu.memref_slice %arg2[%dma_wait3A_1443, %dma_wait3A_1444] : memref<20480x128xf32, #tpu.memory_space<hbm>> -> memref<20480x128xf32, #tpu.memory_space<hbm>>
      tpu.wait_indirect_dma semaphore(%arg14 : memref<!tpu.dma_semaphore, #tpu.memory_space<semaphore_mem>>) src(%dma_wait3A_1445 : memref<20480x128xf32, #tpu.memory_space<hbm>>) dst(%arg10 : memref<64x128xf32, #tpu.memory_space<vmem>>)
      %dma_start3A_1446 = arith.constant 8 : i32
      %dma_start3A_1447 = arith.constant 0 : i32
      %dma_start3A_1448 = tpu.memref_slice %arg9[%dma_start3A_1446, %dma_start3A_1447] : memref<16x128xi32, #tpu.memory_space<vmem>> -> memref<1x64xi32, #tpu.memory_space<vmem>>
      %dma_start3A_1449 = tpu.memref_squeeze %dma_start3A_1448 : memref<1x64xi32, #tpu.memory_space<vmem>> -> memref<64xi32, #tpu.memory_space<vmem>>
      %dma_start3A_1450 = arith.constant 0 : i32
      %dma_start3A_1451 = arith.constant 0 : i32
      %dma_start3A_1452 = tpu.memref_slice %arg20[%dma_start3A_1450, %dma_start3A_1451] : memref<10240x128xf32, #tpu.memory_space<vmem_shared>> -> memref<10240x128xf32, #tpu.memory_space<vmem_shared>>
      tpu.enqueue_indirect_dma source(%arg10 : memref<64x128xf32, #tpu.memory_space<vmem>>) target(%dma_start3A_1452 : memref<10240x128xf32, #tpu.memory_space<vmem_shared>>) offsets(%dma_start3A_1449 : memref<64xi32, #tpu.memory_space<vmem>>) semaphore(%arg14 : memref<!tpu.dma_semaphore, #tpu.memory_space<semaphore_mem>>) {add = true}
      %dma_wait3A_1453 = arith.constant 0 : i32
      %dma_wait3A_1454 = arith.constant 0 : i32
      %dma_wait3A_1455 = tpu.memref_slice %arg9[%dma_wait3A_1453, %dma_wait3A_1454] : memref<16x128xi32, #tpu.memory_space<vmem>> -> memref<1x64xi32, #tpu.memory_space<vmem>>
      %dma_wait3A_1456 = tpu.memref_squeeze %dma_wait3A_1455 : memref<1x64xi32, #tpu.memory_space<vmem>> -> memref<64xi32, #tpu.memory_space<vmem>>
      %dma_wait3A_1457 = arith.constant 0 : i32
      %dma_wait3A_1458 = arith.constant 0 : i32
      %dma_wait3A_1459 = tpu.memref_slice %arg20[%dma_wait3A_1457, %dma_wait3A_1458] : memref<10240x128xf32, #tpu.memory_space<vmem_shared>> -> memref<10240x128xf32, #tpu.memory_space<vmem_shared>>
      tpu.wait_indirect_dma semaphore(%arg14 : memref<!tpu.dma_semaphore, #tpu.memory_space<semaphore_mem>>) src(%arg10 : memref<64x128xf32, #tpu.memory_space<vmem>>) dst(%dma_wait3A_1459 : memref<10240x128xf32, #tpu.memory_space<vmem_shared>>)
      %dma_start3A_1460 = arith.constant 10 : i32
      %dma_start3A_1461 = arith.constant 0 : i32
      %dma_start3A_1462 = tpu.memref_slice %arg7[%dma_start3A_1460, %dma_start3A_1461] : memref<16x128xi32, #tpu.memory_space<vmem>> -> memref<1x64xi32, #tpu.memory_space<vmem>>
      %dma_start3A_1463 = tpu.memref_squeeze %dma_start3A_1462 : memref<1x64xi32, #tpu.memory_space<vmem>> -> memref<64xi32, #tpu.memory_space<vmem>>
      %dma_start3A_1464 = arith.constant 0 : i32
      %dma_start3A_1465 = arith.constant 0 : i32
      %dma_start3A_1466 = tpu.memref_slice %arg2[%dma_start3A_1464, %dma_start3A_1465] : memref<20480x128xf32, #tpu.memory_space<hbm>> -> memref<20480x128xf32, #tpu.memory_space<hbm>>
      tpu.enqueue_indirect_dma source(%dma_start3A_1466 : memref<20480x128xf32, #tpu.memory_space<hbm>>) target(%arg10 : memref<64x128xf32, #tpu.memory_space<vmem>>) offsets(%dma_start3A_1463 : memref<64xi32, #tpu.memory_space<vmem>>) semaphore(%arg14 : memref<!tpu.dma_semaphore, #tpu.memory_space<semaphore_mem>>)
      %dma_wait3A_1467 = arith.constant 0 : i32
      %dma_wait3A_1468 = arith.constant 0 : i32
      %dma_wait3A_1469 = tpu.memref_slice %arg7[%dma_wait3A_1467, %dma_wait3A_1468] : memref<16x128xi32, #tpu.memory_space<vmem>> -> memref<1x64xi32, #tpu.memory_space<vmem>>
      %dma_wait3A_1470 = tpu.memref_squeeze %dma_wait3A_1469 : memref<1x64xi32, #tpu.memory_space<vmem>> -> memref<64xi32, #tpu.memory_space<vmem>>
      %dma_wait3A_1471 = arith.constant 0 : i32
      %dma_wait3A_1472 = arith.constant 0 : i32
      %dma_wait3A_1473 = tpu.memref_slice %arg2[%dma_wait3A_1471, %dma_wait3A_1472] : memref<20480x128xf32, #tpu.memory_space<hbm>> -> memref<20480x128xf32, #tpu.memory_space<hbm>>
      tpu.wait_indirect_dma semaphore(%arg15 : memref<!tpu.dma_semaphore, #tpu.memory_space<semaphore_mem>>) src(%dma_wait3A_1473 : memref<20480x128xf32, #tpu.memory_space<hbm>>) dst(%arg11 : memref<64x128xf32, #tpu.memory_space<vmem>>)
      %dma_start3A_1474 = arith.constant 8 : i32
      %dma_start3A_1475 = arith.constant 64 : i32
      %dma_start3A_1476 = tpu.memref_slice %arg9[%dma_start3A_1474, %dma_start3A_1475] : memref<16x128xi32, #tpu.memory_space<vmem>> -> memref<1x64xi32, #tpu.memory_space<vmem>>
      %dma_start3A_1477 = tpu.memref_squeeze %dma_start3A_1476 : memref<1x64xi32, #tpu.memory_space<vmem>> -> memref<64xi32, #tpu.memory_space<vmem>>
      %dma_start3A_1478 = arith.constant 0 : i32
      %dma_start3A_1479 = arith.constant 0 : i32
      %dma_start3A_1480 = tpu.memref_slice %arg20[%dma_start3A_1478, %dma_start3A_1479] : memref<10240x128xf32, #tpu.memory_space<vmem_shared>> -> memref<10240x128xf32, #tpu.memory_space<vmem_shared>>
      tpu.enqueue_indirect_dma source(%arg11 : memref<64x128xf32, #tpu.memory_space<vmem>>) target(%dma_start3A_1480 : memref<10240x128xf32, #tpu.memory_space<vmem_shared>>) offsets(%dma_start3A_1477 : memref<64xi32, #tpu.memory_space<vmem>>) semaphore(%arg15 : memref<!tpu.dma_semaphore, #tpu.memory_space<semaphore_mem>>) {add = true}
      %dma_wait3A_1481 = arith.constant 0 : i32
      %dma_wait3A_1482 = arith.constant 0 : i32
      %dma_wait3A_1483 = tpu.memref_slice %arg9[%dma_wait3A_1481, %dma_wait3A_1482] : memref<16x128xi32, #tpu.memory_space<vmem>> -> memref<1x64xi32, #tpu.memory_space<vmem>>
      %dma_wait3A_1484 = tpu.memref_squeeze %dma_wait3A_1483 : memref<1x64xi32, #tpu.memory_space<vmem>> -> memref<64xi32, #tpu.memory_space<vmem>>
      %dma_wait3A_1485 = arith.constant 0 : i32
      %dma_wait3A_1486 = arith.constant 0 : i32
      %dma_wait3A_1487 = tpu.memref_slice %arg20[%dma_wait3A_1485, %dma_wait3A_1486] : memref<10240x128xf32, #tpu.memory_space<vmem_shared>> -> memref<10240x128xf32, #tpu.memory_space<vmem_shared>>
      tpu.wait_indirect_dma semaphore(%arg15 : memref<!tpu.dma_semaphore, #tpu.memory_space<semaphore_mem>>) src(%arg11 : memref<64x128xf32, #tpu.memory_space<vmem>>) dst(%dma_wait3A_1487 : memref<10240x128xf32, #tpu.memory_space<vmem_shared>>)
      %dma_start3A_1488 = arith.constant 10 : i32
      %dma_start3A_1489 = arith.constant 64 : i32
      %dma_start3A_1490 = tpu.memref_slice %arg7[%dma_start3A_1488, %dma_start3A_1489] : memref<16x128xi32, #tpu.memory_space<vmem>> -> memref<1x64xi32, #tpu.memory_space<vmem>>
      %dma_start3A_1491 = tpu.memref_squeeze %dma_start3A_1490 : memref<1x64xi32, #tpu.memory_space<vmem>> -> memref<64xi32, #tpu.memory_space<vmem>>
      %dma_start3A_1492 = arith.constant 0 : i32
      %dma_start3A_1493 = arith.constant 0 : i32
      %dma_start3A_1494 = tpu.memref_slice %arg2[%dma_start3A_1492, %dma_start3A_1493] : memref<20480x128xf32, #tpu.memory_space<hbm>> -> memref<20480x128xf32, #tpu.memory_space<hbm>>
      tpu.enqueue_indirect_dma source(%dma_start3A_1494 : memref<20480x128xf32, #tpu.memory_space<hbm>>) target(%arg11 : memref<64x128xf32, #tpu.memory_space<vmem>>) offsets(%dma_start3A_1491 : memref<64xi32, #tpu.memory_space<vmem>>) semaphore(%arg15 : memref<!tpu.dma_semaphore, #tpu.memory_space<semaphore_mem>>)
      %dma_wait3A_1495 = arith.constant 0 : i32
      %dma_wait3A_1496 = arith.constant 0 : i32
      %dma_wait3A_1497 = tpu.memref_slice %arg7[%dma_wait3A_1495, %dma_wait3A_1496] : memref<16x128xi32, #tpu.memory_space<vmem>> -> memref<1x64xi32, #tpu.memory_space<vmem>>
      %dma_wait3A_1498 = tpu.memref_squeeze %dma_wait3A_1497 : memref<1x64xi32, #tpu.memory_space<vmem>> -> memref<64xi32, #tpu.memory_space<vmem>>
      %dma_wait3A_1499 = arith.constant 0 : i32
      %dma_wait3A_1500 = arith.constant 0 : i32
      %dma_wait3A_1501 = tpu.memref_slice %arg2[%dma_wait3A_1499, %dma_wait3A_1500] : memref<20480x128xf32, #tpu.memory_space<hbm>> -> memref<20480x128xf32, #tpu.memory_space<hbm>>
      tpu.wait_indirect_dma semaphore(%arg16 : memref<!tpu.dma_semaphore, #tpu.memory_space<semaphore_mem>>) src(%dma_wait3A_1501 : memref<20480x128xf32, #tpu.memory_space<hbm>>) dst(%arg12 : memref<64x128xf32, #tpu.memory_space<vmem>>)
      %dma_start3A_1502 = arith.constant 9 : i32
      %dma_start3A_1503 = arith.constant 0 : i32
      %dma_start3A_1504 = tpu.memref_slice %arg9[%dma_start3A_1502, %dma_start3A_1503] : memref<16x128xi32, #tpu.memory_space<vmem>> -> memref<1x64xi32, #tpu.memory_space<vmem>>
      %dma_start3A_1505 = tpu.memref_squeeze %dma_start3A_1504 : memref<1x64xi32, #tpu.memory_space<vmem>> -> memref<64xi32, #tpu.memory_space<vmem>>
      %dma_start3A_1506 = arith.constant 0 : i32
      %dma_start3A_1507 = arith.constant 0 : i32
      %dma_start3A_1508 = tpu.memref_slice %arg20[%dma_start3A_1506, %dma_start3A_1507] : memref<10240x128xf32, #tpu.memory_space<vmem_shared>> -> memref<10240x128xf32, #tpu.memory_space<vmem_shared>>
      tpu.enqueue_indirect_dma source(%arg12 : memref<64x128xf32, #tpu.memory_space<vmem>>) target(%dma_start3A_1508 : memref<10240x128xf32, #tpu.memory_space<vmem_shared>>) offsets(%dma_start3A_1505 : memref<64xi32, #tpu.memory_space<vmem>>) semaphore(%arg16 : memref<!tpu.dma_semaphore, #tpu.memory_space<semaphore_mem>>) {add = true}
      %dma_wait3A_1509 = arith.constant 0 : i32
      %dma_wait3A_1510 = arith.constant 0 : i32
      %dma_wait3A_1511 = tpu.memref_slice %arg9[%dma_wait3A_1509, %dma_wait3A_1510] : memref<16x128xi32, #tpu.memory_space<vmem>> -> memref<1x64xi32, #tpu.memory_space<vmem>>
      %dma_wait3A_1512 = tpu.memref_squeeze %dma_wait3A_1511 : memref<1x64xi32, #tpu.memory_space<vmem>> -> memref<64xi32, #tpu.memory_space<vmem>>
      %dma_wait3A_1513 = arith.constant 0 : i32
      %dma_wait3A_1514 = arith.constant 0 : i32
      %dma_wait3A_1515 = tpu.memref_slice %arg20[%dma_wait3A_1513, %dma_wait3A_1514] : memref<10240x128xf32, #tpu.memory_space<vmem_shared>> -> memref<10240x128xf32, #tpu.memory_space<vmem_shared>>
      tpu.wait_indirect_dma semaphore(%arg16 : memref<!tpu.dma_semaphore, #tpu.memory_space<semaphore_mem>>) src(%arg12 : memref<64x128xf32, #tpu.memory_space<vmem>>) dst(%dma_wait3A_1515 : memref<10240x128xf32, #tpu.memory_space<vmem_shared>>)
      %dma_start3A_1516 = arith.constant 11 : i32
      %dma_start3A_1517 = arith.constant 0 : i32
      %dma_start3A_1518 = tpu.memref_slice %arg7[%dma_start3A_1516, %dma_start3A_1517] : memref<16x128xi32, #tpu.memory_space<vmem>> -> memref<1x64xi32, #tpu.memory_space<vmem>>
      %dma_start3A_1519 = tpu.memref_squeeze %dma_start3A_1518 : memref<1x64xi32, #tpu.memory_space<vmem>> -> memref<64xi32, #tpu.memory_space<vmem>>
      %dma_start3A_1520 = arith.constant 0 : i32
      %dma_start3A_1521 = arith.constant 0 : i32
      %dma_start3A_1522 = tpu.memref_slice %arg2[%dma_start3A_1520, %dma_start3A_1521] : memref<20480x128xf32, #tpu.memory_space<hbm>> -> memref<20480x128xf32, #tpu.memory_space<hbm>>
      tpu.enqueue_indirect_dma source(%dma_start3A_1522 : memref<20480x128xf32, #tpu.memory_space<hbm>>) target(%arg12 : memref<64x128xf32, #tpu.memory_space<vmem>>) offsets(%dma_start3A_1519 : memref<64xi32, #tpu.memory_space<vmem>>) semaphore(%arg16 : memref<!tpu.dma_semaphore, #tpu.memory_space<semaphore_mem>>)
      %dma_wait3A_1523 = arith.constant 0 : i32
      %dma_wait3A_1524 = arith.constant 0 : i32
      %dma_wait3A_1525 = tpu.memref_slice %arg7[%dma_wait3A_1523, %dma_wait3A_1524] : memref<16x128xi32, #tpu.memory_space<vmem>> -> memref<1x64xi32, #tpu.memory_space<vmem>>
      %dma_wait3A_1526 = tpu.memref_squeeze %dma_wait3A_1525 : memref<1x64xi32, #tpu.memory_space<vmem>> -> memref<64xi32, #tpu.memory_space<vmem>>
      %dma_wait3A_1527 = arith.constant 0 : i32
      %dma_wait3A_1528 = arith.constant 0 : i32
      %dma_wait3A_1529 = tpu.memref_slice %arg2[%dma_wait3A_1527, %dma_wait3A_1528] : memref<20480x128xf32, #tpu.memory_space<hbm>> -> memref<20480x128xf32, #tpu.memory_space<hbm>>
      tpu.wait_indirect_dma semaphore(%arg17 : memref<!tpu.dma_semaphore, #tpu.memory_space<semaphore_mem>>) src(%dma_wait3A_1529 : memref<20480x128xf32, #tpu.memory_space<hbm>>) dst(%arg13 : memref<64x128xf32, #tpu.memory_space<vmem>>)
      %dma_start3A_1530 = arith.constant 9 : i32
      %dma_start3A_1531 = arith.constant 64 : i32
      %dma_start3A_1532 = tpu.memref_slice %arg9[%dma_start3A_1530, %dma_start3A_1531] : memref<16x128xi32, #tpu.memory_space<vmem>> -> memref<1x64xi32, #tpu.memory_space<vmem>>
      %dma_start3A_1533 = tpu.memref_squeeze %dma_start3A_1532 : memref<1x64xi32, #tpu.memory_space<vmem>> -> memref<64xi32, #tpu.memory_space<vmem>>
      %dma_start3A_1534 = arith.constant 0 : i32
      %dma_start3A_1535 = arith.constant 0 : i32
      %dma_start3A_1536 = tpu.memref_slice %arg20[%dma_start3A_1534, %dma_start3A_1535] : memref<10240x128xf32, #tpu.memory_space<vmem_shared>> -> memref<10240x128xf32, #tpu.memory_space<vmem_shared>>
      tpu.enqueue_indirect_dma source(%arg13 : memref<64x128xf32, #tpu.memory_space<vmem>>) target(%dma_start3A_1536 : memref<10240x128xf32, #tpu.memory_space<vmem_shared>>) offsets(%dma_start3A_1533 : memref<64xi32, #tpu.memory_space<vmem>>) semaphore(%arg17 : memref<!tpu.dma_semaphore, #tpu.memory_space<semaphore_mem>>) {add = true}
      %dma_wait3A_1537 = arith.constant 0 : i32
      %dma_wait3A_1538 = arith.constant 0 : i32
      %dma_wait3A_1539 = tpu.memref_slice %arg9[%dma_wait3A_1537, %dma_wait3A_1538] : memref<16x128xi32, #tpu.memory_space<vmem>> -> memref<1x64xi32, #tpu.memory_space<vmem>>
      %dma_wait3A_1540 = tpu.memref_squeeze %dma_wait3A_1539 : memref<1x64xi32, #tpu.memory_space<vmem>> -> memref<64xi32, #tpu.memory_space<vmem>>
      %dma_wait3A_1541 = arith.constant 0 : i32
      %dma_wait3A_1542 = arith.constant 0 : i32
      %dma_wait3A_1543 = tpu.memref_slice %arg20[%dma_wait3A_1541, %dma_wait3A_1542] : memref<10240x128xf32, #tpu.memory_space<vmem_shared>> -> memref<10240x128xf32, #tpu.memory_space<vmem_shared>>
      tpu.wait_indirect_dma semaphore(%arg17 : memref<!tpu.dma_semaphore, #tpu.memory_space<semaphore_mem>>) src(%arg13 : memref<64x128xf32, #tpu.memory_space<vmem>>) dst(%dma_wait3A_1543 : memref<10240x128xf32, #tpu.memory_space<vmem_shared>>)
      %dma_start3A_1544 = arith.constant 11 : i32
      %dma_start3A_1545 = arith.constant 64 : i32
      %dma_start3A_1546 = tpu.memref_slice %arg7[%dma_start3A_1544, %dma_start3A_1545] : memref<16x128xi32, #tpu.memory_space<vmem>> -> memref<1x64xi32, #tpu.memory_space<vmem>>
      %dma_start3A_1547 = tpu.memref_squeeze %dma_start3A_1546 : memref<1x64xi32, #tpu.memory_space<vmem>> -> memref<64xi32, #tpu.memory_space<vmem>>
      %dma_start3A_1548 = arith.constant 0 : i32
      %dma_start3A_1549 = arith.constant 0 : i32
      %dma_start3A_1550 = tpu.memref_slice %arg2[%dma_start3A_1548, %dma_start3A_1549] : memref<20480x128xf32, #tpu.memory_space<hbm>> -> memref<20480x128xf32, #tpu.memory_space<hbm>>
      tpu.enqueue_indirect_dma source(%dma_start3A_1550 : memref<20480x128xf32, #tpu.memory_space<hbm>>) target(%arg13 : memref<64x128xf32, #tpu.memory_space<vmem>>) offsets(%dma_start3A_1547 : memref<64xi32, #tpu.memory_space<vmem>>) semaphore(%arg17 : memref<!tpu.dma_semaphore, #tpu.memory_space<semaphore_mem>>)
      %dma_wait3A_1551 = arith.constant 0 : i32
      %dma_wait3A_1552 = arith.constant 0 : i32
      %dma_wait3A_1553 = tpu.memref_slice %arg7[%dma_wait3A_1551, %dma_wait3A_1552] : memref<16x128xi32, #tpu.memory_space<vmem>> -> memref<1x64xi32, #tpu.memory_space<vmem>>
      %dma_wait3A_1554 = tpu.memref_squeeze %dma_wait3A_1553 : memref<1x64xi32, #tpu.memory_space<vmem>> -> memref<64xi32, #tpu.memory_space<vmem>>
      %dma_wait3A_1555 = arith.constant 0 : i32
      %dma_wait3A_1556 = arith.constant 0 : i32
      %dma_wait3A_1557 = tpu.memref_slice %arg2[%dma_wait3A_1555, %dma_wait3A_1556] : memref<20480x128xf32, #tpu.memory_space<hbm>> -> memref<20480x128xf32, #tpu.memory_space<hbm>>
      tpu.wait_indirect_dma semaphore(%arg14 : memref<!tpu.dma_semaphore, #tpu.memory_space<semaphore_mem>>) src(%dma_wait3A_1557 : memref<20480x128xf32, #tpu.memory_space<hbm>>) dst(%arg10 : memref<64x128xf32, #tpu.memory_space<vmem>>)
      %dma_start3A_1558 = arith.constant 10 : i32
      %dma_start3A_1559 = arith.constant 0 : i32
      %dma_start3A_1560 = tpu.memref_slice %arg9[%dma_start3A_1558, %dma_start3A_1559] : memref<16x128xi32, #tpu.memory_space<vmem>> -> memref<1x64xi32, #tpu.memory_space<vmem>>
      %dma_start3A_1561 = tpu.memref_squeeze %dma_start3A_1560 : memref<1x64xi32, #tpu.memory_space<vmem>> -> memref<64xi32, #tpu.memory_space<vmem>>
      %dma_start3A_1562 = arith.constant 0 : i32
      %dma_start3A_1563 = arith.constant 0 : i32
      %dma_start3A_1564 = tpu.memref_slice %arg20[%dma_start3A_1562, %dma_start3A_1563] : memref<10240x128xf32, #tpu.memory_space<vmem_shared>> -> memref<10240x128xf32, #tpu.memory_space<vmem_shared>>
      tpu.enqueue_indirect_dma source(%arg10 : memref<64x128xf32, #tpu.memory_space<vmem>>) target(%dma_start3A_1564 : memref<10240x128xf32, #tpu.memory_space<vmem_shared>>) offsets(%dma_start3A_1561 : memref<64xi32, #tpu.memory_space<vmem>>) semaphore(%arg14 : memref<!tpu.dma_semaphore, #tpu.memory_space<semaphore_mem>>) {add = true}
      %dma_wait3A_1565 = arith.constant 0 : i32
      %dma_wait3A_1566 = arith.constant 0 : i32
      %dma_wait3A_1567 = tpu.memref_slice %arg9[%dma_wait3A_1565, %dma_wait3A_1566] : memref<16x128xi32, #tpu.memory_space<vmem>> -> memref<1x64xi32, #tpu.memory_space<vmem>>
      %dma_wait3A_1568 = tpu.memref_squeeze %dma_wait3A_1567 : memref<1x64xi32, #tpu.memory_space<vmem>> -> memref<64xi32, #tpu.memory_space<vmem>>
      %dma_wait3A_1569 = arith.constant 0 : i32
      %dma_wait3A_1570 = arith.constant 0 : i32
      %dma_wait3A_1571 = tpu.memref_slice %arg20[%dma_wait3A_1569, %dma_wait3A_1570] : memref<10240x128xf32, #tpu.memory_space<vmem_shared>> -> memref<10240x128xf32, #tpu.memory_space<vmem_shared>>
      tpu.wait_indirect_dma semaphore(%arg14 : memref<!tpu.dma_semaphore, #tpu.memory_space<semaphore_mem>>) src(%arg10 : memref<64x128xf32, #tpu.memory_space<vmem>>) dst(%dma_wait3A_1571 : memref<10240x128xf32, #tpu.memory_space<vmem_shared>>)
      %dma_start3A_1572 = arith.constant 12 : i32
      %dma_start3A_1573 = arith.constant 0 : i32
      %dma_start3A_1574 = tpu.memref_slice %arg7[%dma_start3A_1572, %dma_start3A_1573] : memref<16x128xi32, #tpu.memory_space<vmem>> -> memref<1x64xi32, #tpu.memory_space<vmem>>
      %dma_start3A_1575 = tpu.memref_squeeze %dma_start3A_1574 : memref<1x64xi32, #tpu.memory_space<vmem>> -> memref<64xi32, #tpu.memory_space<vmem>>
      %dma_start3A_1576 = arith.constant 0 : i32
      %dma_start3A_1577 = arith.constant 0 : i32
      %dma_start3A_1578 = tpu.memref_slice %arg2[%dma_start3A_1576, %dma_start3A_1577] : memref<20480x128xf32, #tpu.memory_space<hbm>> -> memref<20480x128xf32, #tpu.memory_space<hbm>>
      tpu.enqueue_indirect_dma source(%dma_start3A_1578 : memref<20480x128xf32, #tpu.memory_space<hbm>>) target(%arg10 : memref<64x128xf32, #tpu.memory_space<vmem>>) offsets(%dma_start3A_1575 : memref<64xi32, #tpu.memory_space<vmem>>) semaphore(%arg14 : memref<!tpu.dma_semaphore, #tpu.memory_space<semaphore_mem>>)
      %dma_wait3A_1579 = arith.constant 0 : i32
      %dma_wait3A_1580 = arith.constant 0 : i32
      %dma_wait3A_1581 = tpu.memref_slice %arg7[%dma_wait3A_1579, %dma_wait3A_1580] : memref<16x128xi32, #tpu.memory_space<vmem>> -> memref<1x64xi32, #tpu.memory_space<vmem>>
      %dma_wait3A_1582 = tpu.memref_squeeze %dma_wait3A_1581 : memref<1x64xi32, #tpu.memory_space<vmem>> -> memref<64xi32, #tpu.memory_space<vmem>>
      %dma_wait3A_1583 = arith.constant 0 : i32
      %dma_wait3A_1584 = arith.constant 0 : i32
      %dma_wait3A_1585 = tpu.memref_slice %arg2[%dma_wait3A_1583, %dma_wait3A_1584] : memref<20480x128xf32, #tpu.memory_space<hbm>> -> memref<20480x128xf32, #tpu.memory_space<hbm>>
      tpu.wait_indirect_dma semaphore(%arg15 : memref<!tpu.dma_semaphore, #tpu.memory_space<semaphore_mem>>) src(%dma_wait3A_1585 : memref<20480x128xf32, #tpu.memory_space<hbm>>) dst(%arg11 : memref<64x128xf32, #tpu.memory_space<vmem>>)
      %dma_start3A_1586 = arith.constant 10 : i32
      %dma_start3A_1587 = arith.constant 64 : i32
      %dma_start3A_1588 = tpu.memref_slice %arg9[%dma_start3A_1586, %dma_start3A_1587] : memref<16x128xi32, #tpu.memory_space<vmem>> -> memref<1x64xi32, #tpu.memory_space<vmem>>
      %dma_start3A_1589 = tpu.memref_squeeze %dma_start3A_1588 : memref<1x64xi32, #tpu.memory_space<vmem>> -> memref<64xi32, #tpu.memory_space<vmem>>
      %dma_start3A_1590 = arith.constant 0 : i32
      %dma_start3A_1591 = arith.constant 0 : i32
      %dma_start3A_1592 = tpu.memref_slice %arg20[%dma_start3A_1590, %dma_start3A_1591] : memref<10240x128xf32, #tpu.memory_space<vmem_shared>> -> memref<10240x128xf32, #tpu.memory_space<vmem_shared>>
      tpu.enqueue_indirect_dma source(%arg11 : memref<64x128xf32, #tpu.memory_space<vmem>>) target(%dma_start3A_1592 : memref<10240x128xf32, #tpu.memory_space<vmem_shared>>) offsets(%dma_start3A_1589 : memref<64xi32, #tpu.memory_space<vmem>>) semaphore(%arg15 : memref<!tpu.dma_semaphore, #tpu.memory_space<semaphore_mem>>) {add = true}
      %dma_wait3A_1593 = arith.constant 0 : i32
      %dma_wait3A_1594 = arith.constant 0 : i32
      %dma_wait3A_1595 = tpu.memref_slice %arg9[%dma_wait3A_1593, %dma_wait3A_1594] : memref<16x128xi32, #tpu.memory_space<vmem>> -> memref<1x64xi32, #tpu.memory_space<vmem>>
      %dma_wait3A_1596 = tpu.memref_squeeze %dma_wait3A_1595 : memref<1x64xi32, #tpu.memory_space<vmem>> -> memref<64xi32, #tpu.memory_space<vmem>>
      %dma_wait3A_1597 = arith.constant 0 : i32
      %dma_wait3A_1598 = arith.constant 0 : i32
      %dma_wait3A_1599 = tpu.memref_slice %arg20[%dma_wait3A_1597, %dma_wait3A_1598] : memref<10240x128xf32, #tpu.memory_space<vmem_shared>> -> memref<10240x128xf32, #tpu.memory_space<vmem_shared>>
      tpu.wait_indirect_dma semaphore(%arg15 : memref<!tpu.dma_semaphore, #tpu.memory_space<semaphore_mem>>) src(%arg11 : memref<64x128xf32, #tpu.memory_space<vmem>>) dst(%dma_wait3A_1599 : memref<10240x128xf32, #tpu.memory_space<vmem_shared>>)
      %dma_start3A_1600 = arith.constant 12 : i32
      %dma_start3A_1601 = arith.constant 64 : i32
      %dma_start3A_1602 = tpu.memref_slice %arg7[%dma_start3A_1600, %dma_start3A_1601] : memref<16x128xi32, #tpu.memory_space<vmem>> -> memref<1x64xi32, #tpu.memory_space<vmem>>
      %dma_start3A_1603 = tpu.memref_squeeze %dma_start3A_1602 : memref<1x64xi32, #tpu.memory_space<vmem>> -> memref<64xi32, #tpu.memory_space<vmem>>
      %dma_start3A_1604 = arith.constant 0 : i32
      %dma_start3A_1605 = arith.constant 0 : i32
      %dma_start3A_1606 = tpu.memref_slice %arg2[%dma_start3A_1604, %dma_start3A_1605] : memref<20480x128xf32, #tpu.memory_space<hbm>> -> memref<20480x128xf32, #tpu.memory_space<hbm>>
      tpu.enqueue_indirect_dma source(%dma_start3A_1606 : memref<20480x128xf32, #tpu.memory_space<hbm>>) target(%arg11 : memref<64x128xf32, #tpu.memory_space<vmem>>) offsets(%dma_start3A_1603 : memref<64xi32, #tpu.memory_space<vmem>>) semaphore(%arg15 : memref<!tpu.dma_semaphore, #tpu.memory_space<semaphore_mem>>)
      %dma_wait3A_1607 = arith.constant 0 : i32
      %dma_wait3A_1608 = arith.constant 0 : i32
      %dma_wait3A_1609 = tpu.memref_slice %arg7[%dma_wait3A_1607, %dma_wait3A_1608] : memref<16x128xi32, #tpu.memory_space<vmem>> -> memref<1x64xi32, #tpu.memory_space<vmem>>
      %dma_wait3A_1610 = tpu.memref_squeeze %dma_wait3A_1609 : memref<1x64xi32, #tpu.memory_space<vmem>> -> memref<64xi32, #tpu.memory_space<vmem>>
      %dma_wait3A_1611 = arith.constant 0 : i32
      %dma_wait3A_1612 = arith.constant 0 : i32
      %dma_wait3A_1613 = tpu.memref_slice %arg2[%dma_wait3A_1611, %dma_wait3A_1612] : memref<20480x128xf32, #tpu.memory_space<hbm>> -> memref<20480x128xf32, #tpu.memory_space<hbm>>
      tpu.wait_indirect_dma semaphore(%arg16 : memref<!tpu.dma_semaphore, #tpu.memory_space<semaphore_mem>>) src(%dma_wait3A_1613 : memref<20480x128xf32, #tpu.memory_space<hbm>>) dst(%arg12 : memref<64x128xf32, #tpu.memory_space<vmem>>)
      %dma_start3A_1614 = arith.constant 11 : i32
      %dma_start3A_1615 = arith.constant 0 : i32
      %dma_start3A_1616 = tpu.memref_slice %arg9[%dma_start3A_1614, %dma_start3A_1615] : memref<16x128xi32, #tpu.memory_space<vmem>> -> memref<1x64xi32, #tpu.memory_space<vmem>>
      %dma_start3A_1617 = tpu.memref_squeeze %dma_start3A_1616 : memref<1x64xi32, #tpu.memory_space<vmem>> -> memref<64xi32, #tpu.memory_space<vmem>>
      %dma_start3A_1618 = arith.constant 0 : i32
      %dma_start3A_1619 = arith.constant 0 : i32
      %dma_start3A_1620 = tpu.memref_slice %arg20[%dma_start3A_1618, %dma_start3A_1619] : memref<10240x128xf32, #tpu.memory_space<vmem_shared>> -> memref<10240x128xf32, #tpu.memory_space<vmem_shared>>
      tpu.enqueue_indirect_dma source(%arg12 : memref<64x128xf32, #tpu.memory_space<vmem>>) target(%dma_start3A_1620 : memref<10240x128xf32, #tpu.memory_space<vmem_shared>>) offsets(%dma_start3A_1617 : memref<64xi32, #tpu.memory_space<vmem>>) semaphore(%arg16 : memref<!tpu.dma_semaphore, #tpu.memory_space<semaphore_mem>>) {add = true}
      %dma_wait3A_1621 = arith.constant 0 : i32
      %dma_wait3A_1622 = arith.constant 0 : i32
      %dma_wait3A_1623 = tpu.memref_slice %arg9[%dma_wait3A_1621, %dma_wait3A_1622] : memref<16x128xi32, #tpu.memory_space<vmem>> -> memref<1x64xi32, #tpu.memory_space<vmem>>
      %dma_wait3A_1624 = tpu.memref_squeeze %dma_wait3A_1623 : memref<1x64xi32, #tpu.memory_space<vmem>> -> memref<64xi32, #tpu.memory_space<vmem>>
      %dma_wait3A_1625 = arith.constant 0 : i32
      %dma_wait3A_1626 = arith.constant 0 : i32
      %dma_wait3A_1627 = tpu.memref_slice %arg20[%dma_wait3A_1625, %dma_wait3A_1626] : memref<10240x128xf32, #tpu.memory_space<vmem_shared>> -> memref<10240x128xf32, #tpu.memory_space<vmem_shared>>
      tpu.wait_indirect_dma semaphore(%arg16 : memref<!tpu.dma_semaphore, #tpu.memory_space<semaphore_mem>>) src(%arg12 : memref<64x128xf32, #tpu.memory_space<vmem>>) dst(%dma_wait3A_1627 : memref<10240x128xf32, #tpu.memory_space<vmem_shared>>)
      %dma_start3A_1628 = arith.constant 13 : i32
      %dma_start3A_1629 = arith.constant 0 : i32
      %dma_start3A_1630 = tpu.memref_slice %arg7[%dma_start3A_1628, %dma_start3A_1629] : memref<16x128xi32, #tpu.memory_space<vmem>> -> memref<1x64xi32, #tpu.memory_space<vmem>>
      %dma_start3A_1631 = tpu.memref_squeeze %dma_start3A_1630 : memref<1x64xi32, #tpu.memory_space<vmem>> -> memref<64xi32, #tpu.memory_space<vmem>>
      %dma_start3A_1632 = arith.constant 0 : i32
      %dma_start3A_1633 = arith.constant 0 : i32
      %dma_start3A_1634 = tpu.memref_slice %arg2[%dma_start3A_1632, %dma_start3A_1633] : memref<20480x128xf32, #tpu.memory_space<hbm>> -> memref<20480x128xf32, #tpu.memory_space<hbm>>
      tpu.enqueue_indirect_dma source(%dma_start3A_1634 : memref<20480x128xf32, #tpu.memory_space<hbm>>) target(%arg12 : memref<64x128xf32, #tpu.memory_space<vmem>>) offsets(%dma_start3A_1631 : memref<64xi32, #tpu.memory_space<vmem>>) semaphore(%arg16 : memref<!tpu.dma_semaphore, #tpu.memory_space<semaphore_mem>>)
      %dma_wait3A_1635 = arith.constant 0 : i32
      %dma_wait3A_1636 = arith.constant 0 : i32
      %dma_wait3A_1637 = tpu.memref_slice %arg7[%dma_wait3A_1635, %dma_wait3A_1636] : memref<16x128xi32, #tpu.memory_space<vmem>> -> memref<1x64xi32, #tpu.memory_space<vmem>>
      %dma_wait3A_1638 = tpu.memref_squeeze %dma_wait3A_1637 : memref<1x64xi32, #tpu.memory_space<vmem>> -> memref<64xi32, #tpu.memory_space<vmem>>
      %dma_wait3A_1639 = arith.constant 0 : i32
      %dma_wait3A_1640 = arith.constant 0 : i32
      %dma_wait3A_1641 = tpu.memref_slice %arg2[%dma_wait3A_1639, %dma_wait3A_1640] : memref<20480x128xf32, #tpu.memory_space<hbm>> -> memref<20480x128xf32, #tpu.memory_space<hbm>>
      tpu.wait_indirect_dma semaphore(%arg17 : memref<!tpu.dma_semaphore, #tpu.memory_space<semaphore_mem>>) src(%dma_wait3A_1641 : memref<20480x128xf32, #tpu.memory_space<hbm>>) dst(%arg13 : memref<64x128xf32, #tpu.memory_space<vmem>>)
      %dma_start3A_1642 = arith.constant 11 : i32
      %dma_start3A_1643 = arith.constant 64 : i32
      %dma_start3A_1644 = tpu.memref_slice %arg9[%dma_start3A_1642, %dma_start3A_1643] : memref<16x128xi32, #tpu.memory_space<vmem>> -> memref<1x64xi32, #tpu.memory_space<vmem>>
      %dma_start3A_1645 = tpu.memref_squeeze %dma_start3A_1644 : memref<1x64xi32, #tpu.memory_space<vmem>> -> memref<64xi32, #tpu.memory_space<vmem>>
      %dma_start3A_1646 = arith.constant 0 : i32
      %dma_start3A_1647 = arith.constant 0 : i32
      %dma_start3A_1648 = tpu.memref_slice %arg20[%dma_start3A_1646, %dma_start3A_1647] : memref<10240x128xf32, #tpu.memory_space<vmem_shared>> -> memref<10240x128xf32, #tpu.memory_space<vmem_shared>>
      tpu.enqueue_indirect_dma source(%arg13 : memref<64x128xf32, #tpu.memory_space<vmem>>) target(%dma_start3A_1648 : memref<10240x128xf32, #tpu.memory_space<vmem_shared>>) offsets(%dma_start3A_1645 : memref<64xi32, #tpu.memory_space<vmem>>) semaphore(%arg17 : memref<!tpu.dma_semaphore, #tpu.memory_space<semaphore_mem>>) {add = true}
      %dma_wait3A_1649 = arith.constant 0 : i32
      %dma_wait3A_1650 = arith.constant 0 : i32
      %dma_wait3A_1651 = tpu.memref_slice %arg9[%dma_wait3A_1649, %dma_wait3A_1650] : memref<16x128xi32, #tpu.memory_space<vmem>> -> memref<1x64xi32, #tpu.memory_space<vmem>>
      %dma_wait3A_1652 = tpu.memref_squeeze %dma_wait3A_1651 : memref<1x64xi32, #tpu.memory_space<vmem>> -> memref<64xi32, #tpu.memory_space<vmem>>
      %dma_wait3A_1653 = arith.constant 0 : i32
      %dma_wait3A_1654 = arith.constant 0 : i32
      %dma_wait3A_1655 = tpu.memref_slice %arg20[%dma_wait3A_1653, %dma_wait3A_1654] : memref<10240x128xf32, #tpu.memory_space<vmem_shared>> -> memref<10240x128xf32, #tpu.memory_space<vmem_shared>>
      tpu.wait_indirect_dma semaphore(%arg17 : memref<!tpu.dma_semaphore, #tpu.memory_space<semaphore_mem>>) src(%arg13 : memref<64x128xf32, #tpu.memory_space<vmem>>) dst(%dma_wait3A_1655 : memref<10240x128xf32, #tpu.memory_space<vmem_shared>>)
      %dma_start3A_1656 = arith.constant 13 : i32
      %dma_start3A_1657 = arith.constant 64 : i32
      %dma_start3A_1658 = tpu.memref_slice %arg7[%dma_start3A_1656, %dma_start3A_1657] : memref<16x128xi32, #tpu.memory_space<vmem>> -> memref<1x64xi32, #tpu.memory_space<vmem>>
      %dma_start3A_1659 = tpu.memref_squeeze %dma_start3A_1658 : memref<1x64xi32, #tpu.memory_space<vmem>> -> memref<64xi32, #tpu.memory_space<vmem>>
      %dma_start3A_1660 = arith.constant 0 : i32
      %dma_start3A_1661 = arith.constant 0 : i32
      %dma_start3A_1662 = tpu.memref_slice %arg2[%dma_start3A_1660, %dma_start3A_1661] : memref<20480x128xf32, #tpu.memory_space<hbm>> -> memref<20480x128xf32, #tpu.memory_space<hbm>>
      tpu.enqueue_indirect_dma source(%dma_start3A_1662 : memref<20480x128xf32, #tpu.memory_space<hbm>>) target(%arg13 : memref<64x128xf32, #tpu.memory_space<vmem>>) offsets(%dma_start3A_1659 : memref<64xi32, #tpu.memory_space<vmem>>) semaphore(%arg17 : memref<!tpu.dma_semaphore, #tpu.memory_space<semaphore_mem>>)
      %dma_wait3A_1663 = arith.constant 0 : i32
      %dma_wait3A_1664 = arith.constant 0 : i32
      %dma_wait3A_1665 = tpu.memref_slice %arg7[%dma_wait3A_1663, %dma_wait3A_1664] : memref<16x128xi32, #tpu.memory_space<vmem>> -> memref<1x64xi32, #tpu.memory_space<vmem>>
      %dma_wait3A_1666 = tpu.memref_squeeze %dma_wait3A_1665 : memref<1x64xi32, #tpu.memory_space<vmem>> -> memref<64xi32, #tpu.memory_space<vmem>>
      %dma_wait3A_1667 = arith.constant 0 : i32
      %dma_wait3A_1668 = arith.constant 0 : i32
      %dma_wait3A_1669 = tpu.memref_slice %arg2[%dma_wait3A_1667, %dma_wait3A_1668] : memref<20480x128xf32, #tpu.memory_space<hbm>> -> memref<20480x128xf32, #tpu.memory_space<hbm>>
      tpu.wait_indirect_dma semaphore(%arg14 : memref<!tpu.dma_semaphore, #tpu.memory_space<semaphore_mem>>) src(%dma_wait3A_1669 : memref<20480x128xf32, #tpu.memory_space<hbm>>) dst(%arg10 : memref<64x128xf32, #tpu.memory_space<vmem>>)
      %dma_start3A_1670 = arith.constant 12 : i32
      %dma_start3A_1671 = arith.constant 0 : i32
      %dma_start3A_1672 = tpu.memref_slice %arg9[%dma_start3A_1670, %dma_start3A_1671] : memref<16x128xi32, #tpu.memory_space<vmem>> -> memref<1x64xi32, #tpu.memory_space<vmem>>
      %dma_start3A_1673 = tpu.memref_squeeze %dma_start3A_1672 : memref<1x64xi32, #tpu.memory_space<vmem>> -> memref<64xi32, #tpu.memory_space<vmem>>
      %dma_start3A_1674 = arith.constant 0 : i32
      %dma_start3A_1675 = arith.constant 0 : i32
      %dma_start3A_1676 = tpu.memref_slice %arg20[%dma_start3A_1674, %dma_start3A_1675] : memref<10240x128xf32, #tpu.memory_space<vmem_shared>> -> memref<10240x128xf32, #tpu.memory_space<vmem_shared>>
      tpu.enqueue_indirect_dma source(%arg10 : memref<64x128xf32, #tpu.memory_space<vmem>>) target(%dma_start3A_1676 : memref<10240x128xf32, #tpu.memory_space<vmem_shared>>) offsets(%dma_start3A_1673 : memref<64xi32, #tpu.memory_space<vmem>>) semaphore(%arg14 : memref<!tpu.dma_semaphore, #tpu.memory_space<semaphore_mem>>) {add = true}
      %dma_wait3A_1677 = arith.constant 0 : i32
      %dma_wait3A_1678 = arith.constant 0 : i32
      %dma_wait3A_1679 = tpu.memref_slice %arg9[%dma_wait3A_1677, %dma_wait3A_1678] : memref<16x128xi32, #tpu.memory_space<vmem>> -> memref<1x64xi32, #tpu.memory_space<vmem>>
      %dma_wait3A_1680 = tpu.memref_squeeze %dma_wait3A_1679 : memref<1x64xi32, #tpu.memory_space<vmem>> -> memref<64xi32, #tpu.memory_space<vmem>>
      %dma_wait3A_1681 = arith.constant 0 : i32
      %dma_wait3A_1682 = arith.constant 0 : i32
      %dma_wait3A_1683 = tpu.memref_slice %arg20[%dma_wait3A_1681, %dma_wait3A_1682] : memref<10240x128xf32, #tpu.memory_space<vmem_shared>> -> memref<10240x128xf32, #tpu.memory_space<vmem_shared>>
      tpu.wait_indirect_dma semaphore(%arg14 : memref<!tpu.dma_semaphore, #tpu.memory_space<semaphore_mem>>) src(%arg10 : memref<64x128xf32, #tpu.memory_space<vmem>>) dst(%dma_wait3A_1683 : memref<10240x128xf32, #tpu.memory_space<vmem_shared>>)
      %dma_start3A_1684 = arith.constant 14 : i32
      %dma_start3A_1685 = arith.constant 0 : i32
      %dma_start3A_1686 = tpu.memref_slice %arg7[%dma_start3A_1684, %dma_start3A_1685] : memref<16x128xi32, #tpu.memory_space<vmem>> -> memref<1x64xi32, #tpu.memory_space<vmem>>
      %dma_start3A_1687 = tpu.memref_squeeze %dma_start3A_1686 : memref<1x64xi32, #tpu.memory_space<vmem>> -> memref<64xi32, #tpu.memory_space<vmem>>
      %dma_start3A_1688 = arith.constant 0 : i32
      %dma_start3A_1689 = arith.constant 0 : i32
      %dma_start3A_1690 = tpu.memref_slice %arg2[%dma_start3A_1688, %dma_start3A_1689] : memref<20480x128xf32, #tpu.memory_space<hbm>> -> memref<20480x128xf32, #tpu.memory_space<hbm>>
      tpu.enqueue_indirect_dma source(%dma_start3A_1690 : memref<20480x128xf32, #tpu.memory_space<hbm>>) target(%arg10 : memref<64x128xf32, #tpu.memory_space<vmem>>) offsets(%dma_start3A_1687 : memref<64xi32, #tpu.memory_space<vmem>>) semaphore(%arg14 : memref<!tpu.dma_semaphore, #tpu.memory_space<semaphore_mem>>)
      %dma_wait3A_1691 = arith.constant 0 : i32
      %dma_wait3A_1692 = arith.constant 0 : i32
      %dma_wait3A_1693 = tpu.memref_slice %arg7[%dma_wait3A_1691, %dma_wait3A_1692] : memref<16x128xi32, #tpu.memory_space<vmem>> -> memref<1x64xi32, #tpu.memory_space<vmem>>
      %dma_wait3A_1694 = tpu.memref_squeeze %dma_wait3A_1693 : memref<1x64xi32, #tpu.memory_space<vmem>> -> memref<64xi32, #tpu.memory_space<vmem>>
      %dma_wait3A_1695 = arith.constant 0 : i32
      %dma_wait3A_1696 = arith.constant 0 : i32
      %dma_wait3A_1697 = tpu.memref_slice %arg2[%dma_wait3A_1695, %dma_wait3A_1696] : memref<20480x128xf32, #tpu.memory_space<hbm>> -> memref<20480x128xf32, #tpu.memory_space<hbm>>
      tpu.wait_indirect_dma semaphore(%arg15 : memref<!tpu.dma_semaphore, #tpu.memory_space<semaphore_mem>>) src(%dma_wait3A_1697 : memref<20480x128xf32, #tpu.memory_space<hbm>>) dst(%arg11 : memref<64x128xf32, #tpu.memory_space<vmem>>)
      %dma_start3A_1698 = arith.constant 12 : i32
      %dma_start3A_1699 = arith.constant 64 : i32
      %dma_start3A_1700 = tpu.memref_slice %arg9[%dma_start3A_1698, %dma_start3A_1699] : memref<16x128xi32, #tpu.memory_space<vmem>> -> memref<1x64xi32, #tpu.memory_space<vmem>>
      %dma_start3A_1701 = tpu.memref_squeeze %dma_start3A_1700 : memref<1x64xi32, #tpu.memory_space<vmem>> -> memref<64xi32, #tpu.memory_space<vmem>>
      %dma_start3A_1702 = arith.constant 0 : i32
      %dma_start3A_1703 = arith.constant 0 : i32
      %dma_start3A_1704 = tpu.memref_slice %arg20[%dma_start3A_1702, %dma_start3A_1703] : memref<10240x128xf32, #tpu.memory_space<vmem_shared>> -> memref<10240x128xf32, #tpu.memory_space<vmem_shared>>
      tpu.enqueue_indirect_dma source(%arg11 : memref<64x128xf32, #tpu.memory_space<vmem>>) target(%dma_start3A_1704 : memref<10240x128xf32, #tpu.memory_space<vmem_shared>>) offsets(%dma_start3A_1701 : memref<64xi32, #tpu.memory_space<vmem>>) semaphore(%arg15 : memref<!tpu.dma_semaphore, #tpu.memory_space<semaphore_mem>>) {add = true}
      %dma_wait3A_1705 = arith.constant 0 : i32
      %dma_wait3A_1706 = arith.constant 0 : i32
      %dma_wait3A_1707 = tpu.memref_slice %arg9[%dma_wait3A_1705, %dma_wait3A_1706] : memref<16x128xi32, #tpu.memory_space<vmem>> -> memref<1x64xi32, #tpu.memory_space<vmem>>
      %dma_wait3A_1708 = tpu.memref_squeeze %dma_wait3A_1707 : memref<1x64xi32, #tpu.memory_space<vmem>> -> memref<64xi32, #tpu.memory_space<vmem>>
      %dma_wait3A_1709 = arith.constant 0 : i32
      %dma_wait3A_1710 = arith.constant 0 : i32
      %dma_wait3A_1711 = tpu.memref_slice %arg20[%dma_wait3A_1709, %dma_wait3A_1710] : memref<10240x128xf32, #tpu.memory_space<vmem_shared>> -> memref<10240x128xf32, #tpu.memory_space<vmem_shared>>
      tpu.wait_indirect_dma semaphore(%arg15 : memref<!tpu.dma_semaphore, #tpu.memory_space<semaphore_mem>>) src(%arg11 : memref<64x128xf32, #tpu.memory_space<vmem>>) dst(%dma_wait3A_1711 : memref<10240x128xf32, #tpu.memory_space<vmem_shared>>)
      %dma_start3A_1712 = arith.constant 14 : i32
      %dma_start3A_1713 = arith.constant 64 : i32
      %dma_start3A_1714 = tpu.memref_slice %arg7[%dma_start3A_1712, %dma_start3A_1713] : memref<16x128xi32, #tpu.memory_space<vmem>> -> memref<1x64xi32, #tpu.memory_space<vmem>>
      %dma_start3A_1715 = tpu.memref_squeeze %dma_start3A_1714 : memref<1x64xi32, #tpu.memory_space<vmem>> -> memref<64xi32, #tpu.memory_space<vmem>>
      %dma_start3A_1716 = arith.constant 0 : i32
      %dma_start3A_1717 = arith.constant 0 : i32
      %dma_start3A_1718 = tpu.memref_slice %arg2[%dma_start3A_1716, %dma_start3A_1717] : memref<20480x128xf32, #tpu.memory_space<hbm>> -> memref<20480x128xf32, #tpu.memory_space<hbm>>
      tpu.enqueue_indirect_dma source(%dma_start3A_1718 : memref<20480x128xf32, #tpu.memory_space<hbm>>) target(%arg11 : memref<64x128xf32, #tpu.memory_space<vmem>>) offsets(%dma_start3A_1715 : memref<64xi32, #tpu.memory_space<vmem>>) semaphore(%arg15 : memref<!tpu.dma_semaphore, #tpu.memory_space<semaphore_mem>>)
      %dma_wait3A_1719 = arith.constant 0 : i32
      %dma_wait3A_1720 = arith.constant 0 : i32
      %dma_wait3A_1721 = tpu.memref_slice %arg7[%dma_wait3A_1719, %dma_wait3A_1720] : memref<16x128xi32, #tpu.memory_space<vmem>> -> memref<1x64xi32, #tpu.memory_space<vmem>>
      %dma_wait3A_1722 = tpu.memref_squeeze %dma_wait3A_1721 : memref<1x64xi32, #tpu.memory_space<vmem>> -> memref<64xi32, #tpu.memory_space<vmem>>
      %dma_wait3A_1723 = arith.constant 0 : i32
      %dma_wait3A_1724 = arith.constant 0 : i32
      %dma_wait3A_1725 = tpu.memref_slice %arg2[%dma_wait3A_1723, %dma_wait3A_1724] : memref<20480x128xf32, #tpu.memory_space<hbm>> -> memref<20480x128xf32, #tpu.memory_space<hbm>>
      tpu.wait_indirect_dma semaphore(%arg16 : memref<!tpu.dma_semaphore, #tpu.memory_space<semaphore_mem>>) src(%dma_wait3A_1725 : memref<20480x128xf32, #tpu.memory_space<hbm>>) dst(%arg12 : memref<64x128xf32, #tpu.memory_space<vmem>>)
      %dma_start3A_1726 = arith.constant 13 : i32
      %dma_start3A_1727 = arith.constant 0 : i32
      %dma_start3A_1728 = tpu.memref_slice %arg9[%dma_start3A_1726, %dma_start3A_1727] : memref<16x128xi32, #tpu.memory_space<vmem>> -> memref<1x64xi32, #tpu.memory_space<vmem>>
      %dma_start3A_1729 = tpu.memref_squeeze %dma_start3A_1728 : memref<1x64xi32, #tpu.memory_space<vmem>> -> memref<64xi32, #tpu.memory_space<vmem>>
      %dma_start3A_1730 = arith.constant 0 : i32
      %dma_start3A_1731 = arith.constant 0 : i32
      %dma_start3A_1732 = tpu.memref_slice %arg20[%dma_start3A_1730, %dma_start3A_1731] : memref<10240x128xf32, #tpu.memory_space<vmem_shared>> -> memref<10240x128xf32, #tpu.memory_space<vmem_shared>>
      tpu.enqueue_indirect_dma source(%arg12 : memref<64x128xf32, #tpu.memory_space<vmem>>) target(%dma_start3A_1732 : memref<10240x128xf32, #tpu.memory_space<vmem_shared>>) offsets(%dma_start3A_1729 : memref<64xi32, #tpu.memory_space<vmem>>) semaphore(%arg16 : memref<!tpu.dma_semaphore, #tpu.memory_space<semaphore_mem>>) {add = true}
      %dma_wait3A_1733 = arith.constant 0 : i32
      %dma_wait3A_1734 = arith.constant 0 : i32
      %dma_wait3A_1735 = tpu.memref_slice %arg9[%dma_wait3A_1733, %dma_wait3A_1734] : memref<16x128xi32, #tpu.memory_space<vmem>> -> memref<1x64xi32, #tpu.memory_space<vmem>>
      %dma_wait3A_1736 = tpu.memref_squeeze %dma_wait3A_1735 : memref<1x64xi32, #tpu.memory_space<vmem>> -> memref<64xi32, #tpu.memory_space<vmem>>
      %dma_wait3A_1737 = arith.constant 0 : i32
      %dma_wait3A_1738 = arith.constant 0 : i32
      %dma_wait3A_1739 = tpu.memref_slice %arg20[%dma_wait3A_1737, %dma_wait3A_1738] : memref<10240x128xf32, #tpu.memory_space<vmem_shared>> -> memref<10240x128xf32, #tpu.memory_space<vmem_shared>>
      tpu.wait_indirect_dma semaphore(%arg16 : memref<!tpu.dma_semaphore, #tpu.memory_space<semaphore_mem>>) src(%arg12 : memref<64x128xf32, #tpu.memory_space<vmem>>) dst(%dma_wait3A_1739 : memref<10240x128xf32, #tpu.memory_space<vmem_shared>>)
      %dma_start3A_1740 = arith.constant 15 : i32
      %dma_start3A_1741 = arith.constant 0 : i32
      %dma_start3A_1742 = tpu.memref_slice %arg7[%dma_start3A_1740, %dma_start3A_1741] : memref<16x128xi32, #tpu.memory_space<vmem>> -> memref<1x64xi32, #tpu.memory_space<vmem>>
      %dma_start3A_1743 = tpu.memref_squeeze %dma_start3A_1742 : memref<1x64xi32, #tpu.memory_space<vmem>> -> memref<64xi32, #tpu.memory_space<vmem>>
      %dma_start3A_1744 = arith.constant 0 : i32
      %dma_start3A_1745 = arith.constant 0 : i32
      %dma_start3A_1746 = tpu.memref_slice %arg2[%dma_start3A_1744, %dma_start3A_1745] : memref<20480x128xf32, #tpu.memory_space<hbm>> -> memref<20480x128xf32, #tpu.memory_space<hbm>>
      tpu.enqueue_indirect_dma source(%dma_start3A_1746 : memref<20480x128xf32, #tpu.memory_space<hbm>>) target(%arg12 : memref<64x128xf32, #tpu.memory_space<vmem>>) offsets(%dma_start3A_1743 : memref<64xi32, #tpu.memory_space<vmem>>) semaphore(%arg16 : memref<!tpu.dma_semaphore, #tpu.memory_space<semaphore_mem>>)
      %dma_wait3A_1747 = arith.constant 0 : i32
      %dma_wait3A_1748 = arith.constant 0 : i32
      %dma_wait3A_1749 = tpu.memref_slice %arg7[%dma_wait3A_1747, %dma_wait3A_1748] : memref<16x128xi32, #tpu.memory_space<vmem>> -> memref<1x64xi32, #tpu.memory_space<vmem>>
      %dma_wait3A_1750 = tpu.memref_squeeze %dma_wait3A_1749 : memref<1x64xi32, #tpu.memory_space<vmem>> -> memref<64xi32, #tpu.memory_space<vmem>>
      %dma_wait3A_1751 = arith.constant 0 : i32
      %dma_wait3A_1752 = arith.constant 0 : i32
      %dma_wait3A_1753 = tpu.memref_slice %arg2[%dma_wait3A_1751, %dma_wait3A_1752] : memref<20480x128xf32, #tpu.memory_space<hbm>> -> memref<20480x128xf32, #tpu.memory_space<hbm>>
      tpu.wait_indirect_dma semaphore(%arg17 : memref<!tpu.dma_semaphore, #tpu.memory_space<semaphore_mem>>) src(%dma_wait3A_1753 : memref<20480x128xf32, #tpu.memory_space<hbm>>) dst(%arg13 : memref<64x128xf32, #tpu.memory_space<vmem>>)
      %dma_start3A_1754 = arith.constant 13 : i32
      %dma_start3A_1755 = arith.constant 64 : i32
      %dma_start3A_1756 = tpu.memref_slice %arg9[%dma_start3A_1754, %dma_start3A_1755] : memref<16x128xi32, #tpu.memory_space<vmem>> -> memref<1x64xi32, #tpu.memory_space<vmem>>
      %dma_start3A_1757 = tpu.memref_squeeze %dma_start3A_1756 : memref<1x64xi32, #tpu.memory_space<vmem>> -> memref<64xi32, #tpu.memory_space<vmem>>
      %dma_start3A_1758 = arith.constant 0 : i32
      %dma_start3A_1759 = arith.constant 0 : i32
      %dma_start3A_1760 = tpu.memref_slice %arg20[%dma_start3A_1758, %dma_start3A_1759] : memref<10240x128xf32, #tpu.memory_space<vmem_shared>> -> memref<10240x128xf32, #tpu.memory_space<vmem_shared>>
      tpu.enqueue_indirect_dma source(%arg13 : memref<64x128xf32, #tpu.memory_space<vmem>>) target(%dma_start3A_1760 : memref<10240x128xf32, #tpu.memory_space<vmem_shared>>) offsets(%dma_start3A_1757 : memref<64xi32, #tpu.memory_space<vmem>>) semaphore(%arg17 : memref<!tpu.dma_semaphore, #tpu.memory_space<semaphore_mem>>) {add = true}
      %dma_wait3A_1761 = arith.constant 0 : i32
      %dma_wait3A_1762 = arith.constant 0 : i32
      %dma_wait3A_1763 = tpu.memref_slice %arg9[%dma_wait3A_1761, %dma_wait3A_1762] : memref<16x128xi32, #tpu.memory_space<vmem>> -> memref<1x64xi32, #tpu.memory_space<vmem>>
      %dma_wait3A_1764 = tpu.memref_squeeze %dma_wait3A_1763 : memref<1x64xi32, #tpu.memory_space<vmem>> -> memref<64xi32, #tpu.memory_space<vmem>>
      %dma_wait3A_1765 = arith.constant 0 : i32
      %dma_wait3A_1766 = arith.constant 0 : i32
      %dma_wait3A_1767 = tpu.memref_slice %arg20[%dma_wait3A_1765, %dma_wait3A_1766] : memref<10240x128xf32, #tpu.memory_space<vmem_shared>> -> memref<10240x128xf32, #tpu.memory_space<vmem_shared>>
      tpu.wait_indirect_dma semaphore(%arg17 : memref<!tpu.dma_semaphore, #tpu.memory_space<semaphore_mem>>) src(%arg13 : memref<64x128xf32, #tpu.memory_space<vmem>>) dst(%dma_wait3A_1767 : memref<10240x128xf32, #tpu.memory_space<vmem_shared>>)
      %dma_start3A_1768 = arith.constant 15 : i32
      %dma_start3A_1769 = arith.constant 64 : i32
      %dma_start3A_1770 = tpu.memref_slice %arg7[%dma_start3A_1768, %dma_start3A_1769] : memref<16x128xi32, #tpu.memory_space<vmem>> -> memref<1x64xi32, #tpu.memory_space<vmem>>
      %dma_start3A_1771 = tpu.memref_squeeze %dma_start3A_1770 : memref<1x64xi32, #tpu.memory_space<vmem>> -> memref<64xi32, #tpu.memory_space<vmem>>
      %dma_start3A_1772 = arith.constant 0 : i32
      %dma_start3A_1773 = arith.constant 0 : i32
      %dma_start3A_1774 = tpu.memref_slice %arg2[%dma_start3A_1772, %dma_start3A_1773] : memref<20480x128xf32, #tpu.memory_space<hbm>> -> memref<20480x128xf32, #tpu.memory_space<hbm>>
      tpu.enqueue_indirect_dma source(%dma_start3A_1774 : memref<20480x128xf32, #tpu.memory_space<hbm>>) target(%arg13 : memref<64x128xf32, #tpu.memory_space<vmem>>) offsets(%dma_start3A_1771 : memref<64xi32, #tpu.memory_space<vmem>>) semaphore(%arg17 : memref<!tpu.dma_semaphore, #tpu.memory_space<semaphore_mem>>)
      %dma_wait3A_1775 = arith.constant 0 : i32
      %dma_wait3A_1776 = arith.constant 0 : i32
      %dma_wait3A_1777 = tpu.memref_slice %arg7[%dma_wait3A_1775, %dma_wait3A_1776] : memref<16x128xi32, #tpu.memory_space<vmem>> -> memref<1x64xi32, #tpu.memory_space<vmem>>
      %dma_wait3A_1778 = tpu.memref_squeeze %dma_wait3A_1777 : memref<1x64xi32, #tpu.memory_space<vmem>> -> memref<64xi32, #tpu.memory_space<vmem>>
      %dma_wait3A_1779 = arith.constant 0 : i32
      %dma_wait3A_1780 = arith.constant 0 : i32
      %dma_wait3A_1781 = tpu.memref_slice %arg2[%dma_wait3A_1779, %dma_wait3A_1780] : memref<20480x128xf32, #tpu.memory_space<hbm>> -> memref<20480x128xf32, #tpu.memory_space<hbm>>
      tpu.wait_indirect_dma semaphore(%arg14 : memref<!tpu.dma_semaphore, #tpu.memory_space<semaphore_mem>>) src(%dma_wait3A_1781 : memref<20480x128xf32, #tpu.memory_space<hbm>>) dst(%arg10 : memref<64x128xf32, #tpu.memory_space<vmem>>)
      %dma_start3A_1782 = arith.constant 14 : i32
      %dma_start3A_1783 = arith.constant 0 : i32
      %dma_start3A_1784 = tpu.memref_slice %arg9[%dma_start3A_1782, %dma_start3A_1783] : memref<16x128xi32, #tpu.memory_space<vmem>> -> memref<1x64xi32, #tpu.memory_space<vmem>>
      %dma_start3A_1785 = tpu.memref_squeeze %dma_start3A_1784 : memref<1x64xi32, #tpu.memory_space<vmem>> -> memref<64xi32, #tpu.memory_space<vmem>>
      %dma_start3A_1786 = arith.constant 0 : i32
      %dma_start3A_1787 = arith.constant 0 : i32
      %dma_start3A_1788 = tpu.memref_slice %arg20[%dma_start3A_1786, %dma_start3A_1787] : memref<10240x128xf32, #tpu.memory_space<vmem_shared>> -> memref<10240x128xf32, #tpu.memory_space<vmem_shared>>
      tpu.enqueue_indirect_dma source(%arg10 : memref<64x128xf32, #tpu.memory_space<vmem>>) target(%dma_start3A_1788 : memref<10240x128xf32, #tpu.memory_space<vmem_shared>>) offsets(%dma_start3A_1785 : memref<64xi32, #tpu.memory_space<vmem>>) semaphore(%arg14 : memref<!tpu.dma_semaphore, #tpu.memory_space<semaphore_mem>>) {add = true}
      %dma_wait3A_1789 = arith.constant 0 : i32
      %dma_wait3A_1790 = arith.constant 0 : i32
      %dma_wait3A_1791 = tpu.memref_slice %arg9[%dma_wait3A_1789, %dma_wait3A_1790] : memref<16x128xi32, #tpu.memory_space<vmem>> -> memref<1x64xi32, #tpu.memory_space<vmem>>
      %dma_wait3A_1792 = tpu.memref_squeeze %dma_wait3A_1791 : memref<1x64xi32, #tpu.memory_space<vmem>> -> memref<64xi32, #tpu.memory_space<vmem>>
      %dma_wait3A_1793 = arith.constant 0 : i32
      %dma_wait3A_1794 = arith.constant 0 : i32
      %dma_wait3A_1795 = tpu.memref_slice %arg20[%dma_wait3A_1793, %dma_wait3A_1794] : memref<10240x128xf32, #tpu.memory_space<vmem_shared>> -> memref<10240x128xf32, #tpu.memory_space<vmem_shared>>
      tpu.wait_indirect_dma semaphore(%arg14 : memref<!tpu.dma_semaphore, #tpu.memory_space<semaphore_mem>>) src(%arg10 : memref<64x128xf32, #tpu.memory_space<vmem>>) dst(%dma_wait3A_1795 : memref<10240x128xf32, #tpu.memory_space<vmem_shared>>)
      %dma_wait3A_1796 = arith.constant 0 : i32
      %dma_wait3A_1797 = arith.constant 0 : i32
      %dma_wait3A_1798 = tpu.memref_slice %arg7[%dma_wait3A_1796, %dma_wait3A_1797] : memref<16x128xi32, #tpu.memory_space<vmem>> -> memref<1x64xi32, #tpu.memory_space<vmem>>
      %dma_wait3A_1799 = tpu.memref_squeeze %dma_wait3A_1798 : memref<1x64xi32, #tpu.memory_space<vmem>> -> memref<64xi32, #tpu.memory_space<vmem>>
      %dma_wait3A_1800 = arith.constant 0 : i32
      %dma_wait3A_1801 = arith.constant 0 : i32
      %dma_wait3A_1802 = tpu.memref_slice %arg2[%dma_wait3A_1800, %dma_wait3A_1801] : memref<20480x128xf32, #tpu.memory_space<hbm>> -> memref<20480x128xf32, #tpu.memory_space<hbm>>
      tpu.wait_indirect_dma semaphore(%arg15 : memref<!tpu.dma_semaphore, #tpu.memory_space<semaphore_mem>>) src(%dma_wait3A_1802 : memref<20480x128xf32, #tpu.memory_space<hbm>>) dst(%arg11 : memref<64x128xf32, #tpu.memory_space<vmem>>)
      %dma_start3A_1803 = arith.constant 14 : i32
      %dma_start3A_1804 = arith.constant 64 : i32
      %dma_start3A_1805 = tpu.memref_slice %arg9[%dma_start3A_1803, %dma_start3A_1804] : memref<16x128xi32, #tpu.memory_space<vmem>> -> memref<1x64xi32, #tpu.memory_space<vmem>>
      %dma_start3A_1806 = tpu.memref_squeeze %dma_start3A_1805 : memref<1x64xi32, #tpu.memory_space<vmem>> -> memref<64xi32, #tpu.memory_space<vmem>>
      %dma_start3A_1807 = arith.constant 0 : i32
      %dma_start3A_1808 = arith.constant 0 : i32
      %dma_start3A_1809 = tpu.memref_slice %arg20[%dma_start3A_1807, %dma_start3A_1808] : memref<10240x128xf32, #tpu.memory_space<vmem_shared>> -> memref<10240x128xf32, #tpu.memory_space<vmem_shared>>
      tpu.enqueue_indirect_dma source(%arg11 : memref<64x128xf32, #tpu.memory_space<vmem>>) target(%dma_start3A_1809 : memref<10240x128xf32, #tpu.memory_space<vmem_shared>>) offsets(%dma_start3A_1806 : memref<64xi32, #tpu.memory_space<vmem>>) semaphore(%arg15 : memref<!tpu.dma_semaphore, #tpu.memory_space<semaphore_mem>>) {add = true}
      %dma_wait3A_1810 = arith.constant 0 : i32
      %dma_wait3A_1811 = arith.constant 0 : i32
      %dma_wait3A_1812 = tpu.memref_slice %arg9[%dma_wait3A_1810, %dma_wait3A_1811] : memref<16x128xi32, #tpu.memory_space<vmem>> -> memref<1x64xi32, #tpu.memory_space<vmem>>
      %dma_wait3A_1813 = tpu.memref_squeeze %dma_wait3A_1812 : memref<1x64xi32, #tpu.memory_space<vmem>> -> memref<64xi32, #tpu.memory_space<vmem>>
      %dma_wait3A_1814 = arith.constant 0 : i32
      %dma_wait3A_1815 = arith.constant 0 : i32
      %dma_wait3A_1816 = tpu.memref_slice %arg20[%dma_wait3A_1814, %dma_wait3A_1815] : memref<10240x128xf32, #tpu.memory_space<vmem_shared>> -> memref<10240x128xf32, #tpu.memory_space<vmem_shared>>
      tpu.wait_indirect_dma semaphore(%arg15 : memref<!tpu.dma_semaphore, #tpu.memory_space<semaphore_mem>>) src(%arg11 : memref<64x128xf32, #tpu.memory_space<vmem>>) dst(%dma_wait3A_1816 : memref<10240x128xf32, #tpu.memory_space<vmem_shared>>)
      %dma_wait3A_1817 = arith.constant 0 : i32
      %dma_wait3A_1818 = arith.constant 0 : i32
      %dma_wait3A_1819 = tpu.memref_slice %arg7[%dma_wait3A_1817, %dma_wait3A_1818] : memref<16x128xi32, #tpu.memory_space<vmem>> -> memref<1x64xi32, #tpu.memory_space<vmem>>
      %dma_wait3A_1820 = tpu.memref_squeeze %dma_wait3A_1819 : memref<1x64xi32, #tpu.memory_space<vmem>> -> memref<64xi32, #tpu.memory_space<vmem>>
      %dma_wait3A_1821 = arith.constant 0 : i32
      %dma_wait3A_1822 = arith.constant 0 : i32
      %dma_wait3A_1823 = tpu.memref_slice %arg2[%dma_wait3A_1821, %dma_wait3A_1822] : memref<20480x128xf32, #tpu.memory_space<hbm>> -> memref<20480x128xf32, #tpu.memory_space<hbm>>
      tpu.wait_indirect_dma semaphore(%arg16 : memref<!tpu.dma_semaphore, #tpu.memory_space<semaphore_mem>>) src(%dma_wait3A_1823 : memref<20480x128xf32, #tpu.memory_space<hbm>>) dst(%arg12 : memref<64x128xf32, #tpu.memory_space<vmem>>)
      %dma_start3A_1824 = arith.constant 15 : i32
      %dma_start3A_1825 = arith.constant 0 : i32
      %dma_start3A_1826 = tpu.memref_slice %arg9[%dma_start3A_1824, %dma_start3A_1825] : memref<16x128xi32, #tpu.memory_space<vmem>> -> memref<1x64xi32, #tpu.memory_space<vmem>>
      %dma_start3A_1827 = tpu.memref_squeeze %dma_start3A_1826 : memref<1x64xi32, #tpu.memory_space<vmem>> -> memref<64xi32, #tpu.memory_space<vmem>>
      %dma_start3A_1828 = arith.constant 0 : i32
      %dma_start3A_1829 = arith.constant 0 : i32
      %dma_start3A_1830 = tpu.memref_slice %arg20[%dma_start3A_1828, %dma_start3A_1829] : memref<10240x128xf32, #tpu.memory_space<vmem_shared>> -> memref<10240x128xf32, #tpu.memory_space<vmem_shared>>
      tpu.enqueue_indirect_dma source(%arg12 : memref<64x128xf32, #tpu.memory_space<vmem>>) target(%dma_start3A_1830 : memref<10240x128xf32, #tpu.memory_space<vmem_shared>>) offsets(%dma_start3A_1827 : memref<64xi32, #tpu.memory_space<vmem>>) semaphore(%arg16 : memref<!tpu.dma_semaphore, #tpu.memory_space<semaphore_mem>>) {add = true}
      %dma_wait3A_1831 = arith.constant 0 : i32
      %dma_wait3A_1832 = arith.constant 0 : i32
      %dma_wait3A_1833 = tpu.memref_slice %arg9[%dma_wait3A_1831, %dma_wait3A_1832] : memref<16x128xi32, #tpu.memory_space<vmem>> -> memref<1x64xi32, #tpu.memory_space<vmem>>
      %dma_wait3A_1834 = tpu.memref_squeeze %dma_wait3A_1833 : memref<1x64xi32, #tpu.memory_space<vmem>> -> memref<64xi32, #tpu.memory_space<vmem>>
      %dma_wait3A_1835 = arith.constant 0 : i32
      %dma_wait3A_1836 = arith.constant 0 : i32
      %dma_wait3A_1837 = tpu.memref_slice %arg20[%dma_wait3A_1835, %dma_wait3A_1836] : memref<10240x128xf32, #tpu.memory_space<vmem_shared>> -> memref<10240x128xf32, #tpu.memory_space<vmem_shared>>
      tpu.wait_indirect_dma semaphore(%arg16 : memref<!tpu.dma_semaphore, #tpu.memory_space<semaphore_mem>>) src(%arg12 : memref<64x128xf32, #tpu.memory_space<vmem>>) dst(%dma_wait3A_1837 : memref<10240x128xf32, #tpu.memory_space<vmem_shared>>)
      %dma_wait3A_1838 = arith.constant 0 : i32
      %dma_wait3A_1839 = arith.constant 0 : i32
      %dma_wait3A_1840 = tpu.memref_slice %arg7[%dma_wait3A_1838, %dma_wait3A_1839] : memref<16x128xi32, #tpu.memory_space<vmem>> -> memref<1x64xi32, #tpu.memory_space<vmem>>
      %dma_wait3A_1841 = tpu.memref_squeeze %dma_wait3A_1840 : memref<1x64xi32, #tpu.memory_space<vmem>> -> memref<64xi32, #tpu.memory_space<vmem>>
      %dma_wait3A_1842 = arith.constant 0 : i32
      %dma_wait3A_1843 = arith.constant 0 : i32
      %dma_wait3A_1844 = tpu.memref_slice %arg2[%dma_wait3A_1842, %dma_wait3A_1843] : memref<20480x128xf32, #tpu.memory_space<hbm>> -> memref<20480x128xf32, #tpu.memory_space<hbm>>
      tpu.wait_indirect_dma semaphore(%arg17 : memref<!tpu.dma_semaphore, #tpu.memory_space<semaphore_mem>>) src(%dma_wait3A_1844 : memref<20480x128xf32, #tpu.memory_space<hbm>>) dst(%arg13 : memref<64x128xf32, #tpu.memory_space<vmem>>)
      %dma_start3A_1845 = arith.constant 15 : i32
      %dma_start3A_1846 = arith.constant 64 : i32
      %dma_start3A_1847 = tpu.memref_slice %arg9[%dma_start3A_1845, %dma_start3A_1846] : memref<16x128xi32, #tpu.memory_space<vmem>> -> memref<1x64xi32, #tpu.memory_space<vmem>>
      %dma_start3A_1848 = tpu.memref_squeeze %dma_start3A_1847 : memref<1x64xi32, #tpu.memory_space<vmem>> -> memref<64xi32, #tpu.memory_space<vmem>>
      %dma_start3A_1849 = arith.constant 0 : i32
      %dma_start3A_1850 = arith.constant 0 : i32
      %dma_start3A_1851 = tpu.memref_slice %arg20[%dma_start3A_1849, %dma_start3A_1850] : memref<10240x128xf32, #tpu.memory_space<vmem_shared>> -> memref<10240x128xf32, #tpu.memory_space<vmem_shared>>
      tpu.enqueue_indirect_dma source(%arg13 : memref<64x128xf32, #tpu.memory_space<vmem>>) target(%dma_start3A_1851 : memref<10240x128xf32, #tpu.memory_space<vmem_shared>>) offsets(%dma_start3A_1848 : memref<64xi32, #tpu.memory_space<vmem>>) semaphore(%arg17 : memref<!tpu.dma_semaphore, #tpu.memory_space<semaphore_mem>>) {add = true}
      %dma_wait3A_1852 = arith.constant 0 : i32
      %dma_wait3A_1853 = arith.constant 0 : i32
      %dma_wait3A_1854 = tpu.memref_slice %arg9[%dma_wait3A_1852, %dma_wait3A_1853] : memref<16x128xi32, #tpu.memory_space<vmem>> -> memref<1x64xi32, #tpu.memory_space<vmem>>
      %dma_wait3A_1855 = tpu.memref_squeeze %dma_wait3A_1854 : memref<1x64xi32, #tpu.memory_space<vmem>> -> memref<64xi32, #tpu.memory_space<vmem>>
      %dma_wait3A_1856 = arith.constant 0 : i32
      %dma_wait3A_1857 = arith.constant 0 : i32
      %dma_wait3A_1858 = tpu.memref_slice %arg20[%dma_wait3A_1856, %dma_wait3A_1857] : memref<10240x128xf32, #tpu.memory_space<vmem_shared>> -> memref<10240x128xf32, #tpu.memory_space<vmem_shared>>
      tpu.wait_indirect_dma semaphore(%arg17 : memref<!tpu.dma_semaphore, #tpu.memory_space<semaphore_mem>>) src(%arg13 : memref<64x128xf32, #tpu.memory_space<vmem>>) dst(%dma_wait3A_1858 : memref<10240x128xf32, #tpu.memory_space<vmem_shared>>)
      %convert_element_type3A_1859 = arith.extui %lt3A_959 : i1 to i32
      %cond3A_1860 = arith.constant 0 : i32
      %cond3A_1861 = arith.cmpi ne, %convert_element_type3A_1859, %cond3A_1860 : i32
      scf.if %cond3A_1861 {
        %dma_wait3A_1862 = arith.constant 0 : i32
        %dma_wait3A_1863 = arith.constant 0 : i32
        %dma_wait3A_1864 = tpu.memref_slice %arg3[%dma_wait3A_1862, %mul3A_0, %dma_wait3A_1863] : memref<2x2560x128xi32, #tpu.memory_space<hbm>> -> memref<1x16x128xi32, #tpu.memory_space<hbm>>
        %dma_wait3A_1865 = tpu.memref_squeeze %dma_wait3A_1864 : memref<1x16x128xi32, #tpu.memory_space<hbm>> -> memref<16x128xi32, #tpu.memory_space<hbm>>
        %dma_wait3A_1866 = arith.constant 0 : i32
        %dma_wait3A_1867 = tpu.memref_slice %arg3[%dma_wait3A_1862, %mul3A_0, %dma_wait3A_1866] : memref<2x2560x128xi32, #tpu.memory_space<hbm>> -> memref<1x16x128xi32, #tpu.memory_space<hbm>>
        %dma_wait3A_1868 = tpu.memref_squeeze %dma_wait3A_1867 : memref<1x16x128xi32, #tpu.memory_space<hbm>> -> memref<16x128xi32, #tpu.memory_space<hbm>>
        tpu.wait_dma2 semaphore(%arg18 : memref<!tpu.dma_semaphore, #tpu.memory_space<semaphore_mem>>) src(%dma_wait3A_1868 : memref<16x128xi32, #tpu.memory_space<hbm>>) dst(%arg6 : memref<16x128xi32, #tpu.memory_space<vmem>>)
        %dma_wait3A_1869 = arith.constant 1 : i32
        %dma_wait3A_1870 = arith.constant 0 : i32
        %dma_wait3A_1871 = tpu.memref_slice %arg3[%dma_wait3A_1869, %mul3A_0, %dma_wait3A_1870] : memref<2x2560x128xi32, #tpu.memory_space<hbm>> -> memref<1x16x128xi32, #tpu.memory_space<hbm>>
        %dma_wait3A_1872 = tpu.memref_squeeze %dma_wait3A_1871 : memref<1x16x128xi32, #tpu.memory_space<hbm>> -> memref<16x128xi32, #tpu.memory_space<hbm>>
        %dma_wait3A_1873 = arith.constant 0 : i32
        %dma_wait3A_1874 = tpu.memref_slice %arg3[%dma_wait3A_1869, %mul3A_0, %dma_wait3A_1873] : memref<2x2560x128xi32, #tpu.memory_space<hbm>> -> memref<1x16x128xi32, #tpu.memory_space<hbm>>
        %dma_wait3A_1875 = tpu.memref_squeeze %dma_wait3A_1874 : memref<1x16x128xi32, #tpu.memory_space<hbm>> -> memref<16x128xi32, #tpu.memory_space<hbm>>
        tpu.wait_dma2 semaphore(%arg18 : memref<!tpu.dma_semaphore, #tpu.memory_space<semaphore_mem>>) src(%dma_wait3A_1875 : memref<16x128xi32, #tpu.memory_space<hbm>>) dst(%arg8 : memref<16x128xi32, #tpu.memory_space<vmem>>)
        %scan3A_1876 = arith.constant 0 : i32
        %scan3A_1877 = arith.constant 16 : i32
        %scan3A_1878 = arith.addi %scan3A_1876, %scan3A_1877 : i32
        %scan3A_1879 = arith.constant 1 : i32
        scf.for %scan3A_1881 = %scan3A_1876 to %scan3A_1878 step %scan3A_1879  : i32 {
          %mul3A_1882 = arith.constant 1 : i32
          %mul3A_1883 = arith.muli %scan3A_1881, %mul3A_1882 : i32
          %add3A_1884 = arith.constant 0 : i32
          %add3A_1885 = arith.addi %add3A_1884, %mul3A_1883 : i32
          %get3A = arith.index_cast %add3A_1885 : i32 to index
          %get3A_1886 = arith.constant 0 : index
          %get3A_1887 = tpu.vector_load %arg6[%get3A, %get3A_1886] {strides = array<i32>} : memref<16x128xi32, #tpu.memory_space<vmem>>, vector<1x16xi32>,
          %get3A_1888 = vector.shape_cast %get3A_1887 : vector<1x16xi32> to vector<16xi32>
          %add3A_1889 = vector.broadcast %mul3A_2 : i32 to vector<16xi32>
          %add3A_1890 = arith.addi %get3A_1888, %add3A_1889 : vector<16xi32>
          %swap3A = arith.index_cast %add3A_1885 : i32 to index
          %swap3A_1891 = arith.constant 0 : index
          %swap3A_1892 = tpu.vector_load %arg6[%swap3A, %swap3A_1891] {strides = array<i32>} : memref<16x128xi32, #tpu.memory_space<vmem>>, vector<1x16xi32>,
          %swap3A_1893 = vector.shape_cast %swap3A_1892 : vector<1x16xi32> to vector<16xi32>
          %swap3A_1894 = vector.shape_cast %add3A_1890 : vector<16xi32> to vector<1x16xi32>
          tpu.vector_store %arg6[%swap3A, %swap3A_1891], %swap3A_1894 {strides = array<i32>} : memref<16x128xi32, #tpu.memory_space<vmem>>, vector<1x16xi32>,
          %get3A_1895 = arith.index_cast %add3A_1885 : i32 to index
          %get3A_1896 = arith.constant 16 : index
          %get3A_1897 = tpu.vector_load %arg6[%get3A_1895, %get3A_1896] {strides = array<i32>} : memref<16x128xi32, #tpu.memory_space<vmem>>, vector<1x16xi32>,
          %get3A_1898 = vector.shape_cast %get3A_1897 : vector<1x16xi32> to vector<16xi32>
          %add3A_1899 = vector.broadcast %mul3A_2 : i32 to vector<16xi32>
          %add3A_1900 = arith.addi %get3A_1898, %add3A_1899 : vector<16xi32>
          %swap3A_1901 = arith.index_cast %add3A_1885 : i32 to index
          %swap3A_1902 = arith.constant 16 : index
          %swap3A_1903 = tpu.vector_load %arg6[%swap3A_1901, %swap3A_1902] {strides = array<i32>} : memref<16x128xi32, #tpu.memory_space<vmem>>, vector<1x16xi32>,
          %swap3A_1904 = vector.shape_cast %swap3A_1903 : vector<1x16xi32> to vector<16xi32>
          %swap3A_1905 = vector.shape_cast %add3A_1900 : vector<16xi32> to vector<1x16xi32>
          tpu.vector_store %arg6[%swap3A_1901, %swap3A_1902], %swap3A_1905 {strides = array<i32>} : memref<16x128xi32, #tpu.memory_space<vmem>>, vector<1x16xi32>,
          %get3A_1906 = arith.index_cast %add3A_1885 : i32 to index
          %get3A_1907 = arith.constant 32 : index
          %get3A_1908 = tpu.vector_load %arg6[%get3A_1906, %get3A_1907] {strides = array<i32>} : memref<16x128xi32, #tpu.memory_space<vmem>>, vector<1x16xi32>,
          %get3A_1909 = vector.shape_cast %get3A_1908 : vector<1x16xi32> to vector<16xi32>
          %add3A_1910 = vector.broadcast %mul3A_2 : i32 to vector<16xi32>
          %add3A_1911 = arith.addi %get3A_1909, %add3A_1910 : vector<16xi32>
          %swap3A_1912 = arith.index_cast %add3A_1885 : i32 to index
          %swap3A_1913 = arith.constant 32 : index
          %swap3A_1914 = tpu.vector_load %arg6[%swap3A_1912, %swap3A_1913] {strides = array<i32>} : memref<16x128xi32, #tpu.memory_space<vmem>>, vector<1x16xi32>,
          %swap3A_1915 = vector.shape_cast %swap3A_1914 : vector<1x16xi32> to vector<16xi32>
          %swap3A_1916 = vector.shape_cast %add3A_1911 : vector<16xi32> to vector<1x16xi32>
          tpu.vector_store %arg6[%swap3A_1912, %swap3A_1913], %swap3A_1916 {strides = array<i32>} : memref<16x128xi32, #tpu.memory_space<vmem>>, vector<1x16xi32>,
          %get3A_1917 = arith.index_cast %add3A_1885 : i32 to index
          %get3A_1918 = arith.constant 48 : index
          %get3A_1919 = tpu.vector_load %arg6[%get3A_1917, %get3A_1918] {strides = array<i32>} : memref<16x128xi32, #tpu.memory_space<vmem>>, vector<1x16xi32>,
          %get3A_1920 = vector.shape_cast %get3A_1919 : vector<1x16xi32> to vector<16xi32>
          %add3A_1921 = vector.broadcast %mul3A_2 : i32 to vector<16xi32>
          %add3A_1922 = arith.addi %get3A_1920, %add3A_1921 : vector<16xi32>
          %swap3A_1923 = arith.index_cast %add3A_1885 : i32 to index
          %swap3A_1924 = arith.constant 48 : index
          %swap3A_1925 = tpu.vector_load %arg6[%swap3A_1923, %swap3A_1924] {strides = array<i32>} : memref<16x128xi32, #tpu.memory_space<vmem>>, vector<1x16xi32>,
          %swap3A_1926 = vector.shape_cast %swap3A_1925 : vector<1x16xi32> to vector<16xi32>
          %swap3A_1927 = vector.shape_cast %add3A_1922 : vector<16xi32> to vector<1x16xi32>
          tpu.vector_store %arg6[%swap3A_1923, %swap3A_1924], %swap3A_1927 {strides = array<i32>} : memref<16x128xi32, #tpu.memory_space<vmem>>, vector<1x16xi32>,
          %get3A_1928 = arith.index_cast %add3A_1885 : i32 to index
          %get3A_1929 = arith.constant 64 : index
          %get3A_1930 = tpu.vector_load %arg6[%get3A_1928, %get3A_1929] {strides = array<i32>} : memref<16x128xi32, #tpu.memory_space<vmem>>, vector<1x16xi32>,
          %get3A_1931 = vector.shape_cast %get3A_1930 : vector<1x16xi32> to vector<16xi32>
          %add3A_1932 = vector.broadcast %mul3A_2 : i32 to vector<16xi32>
          %add3A_1933 = arith.addi %get3A_1931, %add3A_1932 : vector<16xi32>
          %swap3A_1934 = arith.index_cast %add3A_1885 : i32 to index
          %swap3A_1935 = arith.constant 64 : index
          %swap3A_1936 = tpu.vector_load %arg6[%swap3A_1934, %swap3A_1935] {strides = array<i32>} : memref<16x128xi32, #tpu.memory_space<vmem>>, vector<1x16xi32>,
          %swap3A_1937 = vector.shape_cast %swap3A_1936 : vector<1x16xi32> to vector<16xi32>
          %swap3A_1938 = vector.shape_cast %add3A_1933 : vector<16xi32> to vector<1x16xi32>
          tpu.vector_store %arg6[%swap3A_1934, %swap3A_1935], %swap3A_1938 {strides = array<i32>} : memref<16x128xi32, #tpu.memory_space<vmem>>, vector<1x16xi32>,
          %get3A_1939 = arith.index_cast %add3A_1885 : i32 to index
          %get3A_1940 = arith.constant 80 : index
          %get3A_1941 = tpu.vector_load %arg6[%get3A_1939, %get3A_1940] {strides = array<i32>} : memref<16x128xi32, #tpu.memory_space<vmem>>, vector<1x16xi32>,
          %get3A_1942 = vector.shape_cast %get3A_1941 : vector<1x16xi32> to vector<16xi32>
          %add3A_1943 = vector.broadcast %mul3A_2 : i32 to vector<16xi32>
          %add3A_1944 = arith.addi %get3A_1942, %add3A_1943 : vector<16xi32>
          %swap3A_1945 = arith.index_cast %add3A_1885 : i32 to index
          %swap3A_1946 = arith.constant 80 : index
          %swap3A_1947 = tpu.vector_load %arg6[%swap3A_1945, %swap3A_1946] {strides = array<i32>} : memref<16x128xi32, #tpu.memory_space<vmem>>, vector<1x16xi32>,
          %swap3A_1948 = vector.shape_cast %swap3A_1947 : vector<1x16xi32> to vector<16xi32>
          %swap3A_1949 = vector.shape_cast %add3A_1944 : vector<16xi32> to vector<1x16xi32>
          tpu.vector_store %arg6[%swap3A_1945, %swap3A_1946], %swap3A_1949 {strides = array<i32>} : memref<16x128xi32, #tpu.memory_space<vmem>>, vector<1x16xi32>,
          %get3A_1950 = arith.index_cast %add3A_1885 : i32 to index
          %get3A_1951 = arith.constant 96 : index
          %get3A_1952 = tpu.vector_load %arg6[%get3A_1950, %get3A_1951] {strides = array<i32>} : memref<16x128xi32, #tpu.memory_space<vmem>>, vector<1x16xi32>,
          %get3A_1953 = vector.shape_cast %get3A_1952 : vector<1x16xi32> to vector<16xi32>
          %add3A_1954 = vector.broadcast %mul3A_2 : i32 to vector<16xi32>
          %add3A_1955 = arith.addi %get3A_1953, %add3A_1954 : vector<16xi32>
          %swap3A_1956 = arith.index_cast %add3A_1885 : i32 to index
          %swap3A_1957 = arith.constant 96 : index
          %swap3A_1958 = tpu.vector_load %arg6[%swap3A_1956, %swap3A_1957] {strides = array<i32>} : memref<16x128xi32, #tpu.memory_space<vmem>>, vector<1x16xi32>,
          %swap3A_1959 = vector.shape_cast %swap3A_1958 : vector<1x16xi32> to vector<16xi32>
          %swap3A_1960 = vector.shape_cast %add3A_1955 : vector<16xi32> to vector<1x16xi32>
          tpu.vector_store %arg6[%swap3A_1956, %swap3A_1957], %swap3A_1960 {strides = array<i32>} : memref<16x128xi32, #tpu.memory_space<vmem>>, vector<1x16xi32>,
          %get3A_1961 = arith.index_cast %add3A_1885 : i32 to index
          %get3A_1962 = arith.constant 112 : index
          %get3A_1963 = tpu.vector_load %arg6[%get3A_1961, %get3A_1962] {strides = array<i32>} : memref<16x128xi32, #tpu.memory_space<vmem>>, vector<1x16xi32>,
          %get3A_1964 = vector.shape_cast %get3A_1963 : vector<1x16xi32> to vector<16xi32>
          %add3A_1965 = vector.broadcast %mul3A_2 : i32 to vector<16xi32>
          %add3A_1966 = arith.addi %get3A_1964, %add3A_1965 : vector<16xi32>
          %swap3A_1967 = arith.index_cast %add3A_1885 : i32 to index
          %swap3A_1968 = arith.constant 112 : index
          %swap3A_1969 = tpu.vector_load %arg6[%swap3A_1967, %swap3A_1968] {strides = array<i32>} : memref<16x128xi32, #tpu.memory_space<vmem>>, vector<1x16xi32>,
          %swap3A_1970 = vector.shape_cast %swap3A_1969 : vector<1x16xi32> to vector<16xi32>
          %swap3A_1971 = vector.shape_cast %add3A_1966 : vector<16xi32> to vector<1x16xi32>
          tpu.vector_store %arg6[%swap3A_1967, %swap3A_1968], %swap3A_1971 {strides = array<i32>} : memref<16x128xi32, #tpu.memory_space<vmem>>, vector<1x16xi32>,
        }
        %scan3A_1880 = arith.constant 16 : i32
      } else {
      }
    }
    %scan3A_39 = arith.constant 5 : i32
    %barrier3A_40 = arith.constant 0 : index
    tpu.barrier barrier_id(%barrier3A_40)
    %mul3A_41 = arith.constant 640 : i32
    %mul3A_42 = arith.muli %arg1, %mul3A_41 : i32
    %mul3A_43 = arith.constant 640 : i32
    %mul3A_44 = arith.muli %arg1, %mul3A_43 : i32
    "tpu.region"() ({
      %run_scoped3A = tpu.sem_alloc : memref<!tpu.dma_semaphore, #tpu.memory_space<semaphore_mem>>
      %dma_start3A_45 = arith.constant 0 : i32
      %dma_start3A_46 = tpu.memref_slice %arg5[%arg0, %mul3A_44, %dma_start3A_45] : memref<2x10240x128xf32, #tpu.memory_space<hbm>> -> memref<1x640x128xf32, #tpu.memory_space<hbm>>
      %dma_start3A_47 = tpu.memref_squeeze %dma_start3A_46 : memref<1x640x128xf32, #tpu.memory_space<hbm>> -> memref<640x128xf32, #tpu.memory_space<hbm>>
      %dma_start3A_48 = arith.constant 0 : i32
      %dma_start3A_49 = tpu.memref_slice %arg20[%mul3A_42, %dma_start3A_48] : memref<10240x128xf32, #tpu.memory_space<vmem_shared>> -> memref<640x128xf32, #tpu.memory_space<vmem_shared>>
      tpu.enqueue_dma source(%dma_start3A_49 : memref<640x128xf32, #tpu.memory_space<vmem_shared>>) target(%dma_start3A_47 : memref<640x128xf32, #tpu.memory_space<hbm>>) target_semaphore(%run_scoped3A : memref<!tpu.dma_semaphore, #tpu.memory_space<semaphore_mem>>)
      %dma_wait3A_50 = arith.constant 0 : i32
      %dma_wait3A_51 = tpu.memref_slice %arg5[%arg0, %mul3A_44, %dma_wait3A_50] : memref<2x10240x128xf32, #tpu.memory_space<hbm>> -> memref<1x640x128xf32, #tpu.memory_space<hbm>>
      %dma_wait3A_52 = tpu.memref_squeeze %dma_wait3A_51 : memref<1x640x128xf32, #tpu.memory_space<hbm>> -> memref<640x128xf32, #tpu.memory_space<hbm>>
      %dma_wait3A_53 = arith.constant 0 : i32
      %dma_wait3A_54 = tpu.memref_slice %arg20[%mul3A_42, %dma_wait3A_53] : memref<10240x128xf32, #tpu.memory_space<vmem_shared>> -> memref<640x128xf32, #tpu.memory_space<vmem_shared>>
      tpu.wait_dma2 semaphore(%run_scoped3A : memref<!tpu.dma_semaphore, #tpu.memory_space<semaphore_mem>>) src(%dma_wait3A_54 : memref<640x128xf32, #tpu.memory_space<vmem_shared>>) dst(%dma_wait3A_52 : memref<640x128xf32, #tpu.memory_space<hbm>>)
      tpu.yield
    }) : () -> ()
    return
  }
}

module attributes {stable_mosaic.version = 14 : i64} {
  func.func @_scale_body(%arg0: memref<10000x128xf32, #tpu.memory_space<vmem>>, %arg1: memref<10000x128xf32, #tpu.memory_space<vmem>>, %arg2: memref<2x10000x128xf32, #tpu.memory_space<vmem>>, %arg3: memref<2x10240x128xf32, #tpu.memory_space<vmem>>) attributes {dimension_semantics = [], scalar_prefetch = 0 : i64, scratch_operands = 0 : i64, tpu.core_type = #tpu.core_type<tc>} {
    %get3A = arith.constant 0 : index
    %get3A_0 = arith.constant 0 : index
    %get3A_1 = arith.constant 0 : index
    %get3A_2 = vector.load %arg2[%get3A, %get3A_0, %get3A_1] : memref<2x10000x128xf32, #tpu.memory_space<vmem>>, vector<2x10000x128xf32>
    %slice3A = vector.extract_strided_slice %get3A_2 {offsets = [0, 0, 0], sizes = [1, 10000, 128], strides = [1, 1, 1]} : vector<2x10000x128xf32> to vector<1x10000x128xf32>
    %squeeze3A = vector.shape_cast %slice3A : vector<1x10000x128xf32> to vector<10000x128xf32>
    %max3A = arith.constant 1.000000e+00 : f32
    %max3A_3 = vector.broadcast %max3A : f32 to vector<10000x128xf32>
    %max3A_4 = arith.maximumf %squeeze3A, %max3A_3 : vector<10000x128xf32>
    %rsqrt3A = math.rsqrt %max3A_4 : vector<10000x128xf32>
    %slice3A_5 = vector.extract_strided_slice %get3A_2 {offsets = [1, 0, 0], sizes = [1, 10000, 128], strides = [1, 1, 1]} : vector<2x10000x128xf32> to vector<1x10000x128xf32>
    %squeeze3A_6 = vector.shape_cast %slice3A_5 : vector<1x10000x128xf32> to vector<10000x128xf32>
    %max3A_7 = arith.constant 1.000000e+00 : f32
    %max3A_8 = vector.broadcast %max3A_7 : f32 to vector<10000x128xf32>
    %max3A_9 = arith.maximumf %squeeze3A_6, %max3A_8 : vector<10000x128xf32>
    %rsqrt3A_10 = math.rsqrt %max3A_9 : vector<10000x128xf32>
    %get3A_11 = arith.constant 0 : index
    %get3A_12 = arith.constant 0 : index
    %get3A_13 = vector.load %arg0[%get3A_11, %get3A_12] : memref<10000x128xf32, #tpu.memory_space<vmem>>, vector<10000x128xf32>
    %mul3A = arith.mulf %get3A_13, %rsqrt3A : vector<10000x128xf32>
    %swap3A = arith.constant 0 : index
    %swap3A_14 = arith.constant 0 : index
    %swap3A_15 = arith.constant 0 : index
    %swap3A_16 = vector.load %arg3[%swap3A, %swap3A_14, %swap3A_15] : memref<2x10240x128xf32, #tpu.memory_space<vmem>>, vector<1x10000x128xf32>
    %swap3A_17 = vector.shape_cast %swap3A_16 : vector<1x10000x128xf32> to vector<10000x128xf32>
    %swap3A_18 = vector.shape_cast %mul3A : vector<10000x128xf32> to vector<1x10000x128xf32>
    tpu.vector_store %arg3[%swap3A, %swap3A_14, %swap3A_15], %swap3A_18 {strides = array<i32>} : memref<2x10240x128xf32, #tpu.memory_space<vmem>>, vector<1x10000x128xf32>,
    %get3A_19 = arith.constant 0 : index
    %get3A_20 = arith.constant 0 : index
    %get3A_21 = vector.load %arg1[%get3A_19, %get3A_20] : memref<10000x128xf32, #tpu.memory_space<vmem>>, vector<10000x128xf32>
    %mul3A_22 = arith.mulf %get3A_21, %rsqrt3A_10 : vector<10000x128xf32>
    %swap3A_23 = arith.constant 1 : index
    %swap3A_24 = arith.constant 0 : index
    %swap3A_25 = arith.constant 0 : index
    %swap3A_26 = vector.load %arg3[%swap3A_23, %swap3A_24, %swap3A_25] : memref<2x10240x128xf32, #tpu.memory_space<vmem>>, vector<1x10000x128xf32>
    %swap3A_27 = vector.shape_cast %swap3A_26 : vector<1x10000x128xf32> to vector<10000x128xf32>
    %swap3A_28 = vector.shape_cast %mul3A_22 : vector<10000x128xf32> to vector<1x10000x128xf32>
    tpu.vector_store %arg3[%swap3A_23, %swap3A_24, %swap3A_25], %swap3A_28 {strides = array<i32>} : memref<2x10240x128xf32, #tpu.memory_space<vmem>>, vector<1x10000x128xf32>,
    %broadcast_in_dim3A = arith.constant 0.000000e+00 : f32
    %broadcast_in_dim3A_29 = vector.broadcast %broadcast_in_dim3A : f32 to vector<240x128xf32>
    %swap3A_30 = arith.constant 0 : index
    %swap3A_31 = arith.constant 10000 : index
    %swap3A_32 = arith.constant 0 : index
    %swap3A_33 = vector.load %arg3[%swap3A_30, %swap3A_31, %swap3A_32] : memref<2x10240x128xf32, #tpu.memory_space<vmem>>, vector<1x240x128xf32>
    %swap3A_34 = vector.shape_cast %swap3A_33 : vector<1x240x128xf32> to vector<240x128xf32>
    %swap3A_35 = vector.shape_cast %broadcast_in_dim3A_29 : vector<240x128xf32> to vector<1x240x128xf32>
    tpu.vector_store %arg3[%swap3A_30, %swap3A_31, %swap3A_32], %swap3A_35 {strides = array<i32>} : memref<2x10240x128xf32, #tpu.memory_space<vmem>>, vector<1x240x128xf32>,
    %swap3A_36 = arith.constant 1 : index
    %swap3A_37 = arith.constant 10000 : index
    %swap3A_38 = arith.constant 0 : index
    %swap3A_39 = vector.load %arg3[%swap3A_36, %swap3A_37, %swap3A_38] : memref<2x10240x128xf32, #tpu.memory_space<vmem>>, vector<1x240x128xf32>
    %swap3A_40 = vector.shape_cast %swap3A_39 : vector<1x240x128xf32> to vector<240x128xf32>
    %swap3A_41 = vector.shape_cast %broadcast_in_dim3A_29 : vector<240x128xf32> to vector<1x240x128xf32>
    tpu.vector_store %arg3[%swap3A_36, %swap3A_37, %swap3A_38], %swap3A_41 {strides = array<i32>} : memref<2x10240x128xf32, #tpu.memory_space<vmem>>, vector<1x240x128xf32>,
    return
  }
}

module attributes {stable_mosaic.version = 14 : i64} {
  func.func @_final_body(%arg0: memref<2x10240x128xf32, #tpu.memory_space<vmem>>, %arg1: memref<10000x128xf32, #tpu.memory_space<vmem>>, %arg2: memref<128x128xf32, #tpu.memory_space<vmem>>, %arg3: memref<10000x128xf32, #tpu.memory_space<vmem>>) attributes {dimension_semantics = [], scalar_prefetch = 0 : i64, scratch_operands = 0 : i64, tpu.core_type = #tpu.core_type<tc>} {
    %get3A = arith.constant 0 : index
    %get3A_0 = arith.constant 0 : index
    %get3A_1 = arith.constant 0 : index
    %get3A_2 = vector.load %arg0[%get3A, %get3A_0, %get3A_1] : memref<2x10240x128xf32, #tpu.memory_space<vmem>>, vector<2x10240x128xf32>
    %get3A_3 = arith.constant 0 : index
    %get3A_4 = arith.constant 0 : index
    %get3A_5 = vector.load %arg1[%get3A_3, %get3A_4] : memref<10000x128xf32, #tpu.memory_space<vmem>>, vector<10000x128xf32>
    %max3A = arith.constant 1.000000e+00 : f32
    %max3A_6 = vector.broadcast %max3A : f32 to vector<10000x128xf32>
    %max3A_7 = arith.maximumf %get3A_5, %max3A_6 : vector<10000x128xf32>
    %rsqrt3A = math.rsqrt %max3A_7 : vector<10000x128xf32>
    %slice3A = vector.extract_strided_slice %get3A_2 {offsets = [0, 0, 0], sizes = [1, 10000, 128], strides = [1, 1, 1]} : vector<2x10240x128xf32> to vector<1x10000x128xf32>
    %squeeze3A = vector.shape_cast %slice3A : vector<1x10000x128xf32> to vector<10000x128xf32>
    %slice3A_8 = vector.extract_strided_slice %get3A_2 {offsets = [1, 0, 0], sizes = [1, 10000, 128], strides = [1, 1, 1]} : vector<2x10240x128xf32> to vector<1x10000x128xf32>
    %squeeze3A_9 = vector.shape_cast %slice3A_8 : vector<1x10000x128xf32> to vector<10000x128xf32>
    %get3A_10 = arith.constant 0 : index
    %get3A_11 = arith.constant 0 : index
    %get3A_12 = vector.load %arg2[%get3A_10, %get3A_11] : memref<128x128xf32, #tpu.memory_space<vmem>>, vector<128x128xf32>
    %dot_general3A = arith.constant dense<0.000000e+00> : vector<10000x128xf32>
    %dot_general3A_13 = tpu.matmul %squeeze3A_9, %get3A_12, %dot_general3A {dimension_numbers = #tpu.dot_dimension_numbers<[1], [0], [0], [1], [0, 0, 1, 1], [], []>, precision = #tpu.contract_precision<fp32>, transpose_lhs_hint = false} : vector<10000x128xf32>, vector<128x128xf32>, vector<10000x128xf32> -> vector<10000x128xf32>
    %add3A = arith.addf %squeeze3A, %dot_general3A_13 : vector<10000x128xf32>
    %mul3A = arith.mulf %add3A, %rsqrt3A : vector<10000x128xf32>
    %max3A_14 = arith.constant 0.000000e+00 : f32
    %max3A_15 = vector.broadcast %max3A_14 : f32 to vector<10000x128xf32>
    %max3A_16 = arith.maximumf %mul3A, %max3A_15 : vector<10000x128xf32>
    %swap3A = arith.constant 0 : index
    %swap3A_17 = arith.constant 0 : index
    %swap3A_18 = vector.load %arg3[%swap3A, %swap3A_17] : memref<10000x128xf32, #tpu.memory_space<vmem>>, vector<10000x128xf32>
    tpu.vector_store %arg3[%swap3A, %swap3A_17], %max3A_16 {strides = array<i32>} : memref<10000x128xf32, #tpu.memory_space<vmem>>, vector<10000x128xf32>,
    return
  }
}

</mosaic_0001>

<sc_bundles>
// kernel: kernel.6.cloned.1.call-start
scs
__scs_entry_jumppad:
0x0: {  	(pc) =	sbr.rel $0x88, $3  }
0x1: {  	(tag) =	ssettag $0x0;
	lr =	simm.s32 $0x1  }
0x2: {  	[smem:$0x3F9D] =	sst lr;
	_ =	strace $0xD0000000  }
0x3: {  	_ = 	snop  }
0x4: {  	_ = 	snop  }
0x5: {  	_ = 	snop  }
0x6: {  	_ = 	snop  }
0x7: {  	_ = 	snop  }
__scs_overlays_trampoline_lowered:
0x8: {  	[smem:$0x3FAC] =	sst s0  }
0x9: {  	[smem:$0x3FAD] =	sst s1  }
0xa: {  	[smem:$0x3FAE] =	sst s2  }
0xb: {  	[smem:$0x3FAF] =	sst s3  }
0xc: {  	[smem:$0x3FB0] =	sst s4  }
0xd: {  	[smem:$0x3FB1] =	sst s5  }
0xe: {  	[smem:$0x3FB2] =	sst s6  }
0xf: {  	[smem:$0x3FB3] =	sst s7  }
0x10: {  	[smem:$0x3FB4] =	sst s8  }
0x11: {  	[smem:$0x3FB5] =	sst s9;
	s0 =	simm.s32 @!p0 $0x0  }
0x12: {  	s1 =	sld [smem:$0x3F9B];
	s0 =	simm.s32 @p0 $0x1  }
0x13: {  	[smem:$0x3FB6] =	sst s0;
	s0 =	simm.s32 @!p1 $0x0  }
0x14: {  	s2 =	sld [smem:$0x3F9A];
	s0 =	simm.s32 @p1 $0x1  }
0x15: {  	[smem:$0x3FB7] =	sst s0;
	s0 =	simm.s32 @!p2 $0x0  }
0x16: {  	s3 =	sld [smem:$0x3FDB];
	s0 =	simm.s32 @p2 $0x1  }
0x17: {  	s4 =	simm.s32 $0x1BF5;
	[smem:$0x3FB9] =	sst s0  }
0x18: {  	s0 =	sld [smem:$0x3F9C];
	_ =	swait.ge [sflag:s4], $0x0  }
0x19: {  	s7 =	sld [smem:$0x3F9D]  }
0x1a: {  	s8 =	sadd.s32 $0xFFFFE003, lr  }
0x1b: {  	s9 =	sadd.s32 $0xFFFFFEF7, lr;
	s5 =	simm.s32 $0xFFFFFFFF;
	p2 =	slt.u32 s8, $0xFFFFF086  }
0x1c: {  	p1 =	slt.u32 s9, $0xF7A;
	s5 =	simm.s32 @!p2 $0x0  }
0x1d: {  	s5 =	simm.s32 @p1 $0x1;
	p0 =	seq.s32 s7, s2  }
0x1e: {  	s7 =	smul.u32 @!p0 $0xF7A, s2;
	p2 =	seq.s32 @!p0 s5, $0x0  }
0x1f: {  	s9 =	smul.u32 $0xF7A, s1;
	s8 =	simm.s32 @!p0 $0x1BF5;
	p2 =	por !p2, p0  }
0x20: {  	[sflag:s8] =	ssyncset.s32 @!p0 $0xFFFFF086;
	s6 =	sadd.s32 @!p0 s3, s7;
	s7 =	simm.s32 @!p0 $0x108  }
0x21: {  	s3 =	sadd.s32 s3, s9;
	s6 =	sadd.s32 @!p0 $0x88, s6;
	s7 =	simm.s32 @p2 $0x1082  }
0x22: {  	[simem:s7], [sflag:s8] =	dma.local @!p0 [hbm:s6], $0xF7A  }
0x23: {  	s9 =	sor.u32 $0xD0000000, s2;
	s6 =	simm.s32 $0x108;
	_ =	swait.ge @!p0 [sflag:s8], $0x0  }
0x24: {  	s3 =	sadd.s32 $0x88, s3;
	s6 =	simm.s32 @!p1 $0x1082;
	[sflag:s4] =	ssyncset.s32 $0xFFFFF086  }
0x25: {  	[simem:s6], [sflag:s4] =	dma.local [hbm:s3], $0xF7A  }
0x26: {  	[smem:$0x3F9D] =	sst s1;
	(tag) =	ssettag s2;
	_ =	strace s9  }
0x27: {  	s1 =	sld [smem:$0x3FAD]  }
0x28: {  	s2 =	sld [smem:$0x3FAE]  }
0x29: {  	s4 =	sld [smem:$0x3FB0]  }
0x2a: {  	p0 =	seq.s32 s5, $0x0;
	s5 =	sld [smem:$0x3FB1]  }
0x2b: {  	s6 =	sld [smem:$0x3FB2]  }
0x2c: {  	s7 =	sld [smem:$0x3FB3]  }
0x2d: {  	s3 =	simm.s32 $0x108;
	s8 =	sld [smem:$0x3FB4]  }
0x2e: {  	s3 =	simm.s32 @!p0 $0x1082;
	s9 =	sld [smem:$0x3FB5]  }
0x2f: {  	lr =	sadd.s32 s0, s3;
	s0 =	sld [smem:$0x3FAC]  }
0x30: {  	s3 =	sld [smem:$0x3FAF]  }
0x31: {  	[smem:$0x3FB8] =	sst s10  }
0x32: {  	s10 =	sld [smem:$0x3FB6];
	_ =	sdelay $0x3  }
0x33: {  	p0 =	seq.s32 s10, $0x1;
	s10 =	sld [smem:$0x3FB8];
	_ =	sdelay $0x3  }
0x34: {  	[smem:$0x3FB8] =	sst s10  }
0x35: {  	s10 =	sld [smem:$0x3FB7];
	_ =	sdelay $0x3  }
0x36: {  	p1 =	seq.s32 s10, $0x1;
	s10 =	sld [smem:$0x3FB8];
	_ =	sdelay $0x3  }
0x37: {  	[smem:$0x3FB8] =	sst s10  }
0x38: {  	s10 =	sld [smem:$0x3FB9]  }
0x39: {  	_ = 	snop;
	(pc) =	sbr.ind lr, $3  }
0x3a: {  	_ = 	snop  }
0x3b: {  	_ = 	snop  }
0x3c: {  	p2 =	seq.s32 s10, $0x1;
	s10 =	sld [smem:$0x3FB8]  }
0x3d: {  	_ =	shalt  }
0x3e: {  	_ =	shalt  }
0x3f: {  	_ =	shalt  }
0x40: {  	_ =	shalt  }
0x41: {  	_ =	shalt  }
0x42: {  	_ =	shalt  }
0x43: {  	_ =	shalt  }
0x44: {  	_ =	shalt  }
0x45: {  	_ =	shalt  }
0x46: {  	_ =	shalt  }
0x47: {  	_ =	shalt  }
0x48: {  	_ =	shalt  }
0x49: {  	_ =	shalt  }
0x4a: {  	_ =	shalt  }
0x4b: {  	_ =	shalt  }
0x4c: {  	_ =	shalt  }
0x4d: {  	_ =	shalt  }
0x4e: {  	_ =	shalt  }
0x4f: {  	_ =	shalt  }
0x50: {  	_ =	shalt  }
0x51: {  	_ =	shalt  }
0x52: {  	_ =	shalt  }
0x53: {  	_ =	shalt  }
0x54: {  	_ =	shalt  }
0x55: {  	_ =	shalt  }
0x56: {  	_ =	shalt  }
0x57: {  	_ =	shalt  }
0x58: {  	_ =	shalt  }
0x59: {  	_ =	shalt  }
0x5a: {  	_ =	shalt  }
0x5b: {  	_ =	shalt  }
0x5c: {  	_ =	shalt  }
0x5d: {  	_ =	shalt  }
0x5e: {  	_ =	shalt  }
0x5f: {  	_ =	shalt  }
0x60: {  	_ =	shalt  }
0x61: {  	_ =	shalt  }
0x62: {  	_ =	shalt  }
0x63: {  	_ =	shalt  }
0x64: {  	_ =	shalt  }
0x65: {  	_ =	shalt  }
0x66: {  	_ =	shalt  }
0x67: {  	_ =	shalt  }
0x68: {  	_ =	shalt  }
0x69: {  	_ =	shalt  }
0x6a: {  	_ =	shalt  }
0x6b: {  	_ =	shalt  }
0x6c: {  	_ =	shalt  }
0x6d: {  	_ =	shalt  }
0x6e: {  	_ =	shalt  }
0x6f: {  	_ =	shalt  }
0x70: {  	_ =	shalt  }
0x71: {  	_ =	shalt  }
0x72: {  	_ =	shalt  }
0x73: {  	_ =	shalt  }
0x74: {  	_ =	shalt  }
0x75: {  	_ =	shalt  }
0x76: {  	_ =	shalt  }
0x77: {  	_ =	shalt  }
0x78: {  	_ =	shalt  }
0x79: {  	_ =	shalt  }
0x7a: {  	_ =	shalt  }
0x7b: {  	_ =	shalt  }
0x7c: {  	_ =	shalt  }
0x7d: {  	_ =	shalt  }
0x7e: {  	_ =	shalt  }
0x7f: {  	_ =	shalt  }
0x80: {  	_ =	shalt  }
0x81: {  	_ =	shalt  }
0x82: {  	_ =	shalt  }
0x83: {  	_ =	shalt  }
0x84: {  	_ =	shalt  }
0x85: {  	_ =	shalt  }
0x86: {  	_ =	shalt  }
0x87: {  	_ =	shalt  }
.Lfunc_end0:
.L_simem_size_0:
called_computation_lowered:
.L_overlay_start_0:
0x88: {  	s2 =	sld [smem:$0x3FD9]  }
0x89: {  	s3 =	sld [smem:$0x3FFE];
	_ =	sdelay $0x1  }
0x8a: {  	s1 =	srdreg.scid  }
0x8b: {  	s0 =	sand.u32 $0x1, s1  }
0x8c: {  	s17 =	sshll.u32 s0, $0xA;
	s2 =	sadd.s32 s3, s2  }
0x8d: {  	s2 =	sadd.s32 s2, s17  }
0x8e: {  	[smem:$0x3FC4] =	sst s2  }
0x8f: {  	_ = 	snop  }
0x90: {  	s2 =	sld [smem:$0x3FD0];
	(tm) =	ssettm $0x1  }
0x91: {  	s18 =	sld [smem:$0x3FFB];
	_ =	sdelay $0x3  }
0x92: {  	_ =	strace s18  }
0x93: {  	s3 =	sld [smem:$0x3FFC];
	_ =	sdelay $0x3  }
0x94: {  	_ =	strace s3  }
0x95: {  	s3 =	sld [smem:$0x3FFD];
	_ =	sdelay $0x3  }
0x96: {  	_ =	strace s3  }
0x97: {  	_ =	strace $0x8FFFFFFF  }
0x98: {  	s19 =	sld [smem:$0x3FDB];
	_ =	sdelay $0x1  }
0x99: {  	s4 =	simm.s32 $_scs_section_size  }
0x9a: {  	s5 =	simm.s32 $_size__tile_overlayer_lowered;
	s6 =	simm.s32 $_tile_overlayer_lowered  }
0x9b: {  	s22 =	simm.s32 $0x1BFF;
	s21 =	sshll.u32 s6, $0x1;
	s3 =	sadd.s32 s4, s19  }
0x9c: {  	s7 =	simm.s32 $0x0;
	s20 =	sshll.u32 s5, $0x1;
	s5 =	sadd.s32 s21, s3  }
0x9d: {  	[timem:s7], [sflag:s22] =	dma.local [hbm:s5], s20  }
0x9e: {  	_ =	swait.ge [sflag:s22], s20  }
0x9f: {  	s4 =	ssub.s32 $0x0, s20;
	[sflag:s22] =	ssyncset.done $0x0  }
0xa0: {  	[sflag:s22] =	ssyncadd.s32 s4;
	_ =	sdelay $0x1  }
0xa1: {  	s23 =	simm.s32 $0x1B8B  }
0xa2: {  	_ =	swait.ge [sflag:s23], $0x1  }
0xa3: {  	[sflag:s23] =	ssyncset.done $0x0  }
0xa4: {  	s25 =	simm.s32 $0x1B8E;
	s24 =	sld [smem:$0x3FFE];
	[sflag:s23] =	ssyncadd.s32 $0xFFFFFFFF  }
0xa5: {  	s26 =	simm.s32 $execute0_lowered;
	[smem:$0x3FD2] =	sst s25  }
0xa6: {  	s5 =	sshll.u32 s26, $0x1;
	_ =	strace $0x80000046;
	[dreg:$0x1] =	wrdreg $0xFFFFFFFF  }
0xa7: {  	s28 =	simm.s32 $_size_execute0_lowered;
	s3 =	sadd.s32 s3, s5;
	[dreg:$0x0] =	wrdreg $0x0  }
0xa8: {  	s5 =	sshll.u32 s28, $0x1;
	[dreg:$0x2] =	wrdreg s3  }
0xa9: {  	[dreg:$0x3] =	wrdreg s5  }
0xaa: {  	[dreg:$0x4] =	wrdreg $0xC0  }
0xab: {  	_ =	task [dreg:s7], $0x5FFFF  }
0xac: {  	[dreg:$0x1] =	wrdreg $0xFFFFFFFF  }
0xad: {  	[dreg:$0x0] =	wrdreg $0x60  }
0xae: {  	[dreg:$0x2] =	wrdreg s2  }
0xaf: {  	[dreg:$0x3] =	wrdreg s24  }
0xb0: {  	[dreg:$0x4] =	wrdreg $0x78800  }
0xb1: {  	[dreg:$0x5] =	wrdreg $0x9  }
0xb2: {  	_ =	task.clear_ibuf [dreg:s7], $0x6FFFF;
	_ =	strace $0x90000046  }
0xb3: {  	s29 =	simm.s32 $0x9;
	_ =	strace $0x80000048  }
0xb4: {  	_ =	swait.ge [sflag:s29], $0x1  }
0xb5: {  	[sflag:s29] =	ssyncadd.s32 $0xFFFFFFFF  }
0xb6: {  	_ =	strace $0x90000048  }
0xb7: {  	_ =	sfence  }
0xb8: {  	s30 =	sld [smem:$0x0];
	_ =	sdelay $0x2  }
0xb9: {  	s31 =	sshll.u32 s1, $0xD;
	s1 =	sshrl.u32 s1, $0x2  }
0xba: {  	s3 =	sand.u32 $0x4000, s31;
	s1 =	sadd.s32 s1, s30  }
0xbb: {  	s0 =	sor.u32 s3, s0;
	s1 =	sshll.u32 s1, $0x11  }
0xbc: {  	s0 =	sor.u32 s1, s0  }
0xbd: {  	s0 =	sadd.s32 $0x8F2B, s0  }
0xbe: {  	[sflag:s0] =	ssyncadd.remote.s32 $0x1  }
0xbf: {  	_ =	sfence.sel $0xFFFF  }
0xc0: {  	[dreg:$0x0] =	wrdreg $0xFFFFFFFF;
	(pc) =	sbr.abs _section_cstart, $3  }
0xc1: {  	[dreg:$0x1] =	wrdreg $0xFFFFFFFF  }
0xc2: {  	_ =	task.clear_ibuf [dreg:s7], $0x2FFFF;
	_ =	strace $0x9FFFFFFF  }
0xc3: {  	(tm) =	ssettm $0x7FFFFFFF  }
tec
execute0_lowered:
.L_overlay_start_1:
0x0: {  	(tag) =	ssettag $0x1  }
0x1: {  	s4 =	rddreg [dreg:$0x0]  }
0x2: {  	s5 =	rddreg [dreg:$0x1]  }
0x3: {  	s0 =	srdreg.scid;
	s1 =	rddreg [dreg:$0x2]  }
0x4: {  	s2 =	simm.s32 $0x0;
	s7 =	stileid.u32;
	s11 =	simm.s32 $0x7800  }
0x5: {  	s12 =	simm.s32 $0x0;
	s3 =	sand.u32 $0x1, s0;
	s0 =	rddreg [dreg:$0x3]  }
0x6: {  	[smem:$0x7FF] =	sst s2;
	s8 =	smul.u32 $0x5000, s7;
	p0 =	sne.s32 s7, $0x0  }
0x7: {  	s7 =	simm.s32 $0x5000;
	s6 =	sxor.u32 $0x1, s3;
	s9 =	smul.u32 $0x500, s3  }
0x8: {  	_ =	strace $0x80000047;
	s10 =	ssub.s32 $0x2, s3;
	s6 =	smul.u32 $0x50000, s6  }
0x9: {  	s3 =	sadd.s32 $0x1800, s5;
	s31 =	sshrl.u32 s10, $0x1;
	s5 =	sadd.s32 s9, s5  }
0xa: {  	v0 =	vlaneseq.u32;
	s9 =	sshrl.u32 @!p0 s1, $0x3;
	s6 =	sadd.s32 s8, s6;
	s8 =	ssub.s32 s10, s31  }
0xb: {  	v5 =	vimm.f32 $1.000000000e+00;
	v1 =	vor.u32 $0x10, v0;
	s5 =	sadd.s32 $0x1E00, s5;
	s10 =	simm.s32 $0x50;
	s6 =	sshrl.u32 s6, $0x3  }
0xc: {  	v2 =	vor.u32 $0x20, v0;
	v3 =	vor.u32 $0x30, v0;
	v4 =	vor.u32 $0x40, v0;
	s4 =	sadd.s32 s4, s6;
	s6 =	smax.u32 s8, $0x1;
	s8 =	simm.s32 $0x1  }
.LBB2_1:
0xd: {  	[tilespmem:s7], [sflag:$0x1] =	stream.linear.gather [hbm4b:s3+s2], $0x2800, $0x38;
	[tilespmem:$0x7B00] =	vst v63  }
0xe: {  	_ =	swait.ge [sflag:s8], $0x2800  }
0xf: {  	[sflag:s8] =	ssyncset.done $0x0  }
0x10: {  	s13 =	simm.s32 @!p0 $0x1C01;
	[sflag:s8] =	ssyncadd.s32 $0xFFFFD800  }
0x11: {  	[spmem:s9], [sflag:s13] =	dma.local @!p0 [hbm:s3], $0x500  }
0x12: {  	s13 =	simm.s32 @!p0 $0x1  }
0x13: {  	_ =	swait.ge @!p0 [sflag:s13], $0x500  }
0x14: {  	[sflag:s13] =	ssyncset.done @!p0 $0x0  }
0x15: {  	[sflag:s13] =	ssyncadd.s32 @!p0 $0xFFFFFB00  }
0x16: {  	[tilespmem:s2], [sflag:$0x1] =	stream.linear.gather [hbm4b:s4+s2], $0x5000, $0x38;
	[tilespmem:$0x7B00] =	vst v63  }
0x17: {  	_ =	swait.ge [sflag:s8], $0x5000  }
0x18: {  	[sflag:s8] =	ssyncset.done $0x0  }
0x19: {  	[sflag:s8] =	ssyncadd.s32 $0xFFFFB000  }
0x1a: {  	[tilespmem:$0x7800] =	vst v0  }
0x1b: {  	[tilespmem:$0x7810] =	vst v1  }
0x1c: {  	[tilespmem:$0x7820] =	vst v2  }
0x1d: {  	[tilespmem:$0x7830] =	vst v3  }
0x1e: {  	[tilespmem:$0x7840] =	vst v4  }
0x1f: {  	s13 =	simm.s32 $0x0;
	[bflag:$0x0] =	sbarrier.arrive $0xFFFF  }
.LBB2_2:
0x20: {  	s14 =	sshra.s32 s13, $0x2  }
0x21: {  	v6 =	vld [tilespmem:s14+$0x0];
	_ =	sdelay $0x7  }
0x22: {  	[tilespmem:v6+s7+$0x0] =	vst.idx.add.f32.msk $0xffff, v5  }
0x23: {  	v6 =	vld [tilespmem:s14+$0x10];
	_ =	sdelay $0x7  }
0x24: {  	[tilespmem:v6+s7+$0x0] =	vst.idx.add.f32.msk $0xffff, v5  }
0x25: {  	v6 =	vld [tilespmem:s14+$0x20];
	_ =	sdelay $0x7  }
0x26: {  	[tilespmem:v6+s7+$0x0] =	vst.idx.add.f32.msk $0xffff, v5  }
0x27: {  	v6 =	vld [tilespmem:s14+$0x30];
	_ =	sdelay $0x7  }
0x28: {  	[tilespmem:v6+s7+$0x0] =	vst.idx.add.f32.msk $0xffff, v5  }
0x29: {  	v6 =	vld [tilespmem:s14+$0x40];
	_ =	sdelay $0x7  }
0x2a: {  	[tilespmem:v6+s7+$0x0] =	vst.idx.add.f32.msk $0xffff, v5  }
0x2b: {  	v6 =	vld [tilespmem:s14+$0x50];
	_ =	sdelay $0x7  }
0x2c: {  	[tilespmem:v6+s7+$0x0] =	vst.idx.add.f32.msk $0xffff, v5  }
0x2d: {  	v6 =	vld [tilespmem:s14+$0x60];
	_ =	sdelay $0x7  }
0x2e: {  	[tilespmem:v6+s7+$0x0] =	vst.idx.add.f32.msk $0xffff, v5  }
0x2f: {  	v6 =	vld [tilespmem:s14+$0x70];
	_ =	sdelay $0x2  }
0x30: {  	p1 =	sne.s32 s13, $0x13E00  }
.Ltmp0:
0x31: {  	_ = 	snop;
	(pc) =	sbr.rel @p1 .LBB2_2-.Ltmp0, $2  }
0x32: {  	_ =	sdelay $0x2  }
0x33: {  	s13 =	sadd.s32 $0x200, s13;
	[tilespmem:v6+s7+$0x0] =	vst.idx.add.f32.msk $0xffff, v5  }
0x34: {  	[spmem:s1] =	stream.indirect.scatter.add.f32 [tilespmem:s7], [sflag:$0x1], $0x80, s11, s10, $0xb8;
	[tilespmem:$0x7B00] =	vst v63  }
0x35: {  	_ =	swait.ge [sflag:s8], $0x2800  }
0x36: {  	[sflag:s8] =	ssyncset.done $0x0  }
0x37: {  	s12 =	sadd.s32 $0x1, s12;
	[sflag:s8] =	ssyncadd.s32 $0xFFFFD800  }
0x38: {  	s13 =	simm.s32 @!p0 $0x1C01;
	p1 =	sne.s32 s12, s6;
	[bflag:$0x0] =	sbarrier.arrive $0xFFFF  }
0x39: {  	[hbm:s5], [sflag:s13] =	dma.local @!p0 [spmem:s9], $0x500  }
.Ltmp1:
0x3a: {  	_ = 	snop;
	(pc) =	sbr.rel @p1 .LBB2_1-.Ltmp1, $4  }
0x3b: {  	s13 =	simm.s32 @!p0 $0x1  }
0x3c: {  	_ =	swait.ge @!p0 [sflag:s13], $0x500  }
0x3d: {  	[sflag:s13] =	ssyncset.done @!p0 $0x0  }
0x3e: {  	[sflag:s13] =	ssyncadd.s32 @!p0 $0xFFFFFB00  }
0x3f: {  	_ =	sfence.sel $0x180000  }
0x40: {  	[bflag:$0x0] =	sbarrier.arrive $0xFFFF  }
0x41: {  	_ =	strace $0x90000047  }
0x42: {  	s0 =	sadd.s32 @!p0 $0x100000, s0;
	[bflag:$0x2] =	sbarrier.arrive $0xFFFF  }
0x43: {  	[sflag:s0] =	ssyncadd.tile.s32 @!p0 $0x1;
	_ =	shalt  }
.Lfunc_end2:
_tile_overlayer_lowered:
.L_overlay_start_2:
0x44: {  	(tag) =	ssettag $0x2  }
0x45: {  	s0 =	rddreg [dreg:$0x0];
	s2 =	stileid.u32  }
0x46: {  	s1 =	rddreg [dreg:$0x1];
	p0 =	sne.s32 s2, $0x0  }
0x47: {  	s3 =	rddreg [dreg:$0x2];
	[bflag:$0x3] =	sbarrier.arrive $0xFFFF;
	s2 =	simm.s32 @!p0 $0x1C01  }
0x48: {  	[timem:s3], [sflag:s2] =	dma.local @!p0 [hbm:s0], s1  }
0x49: {  	s0 =	simm.s32 @!p0 $0x1  }
0x4a: {  	_ =	swait.ge @!p0 [sflag:s0], s1  }
0x4b: {  	s1 =	ssub.s32 @!p0 $0x0, s1;
	[sflag:s0] =	ssyncset.done @!p0 $0x0  }
0x4c: {  	[sflag:s0] =	ssyncadd.s32 @!p0 s1  }
0x4d: {  	[bflag:$0x3] =	sbarrier.arrive $0xFFFF  }
0x4e: {  	_ =	shalt  }

// kernel: kernel.9.cloned.1.call-start
scs
__scs_entry_jumppad:
0x0: {  	(pc) =	sbr.rel $0x88, $3  }
0x1: {  	(tag) =	ssettag $0x0;
	lr =	simm.s32 $0x1  }
0x2: {  	[smem:$0x3F9D] =	sst lr;
	_ =	strace $0xD0000000  }
0x3: {  	_ = 	snop  }
0x4: {  	_ = 	snop  }
0x5: {  	_ = 	snop  }
0x6: {  	_ = 	snop  }
0x7: {  	_ = 	snop  }
__scs_overlays_trampoline_lowered:
0x8: {  	[smem:$0x3FAC] =	sst s0  }
0x9: {  	[smem:$0x3FAD] =	sst s1  }
0xa: {  	[smem:$0x3FAE] =	sst s2  }
0xb: {  	[smem:$0x3FAF] =	sst s3  }
0xc: {  	[smem:$0x3FB0] =	sst s4  }
0xd: {  	[smem:$0x3FB1] =	sst s5  }
0xe: {  	[smem:$0x3FB2] =	sst s6  }
0xf: {  	[smem:$0x3FB3] =	sst s7  }
0x10: {  	[smem:$0x3FB4] =	sst s8  }
0x11: {  	[smem:$0x3FB5] =	sst s9;
	s0 =	simm.s32 @!p0 $0x0  }
0x12: {  	s1 =	sld [smem:$0x3F9B];
	s0 =	simm.s32 @p0 $0x1  }
0x13: {  	[smem:$0x3FB6] =	sst s0;
	s0 =	simm.s32 @!p1 $0x0  }
0x14: {  	s2 =	sld [smem:$0x3F9A];
	s0 =	simm.s32 @p1 $0x1  }
0x15: {  	[smem:$0x3FB7] =	sst s0;
	s0 =	simm.s32 @!p2 $0x0  }
0x16: {  	s3 =	sld [smem:$0x3FDB];
	s0 =	simm.s32 @p2 $0x1  }
0x17: {  	s4 =	simm.s32 $0x1BF5;
	[smem:$0x3FB9] =	sst s0  }
0x18: {  	s0 =	sld [smem:$0x3F9C];
	_ =	swait.ge [sflag:s4], $0x0  }
0x19: {  	s7 =	sld [smem:$0x3F9D]  }
0x1a: {  	s8 =	sadd.s32 $0xFFFFE003, lr  }
0x1b: {  	s9 =	sadd.s32 $0xFFFFFEF7, lr;
	s5 =	simm.s32 $0xFFFFFFFF;
	p2 =	slt.u32 s8, $0xFFFFF086  }
0x1c: {  	p1 =	slt.u32 s9, $0xF7A;
	s5 =	simm.s32 @!p2 $0x0  }
0x1d: {  	s5 =	simm.s32 @p1 $0x1;
	p0 =	seq.s32 s7, s2  }
0x1e: {  	s7 =	smul.u32 @!p0 $0xF7A, s2;
	p2 =	seq.s32 @!p0 s5, $0x0  }
0x1f: {  	s9 =	smul.u32 $0xF7A, s1;
	s8 =	simm.s32 @!p0 $0x1BF5;
	p2 =	por !p2, p0  }
0x20: {  	[sflag:s8] =	ssyncset.s32 @!p0 $0xFFFFF086;
	s6 =	sadd.s32 @!p0 s3, s7;
	s7 =	simm.s32 @!p0 $0x108  }
0x21: {  	s3 =	sadd.s32 s3, s9;
	s6 =	sadd.s32 @!p0 $0x88, s6;
	s7 =	simm.s32 @p2 $0x1082  }
0x22: {  	[simem:s7], [sflag:s8] =	dma.local @!p0 [hbm:s6], $0xF7A  }
0x23: {  	s9 =	sor.u32 $0xD0000000, s2;
	s6 =	simm.s32 $0x108;
	_ =	swait.ge @!p0 [sflag:s8], $0x0  }
0x24: {  	s3 =	sadd.s32 $0x88, s3;
	s6 =	simm.s32 @!p1 $0x1082;
	[sflag:s4] =	ssyncset.s32 $0xFFFFF086  }
0x25: {  	[simem:s6], [sflag:s4] =	dma.local [hbm:s3], $0xF7A  }
0x26: {  	[smem:$0x3F9D] =	sst s1;
	(tag) =	ssettag s2;
	_ =	strace s9  }
0x27: {  	s1 =	sld [smem:$0x3FAD]  }
0x28: {  	s2 =	sld [smem:$0x3FAE]  }
0x29: {  	s4 =	sld [smem:$0x3FB0]  }
0x2a: {  	p0 =	seq.s32 s5, $0x0;
	s5 =	sld [smem:$0x3FB1]  }
0x2b: {  	s6 =	sld [smem:$0x3FB2]  }
0x2c: {  	s7 =	sld [smem:$0x3FB3]  }
0x2d: {  	s3 =	simm.s32 $0x108;
	s8 =	sld [smem:$0x3FB4]  }
0x2e: {  	s3 =	simm.s32 @!p0 $0x1082;
	s9 =	sld [smem:$0x3FB5]  }
0x2f: {  	lr =	sadd.s32 s0, s3;
	s0 =	sld [smem:$0x3FAC]  }
0x30: {  	s3 =	sld [smem:$0x3FAF]  }
0x31: {  	[smem:$0x3FB8] =	sst s10  }
0x32: {  	s10 =	sld [smem:$0x3FB6];
	_ =	sdelay $0x3  }
0x33: {  	p0 =	seq.s32 s10, $0x1;
	s10 =	sld [smem:$0x3FB8];
	_ =	sdelay $0x3  }
0x34: {  	[smem:$0x3FB8] =	sst s10  }
0x35: {  	s10 =	sld [smem:$0x3FB7];
	_ =	sdelay $0x3  }
0x36: {  	p1 =	seq.s32 s10, $0x1;
	s10 =	sld [smem:$0x3FB8];
	_ =	sdelay $0x3  }
0x37: {  	[smem:$0x3FB8] =	sst s10  }
0x38: {  	s10 =	sld [smem:$0x3FB9]  }
0x39: {  	_ = 	snop;
	(pc) =	sbr.ind lr, $3  }
0x3a: {  	_ = 	snop  }
0x3b: {  	_ = 	snop  }
0x3c: {  	p2 =	seq.s32 s10, $0x1;
	s10 =	sld [smem:$0x3FB8]  }
0x3d: {  	_ =	shalt  }
0x3e: {  	_ =	shalt  }
0x3f: {  	_ =	shalt  }
0x40: {  	_ =	shalt  }
0x41: {  	_ =	shalt  }
0x42: {  	_ =	shalt  }
0x43: {  	_ =	shalt  }
0x44: {  	_ =	shalt  }
0x45: {  	_ =	shalt  }
0x46: {  	_ =	shalt  }
0x47: {  	_ =	shalt  }
0x48: {  	_ =	shalt  }
0x49: {  	_ =	shalt  }
0x4a: {  	_ =	shalt  }
0x4b: {  	_ =	shalt  }
0x4c: {  	_ =	shalt  }
0x4d: {  	_ =	shalt  }
0x4e: {  	_ =	shalt  }
0x4f: {  	_ =	shalt  }
0x50: {  	_ =	shalt  }
0x51: {  	_ =	shalt  }
0x52: {  	_ =	shalt  }
0x53: {  	_ =	shalt  }
0x54: {  	_ =	shalt  }
0x55: {  	_ =	shalt  }
0x56: {  	_ =	shalt  }
0x57: {  	_ =	shalt  }
0x58: {  	_ =	shalt  }
0x59: {  	_ =	shalt  }
0x5a: {  	_ =	shalt  }
0x5b: {  	_ =	shalt  }
0x5c: {  	_ =	shalt  }
0x5d: {  	_ =	shalt  }
0x5e: {  	_ =	shalt  }
0x5f: {  	_ =	shalt  }
0x60: {  	_ =	shalt  }
0x61: {  	_ =	shalt  }
0x62: {  	_ =	shalt  }
0x63: {  	_ =	shalt  }
0x64: {  	_ =	shalt  }
0x65: {  	_ =	shalt  }
0x66: {  	_ =	shalt  }
0x67: {  	_ =	shalt  }
0x68: {  	_ =	shalt  }
0x69: {  	_ =	shalt  }
0x6a: {  	_ =	shalt  }
0x6b: {  	_ =	shalt  }
0x6c: {  	_ =	shalt  }
0x6d: {  	_ =	shalt  }
0x6e: {  	_ =	shalt  }
0x6f: {  	_ =	shalt  }
0x70: {  	_ =	shalt  }
0x71: {  	_ =	shalt  }
0x72: {  	_ =	shalt  }
0x73: {  	_ =	shalt  }
0x74: {  	_ =	shalt  }
0x75: {  	_ =	shalt  }
0x76: {  	_ =	shalt  }
0x77: {  	_ =	shalt  }
0x78: {  	_ =	shalt  }
0x79: {  	_ =	shalt  }
0x7a: {  	_ =	shalt  }
0x7b: {  	_ =	shalt  }
0x7c: {  	_ =	shalt  }
0x7d: {  	_ =	shalt  }
0x7e: {  	_ =	shalt  }
0x7f: {  	_ =	shalt  }
0x80: {  	_ =	shalt  }
0x81: {  	_ =	shalt  }
0x82: {  	_ =	shalt  }
0x83: {  	_ =	shalt  }
0x84: {  	_ =	shalt  }
0x85: {  	_ =	shalt  }
0x86: {  	_ =	shalt  }
0x87: {  	_ =	shalt  }
.Lfunc_end0:
.L_simem_size_0:
called_computation.1_lowered:
.L_overlay_start_0:
0x88: {  	s2 =	sld [smem:$0x3FD9]  }
0x89: {  	s3 =	sld [smem:$0x3FFE];
	_ =	sdelay $0x1  }
0x8a: {  	s1 =	srdreg.scid  }
0x8b: {  	s0 =	sand.u32 $0x1, s1  }
0x8c: {  	s17 =	sshll.u32 s0, $0xA;
	s2 =	sadd.s32 s3, s2  }
0x8d: {  	s2 =	sadd.s32 s2, s17  }
0x8e: {  	[smem:$0x3FC4] =	sst s2  }
0x8f: {  	_ = 	snop  }
0x90: {  	s2 =	sld [smem:$0x3FD0];
	(tm) =	ssettm $0x1  }
0x91: {  	s18 =	sld [smem:$0x3FFB];
	_ =	sdelay $0x3  }
0x92: {  	_ =	strace s18  }
0x93: {  	s3 =	sld [smem:$0x3FFC];
	_ =	sdelay $0x3  }
0x94: {  	_ =	strace s3  }
0x95: {  	s3 =	sld [smem:$0x3FFD];
	_ =	sdelay $0x3  }
0x96: {  	_ =	strace s3  }
0x97: {  	_ =	strace $0x8FFFFFFF  }
0x98: {  	s19 =	sld [smem:$0x3FDB];
	_ =	sdelay $0x1  }
0x99: {  	s4 =	simm.s32 $_scs_section_size  }
0x9a: {  	s5 =	simm.s32 $_size__tile_overlayer_lowered;
	s6 =	simm.s32 $_tile_overlayer_lowered  }
0x9b: {  	s22 =	simm.s32 $0x1BFF;
	s21 =	sshll.u32 s6, $0x1;
	s3 =	sadd.s32 s4, s19  }
0x9c: {  	s7 =	simm.s32 $0x0;
	s20 =	sshll.u32 s5, $0x1;
	s5 =	sadd.s32 s21, s3  }
0x9d: {  	[timem:s7], [sflag:s22] =	dma.local [hbm:s5], s20  }
0x9e: {  	_ =	swait.ge [sflag:s22], s20  }
0x9f: {  	s4 =	ssub.s32 $0x0, s20;
	[sflag:s22] =	ssyncset.done $0x0  }
0xa0: {  	[sflag:s22] =	ssyncadd.s32 s4;
	_ =	sdelay $0x1  }
0xa1: {  	s23 =	simm.s32 $0x1B8B  }
0xa2: {  	_ =	swait.ge [sflag:s23], $0x1  }
0xa3: {  	[sflag:s23] =	ssyncset.done $0x0  }
0xa4: {  	s25 =	simm.s32 $0x1B8E;
	s24 =	sld [smem:$0x3FFE];
	[sflag:s23] =	ssyncadd.s32 $0xFFFFFFFF  }
0xa5: {  	s26 =	simm.s32 $execute0_lowered;
	[smem:$0x3FD2] =	sst s25  }
0xa6: {  	s5 =	sshll.u32 s26, $0x1;
	_ =	strace $0x80000049;
	[dreg:$0x1] =	wrdreg $0xFFFFFFFF  }
0xa7: {  	s28 =	simm.s32 $_size_execute0_lowered;
	s3 =	sadd.s32 s3, s5;
	[dreg:$0x0] =	wrdreg $0x0  }
0xa8: {  	s5 =	sshll.u32 s28, $0x1;
	[dreg:$0x2] =	wrdreg s3  }
0xa9: {  	[dreg:$0x3] =	wrdreg s5  }
0xaa: {  	[dreg:$0x4] =	wrdreg $0xC0  }
0xab: {  	_ =	task [dreg:s7], $0x5FFFF  }
0xac: {  	[dreg:$0x1] =	wrdreg $0xFFFFFFFF  }
0xad: {  	[dreg:$0x0] =	wrdreg $0x60  }
0xae: {  	[dreg:$0x2] =	wrdreg s24  }
0xaf: {  	[dreg:$0x3] =	wrdreg s2  }
0xb0: {  	[dreg:$0x4] =	wrdreg $0xA0000  }
0xb1: {  	[dreg:$0x5] =	wrdreg $0x9  }
0xb2: {  	_ =	task.clear_ibuf [dreg:s7], $0x6FFFF;
	_ =	strace $0x90000049  }
0xb3: {  	s29 =	simm.s32 $0x9;
	_ =	strace $0x8000004B  }
0xb4: {  	_ =	swait.ge [sflag:s29], $0x1  }
0xb5: {  	[sflag:s29] =	ssyncadd.s32 $0xFFFFFFFF  }
0xb6: {  	_ =	strace $0x9000004B  }
0xb7: {  	_ =	sfence  }
0xb8: {  	s30 =	sld [smem:$0x0];
	_ =	sdelay $0x2  }
0xb9: {  	s31 =	sshll.u32 s1, $0xD;
	s1 =	sshrl.u32 s1, $0x2  }
0xba: {  	s3 =	sand.u32 $0x4000, s31;
	s1 =	sadd.s32 s1, s30  }
0xbb: {  	s0 =	sor.u32 s3, s0;
	s1 =	sshll.u32 s1, $0x11  }
0xbc: {  	s0 =	sor.u32 s1, s0  }
0xbd: {  	s0 =	sadd.s32 $0x8F2B, s0  }
0xbe: {  	[sflag:s0] =	ssyncadd.remote.s32 $0x1  }
0xbf: {  	_ =	sfence.sel $0xFFFF  }
0xc0: {  	[dreg:$0x0] =	wrdreg $0xFFFFFFFF;
	(pc) =	sbr.abs _section_cstart, $3  }
0xc1: {  	[dreg:$0x1] =	wrdreg $0xFFFFFFFF  }
0xc2: {  	_ =	task.clear_ibuf [dreg:s7], $0x2FFFF;
	_ =	strace $0x9FFFFFFF  }
0xc3: {  	(tm) =	ssettm $0x7FFFFFFF  }
tec
execute0_lowered:
.L_overlay_start_1:
0x0: {  	(tag) =	ssettag $0x1  }
0x1: {  	s0 =	rddreg [dreg:$0x0]  }
0x2: {  	s1 =	rddreg [dreg:$0x1]  }
0x3: {  	s2 =	rddreg [dreg:$0x2]  }
0x4: {  	s3 =	srdreg.scid;
	s5 =	simm.s32 $0x0;
	s10 =	stileid.u32  }
0x5: {  	s31 =	simm.s32 $0x7;
	s17 =	simm.s32 $0x5;
	s18 =	simm.s32 $0x800  }
0x6: {  	s19 =	simm.s32 $0x1800;
	s20 =	simm.s32 $0x40;
	s21 =	simm.s32 $0x2000  }
0x7: {  	s22 =	simm.s32 $0x4000;
	s28 =	simm.s32 $0x1;
	s30 =	simm.s32 $0x2  }
0x8: {  	s15 =	simm.s32 $0x1EC0;
	s16 =	simm.s32 $0xFC0;
	s23 =	simm.s32 $0x1F00  }
0x9: {  	s14 =	simm.s32 $0x1F40;
	s29 =	simm.s32 $0x1FC0;
	s6 =	smul.u32 $0x14000, s10  }
0xa: {  	s3 =	sand.u32 $0x1, s3;
	[smem:$0x7FF] =	sst s5;
	s9 =	smul.u32 $0x50000, s10  }
0xb: {  	s5 =	sadd.s32 $0x1800, s0;
	s7 =	sadd.s32 $0x51800, s0;
	s4 =	smul.u32 $0x140000, s3  }
0xc: {  	_ =	strace $0x8000004A;
	[dreg:$0x4] =	wrdreg s7;
	s7 =	smul.u32 $0x5000, s10  }
0xd: {  	s25 =	sshll.u32 s10, $0x6;
	s26 =	ssub.s32 $0x2, s3;
	s12 =	smul.u32 $0x2800, s3  }
0xe: {  	s10 =	simm.s32 $0xF80;
	s8 =	sshrl.u32 s26, $0x1;
	s24 =	sshrl.u32 s9, $0x2  }
0xf: {  	s9 =	simm.s32 $0x4;
	s4 =	sadd.s32 s6, s4;
	s6 =	ssub.s32 s26, s8  }
0x10: {  	s11 =	sshrl.u32 s7, $0x3;
	s3 =	sadd.s32 s24, s2;
	s24 =	simm.s32 $0x6000  }
0x11: {  	s4 =	sshrl.u32 s4, $0x3;
	s8 =	sadd.s32 s1, s11;
	s11 =	sadd.s32 $0x1000, s7  }
0x12: {  	s26 =	smax.u32 s6, $0x1;
	s13 =	sshrl.u32 s3, $0x3;
	[dreg:$0x5] =	wrdreg s8  }
.Ltmp0:
0x13: {  	s3 =	simm.s32 $0x3;
	[dreg:$0x9] =	wrdreg s26;
	(pc) =	sbr.rel .LBB2_1-.Ltmp0, $4  }
0x14: {  	s4 =	sadd.s32 s4, s0;
	s8 =	sadd.s32 $0xA000, s8;
	[dreg:$0xa] =	wrdreg s13  }
0x15: {  	s6 =	simm.s32 $0x6;
	[dreg:$0x6] =	wrdreg s8;
	s4 =	sadd.s32 $0x54000, s4  }
0x16: {  	s26 =	simm.s32 $0x8000;
	s8 =	sor.u32 $0x1C07, s25;
	[dreg:$0x8] =	wrdreg s4  }
0x17: {  	v0 =	vmov s12;
	s25 =	simm.s32 $0x1F80;
	s4 =	simm.s32 $0x0;
	[dreg:$0x7] =	wrdreg s8  }
.LBB2_10:
0x18: {  	[bflag:$0x0] =	sbarrier.arrive $0xFFFF  }
0x19: {  	s8 =	rddreg [dreg:$0x7]  }
0x1a: {  	s0 =	rddreg [dreg:$0x8]  }
0x1b: {  	s31 =	simm.s32 $0x7;
	s13 =	rddreg [dreg:$0xa]  }
0x1c: {  	[hbm:s0], [sflag:s8] =	dma.local [spmem:s13], $0x2800  }
0x1d: {  	_ =	swait.ge [sflag:s31], $0x2800  }
0x1e: {  	s4 =	rddreg [dreg:$0xb]  }
0x1f: {  	s12 =	rddreg [dreg:$0x9];
	s4 =	sadd.s32 $0x1, s4  }
0x20: {  	p0 =	sne.s32 s4, s12  }
.Ltmp1:
0x21: {  	_ = 	snop;
	(pc) =	sbr.rel @!p0 .LBB2_11-.Ltmp1, $3  }
0x22: {  	_ =	sdelay $0x1  }
0x23: {  	[sflag:s31] =	ssyncset.done $0x0  }
0x24: {  	[sflag:s31] =	ssyncadd.s32 $0xFFFFD800  }
.LBB2_1:
0x25: {  	[dreg:$0xb] =	wrdreg s4  }
0x26: {  	s0 =	simm.s32 $0x0;
	s12 =	rddreg [dreg:$0x5]  }
0x27: {  	[tilespmem:s0], [sflag:$0x5] =	stream.linear.gather [hbm4b:s12+s0], $0x800, $0x38;
	[tilespmem:$0x1E000] =	vst v63  }
0x28: {  	s4 =	rddreg [dreg:$0x6];
	s12 =	simm.s32 $0x1000  }
0x29: {  	[tilespmem:s12], [sflag:$0x5] =	stream.linear.gather [hbm4b:s4+s0], $0x800, $0x38;
	[tilespmem:$0x1E000] =	vst v63  }
0x2a: {  	s12 =	rddreg [dreg:$0x4]  }
0x2b: {  	[spmem:s13], [sflag:s8] =	dma.local [hbm:s12], $0x2800  }
0x2c: {  	_ =	swait.ge [sflag:s31], $0x2800  }
0x2d: {  	[sflag:s31] =	ssyncset.done $0x0  }
0x2e: {  	[sflag:s31] =	ssyncadd.s32 $0xFFFFD800  }
0x2f: {  	_ =	swait.ge [sflag:s17], $0x800  }
0x30: {  	[sflag:s17] =	ssyncset.done $0x0  }
0x31: {  	[sflag:s17] =	ssyncadd.s32 $0xFFFFF800  }
0x32: {  	_ =	swait.ge [sflag:s17], $0x800  }
0x33: {  	[sflag:s17] =	ssyncset.done $0x0  }
0x34: {  	s0 =	simm.s32 $0x0;
	[sflag:s17] =	ssyncadd.s32 $0xFFFFF800  }
0x35: {  	v3 =	vld [tilespmem:s0+$0x0]  }
0x36: {  	v5 =	vld [tilespmem:s0+$0x10]  }
0x37: {  	v4 =	vld [tilespmem:s0+$0x20]  }
0x38: {  	v2 =	vld [tilespmem:s0+$0x30]  }
0x39: {  	v1 =	vld [tilespmem:s0+$0x40]  }
0x3a: {  	v6 =	vadd.s32 v0, v3;
	v3 =	vld [tilespmem:s0+$0x50]  }
0x3b: {  	s4 =	simm.s32 $0x200;
	[tilespmem:s0+$0x0] =	vst v6;
	v6 =	vadd.s32 v0, v5;
	v5 =	vld [tilespmem:s0+$0x60]  }
.LBB2_2:
0x3c: {  	s12 =	sshra.s32 s4, $0x2;
	p0 =	sne.s32 s4, $0x1E00;
	[tilespmem:s0+$0x10] =	vst v6;
	v4 =	vadd.s32 v0, v4;
	v6 =	vld [tilespmem:s0+$0x70]  }
0x3d: {  	v7 =	vld [tilespmem:s12+$0x0];
	[tilespmem:s0+$0x20] =	vst v4;
	v2 =	vadd.s32 v0, v2  }
0x3e: {  	v8 =	vld [tilespmem:s12+$0x10];
	[tilespmem:s0+$0x30] =	vst v2;
	v1 =	vadd.s32 v0, v1  }
.Ltmp2:
0x3f: {  	v4 =	vld [tilespmem:s12+$0x20];
	[tilespmem:s0+$0x40] =	vst v1;
	v1 =	vadd.s32 v0, v3;
	(pc) =	sbr.rel @p0 .LBB2_2-.Ltmp2, $4  }
0x40: {  	v2 =	vld [tilespmem:s12+$0x30];
	[tilespmem:s0+$0x50] =	vst v1;
	v3 =	vadd.s32 v0, v5  }
0x41: {  	v1 =	vld [tilespmem:s12+$0x40];
	[tilespmem:s0+$0x60] =	vst v3;
	v5 =	vadd.s32 v0, v6  }
0x42: {  	v6 =	vadd.s32 v0, v7;
	v3 =	vld [tilespmem:s12+$0x50];
	[tilespmem:s0+$0x70] =	vst v5;
	s0 =	smov.u32 s12  }
0x43: {  	s4 =	sadd.s32 $0x200, s4;
	[tilespmem:s0+$0x0] =	vst v6;
	v6 =	vadd.s32 v0, v8;
	v5 =	vld [tilespmem:s0+$0x60]  }
0x44: {  	[tilespmem:s0+$0x10] =	vst v6;
	v4 =	vadd.s32 v0, v4;
	v63 =	vld [tilespmem:s0+$0x70]  }
0x45: {  	[tilespmem:s0+$0x20] =	vst v4;
	v2 =	vadd.s32 v0, v2  }
0x46: {  	[tilespmem:s0+$0x30] =	vst v2;
	v1 =	vadd.s32 v0, v1  }
0x47: {  	[tilespmem:s0+$0x40] =	vst v1;
	v1 =	vadd.s32 v0, v3  }
0x48: {  	[tilespmem:s0+$0x50] =	vst v1;
	v1 =	vadd.s32 v0, v5  }
0x49: {  	[tilespmem:s0+$0x60] =	vst v1;
	v1 =	vadd.s32 v0, v63  }
0x4a: {  	[tilespmem:s0+$0x70] =	vst v1  }
0x4b: {  	s31 =	simm.s32 $0x0;
	s0 =	simm.s32 $0x0;
	[bflag:$0x0] =	sbarrier.arrive $0xFFFF  }
.LBB2_4:
0x4c: {  	s4 =	sshll.u32 s0, $0xC  }
0x4d: {  	s12 =	sadd.s32 s4, s7  }
0x4e: {  	s12 =	sadd.s32 $0x800, s12  }
0x4f: {  	s12 =	sshrl.u32 s12, $0x3  }
0x50: {  	s12 =	sadd.s32 s1, s12  }
0x51: {  	[tilespmem:s18], [sflag:$0x6] =	stream.linear.gather [hbm4b:s12+s31], $0x800, $0x38;
	[tilespmem:$0x1E000] =	vst v63  }
0x52: {  	s12 =	sadd.s32 $0xA000, s12  }
0x53: {  	[tilespmem:s19], [sflag:$0x6] =	stream.linear.gather [hbm4b:s12+s31], $0x800, $0x38;
	[tilespmem:$0x1E000] =	vst v63  }
0x54: {  	_ = 	snop  }
0x55: {  	[tilespmem:s21], [sflag:$0x1] =	stream.indirect.gather [hbm4b:s5+s20], $0x80, s31, s20, $0xb8;
	[tilespmem:$0x1E000] =	vst v63  }
0x56: {  	_ = 	snop  }
0x57: {  	[tilespmem:s22], [sflag:$0x2] =	stream.indirect.gather [hbm4b:s5+s20], $0x80, s20, s20, $0xb8;
	[tilespmem:$0x1E000] =	vst v63  }
0x58: {  	s8 =	simm.s32 $0x80  }
0x59: {  	[tilespmem:s24], [sflag:$0x3] =	stream.indirect.gather [hbm4b:s5+s20], $0x80, s8, s20, $0xb8;
	[tilespmem:$0x1E000] =	vst v63  }
0x5a: {  	s13 =	simm.s32 $0xC0  }
0x5b: {  	[tilespmem:s26], [sflag:$0x4] =	stream.indirect.gather [hbm4b:s5+s20], $0x80, s13, s20, $0xb8;
	[tilespmem:$0x1E000] =	vst v63  }
0x5c: {  	_ =	swait.ge [sflag:s28], $0x2000  }
0x5d: {  	[sflag:s28] =	ssyncset.done $0x0  }
0x5e: {  	s12 =	simm.s32 $0x1000;
	[sflag:s28] =	ssyncadd.s32 $0xFFFFE000  }
0x5f: {  	[spmem:s2] =	stream.indirect.scatter.add.f32 [tilespmem:s21], [sflag:$0x1], $0x80, s12, s20, $0xb8;
	[tilespmem:$0x1E000] =	vst v63  }
0x60: {  	_ =	swait.ge [sflag:s28], $0x2000  }
0x61: {  	[sflag:s28] =	ssyncset.done $0x0  }
0x62: {  	s13 =	simm.s32 $0x100;
	[sflag:s28] =	ssyncadd.s32 $0xFFFFE000  }
0x63: {  	[tilespmem:s21], [sflag:$0x1] =	stream.indirect.gather [hbm4b:s5+s20], $0x80, s13, s20, $0xb8;
	[tilespmem:$0x1E000] =	vst v63  }
0x64: {  	_ =	swait.ge [sflag:s30], $0x2000  }
0x65: {  	[sflag:s30] =	ssyncset.done $0x0  }
0x66: {  	s12 =	simm.s32 $0x1040;
	[sflag:s30] =	ssyncadd.s32 $0xFFFFE000  }
0x67: {  	[spmem:s2] =	stream.indirect.scatter.add.f32 [tilespmem:s22], [sflag:$0x2], $0x80, s12, s20, $0xb8;
	[tilespmem:$0x1E000] =	vst v63  }
0x68: {  	_ =	swait.ge [sflag:s30], $0x2000  }
0x69: {  	[sflag:s30] =	ssyncset.done $0x0  }
0x6a: {  	s13 =	simm.s32 $0x140;
	[sflag:s30] =	ssyncadd.s32 $0xFFFFE000  }
0x6b: {  	[tilespmem:s22], [sflag:$0x2] =	stream.indirect.gather [hbm4b:s5+s20], $0x80, s13, s20, $0xb8;
	[tilespmem:$0x1E000] =	vst v63  }
0x6c: {  	_ =	swait.ge [sflag:s3], $0x2000  }
0x6d: {  	[sflag:s3] =	ssyncset.done $0x0  }
0x6e: {  	s12 =	simm.s32 $0x1080;
	[sflag:s3] =	ssyncadd.s32 $0xFFFFE000  }
0x6f: {  	[spmem:s2] =	stream.indirect.scatter.add.f32 [tilespmem:s24], [sflag:$0x3], $0x80, s12, s20, $0xb8;
	[tilespmem:$0x1E000] =	vst v63  }
0x70: {  	_ =	swait.ge [sflag:s3], $0x2000  }
0x71: {  	[sflag:s3] =	ssyncset.done $0x0  }
0x72: {  	s13 =	simm.s32 $0x180;
	[sflag:s3] =	ssyncadd.s32 $0xFFFFE000  }
0x73: {  	[tilespmem:s24], [sflag:$0x3] =	stream.indirect.gather [hbm4b:s5+s20], $0x80, s13, s20, $0xb8;
	[tilespmem:$0x1E000] =	vst v63  }
0x74: {  	_ =	swait.ge [sflag:s9], $0x2000  }
0x75: {  	[sflag:s9] =	ssyncset.done $0x0  }
0x76: {  	s12 =	simm.s32 $0x10C0;
	[sflag:s9] =	ssyncadd.s32 $0xFFFFE000  }
0x77: {  	[spmem:s2] =	stream.indirect.scatter.add.f32 [tilespmem:s26], [sflag:$0x4], $0x80, s12, s20, $0xb8;
	[tilespmem:$0x1E000] =	vst v63  }
0x78: {  	_ =	swait.ge [sflag:s9], $0x2000  }
0x79: {  	[sflag:s9] =	ssyncset.done $0x0  }
0x7a: {  	s13 =	simm.s32 $0x1C0;
	[sflag:s9] =	ssyncadd.s32 $0xFFFFE000  }
0x7b: {  	[tilespmem:s26], [sflag:$0x4] =	stream.indirect.gather [hbm4b:s5+s20], $0x80, s13, s20, $0xb8;
	[tilespmem:$0x1E000] =	vst v63  }
0x7c: {  	_ =	swait.ge [sflag:s28], $0x2000  }
0x7d: {  	[sflag:s28] =	ssyncset.done $0x0  }
0x7e: {  	s12 =	simm.s32 $0x1100;
	[sflag:s28] =	ssyncadd.s32 $0xFFFFE000  }
0x7f: {  	[spmem:s2] =	stream.indirect.scatter.add.f32 [tilespmem:s21], [sflag:$0x1], $0x80, s12, s20, $0xb8;
	[tilespmem:$0x1E000] =	vst v63  }
0x80: {  	_ =	swait.ge [sflag:s28], $0x2000  }
0x81: {  	[sflag:s28] =	ssyncset.done $0x0  }
0x82: {  	s13 =	simm.s32 $0x200;
	[sflag:s28] =	ssyncadd.s32 $0xFFFFE000  }
0x83: {  	[tilespmem:s21], [sflag:$0x1] =	stream.indirect.gather [hbm4b:s5+s20], $0x80, s13, s20, $0xb8;
	[tilespmem:$0x1E000] =	vst v63  }
0x84: {  	_ =	swait.ge [sflag:s30], $0x2000  }
0x85: {  	[sflag:s30] =	ssyncset.done $0x0  }
0x86: {  	s12 =	simm.s32 $0x1140;
	[sflag:s30] =	ssyncadd.s32 $0xFFFFE000  }
0x87: {  	[spmem:s2] =	stream.indirect.scatter.add.f32 [tilespmem:s22], [sflag:$0x2], $0x80, s12, s20, $0xb8;
	[tilespmem:$0x1E000] =	vst v63  }
0x88: {  	_ =	swait.ge [sflag:s30], $0x2000  }
0x89: {  	[sflag:s30] =	ssyncset.done $0x0  }
0x8a: {  	s13 =	simm.s32 $0x240;
	[sflag:s30] =	ssyncadd.s32 $0xFFFFE000  }
0x8b: {  	[tilespmem:s22], [sflag:$0x2] =	stream.indirect.gather [hbm4b:s5+s20], $0x80, s13, s20, $0xb8;
	[tilespmem:$0x1E000] =	vst v63  }
0x8c: {  	_ =	swait.ge [sflag:s3], $0x2000  }
0x8d: {  	[sflag:s3] =	ssyncset.done $0x0  }
0x8e: {  	s12 =	simm.s32 $0x1180;
	[sflag:s3] =	ssyncadd.s32 $0xFFFFE000  }
0x8f: {  	[spmem:s2] =	stream.indirect.scatter.add.f32 [tilespmem:s24], [sflag:$0x3], $0x80, s12, s20, $0xb8;
	[tilespmem:$0x1E000] =	vst v63  }
0x90: {  	_ =	swait.ge [sflag:s3], $0x2000  }
0x91: {  	[sflag:s3] =	ssyncset.done $0x0  }
0x92: {  	s13 =	simm.s32 $0x280;
	[sflag:s3] =	ssyncadd.s32 $0xFFFFE000  }
0x93: {  	[tilespmem:s24], [sflag:$0x3] =	stream.indirect.gather [hbm4b:s5+s20], $0x80, s13, s20, $0xb8;
	[tilespmem:$0x1E000] =	vst v63  }
0x94: {  	_ =	swait.ge [sflag:s9], $0x2000  }
0x95: {  	[sflag:s9] =	ssyncset.done $0x0  }
0x96: {  	s12 =	simm.s32 $0x11C0;
	[sflag:s9] =	ssyncadd.s32 $0xFFFFE000  }
0x97: {  	[spmem:s2] =	stream.indirect.scatter.add.f32 [tilespmem:s26], [sflag:$0x4], $0x80, s12, s20, $0xb8;
	[tilespmem:$0x1E000] =	vst v63  }
0x98: {  	_ =	swait.ge [sflag:s9], $0x2000  }
0x99: {  	[sflag:s9] =	ssyncset.done $0x0  }
0x9a: {  	s13 =	simm.s32 $0x2C0;
	[sflag:s9] =	ssyncadd.s32 $0xFFFFE000  }
0x9b: {  	[tilespmem:s26], [sflag:$0x4] =	stream.indirect.gather [hbm4b:s5+s20], $0x80, s13, s20, $0xb8;
	[tilespmem:$0x1E000] =	vst v63  }
0x9c: {  	_ =	swait.ge [sflag:s28], $0x2000  }
0x9d: {  	[sflag:s28] =	ssyncset.done $0x0  }
0x9e: {  	s12 =	simm.s32 $0x1200;
	[sflag:s28] =	ssyncadd.s32 $0xFFFFE000  }
0x9f: {  	[spmem:s2] =	stream.indirect.scatter.add.f32 [tilespmem:s21], [sflag:$0x1], $0x80, s12, s20, $0xb8;
	[tilespmem:$0x1E000] =	vst v63  }
0xa0: {  	_ =	swait.ge [sflag:s28], $0x2000  }
0xa1: {  	[sflag:s28] =	ssyncset.done $0x0  }
0xa2: {  	s13 =	simm.s32 $0x300;
	[sflag:s28] =	ssyncadd.s32 $0xFFFFE000  }
0xa3: {  	[tilespmem:s21], [sflag:$0x1] =	stream.indirect.gather [hbm4b:s5+s20], $0x80, s13, s20, $0xb8;
	[tilespmem:$0x1E000] =	vst v63  }
0xa4: {  	_ =	swait.ge [sflag:s30], $0x2000  }
0xa5: {  	[sflag:s30] =	ssyncset.done $0x0  }
0xa6: {  	s12 =	simm.s32 $0x1240;
	[sflag:s30] =	ssyncadd.s32 $0xFFFFE000  }
0xa7: {  	[spmem:s2] =	stream.indirect.scatter.add.f32 [tilespmem:s22], [sflag:$0x2], $0x80, s12, s20, $0xb8;
	[tilespmem:$0x1E000] =	vst v63  }
0xa8: {  	_ =	swait.ge [sflag:s30], $0x2000  }
0xa9: {  	[sflag:s30] =	ssyncset.done $0x0  }
0xaa: {  	s13 =	simm.s32 $0x340;
	[sflag:s30] =	ssyncadd.s32 $0xFFFFE000  }
0xab: {  	[tilespmem:s22], [sflag:$0x2] =	stream.indirect.gather [hbm4b:s5+s20], $0x80, s13, s20, $0xb8;
	[tilespmem:$0x1E000] =	vst v63  }
0xac: {  	_ =	swait.ge [sflag:s3], $0x2000  }
0xad: {  	[sflag:s3] =	ssyncset.done $0x0  }
0xae: {  	s12 =	simm.s32 $0x1280;
	[sflag:s3] =	ssyncadd.s32 $0xFFFFE000  }
0xaf: {  	[spmem:s2] =	stream.indirect.scatter.add.f32 [tilespmem:s24], [sflag:$0x3], $0x80, s12, s20, $0xb8;
	[tilespmem:$0x1E000] =	vst v63  }
0xb0: {  	_ =	swait.ge [sflag:s3], $0x2000  }
0xb1: {  	[sflag:s3] =	ssyncset.done $0x0  }
0xb2: {  	s13 =	simm.s32 $0x380;
	[sflag:s3] =	ssyncadd.s32 $0xFFFFE000  }
0xb3: {  	[tilespmem:s24], [sflag:$0x3] =	stream.indirect.gather [hbm4b:s5+s20], $0x80, s13, s20, $0xb8;
	[tilespmem:$0x1E000] =	vst v63  }
0xb4: {  	_ =	swait.ge [sflag:s9], $0x2000  }
0xb5: {  	[sflag:s9] =	ssyncset.done $0x0  }
0xb6: {  	s12 =	simm.s32 $0x12C0;
	[sflag:s9] =	ssyncadd.s32 $0xFFFFE000  }
0xb7: {  	[spmem:s2] =	stream.indirect.scatter.add.f32 [tilespmem:s26], [sflag:$0x4], $0x80, s12, s20, $0xb8;
	[tilespmem:$0x1E000] =	vst v63  }
0xb8: {  	_ =	swait.ge [sflag:s9], $0x2000  }
0xb9: {  	[sflag:s9] =	ssyncset.done $0x0  }
0xba: {  	s13 =	simm.s32 $0x3C0;
	[sflag:s9] =	ssyncadd.s32 $0xFFFFE000  }
0xbb: {  	[tilespmem:s26], [sflag:$0x4] =	stream.indirect.gather [hbm4b:s5+s20], $0x80, s13, s20, $0xb8;
	[tilespmem:$0x1E000] =	vst v63  }
0xbc: {  	_ =	swait.ge [sflag:s28], $0x2000  }
0xbd: {  	[sflag:s28] =	ssyncset.done $0x0  }
0xbe: {  	s12 =	simm.s32 $0x1300;
	[sflag:s28] =	ssyncadd.s32 $0xFFFFE000  }
0xbf: {  	[spmem:s2] =	stream.indirect.scatter.add.f32 [tilespmem:s21], [sflag:$0x1], $0x80, s12, s20, $0xb8;
	[tilespmem:$0x1E000] =	vst v63  }
0xc0: {  	_ =	swait.ge [sflag:s28], $0x2000  }
0xc1: {  	[sflag:s28] =	ssyncset.done $0x0  }
0xc2: {  	s13 =	simm.s32 $0x400;
	[sflag:s28] =	ssyncadd.s32 $0xFFFFE000  }
0xc3: {  	[tilespmem:s21], [sflag:$0x1] =	stream.indirect.gather [hbm4b:s5+s20], $0x80, s13, s20, $0xb8;
	[tilespmem:$0x1E000] =	vst v63  }
0xc4: {  	_ =	swait.ge [sflag:s30], $0x2000  }
0xc5: {  	[sflag:s30] =	ssyncset.done $0x0  }
0xc6: {  	s12 =	simm.s32 $0x1340;
	[sflag:s30] =	ssyncadd.s32 $0xFFFFE000  }
0xc7: {  	[spmem:s2] =	stream.indirect.scatter.add.f32 [tilespmem:s22], [sflag:$0x2], $0x80, s12, s20, $0xb8;
	[tilespmem:$0x1E000] =	vst v63  }
0xc8: {  	_ =	swait.ge [sflag:s30], $0x2000  }
0xc9: {  	[sflag:s30] =	ssyncset.done $0x0  }
0xca: {  	s13 =	simm.s32 $0x440;
	[sflag:s30] =	ssyncadd.s32 $0xFFFFE000  }
0xcb: {  	[tilespmem:s22], [sflag:$0x2] =	stream.indirect.gather [hbm4b:s5+s20], $0x80, s13, s20, $0xb8;
	[tilespmem:$0x1E000] =	vst v63  }
0xcc: {  	_ =	swait.ge [sflag:s3], $0x2000  }
0xcd: {  	[sflag:s3] =	ssyncset.done $0x0  }
0xce: {  	s12 =	simm.s32 $0x1380;
	[sflag:s3] =	ssyncadd.s32 $0xFFFFE000  }
0xcf: {  	[spmem:s2] =	stream.indirect.scatter.add.f32 [tilespmem:s24], [sflag:$0x3], $0x80, s12, s20, $0xb8;
	[tilespmem:$0x1E000] =	vst v63  }
0xd0: {  	_ =	swait.ge [sflag:s3], $0x2000  }
0xd1: {  	[sflag:s3] =	ssyncset.done $0x0  }
0xd2: {  	s13 =	simm.s32 $0x480;
	[sflag:s3] =	ssyncadd.s32 $0xFFFFE000  }
0xd3: {  	[tilespmem:s24], [sflag:$0x3] =	stream.indirect.gather [hbm4b:s5+s20], $0x80, s13, s20, $0xb8;
	[tilespmem:$0x1E000] =	vst v63  }
0xd4: {  	_ =	swait.ge [sflag:s9], $0x2000  }
0xd5: {  	[sflag:s9] =	ssyncset.done $0x0  }
0xd6: {  	s12 =	simm.s32 $0x13C0;
	[sflag:s9] =	ssyncadd.s32 $0xFFFFE000  }
0xd7: {  	[spmem:s2] =	stream.indirect.scatter.add.f32 [tilespmem:s26], [sflag:$0x4], $0x80, s12, s20, $0xb8;
	[tilespmem:$0x1E000] =	vst v63  }
0xd8: {  	_ =	swait.ge [sflag:s9], $0x2000  }
0xd9: {  	[sflag:s9] =	ssyncset.done $0x0  }
0xda: {  	s13 =	simm.s32 $0x4C0;
	[sflag:s9] =	ssyncadd.s32 $0xFFFFE000  }
0xdb: {  	[tilespmem:s26], [sflag:$0x4] =	stream.indirect.gather [hbm4b:s5+s20], $0x80, s13, s20, $0xb8;
	[tilespmem:$0x1E000] =	vst v63  }
0xdc: {  	_ =	swait.ge [sflag:s28], $0x2000  }
0xdd: {  	[sflag:s28] =	ssyncset.done $0x0  }
0xde: {  	s12 =	simm.s32 $0x1400;
	[sflag:s28] =	ssyncadd.s32 $0xFFFFE000  }
0xdf: {  	[spmem:s2] =	stream.indirect.scatter.add.f32 [tilespmem:s21], [sflag:$0x1], $0x80, s12, s20, $0xb8;
	[tilespmem:$0x1E000] =	vst v63  }
0xe0: {  	_ =	swait.ge [sflag:s28], $0x2000  }
0xe1: {  	[sflag:s28] =	ssyncset.done $0x0  }
0xe2: {  	s13 =	simm.s32 $0x500;
	[sflag:s28] =	ssyncadd.s32 $0xFFFFE000  }
0xe3: {  	[tilespmem:s21], [sflag:$0x1] =	stream.indirect.gather [hbm4b:s5+s20], $0x80, s13, s20, $0xb8;
	[tilespmem:$0x1E000] =	vst v63  }
0xe4: {  	_ =	swait.ge [sflag:s30], $0x2000  }
0xe5: {  	[sflag:s30] =	ssyncset.done $0x0  }
0xe6: {  	s12 =	simm.s32 $0x1440;
	[sflag:s30] =	ssyncadd.s32 $0xFFFFE000  }
0xe7: {  	[spmem:s2] =	stream.indirect.scatter.add.f32 [tilespmem:s22], [sflag:$0x2], $0x80, s12, s20, $0xb8;
	[tilespmem:$0x1E000] =	vst v63  }
0xe8: {  	_ =	swait.ge [sflag:s30], $0x2000  }
0xe9: {  	[sflag:s30] =	ssyncset.done $0x0  }
0xea: {  	s13 =	simm.s32 $0x540;
	[sflag:s30] =	ssyncadd.s32 $0xFFFFE000  }
0xeb: {  	[tilespmem:s22], [sflag:$0x2] =	stream.indirect.gather [hbm4b:s5+s20], $0x80, s13, s20, $0xb8;
	[tilespmem:$0x1E000] =	vst v63  }
0xec: {  	_ =	swait.ge [sflag:s3], $0x2000  }
0xed: {  	[sflag:s3] =	ssyncset.done $0x0  }
0xee: {  	s12 =	simm.s32 $0x1480;
	[sflag:s3] =	ssyncadd.s32 $0xFFFFE000  }
0xef: {  	[spmem:s2] =	stream.indirect.scatter.add.f32 [tilespmem:s24], [sflag:$0x3], $0x80, s12, s20, $0xb8;
	[tilespmem:$0x1E000] =	vst v63  }
0xf0: {  	_ =	swait.ge [sflag:s3], $0x2000  }
0xf1: {  	[sflag:s3] =	ssyncset.done $0x0  }
0xf2: {  	s13 =	simm.s32 $0x580;
	[sflag:s3] =	ssyncadd.s32 $0xFFFFE000  }
0xf3: {  	[tilespmem:s24], [sflag:$0x3] =	stream.indirect.gather [hbm4b:s5+s20], $0x80, s13, s20, $0xb8;
	[tilespmem:$0x1E000] =	vst v63  }
0xf4: {  	_ =	swait.ge [sflag:s9], $0x2000  }
0xf5: {  	[sflag:s9] =	ssyncset.done $0x0  }
0xf6: {  	s12 =	simm.s32 $0x14C0;
	[sflag:s9] =	ssyncadd.s32 $0xFFFFE000  }
0xf7: {  	[spmem:s2] =	stream.indirect.scatter.add.f32 [tilespmem:s26], [sflag:$0x4], $0x80, s12, s20, $0xb8;
	[tilespmem:$0x1E000] =	vst v63  }
0xf8: {  	_ =	swait.ge [sflag:s9], $0x2000  }
0xf9: {  	[sflag:s9] =	ssyncset.done $0x0  }
0xfa: {  	s13 =	simm.s32 $0x5C0;
	[sflag:s9] =	ssyncadd.s32 $0xFFFFE000  }
0xfb: {  	[tilespmem:s26], [sflag:$0x4] =	stream.indirect.gather [hbm4b:s5+s20], $0x80, s13, s20, $0xb8;
	[tilespmem:$0x1E000] =	vst v63  }
0xfc: {  	_ =	swait.ge [sflag:s28], $0x2000  }
0xfd: {  	[sflag:s28] =	ssyncset.done $0x0  }
0xfe: {  	s12 =	simm.s32 $0x1500;
	[sflag:s28] =	ssyncadd.s32 $0xFFFFE000  }
0xff: {  	[spmem:s2] =	stream.indirect.scatter.add.f32 [tilespmem:s21], [sflag:$0x1], $0x80, s12, s20, $0xb8;
	[tilespmem:$0x1E000] =	vst v63  }
0x100: {  	_ =	swait.ge [sflag:s28], $0x2000  }
0x101: {  	[sflag:s28] =	ssyncset.done $0x0  }
0x102: {  	s13 =	simm.s32 $0x600;
	[sflag:s28] =	ssyncadd.s32 $0xFFFFE000  }
0x103: {  	[tilespmem:s21], [sflag:$0x1] =	stream.indirect.gather [hbm4b:s5+s20], $0x80, s13, s20, $0xb8;
	[tilespmem:$0x1E000] =	vst v63  }
0x104: {  	_ =	swait.ge [sflag:s30], $0x2000  }
0x105: {  	[sflag:s30] =	ssyncset.done $0x0  }
0x106: {  	s12 =	simm.s32 $0x1540;
	[sflag:s30] =	ssyncadd.s32 $0xFFFFE000  }
0x107: {  	[spmem:s2] =	stream.indirect.scatter.add.f32 [tilespmem:s22], [sflag:$0x2], $0x80, s12, s20, $0xb8;
	[tilespmem:$0x1E000] =	vst v63  }
0x108: {  	_ =	swait.ge [sflag:s30], $0x2000  }
0x109: {  	[sflag:s30] =	ssyncset.done $0x0  }
0x10a: {  	s13 =	simm.s32 $0x640;
	[sflag:s30] =	ssyncadd.s32 $0xFFFFE000  }
0x10b: {  	[tilespmem:s22], [sflag:$0x2] =	stream.indirect.gather [hbm4b:s5+s20], $0x80, s13, s20, $0xb8;
	[tilespmem:$0x1E000] =	vst v63  }
0x10c: {  	_ =	swait.ge [sflag:s3], $0x2000  }
0x10d: {  	[sflag:s3] =	ssyncset.done $0x0  }
0x10e: {  	s12 =	simm.s32 $0x1580;
	[sflag:s3] =	ssyncadd.s32 $0xFFFFE000  }
0x10f: {  	[spmem:s2] =	stream.indirect.scatter.add.f32 [tilespmem:s24], [sflag:$0x3], $0x80, s12, s20, $0xb8;
	[tilespmem:$0x1E000] =	vst v63  }
0x110: {  	_ =	swait.ge [sflag:s3], $0x2000  }
0x111: {  	[sflag:s3] =	ssyncset.done $0x0  }
0x112: {  	s13 =	simm.s32 $0x680;
	[sflag:s3] =	ssyncadd.s32 $0xFFFFE000  }
0x113: {  	[tilespmem:s24], [sflag:$0x3] =	stream.indirect.gather [hbm4b:s5+s20], $0x80, s13, s20, $0xb8;
	[tilespmem:$0x1E000] =	vst v63  }
0x114: {  	_ =	swait.ge [sflag:s9], $0x2000  }
0x115: {  	[sflag:s9] =	ssyncset.done $0x0  }
0x116: {  	s12 =	simm.s32 $0x15C0;
	[sflag:s9] =	ssyncadd.s32 $0xFFFFE000  }
0x117: {  	[spmem:s2] =	stream.indirect.scatter.add.f32 [tilespmem:s26], [sflag:$0x4], $0x80, s12, s20, $0xb8;
	[tilespmem:$0x1E000] =	vst v63  }
0x118: {  	_ =	swait.ge [sflag:s9], $0x2000  }
0x119: {  	[sflag:s9] =	ssyncset.done $0x0  }
0x11a: {  	s13 =	simm.s32 $0x6C0;
	[sflag:s9] =	ssyncadd.s32 $0xFFFFE000  }
0x11b: {  	[tilespmem:s26], [sflag:$0x4] =	stream.indirect.gather [hbm4b:s5+s20], $0x80, s13, s20, $0xb8;
	[tilespmem:$0x1E000] =	vst v63  }
0x11c: {  	_ =	swait.ge [sflag:s28], $0x2000  }
0x11d: {  	[sflag:s28] =	ssyncset.done $0x0  }
0x11e: {  	s12 =	simm.s32 $0x1600;
	[sflag:s28] =	ssyncadd.s32 $0xFFFFE000  }
0x11f: {  	[spmem:s2] =	stream.indirect.scatter.add.f32 [tilespmem:s21], [sflag:$0x1], $0x80, s12, s20, $0xb8;
	[tilespmem:$0x1E000] =	vst v63  }
0x120: {  	_ =	swait.ge [sflag:s28], $0x2000  }
0x121: {  	[sflag:s28] =	ssyncset.done $0x0  }
0x122: {  	s13 =	simm.s32 $0x700;
	[sflag:s28] =	ssyncadd.s32 $0xFFFFE000  }
0x123: {  	[tilespmem:s21], [sflag:$0x1] =	stream.indirect.gather [hbm4b:s5+s20], $0x80, s13, s20, $0xb8;
	[tilespmem:$0x1E000] =	vst v63  }
0x124: {  	_ =	swait.ge [sflag:s30], $0x2000  }
0x125: {  	[sflag:s30] =	ssyncset.done $0x0  }
0x126: {  	s12 =	simm.s32 $0x1640;
	[sflag:s30] =	ssyncadd.s32 $0xFFFFE000  }
0x127: {  	[spmem:s2] =	stream.indirect.scatter.add.f32 [tilespmem:s22], [sflag:$0x2], $0x80, s12, s20, $0xb8;
	[tilespmem:$0x1E000] =	vst v63  }
0x128: {  	_ =	swait.ge [sflag:s30], $0x2000  }
0x129: {  	[sflag:s30] =	ssyncset.done $0x0  }
0x12a: {  	s13 =	simm.s32 $0x740;
	[sflag:s30] =	ssyncadd.s32 $0xFFFFE000  }
0x12b: {  	[tilespmem:s22], [sflag:$0x2] =	stream.indirect.gather [hbm4b:s5+s20], $0x80, s13, s20, $0xb8;
	[tilespmem:$0x1E000] =	vst v63  }
0x12c: {  	_ =	swait.ge [sflag:s3], $0x2000  }
0x12d: {  	[sflag:s3] =	ssyncset.done $0x0  }
0x12e: {  	s12 =	simm.s32 $0x1680;
	[sflag:s3] =	ssyncadd.s32 $0xFFFFE000  }
0x12f: {  	[spmem:s2] =	stream.indirect.scatter.add.f32 [tilespmem:s24], [sflag:$0x3], $0x80, s12, s20, $0xb8;
	[tilespmem:$0x1E000] =	vst v63  }
0x130: {  	_ =	swait.ge [sflag:s3], $0x2000  }
0x131: {  	[sflag:s3] =	ssyncset.done $0x0  }
0x132: {  	s13 =	simm.s32 $0x780;
	[sflag:s3] =	ssyncadd.s32 $0xFFFFE000  }
0x133: {  	[tilespmem:s24], [sflag:$0x3] =	stream.indirect.gather [hbm4b:s5+s20], $0x80, s13, s20, $0xb8;
	[tilespmem:$0x1E000] =	vst v63  }
0x134: {  	_ =	swait.ge [sflag:s9], $0x2000  }
0x135: {  	[sflag:s9] =	ssyncset.done $0x0  }
0x136: {  	s12 =	simm.s32 $0x16C0;
	[sflag:s9] =	ssyncadd.s32 $0xFFFFE000  }
0x137: {  	[spmem:s2] =	stream.indirect.scatter.add.f32 [tilespmem:s26], [sflag:$0x4], $0x80, s12, s20, $0xb8;
	[tilespmem:$0x1E000] =	vst v63  }
0x138: {  	_ =	swait.ge [sflag:s9], $0x2000  }
0x139: {  	[sflag:s9] =	ssyncset.done $0x0  }
0x13a: {  	s13 =	simm.s32 $0x7C0;
	[sflag:s9] =	ssyncadd.s32 $0xFFFFE000  }
0x13b: {  	[tilespmem:s26], [sflag:$0x4] =	stream.indirect.gather [hbm4b:s5+s20], $0x80, s13, s20, $0xb8;
	[tilespmem:$0x1E000] =	vst v63  }
0x13c: {  	_ =	swait.ge [sflag:s28], $0x2000  }
0x13d: {  	[sflag:s28] =	ssyncset.done $0x0  }
0x13e: {  	s12 =	simm.s32 $0x1700;
	[sflag:s28] =	ssyncadd.s32 $0xFFFFE000  }
0x13f: {  	[spmem:s2] =	stream.indirect.scatter.add.f32 [tilespmem:s21], [sflag:$0x1], $0x80, s12, s20, $0xb8;
	[tilespmem:$0x1E000] =	vst v63  }
0x140: {  	_ =	swait.ge [sflag:s28], $0x2000  }
0x141: {  	[sflag:s28] =	ssyncset.done $0x0  }
0x142: {  	[sflag:s28] =	ssyncadd.s32 $0xFFFFE000  }
0x143: {  	_ =	swait.ge [sflag:s30], $0x2000  }
0x144: {  	[sflag:s30] =	ssyncset.done $0x0  }
0x145: {  	s13 =	simm.s32 $0x1740;
	[sflag:s30] =	ssyncadd.s32 $0xFFFFE000  }
0x146: {  	[spmem:s2] =	stream.indirect.scatter.add.f32 [tilespmem:s22], [sflag:$0x2], $0x80, s13, s20, $0xb8;
	[tilespmem:$0x1E000] =	vst v63  }
0x147: {  	_ =	swait.ge [sflag:s30], $0x2000  }
0x148: {  	[sflag:s30] =	ssyncset.done $0x0  }
0x149: {  	[sflag:s30] =	ssyncadd.s32 $0xFFFFE000  }
0x14a: {  	_ =	swait.ge [sflag:s3], $0x2000  }
0x14b: {  	[sflag:s3] =	ssyncset.done $0x0  }
0x14c: {  	s12 =	simm.s32 $0x1780;
	[sflag:s3] =	ssyncadd.s32 $0xFFFFE000  }
0x14d: {  	[spmem:s2] =	stream.indirect.scatter.add.f32 [tilespmem:s24], [sflag:$0x3], $0x80, s12, s20, $0xb8;
	[tilespmem:$0x1E000] =	vst v63  }
0x14e: {  	_ =	swait.ge [sflag:s3], $0x2000  }
0x14f: {  	[sflag:s3] =	ssyncset.done $0x0  }
0x150: {  	[sflag:s3] =	ssyncadd.s32 $0xFFFFE000  }
0x151: {  	_ =	swait.ge [sflag:s9], $0x2000  }
0x152: {  	[sflag:s9] =	ssyncset.done $0x0  }
0x153: {  	s13 =	simm.s32 $0x17C0;
	[sflag:s9] =	ssyncadd.s32 $0xFFFFE000  }
0x154: {  	[spmem:s2] =	stream.indirect.scatter.add.f32 [tilespmem:s26], [sflag:$0x4], $0x80, s13, s20, $0xb8;
	[tilespmem:$0x1E000] =	vst v63  }
0x155: {  	_ =	swait.ge [sflag:s9], $0x2000  }
0x156: {  	[sflag:s9] =	ssyncset.done $0x0  }
0x157: {  	[sflag:s9] =	ssyncadd.s32 $0xFFFFE000  }
0x158: {  	_ =	swait.ge [sflag:s6], $0x800  }
0x159: {  	[sflag:s6] =	ssyncset.done $0x0  }
0x15a: {  	[sflag:s6] =	ssyncadd.s32 $0xFFFFF800  }
0x15b: {  	_ =	swait.ge [sflag:s6], $0x800  }
0x15c: {  	[sflag:s6] =	ssyncset.done $0x0  }
0x15d: {  	s12 =	simm.s32 $0x0;
	[sflag:s6] =	ssyncadd.s32 $0xFFFFF800  }
0x15e: {  	v3 =	vld [tilespmem:s12+$0x800]  }
0x15f: {  	v4 =	vld [tilespmem:s12+$0x810]  }
0x160: {  	v5 =	vld [tilespmem:s12+$0x820]  }
0x161: {  	v2 =	vld [tilespmem:s12+$0x830]  }
0x162: {  	v1 =	vld [tilespmem:s12+$0x840]  }
0x163: {  	v6 =	vadd.s32 v0, v3;
	v3 =	vld [tilespmem:s12+$0x850]  }
0x164: {  	s13 =	simm.s32 $0x200;
	[tilespmem:s12+$0x800] =	vst v6;
	v6 =	vadd.s32 v0, v4;
	v4 =	vld [tilespmem:s12+$0x860]  }
.LBB2_5:
0x165: {  	s8 =	sshra.s32 s13, $0x2;
	p0 =	sne.s32 s13, $0x1E00;
	[tilespmem:s12+$0x810] =	vst v6;
	v5 =	vadd.s32 v0, v5;
	v6 =	vld [tilespmem:s12+$0x870]  }
0x166: {  	v7 =	vld [tilespmem:s8+$0x800];
	[tilespmem:s12+$0x820] =	vst v5;
	v2 =	vadd.s32 v0, v2  }
0x167: {  	v8 =	vld [tilespmem:s8+$0x810];
	[tilespmem:s12+$0x830] =	vst v2;
	v1 =	vadd.s32 v0, v1  }
.Ltmp3:
0x168: {  	v5 =	vld [tilespmem:s8+$0x820];
	[tilespmem:s12+$0x840] =	vst v1;
	v1 =	vadd.s32 v0, v3;
	(pc) =	sbr.rel @p0 .LBB2_5-.Ltmp3, $4  }
0x169: {  	v2 =	vld [tilespmem:s8+$0x830];
	[tilespmem:s12+$0x850] =	vst v1;
	v3 =	vadd.s32 v0, v4  }
0x16a: {  	v1 =	vld [tilespmem:s8+$0x840];
	[tilespmem:s12+$0x860] =	vst v3;
	v4 =	vadd.s32 v0, v6  }
0x16b: {  	v6 =	vadd.s32 v0, v7;
	v3 =	vld [tilespmem:s8+$0x850];
	[tilespmem:s12+$0x870] =	vst v4;
	s12 =	smov.u32 s8  }
0x16c: {  	s13 =	sadd.s32 $0x200, s13;
	[tilespmem:s12+$0x800] =	vst v6;
	v6 =	vadd.s32 v0, v8;
	v4 =	vld [tilespmem:s12+$0x860]  }
0x16d: {  	[tilespmem:s12+$0x810] =	vst v6;
	v5 =	vadd.s32 v0, v5;
	v63 =	vld [tilespmem:s12+$0x870]  }
0x16e: {  	[tilespmem:s12+$0x820] =	vst v5;
	v2 =	vadd.s32 v0, v2  }
0x16f: {  	[tilespmem:s12+$0x830] =	vst v2;
	v1 =	vadd.s32 v0, v1  }
0x170: {  	p0 =	seq.s32 s0, $0x4;
	[tilespmem:s12+$0x840] =	vst v1;
	v1 =	vadd.s32 v0, v3  }
0x171: {  	s4 =	sadd.s32 @!p0 s4, s11;
	[tilespmem:s12+$0x850] =	vst v1;
	v1 =	vadd.s32 v0, v4  }
0x172: {  	s4 =	sshrl.u32 @!p0 s4, $0x3;
	[tilespmem:s12+$0x860] =	vst v1;
	v1 =	vadd.s32 v0, v63  }
0x173: {  	s8 =	simm.s32 @!p0 $0x0;
	s4 =	sadd.s32 @!p0 s1, s4;
	[tilespmem:s12+$0x870] =	vst v1  }
0x174: {  	[tilespmem:s8], [sflag:$0x5] =	stream.linear.gather @!p0 [hbm4b:s4+s8], $0x800, $0x38;
	[tilespmem:$0x1E000] =	vst v63  }
0x175: {  	s12 =	simm.s32 @!p0 $0x1000;
	s4 =	sadd.s32 @!p0 $0xA000, s4  }
0x176: {  	[tilespmem:s12], [sflag:$0x5] =	stream.linear.gather @!p0 [hbm4b:s4+s8], $0x800, $0x38;
	[tilespmem:$0x1E000] =	vst v63  }
0x177: {  	_ = 	snop  }
0x178: {  	[tilespmem:s21], [sflag:$0x1] =	stream.indirect.gather [hbm4b:s5+s20], $0x80, s18, s20, $0xb8;
	[tilespmem:$0x1E000] =	vst v63  }
0x179: {  	s13 =	simm.s32 $0x840  }
0x17a: {  	[tilespmem:s22], [sflag:$0x2] =	stream.indirect.gather [hbm4b:s5+s20], $0x80, s13, s20, $0xb8;
	[tilespmem:$0x1E000] =	vst v63  }
0x17b: {  	s8 =	simm.s32 $0x880  }
0x17c: {  	[tilespmem:s24], [sflag:$0x3] =	stream.indirect.gather [hbm4b:s5+s20], $0x80, s8, s20, $0xb8;
	[tilespmem:$0x1E000] =	vst v63  }
0x17d: {  	s12 =	simm.s32 $0x8C0  }
0x17e: {  	[tilespmem:s26], [sflag:$0x4] =	stream.indirect.gather [hbm4b:s5+s20], $0x80, s12, s20, $0xb8;
	[tilespmem:$0x1E000] =	vst v63  }
0x17f: {  	_ =	swait.ge [sflag:s28], $0x2000  }
0x180: {  	[sflag:s28] =	ssyncset.done $0x0  }
0x181: {  	[sflag:s28] =	ssyncadd.s32 $0xFFFFE000  }
0x182: {  	[spmem:s2] =	stream.indirect.scatter.add.f32 [tilespmem:s21], [sflag:$0x1], $0x80, s19, s20, $0xb8;
	[tilespmem:$0x1E000] =	vst v63  }
0x183: {  	_ =	swait.ge [sflag:s28], $0x2000  }
0x184: {  	[sflag:s28] =	ssyncset.done $0x0  }
0x185: {  	s13 =	simm.s32 $0x900;
	[sflag:s28] =	ssyncadd.s32 $0xFFFFE000  }
0x186: {  	[tilespmem:s21], [sflag:$0x1] =	stream.indirect.gather [hbm4b:s5+s20], $0x80, s13, s20, $0xb8;
	[tilespmem:$0x1E000] =	vst v63  }
0x187: {  	_ =	swait.ge [sflag:s30], $0x2000  }
0x188: {  	[sflag:s30] =	ssyncset.done $0x0  }
0x189: {  	s8 =	simm.s32 $0x1840;
	[sflag:s30] =	ssyncadd.s32 $0xFFFFE000  }
0x18a: {  	[spmem:s2] =	stream.indirect.scatter.add.f32 [tilespmem:s22], [sflag:$0x2], $0x80, s8, s20, $0xb8;
	[tilespmem:$0x1E000] =	vst v63  }
0x18b: {  	_ =	swait.ge [sflag:s30], $0x2000  }
0x18c: {  	[sflag:s30] =	ssyncset.done $0x0  }
0x18d: {  	s12 =	simm.s32 $0x940;
	[sflag:s30] =	ssyncadd.s32 $0xFFFFE000  }
0x18e: {  	[tilespmem:s22], [sflag:$0x2] =	stream.indirect.gather [hbm4b:s5+s20], $0x80, s12, s20, $0xb8;
	[tilespmem:$0x1E000] =	vst v63  }
0x18f: {  	_ =	swait.ge [sflag:s3], $0x2000  }
0x190: {  	[sflag:s3] =	ssyncset.done $0x0  }
0x191: {  	s13 =	simm.s32 $0x1880;
	[sflag:s3] =	ssyncadd.s32 $0xFFFFE000  }
0x192: {  	[spmem:s2] =	stream.indirect.scatter.add.f32 [tilespmem:s24], [sflag:$0x3], $0x80, s13, s20, $0xb8;
	[tilespmem:$0x1E000] =	vst v63  }
0x193: {  	_ =	swait.ge [sflag:s3], $0x2000  }
0x194: {  	[sflag:s3] =	ssyncset.done $0x0  }
0x195: {  	s8 =	simm.s32 $0x980;
	[sflag:s3] =	ssyncadd.s32 $0xFFFFE000  }
0x196: {  	[tilespmem:s24], [sflag:$0x3] =	stream.indirect.gather [hbm4b:s5+s20], $0x80, s8, s20, $0xb8;
	[tilespmem:$0x1E000] =	vst v63  }
0x197: {  	_ =	swait.ge [sflag:s9], $0x2000  }
0x198: {  	[sflag:s9] =	ssyncset.done $0x0  }
0x199: {  	s12 =	simm.s32 $0x18C0;
	[sflag:s9] =	ssyncadd.s32 $0xFFFFE000  }
0x19a: {  	[spmem:s2] =	stream.indirect.scatter.add.f32 [tilespmem:s26], [sflag:$0x4], $0x80, s12, s20, $0xb8;
	[tilespmem:$0x1E000] =	vst v63  }
0x19b: {  	_ =	swait.ge [sflag:s9], $0x2000  }
0x19c: {  	[sflag:s9] =	ssyncset.done $0x0  }
0x19d: {  	s13 =	simm.s32 $0x9C0;
	[sflag:s9] =	ssyncadd.s32 $0xFFFFE000  }
0x19e: {  	[tilespmem:s26], [sflag:$0x4] =	stream.indirect.gather [hbm4b:s5+s20], $0x80, s13, s20, $0xb8;
	[tilespmem:$0x1E000] =	vst v63  }
0x19f: {  	_ =	swait.ge [sflag:s28], $0x2000  }
0x1a0: {  	[sflag:s28] =	ssyncset.done $0x0  }
0x1a1: {  	s8 =	simm.s32 $0x1900;
	[sflag:s28] =	ssyncadd.s32 $0xFFFFE000  }
0x1a2: {  	[spmem:s2] =	stream.indirect.scatter.add.f32 [tilespmem:s21], [sflag:$0x1], $0x80, s8, s20, $0xb8;
	[tilespmem:$0x1E000] =	vst v63  }
0x1a3: {  	_ =	swait.ge [sflag:s28], $0x2000  }
0x1a4: {  	[sflag:s28] =	ssyncset.done $0x0  }
0x1a5: {  	s12 =	simm.s32 $0xA00;
	[sflag:s28] =	ssyncadd.s32 $0xFFFFE000  }
0x1a6: {  	[tilespmem:s21], [sflag:$0x1] =	stream.indirect.gather [hbm4b:s5+s20], $0x80, s12, s20, $0xb8;
	[tilespmem:$0x1E000] =	vst v63  }
0x1a7: {  	_ =	swait.ge [sflag:s30], $0x2000  }
0x1a8: {  	[sflag:s30] =	ssyncset.done $0x0  }
0x1a9: {  	s13 =	simm.s32 $0x1940;
	[sflag:s30] =	ssyncadd.s32 $0xFFFFE000  }
0x1aa: {  	[spmem:s2] =	stream.indirect.scatter.add.f32 [tilespmem:s22], [sflag:$0x2], $0x80, s13, s20, $0xb8;
	[tilespmem:$0x1E000] =	vst v63  }
0x1ab: {  	_ =	swait.ge [sflag:s30], $0x2000  }
0x1ac: {  	[sflag:s30] =	ssyncset.done $0x0  }
0x1ad: {  	s8 =	simm.s32 $0xA40;
	[sflag:s30] =	ssyncadd.s32 $0xFFFFE000  }
0x1ae: {  	[tilespmem:s22], [sflag:$0x2] =	stream.indirect.gather [hbm4b:s5+s20], $0x80, s8, s20, $0xb8;
	[tilespmem:$0x1E000] =	vst v63  }
0x1af: {  	_ =	swait.ge [sflag:s3], $0x2000  }
0x1b0: {  	[sflag:s3] =	ssyncset.done $0x0  }
0x1b1: {  	s12 =	simm.s32 $0x1980;
	[sflag:s3] =	ssyncadd.s32 $0xFFFFE000  }
0x1b2: {  	[spmem:s2] =	stream.indirect.scatter.add.f32 [tilespmem:s24], [sflag:$0x3], $0x80, s12, s20, $0xb8;
	[tilespmem:$0x1E000] =	vst v63  }
0x1b3: {  	_ =	swait.ge [sflag:s3], $0x2000  }
0x1b4: {  	[sflag:s3] =	ssyncset.done $0x0  }
0x1b5: {  	s13 =	simm.s32 $0xA80;
	[sflag:s3] =	ssyncadd.s32 $0xFFFFE000  }
0x1b6: {  	[tilespmem:s24], [sflag:$0x3] =	stream.indirect.gather [hbm4b:s5+s20], $0x80, s13, s20, $0xb8;
	[tilespmem:$0x1E000] =	vst v63  }
0x1b7: {  	_ =	swait.ge [sflag:s9], $0x2000  }
0x1b8: {  	[sflag:s9] =	ssyncset.done $0x0  }
0x1b9: {  	s8 =	simm.s32 $0x19C0;
	[sflag:s9] =	ssyncadd.s32 $0xFFFFE000  }
0x1ba: {  	[spmem:s2] =	stream.indirect.scatter.add.f32 [tilespmem:s26], [sflag:$0x4], $0x80, s8, s20, $0xb8;
	[tilespmem:$0x1E000] =	vst v63  }
0x1bb: {  	_ =	swait.ge [sflag:s9], $0x2000  }
0x1bc: {  	[sflag:s9] =	ssyncset.done $0x0  }
0x1bd: {  	s12 =	simm.s32 $0xAC0;
	[sflag:s9] =	ssyncadd.s32 $0xFFFFE000  }
0x1be: {  	[tilespmem:s26], [sflag:$0x4] =	stream.indirect.gather [hbm4b:s5+s20], $0x80, s12, s20, $0xb8;
	[tilespmem:$0x1E000] =	vst v63  }
0x1bf: {  	_ =	swait.ge [sflag:s28], $0x2000  }
0x1c0: {  	[sflag:s28] =	ssyncset.done $0x0  }
0x1c1: {  	s13 =	simm.s32 $0x1A00;
	[sflag:s28] =	ssyncadd.s32 $0xFFFFE000  }
0x1c2: {  	[spmem:s2] =	stream.indirect.scatter.add.f32 [tilespmem:s21], [sflag:$0x1], $0x80, s13, s20, $0xb8;
	[tilespmem:$0x1E000] =	vst v63  }
0x1c3: {  	_ =	swait.ge [sflag:s28], $0x2000  }
0x1c4: {  	[sflag:s28] =	ssyncset.done $0x0  }
0x1c5: {  	s8 =	simm.s32 $0xB00;
	[sflag:s28] =	ssyncadd.s32 $0xFFFFE000  }
0x1c6: {  	[tilespmem:s21], [sflag:$0x1] =	stream.indirect.gather [hbm4b:s5+s20], $0x80, s8, s20, $0xb8;
	[tilespmem:$0x1E000] =	vst v63  }
0x1c7: {  	_ =	swait.ge [sflag:s30], $0x2000  }
0x1c8: {  	[sflag:s30] =	ssyncset.done $0x0  }
0x1c9: {  	s12 =	simm.s32 $0x1A40;
	[sflag:s30] =	ssyncadd.s32 $0xFFFFE000  }
0x1ca: {  	[spmem:s2] =	stream.indirect.scatter.add.f32 [tilespmem:s22], [sflag:$0x2], $0x80, s12, s20, $0xb8;
	[tilespmem:$0x1E000] =	vst v63  }
0x1cb: {  	_ =	swait.ge [sflag:s30], $0x2000  }
0x1cc: {  	[sflag:s30] =	ssyncset.done $0x0  }
0x1cd: {  	s13 =	simm.s32 $0xB40;
	[sflag:s30] =	ssyncadd.s32 $0xFFFFE000  }
0x1ce: {  	[tilespmem:s22], [sflag:$0x2] =	stream.indirect.gather [hbm4b:s5+s20], $0x80, s13, s20, $0xb8;
	[tilespmem:$0x1E000] =	vst v63  }
0x1cf: {  	_ =	swait.ge [sflag:s3], $0x2000  }
0x1d0: {  	[sflag:s3] =	ssyncset.done $0x0  }
0x1d1: {  	s8 =	simm.s32 $0x1A80;
	[sflag:s3] =	ssyncadd.s32 $0xFFFFE000  }
0x1d2: {  	[spmem:s2] =	stream.indirect.scatter.add.f32 [tilespmem:s24], [sflag:$0x3], $0x80, s8, s20, $0xb8;
	[tilespmem:$0x1E000] =	vst v63  }
0x1d3: {  	_ =	swait.ge [sflag:s3], $0x2000  }
0x1d4: {  	[sflag:s3] =	ssyncset.done $0x0  }
0x1d5: {  	s12 =	simm.s32 $0xB80;
	[sflag:s3] =	ssyncadd.s32 $0xFFFFE000  }
0x1d6: {  	[tilespmem:s24], [sflag:$0x3] =	stream.indirect.gather [hbm4b:s5+s20], $0x80, s12, s20, $0xb8;
	[tilespmem:$0x1E000] =	vst v63  }
0x1d7: {  	_ =	swait.ge [sflag:s9], $0x2000  }
0x1d8: {  	[sflag:s9] =	ssyncset.done $0x0  }
0x1d9: {  	s13 =	simm.s32 $0x1AC0;
	[sflag:s9] =	ssyncadd.s32 $0xFFFFE000  }
0x1da: {  	[spmem:s2] =	stream.indirect.scatter.add.f32 [tilespmem:s26], [sflag:$0x4], $0x80, s13, s20, $0xb8;
	[tilespmem:$0x1E000] =	vst v63  }
0x1db: {  	_ =	swait.ge [sflag:s9], $0x2000  }
0x1dc: {  	[sflag:s9] =	ssyncset.done $0x0  }
0x1dd: {  	s8 =	simm.s32 $0xBC0;
	[sflag:s9] =	ssyncadd.s32 $0xFFFFE000  }
0x1de: {  	[tilespmem:s26], [sflag:$0x4] =	stream.indirect.gather [hbm4b:s5+s20], $0x80, s8, s20, $0xb8;
	[tilespmem:$0x1E000] =	vst v63  }
0x1df: {  	_ =	swait.ge [sflag:s28], $0x2000  }
0x1e0: {  	[sflag:s28] =	ssyncset.done $0x0  }
0x1e1: {  	s12 =	simm.s32 $0x1B00;
	[sflag:s28] =	ssyncadd.s32 $0xFFFFE000  }
0x1e2: {  	[spmem:s2] =	stream.indirect.scatter.add.f32 [tilespmem:s21], [sflag:$0x1], $0x80, s12, s20, $0xb8;
	[tilespmem:$0x1E000] =	vst v63  }
0x1e3: {  	_ =	swait.ge [sflag:s28], $0x2000  }
0x1e4: {  	[sflag:s28] =	ssyncset.done $0x0  }
0x1e5: {  	s13 =	simm.s32 $0xC00;
	[sflag:s28] =	ssyncadd.s32 $0xFFFFE000  }
0x1e6: {  	[tilespmem:s21], [sflag:$0x1] =	stream.indirect.gather [hbm4b:s5+s20], $0x80, s13, s20, $0xb8;
	[tilespmem:$0x1E000] =	vst v63  }
0x1e7: {  	_ =	swait.ge [sflag:s30], $0x2000  }
0x1e8: {  	[sflag:s30] =	ssyncset.done $0x0  }
0x1e9: {  	s8 =	simm.s32 $0x1B40;
	[sflag:s30] =	ssyncadd.s32 $0xFFFFE000  }
0x1ea: {  	[spmem:s2] =	stream.indirect.scatter.add.f32 [tilespmem:s22], [sflag:$0x2], $0x80, s8, s20, $0xb8;
	[tilespmem:$0x1E000] =	vst v63  }
0x1eb: {  	_ =	swait.ge [sflag:s30], $0x2000  }
0x1ec: {  	[sflag:s30] =	ssyncset.done $0x0  }
0x1ed: {  	s12 =	simm.s32 $0xC40;
	[sflag:s30] =	ssyncadd.s32 $0xFFFFE000  }
0x1ee: {  	[tilespmem:s22], [sflag:$0x2] =	stream.indirect.gather [hbm4b:s5+s20], $0x80, s12, s20, $0xb8;
	[tilespmem:$0x1E000] =	vst v63  }
0x1ef: {  	_ =	swait.ge [sflag:s3], $0x2000  }
0x1f0: {  	[sflag:s3] =	ssyncset.done $0x0  }
0x1f1: {  	s13 =	simm.s32 $0x1B80;
	[sflag:s3] =	ssyncadd.s32 $0xFFFFE000  }
0x1f2: {  	[spmem:s2] =	stream.indirect.scatter.add.f32 [tilespmem:s24], [sflag:$0x3], $0x80, s13, s20, $0xb8;
	[tilespmem:$0x1E000] =	vst v63  }
0x1f3: {  	_ =	swait.ge [sflag:s3], $0x2000  }
0x1f4: {  	[sflag:s3] =	ssyncset.done $0x0  }
0x1f5: {  	s8 =	simm.s32 $0xC80;
	[sflag:s3] =	ssyncadd.s32 $0xFFFFE000  }
0x1f6: {  	[tilespmem:s24], [sflag:$0x3] =	stream.indirect.gather [hbm4b:s5+s20], $0x80, s8, s20, $0xb8;
	[tilespmem:$0x1E000] =	vst v63  }
0x1f7: {  	_ =	swait.ge [sflag:s9], $0x2000  }
0x1f8: {  	[sflag:s9] =	ssyncset.done $0x0  }
0x1f9: {  	s12 =	simm.s32 $0x1BC0;
	[sflag:s9] =	ssyncadd.s32 $0xFFFFE000  }
0x1fa: {  	[spmem:s2] =	stream.indirect.scatter.add.f32 [tilespmem:s26], [sflag:$0x4], $0x80, s12, s20, $0xb8;
	[tilespmem:$0x1E000] =	vst v63  }
0x1fb: {  	_ =	swait.ge [sflag:s9], $0x2000  }
0x1fc: {  	[sflag:s9] =	ssyncset.done $0x0  }
0x1fd: {  	s13 =	simm.s32 $0xCC0;
	[sflag:s9] =	ssyncadd.s32 $0xFFFFE000  }
0x1fe: {  	[tilespmem:s26], [sflag:$0x4] =	stream.indirect.gather [hbm4b:s5+s20], $0x80, s13, s20, $0xb8;
	[tilespmem:$0x1E000] =	vst v63  }
0x1ff: {  	_ =	swait.ge [sflag:s28], $0x2000  }
0x200: {  	[sflag:s28] =	ssyncset.done $0x0  }
0x201: {  	s8 =	simm.s32 $0x1C00;
	[sflag:s28] =	ssyncadd.s32 $0xFFFFE000  }
0x202: {  	[spmem:s2] =	stream.indirect.scatter.add.f32 [tilespmem:s21], [sflag:$0x1], $0x80, s8, s20, $0xb8;
	[tilespmem:$0x1E000] =	vst v63  }
0x203: {  	_ =	swait.ge [sflag:s28], $0x2000  }
0x204: {  	[sflag:s28] =	ssyncset.done $0x0  }
0x205: {  	s12 =	simm.s32 $0xD00;
	[sflag:s28] =	ssyncadd.s32 $0xFFFFE000  }
0x206: {  	[tilespmem:s21], [sflag:$0x1] =	stream.indirect.gather [hbm4b:s5+s20], $0x80, s12, s20, $0xb8;
	[tilespmem:$0x1E000] =	vst v63  }
0x207: {  	_ =	swait.ge [sflag:s30], $0x2000  }
0x208: {  	[sflag:s30] =	ssyncset.done $0x0  }
0x209: {  	s13 =	simm.s32 $0x1C40;
	[sflag:s30] =	ssyncadd.s32 $0xFFFFE000  }
0x20a: {  	[spmem:s2] =	stream.indirect.scatter.add.f32 [tilespmem:s22], [sflag:$0x2], $0x80, s13, s20, $0xb8;
	[tilespmem:$0x1E000] =	vst v63  }
0x20b: {  	_ =	swait.ge [sflag:s30], $0x2000  }
0x20c: {  	[sflag:s30] =	ssyncset.done $0x0  }
0x20d: {  	s8 =	simm.s32 $0xD40;
	[sflag:s30] =	ssyncadd.s32 $0xFFFFE000  }
0x20e: {  	[tilespmem:s22], [sflag:$0x2] =	stream.indirect.gather [hbm4b:s5+s20], $0x80, s8, s20, $0xb8;
	[tilespmem:$0x1E000] =	vst v63  }
0x20f: {  	_ =	swait.ge [sflag:s3], $0x2000  }
0x210: {  	[sflag:s3] =	ssyncset.done $0x0  }
0x211: {  	s12 =	simm.s32 $0x1C80;
	[sflag:s3] =	ssyncadd.s32 $0xFFFFE000  }
0x212: {  	[spmem:s2] =	stream.indirect.scatter.add.f32 [tilespmem:s24], [sflag:$0x3], $0x80, s12, s20, $0xb8;
	[tilespmem:$0x1E000] =	vst v63  }
0x213: {  	_ =	swait.ge [sflag:s3], $0x2000  }
0x214: {  	[sflag:s3] =	ssyncset.done $0x0  }
0x215: {  	s13 =	simm.s32 $0xD80;
	[sflag:s3] =	ssyncadd.s32 $0xFFFFE000  }
0x216: {  	[tilespmem:s24], [sflag:$0x3] =	stream.indirect.gather [hbm4b:s5+s20], $0x80, s13, s20, $0xb8;
	[tilespmem:$0x1E000] =	vst v63  }
0x217: {  	_ =	swait.ge [sflag:s9], $0x2000  }
0x218: {  	[sflag:s9] =	ssyncset.done $0x0  }
0x219: {  	s8 =	simm.s32 $0x1CC0;
	[sflag:s9] =	ssyncadd.s32 $0xFFFFE000  }
0x21a: {  	[spmem:s2] =	stream.indirect.scatter.add.f32 [tilespmem:s26], [sflag:$0x4], $0x80, s8, s20, $0xb8;
	[tilespmem:$0x1E000] =	vst v63  }
0x21b: {  	_ =	swait.ge [sflag:s9], $0x2000  }
0x21c: {  	[sflag:s9] =	ssyncset.done $0x0  }
0x21d: {  	s12 =	simm.s32 $0xDC0;
	[sflag:s9] =	ssyncadd.s32 $0xFFFFE000  }
0x21e: {  	[tilespmem:s26], [sflag:$0x4] =	stream.indirect.gather [hbm4b:s5+s20], $0x80, s12, s20, $0xb8;
	[tilespmem:$0x1E000] =	vst v63  }
0x21f: {  	_ =	swait.ge [sflag:s28], $0x2000  }
0x220: {  	[sflag:s28] =	ssyncset.done $0x0  }
0x221: {  	s13 =	simm.s32 $0x1D00;
	[sflag:s28] =	ssyncadd.s32 $0xFFFFE000  }
0x222: {  	[spmem:s2] =	stream.indirect.scatter.add.f32 [tilespmem:s21], [sflag:$0x1], $0x80, s13, s20, $0xb8;
	[tilespmem:$0x1E000] =	vst v63  }
0x223: {  	_ =	swait.ge [sflag:s28], $0x2000  }
0x224: {  	[sflag:s28] =	ssyncset.done $0x0  }
0x225: {  	s8 =	simm.s32 $0xE00;
	[sflag:s28] =	ssyncadd.s32 $0xFFFFE000  }
0x226: {  	[tilespmem:s21], [sflag:$0x1] =	stream.indirect.gather [hbm4b:s5+s20], $0x80, s8, s20, $0xb8;
	[tilespmem:$0x1E000] =	vst v63  }
0x227: {  	_ =	swait.ge [sflag:s30], $0x2000  }
0x228: {  	[sflag:s30] =	ssyncset.done $0x0  }
0x229: {  	s12 =	simm.s32 $0x1D40;
	[sflag:s30] =	ssyncadd.s32 $0xFFFFE000  }
0x22a: {  	[spmem:s2] =	stream.indirect.scatter.add.f32 [tilespmem:s22], [sflag:$0x2], $0x80, s12, s20, $0xb8;
	[tilespmem:$0x1E000] =	vst v63  }
0x22b: {  	_ =	swait.ge [sflag:s30], $0x2000  }
0x22c: {  	[sflag:s30] =	ssyncset.done $0x0  }
0x22d: {  	s13 =	simm.s32 $0xE40;
	[sflag:s30] =	ssyncadd.s32 $0xFFFFE000  }
0x22e: {  	[tilespmem:s22], [sflag:$0x2] =	stream.indirect.gather [hbm4b:s5+s20], $0x80, s13, s20, $0xb8;
	[tilespmem:$0x1E000] =	vst v63  }
0x22f: {  	_ =	swait.ge [sflag:s3], $0x2000  }
0x230: {  	[sflag:s3] =	ssyncset.done $0x0  }
0x231: {  	s8 =	simm.s32 $0x1D80;
	[sflag:s3] =	ssyncadd.s32 $0xFFFFE000  }
0x232: {  	[spmem:s2] =	stream.indirect.scatter.add.f32 [tilespmem:s24], [sflag:$0x3], $0x80, s8, s20, $0xb8;
	[tilespmem:$0x1E000] =	vst v63  }
0x233: {  	_ =	swait.ge [sflag:s3], $0x2000  }
0x234: {  	[sflag:s3] =	ssyncset.done $0x0  }
0x235: {  	s12 =	simm.s32 $0xE80;
	[sflag:s3] =	ssyncadd.s32 $0xFFFFE000  }
0x236: {  	[tilespmem:s24], [sflag:$0x3] =	stream.indirect.gather [hbm4b:s5+s20], $0x80, s12, s20, $0xb8;
	[tilespmem:$0x1E000] =	vst v63  }
0x237: {  	_ =	swait.ge [sflag:s9], $0x2000  }
0x238: {  	[sflag:s9] =	ssyncset.done $0x0  }
0x239: {  	s13 =	simm.s32 $0x1DC0;
	[sflag:s9] =	ssyncadd.s32 $0xFFFFE000  }
0x23a: {  	[spmem:s2] =	stream.indirect.scatter.add.f32 [tilespmem:s26], [sflag:$0x4], $0x80, s13, s20, $0xb8;
	[tilespmem:$0x1E000] =	vst v63  }
0x23b: {  	_ =	swait.ge [sflag:s9], $0x2000  }
0x23c: {  	[sflag:s9] =	ssyncset.done $0x0  }
0x23d: {  	s8 =	simm.s32 $0xEC0;
	[sflag:s9] =	ssyncadd.s32 $0xFFFFE000  }
0x23e: {  	[tilespmem:s26], [sflag:$0x4] =	stream.indirect.gather [hbm4b:s5+s20], $0x80, s8, s20, $0xb8;
	[tilespmem:$0x1E000] =	vst v63  }
0x23f: {  	_ =	swait.ge [sflag:s28], $0x2000  }
0x240: {  	[sflag:s28] =	ssyncset.done $0x0  }
0x241: {  	s12 =	simm.s32 $0x1E00;
	[sflag:s28] =	ssyncadd.s32 $0xFFFFE000  }
0x242: {  	[spmem:s2] =	stream.indirect.scatter.add.f32 [tilespmem:s21], [sflag:$0x1], $0x80, s12, s20, $0xb8;
	[tilespmem:$0x1E000] =	vst v63  }
0x243: {  	_ =	swait.ge [sflag:s28], $0x2000  }
0x244: {  	[sflag:s28] =	ssyncset.done $0x0  }
0x245: {  	s13 =	simm.s32 $0xF00;
	[sflag:s28] =	ssyncadd.s32 $0xFFFFE000  }
0x246: {  	[tilespmem:s21], [sflag:$0x1] =	stream.indirect.gather [hbm4b:s5+s20], $0x80, s13, s20, $0xb8;
	[tilespmem:$0x1E000] =	vst v63  }
0x247: {  	_ =	swait.ge [sflag:s30], $0x2000  }
0x248: {  	[sflag:s30] =	ssyncset.done $0x0  }
0x249: {  	s8 =	simm.s32 $0x1E40;
	[sflag:s30] =	ssyncadd.s32 $0xFFFFE000  }
0x24a: {  	[spmem:s2] =	stream.indirect.scatter.add.f32 [tilespmem:s22], [sflag:$0x2], $0x80, s8, s20, $0xb8;
	[tilespmem:$0x1E000] =	vst v63  }
0x24b: {  	_ =	swait.ge [sflag:s30], $0x2000  }
0x24c: {  	[sflag:s30] =	ssyncset.done $0x0  }
0x24d: {  	s12 =	simm.s32 $0xF40;
	[sflag:s30] =	ssyncadd.s32 $0xFFFFE000  }
0x24e: {  	[tilespmem:s22], [sflag:$0x2] =	stream.indirect.gather [hbm4b:s5+s20], $0x80, s12, s20, $0xb8;
	[tilespmem:$0x1E000] =	vst v63  }
0x24f: {  	_ =	swait.ge [sflag:s3], $0x2000  }
0x250: {  	[sflag:s3] =	ssyncset.done $0x0  }
0x251: {  	s13 =	simm.s32 $0x1E80;
	[sflag:s3] =	ssyncadd.s32 $0xFFFFE000  }
0x252: {  	[spmem:s2] =	stream.indirect.scatter.add.f32 [tilespmem:s24], [sflag:$0x3], $0x80, s13, s20, $0xb8;
	[tilespmem:$0x1E000] =	vst v63  }
0x253: {  	_ =	swait.ge [sflag:s3], $0x2000  }
0x254: {  	[sflag:s3] =	ssyncset.done $0x0  }
0x255: {  	[sflag:s3] =	ssyncadd.s32 $0xFFFFE000  }
0x256: {  	[tilespmem:s24], [sflag:$0x3] =	stream.indirect.gather [hbm4b:s5+s20], $0x80, s10, s20, $0xb8;
	[tilespmem:$0x1E000] =	vst v63  }
0x257: {  	_ =	swait.ge [sflag:s9], $0x2000  }
0x258: {  	[sflag:s9] =	ssyncset.done $0x0  }
0x259: {  	[sflag:s9] =	ssyncadd.s32 $0xFFFFE000  }
0x25a: {  	[spmem:s2] =	stream.indirect.scatter.add.f32 [tilespmem:s26], [sflag:$0x4], $0x80, s15, s20, $0xb8;
	[tilespmem:$0x1E000] =	vst v63  }
0x25b: {  	_ =	swait.ge [sflag:s9], $0x2000  }
0x25c: {  	[sflag:s9] =	ssyncset.done $0x0  }
0x25d: {  	[sflag:s9] =	ssyncadd.s32 $0xFFFFE000  }
0x25e: {  	[tilespmem:s26], [sflag:$0x4] =	stream.indirect.gather [hbm4b:s5+s20], $0x80, s16, s20, $0xb8;
	[tilespmem:$0x1E000] =	vst v63  }
0x25f: {  	_ =	swait.ge [sflag:s28], $0x2000  }
0x260: {  	[sflag:s28] =	ssyncset.done $0x0  }
0x261: {  	[sflag:s28] =	ssyncadd.s32 $0xFFFFE000  }
0x262: {  	[spmem:s2] =	stream.indirect.scatter.add.f32 [tilespmem:s21], [sflag:$0x1], $0x80, s23, s20, $0xb8;
	[tilespmem:$0x1E000] =	vst v63  }
0x263: {  	_ =	swait.ge [sflag:s28], $0x2000  }
0x264: {  	[sflag:s28] =	ssyncset.done $0x0  }
0x265: {  	[sflag:s28] =	ssyncadd.s32 $0xFFFFE000  }
0x266: {  	_ =	swait.ge [sflag:s30], $0x2000  }
0x267: {  	[sflag:s30] =	ssyncset.done $0x0  }
0x268: {  	[sflag:s30] =	ssyncadd.s32 $0xFFFFE000  }
0x269: {  	[spmem:s2] =	stream.indirect.scatter.add.f32 [tilespmem:s22], [sflag:$0x2], $0x80, s14, s20, $0xb8;
	[tilespmem:$0x1E000] =	vst v63  }
0x26a: {  	_ =	swait.ge [sflag:s30], $0x2000  }
0x26b: {  	[sflag:s30] =	ssyncset.done $0x0  }
0x26c: {  	[sflag:s30] =	ssyncadd.s32 $0xFFFFE000  }
0x26d: {  	_ =	swait.ge [sflag:s3], $0x2000  }
0x26e: {  	[sflag:s3] =	ssyncset.done $0x0  }
0x26f: {  	[sflag:s3] =	ssyncadd.s32 $0xFFFFE000  }
0x270: {  	[spmem:s2] =	stream.indirect.scatter.add.f32 [tilespmem:s24], [sflag:$0x3], $0x80, s25, s20, $0xb8;
	[tilespmem:$0x1E000] =	vst v63  }
0x271: {  	_ =	swait.ge [sflag:s3], $0x2000  }
0x272: {  	[sflag:s3] =	ssyncset.done $0x0  }
0x273: {  	[sflag:s3] =	ssyncadd.s32 $0xFFFFE000  }
0x274: {  	_ =	swait.ge [sflag:s9], $0x2000  }
0x275: {  	[sflag:s9] =	ssyncset.done $0x0  }
.Ltmp4:
0x276: {  	[sflag:s9] =	ssyncadd.s32 $0xFFFFE000;
	(pc) =	sbr.rel @p0 .LBB2_10-.Ltmp4, $4  }
0x277: {  	[spmem:s2] =	stream.indirect.scatter.add.f32 [tilespmem:s26], [sflag:$0x4], $0x80, s29, s20, $0xb8;
	[tilespmem:$0x1E000] =	vst v63  }
0x278: {  	_ =	swait.ge [sflag:s9], $0x2000  }
0x279: {  	[sflag:s9] =	ssyncset.done $0x0  }
0x27a: {  	[sflag:s9] =	ssyncadd.s32 $0xFFFFE000  }
0x27b: {  	_ =	swait.ge [sflag:s17], $0x800  }
0x27c: {  	[sflag:s17] =	ssyncset.done $0x0  }
0x27d: {  	[sflag:s17] =	ssyncadd.s32 $0xFFFFF800  }
0x27e: {  	_ =	swait.ge [sflag:s17], $0x800  }
0x27f: {  	[sflag:s17] =	ssyncset.done $0x0  }
0x280: {  	s4 =	simm.s32 $0x0;
	[sflag:s17] =	ssyncadd.s32 $0xFFFFF800  }
0x281: {  	v3 =	vld [tilespmem:s4+$0x0]  }
0x282: {  	v5 =	vld [tilespmem:s4+$0x10]  }
0x283: {  	v4 =	vld [tilespmem:s4+$0x20]  }
0x284: {  	v2 =	vld [tilespmem:s4+$0x30]  }
0x285: {  	v1 =	vld [tilespmem:s4+$0x40]  }
0x286: {  	v6 =	vadd.s32 v0, v3;
	v3 =	vld [tilespmem:s4+$0x50]  }
0x287: {  	s12 =	simm.s32 $0x200;
	[tilespmem:s4+$0x0] =	vst v6;
	v6 =	vadd.s32 v0, v5;
	v5 =	vld [tilespmem:s4+$0x60]  }
.LBB2_8:
0x288: {  	s8 =	sshra.s32 s12, $0x2;
	p0 =	sne.s32 s12, $0x1E00;
	[tilespmem:s4+$0x10] =	vst v6;
	v4 =	vadd.s32 v0, v4;
	v6 =	vld [tilespmem:s4+$0x70]  }
0x289: {  	v7 =	vld [tilespmem:s8+$0x0];
	[tilespmem:s4+$0x20] =	vst v4;
	v2 =	vadd.s32 v0, v2  }
0x28a: {  	v8 =	vld [tilespmem:s8+$0x10];
	[tilespmem:s4+$0x30] =	vst v2;
	v1 =	vadd.s32 v0, v1  }
.Ltmp5:
0x28b: {  	v4 =	vld [tilespmem:s8+$0x20];
	[tilespmem:s4+$0x40] =	vst v1;
	v1 =	vadd.s32 v0, v3;
	(pc) =	sbr.rel @p0 .LBB2_8-.Ltmp5, $4  }
0x28c: {  	v2 =	vld [tilespmem:s8+$0x30];
	[tilespmem:s4+$0x50] =	vst v1;
	v3 =	vadd.s32 v0, v5  }
0x28d: {  	v1 =	vld [tilespmem:s8+$0x40];
	[tilespmem:s4+$0x60] =	vst v3;
	v5 =	vadd.s32 v0, v6  }
0x28e: {  	v6 =	vadd.s32 v0, v7;
	v3 =	vld [tilespmem:s8+$0x50];
	[tilespmem:s4+$0x70] =	vst v5;
	s4 =	smov.u32 s8  }
0x28f: {  	s12 =	sadd.s32 $0x200, s12;
	[tilespmem:s4+$0x0] =	vst v6;
	v6 =	vadd.s32 v0, v8;
	v5 =	vld [tilespmem:s4+$0x60]  }
0x290: {  	[tilespmem:s4+$0x10] =	vst v6;
	v4 =	vadd.s32 v0, v4;
	v63 =	vld [tilespmem:s4+$0x70]  }
0x291: {  	[tilespmem:s4+$0x20] =	vst v4;
	v2 =	vadd.s32 v0, v2  }
.Ltmp6:
0x292: {  	[tilespmem:s4+$0x30] =	vst v2;
	v1 =	vadd.s32 v0, v1;
	(pc) =	sbr.rel .LBB2_4-.Ltmp6, $4  }
0x293: {  	[tilespmem:s4+$0x40] =	vst v1;
	v1 =	vadd.s32 v0, v3  }
0x294: {  	[tilespmem:s4+$0x50] =	vst v1;
	v1 =	vadd.s32 v0, v5  }
0x295: {  	[tilespmem:s4+$0x60] =	vst v1;
	v1 =	vadd.s32 v0, v63  }
0x296: {  	s0 =	sadd.s32 $0x1, s0;
	[tilespmem:s4+$0x70] =	vst v1  }
.LBB2_11:
0x297: {  	_ =	sfence.sel $0x180000  }
0x298: {  	[bflag:$0x0] =	sbarrier.arrive $0xFFFF  }
0x299: {  	_ =	strace $0x9000004A  }
0x29a: {  	s0 =	stileid.u32;
	[bflag:$0x2] =	sbarrier.arrive $0xFFFF  }
0x29b: {  	p0 =	sne.s32 s0, $0x0;
	s0 =	rddreg [dreg:$0x3]  }
0x29c: {  	s0 =	sadd.s32 @!p0 $0x100000, s0  }
0x29d: {  	[sflag:s0] =	ssyncadd.tile.s32 @!p0 $0x1;
	_ =	shalt  }
.Lfunc_end2:
_tile_overlayer_lowered:
.L_overlay_start_2:
0x29e: {  	(tag) =	ssettag $0x2  }
0x29f: {  	s0 =	rddreg [dreg:$0x0];
	s2 =	stileid.u32  }
0x2a0: {  	s1 =	rddreg [dreg:$0x1];
	p0 =	sne.s32 s2, $0x0  }
0x2a1: {  	s3 =	rddreg [dreg:$0x2];
	[bflag:$0x3] =	sbarrier.arrive $0xFFFF;
	s2 =	simm.s32 @!p0 $0x1C07  }
0x2a2: {  	[timem:s3], [sflag:s2] =	dma.local @!p0 [hbm:s0], s1  }
0x2a3: {  	s0 =	simm.s32 @!p0 $0x7  }
0x2a4: {  	_ =	swait.ge @!p0 [sflag:s0], s1  }
0x2a5: {  	s1 =	ssub.s32 @!p0 $0x0, s1;
	[sflag:s0] =	ssyncset.done @!p0 $0x0  }
0x2a6: {  	[sflag:s0] =	ssyncadd.s32 @!p0 s1  }
0x2a7: {  	[bflag:$0x3] =	sbarrier.arrive $0xFFFF  }
0x2a8: {  	_ =	shalt  }

</sc_bundles>
